<compile_context>
chip_gen: v7x
topology: tpu7x:2x2x1
jax: 0.10.2.dev20260603
libtpu: 0.0.44.dev20260713+nightly
codegen_flags: <defaults>
</compile_context>

<pallas_src>
import functools

import numpy as np
import jax
import jax.numpy as jnp
from jax import lax
from jax.experimental import pallas as pl
from jax.experimental.pallas import tpu as pltpu
from jax.experimental.pallas import tpu_sc as plsc

D_M = 384
NH = 8
NL = 4
NP = 4
HD = 48
SIZES = ((64, 64), (32, 32), (16, 16), (8, 8))
S_L = tuple(h * w for h, w in SIZES)
LVL_OFF = (0, 4096, 5120, 5376)
S_TOT = 5440
NCOL = NH * NL * NP

_col = np.arange(NCOL)
_lvl = (_col // NP) % NL
_h_c = _col // (NL * NP)
_WL = np.array([SIZES[l][1] for l in _lvl], np.float32)
_HL = np.array([SIZES[l][0] for l in _lvl], np.float32)
_WL_M1 = (_WL - 1.0).reshape(1, NCOL)
_HL_M1 = (_HL - 1.0).reshape(1, NCOL)
_COLBASE = (_h_c * S_TOT + np.array(LVL_OFF)[_lvl]).astype(np.int32).reshape(1, NCOL)
_WL_I = _WL.astype(np.int32).reshape(1, NCOL)
_GMASK = (_col[:, None] // 16 == _col[None, :] // 16).astype(np.float32)

RBLK = 512

NW = 32
LANES = 16


def _prep_body(q_ref, refp_ref, wx_ref, wy_ref, bx_ref, by_ref, wa_ref, ba_ref,
               gm_ref, wlm1_ref, hlm1_ref, colb_ref, wli_ref,
               attn_ref, i00_ref, i10_ref,
               w00_ref, w01_ref, w10_ref, w11_ref, *, q_per_blk):
    q = q_ref[...]
    ox = jnp.tanh(jnp.dot(q, wx_ref[...], preferred_element_type=jnp.float32) + bx_ref[...])
    oy = jnp.tanh(jnp.dot(q, wy_ref[...], preferred_element_type=jnp.float32) + by_ref[...])
    rx = refp_ref[:, 0:1]
    ry = refp_ref[:, 1:2]
    px = (rx + 0.5 * ox) * wlm1_ref[...]
    py = (ry + 0.5 * oy) * hlm1_ref[...]
    x0 = jnp.floor(px)
    fx = px - x0
    y0 = jnp.floor(py)
    fy = py - y0
    bx = jnp.clip(x0, 0.0, wlm1_ref[...] - 1.0)
    by = jnp.clip(y0, 0.0, hlm1_ref[...] - 1.0)
    wx0 = jnp.where(bx == x0, 1.0 - fx, 0.0) + jnp.where(bx == x0 + 1.0, fx, 0.0)
    wx1 = jnp.where(bx + 1.0 == x0, 1.0 - fx, 0.0) + jnp.where(bx == x0, fx, 0.0)
    wy0 = jnp.where(by == y0, 1.0 - fy, 0.0) + jnp.where(by == y0 + 1.0, fy, 0.0)
    wy1 = jnp.where(by + 1.0 == y0, 1.0 - fy, 0.0) + jnp.where(by == y0, fy, 0.0)
    al = jnp.dot(q, wa_ref[...], preferred_element_type=jnp.float32) + ba_ref[...]
    m = jnp.max(al, axis=1, keepdims=True)
    e = jnp.exp(al - m)
    att = e / jnp.dot(e, gm_ref[...], preferred_element_type=jnp.float32)
    attn_ref[...] = att
    b = pl.program_id(0) // q_per_blk
    base = b * (NH * S_TOT)
    i00 = (base + colb_ref[...]
           + by.astype(jnp.int32) * wli_ref[...] + bx.astype(jnp.int32))
    i00_ref[...] = i00
    i10_ref[...] = i00 + wli_ref[...]
    w00_ref[...] = wy0 * wx0 * att
    w01_ref[...] = wy0 * wx1 * att
    w10_ref[...] = wy1 * wx0 * att
    w11_ref[...] = wy1 * wx1 * att


def _make_prep(BQ, q_per_blk):
    full = lambda i: (0, 0)
    row = lambda i: (i, 0)
    return pl.pallas_call(
        functools.partial(_prep_body, q_per_blk=q_per_blk),
        grid=(BQ // RBLK,),
        in_specs=[
            pl.BlockSpec((RBLK, D_M), row),
            pl.BlockSpec((RBLK, 2), row),
            pl.BlockSpec((D_M, NCOL), full),
            pl.BlockSpec((D_M, NCOL), full),
            pl.BlockSpec((1, NCOL), full),
            pl.BlockSpec((1, NCOL), full),
            pl.BlockSpec((D_M, NCOL), full),
            pl.BlockSpec((1, NCOL), full),
            pl.BlockSpec((NCOL, NCOL), full),
            pl.BlockSpec((1, NCOL), full),
            pl.BlockSpec((1, NCOL), full),
            pl.BlockSpec((1, NCOL), full),
            pl.BlockSpec((1, NCOL), full),
        ],
        out_specs=[pl.BlockSpec((RBLK, NCOL), row) for _ in range(7)],
        out_shape=[jax.ShapeDtypeStruct((BQ, NCOL), jnp.float32),
                   jax.ShapeDtypeStruct((BQ, NCOL), jnp.int32),
                   jax.ShapeDtypeStruct((BQ, NCOL), jnp.int32)]
                  + [jax.ShapeDtypeStruct((BQ, NCOL), jnp.float32)
                     for _ in range(4)],
    )


def _build_table(feats):
    B = feats[0].shape[0]
    parts = []
    for (Hl, Wl), f in zip(SIZES, feats):
        S = Hl * Wl
        t = f.reshape(B, NH, HD, S).transpose(0, 1, 3, 2)
        tp = jnp.pad(t, ((0, 0), (0, 0), (0, 1), (0, 0)))[:, :, 1:S + 1]
        parts.append(jnp.stack([t, tp], axis=4))
    tbl = jnp.concatenate(parts, axis=2).astype(jnp.bfloat16)
    tbl = lax.bitcast_convert_type(tbl, jnp.int32)
    return tbl.reshape(B * NH * S_TOT, HD)


def _sc_body(BQ, table_hbm, i0_hbm, i1_hbm,
             w0_hbm, w1_hbm, w2_hbm, w3_hbm, out_hbm,
             ibufA, ibufB, gbufA, gbufB, wbufA, wbufB, obuf,
             semGA, semGB, semWA, semWB, semIA, semIB, semOA, semOB):
    rows = BQ // NW
    wid = lax.axis_index("s") * 2 + lax.axis_index("c")
    r0 = wid * rows
    ibufs = (ibufA, ibufB)
    gbufs = (gbufA, gbufB)
    wbufs = (wbufA, wbufB)
    semG = (semGA, semGB)
    semW = (semWA, semWB)
    semI = (semIA, semIB)
    semO = (semOA, semOB)
    i_hbms = (i0_hbm, i1_hbm)
    w_hbms = (w0_hbm, w1_hbm, w2_hbm, w3_hbm)
    NI = 2

    def i_copy(rl, b, c):
        return pltpu.make_async_copy(
            i_hbms[c].at[pl.ds((r0 + rl) * NCOL, NCOL)],
            ibufs[b].at[pl.ds(c * NCOL, NCOL)], semI[b])

    def g_copy(rl, b, c):
        return pltpu.make_async_copy(
            table_hbm.at[ibufs[b].at[pl.ds(c * NCOL, NCOL)]],
            gbufs[b].at[pl.ds(c * NCOL, NCOL), :], semG[b])

    def w_copy(rl, b, c):
        return pltpu.make_async_copy(
            w_hbms[c].at[pl.ds((r0 + rl) * NCOL, NCOL)],
            wbufs[b].at[pl.ds(c * NCOL, NCOL)], semW[b])

    def o_copy(rl, b, j):
        return pltpu.make_async_copy(
            obuf.at[pl.ds(b * D_M + j * 128, 128)],
            out_hbm.at[pl.ds(j * (BQ * 128) + (r0 + rl) * 128, 128)],
            semO[b])

    for c in range(NI):
        i_copy(0, 0, c).start()
    for c in range(NI):
        i_copy(0, 0, c).wait()
    for c in range(NI):
        i_copy(1, 1, c).start()
    for c in range(NI):
        g_copy(0, 0, c).start()
    for c in range(4):
        w_copy(0, 0, c).start()

    def outer(i, carry):
        g = i * 2
        for par in range(2):
            rl = g + par
            b = par
            nb = 1 - par

            @pl.when(rl + 1 < rows)
            def _():
                for c in range(NI):
                    i_copy(rl + 1, nb, c).wait()
                for c in range(NI):
                    g_copy(rl + 1, nb, c).start()
                for c in range(4):
                    w_copy(rl + 1, nb, c).start()

            for c in range(NI):
                g_copy(rl, b, c).wait()
            for c in range(4):
                w_copy(rl, b, c).wait()

            @pl.when(rl + 2 < rows)
            def _():
                for c in range(NI):
                    i_copy(rl + 2, b, c).start()

            gb = gbufs[b]
            wb = wbufs[b]

            def hbody(hh, c2):
                t0 = hh * 16
                acc = [jnp.zeros((LANES,), jnp.float32) for _ in range(3)]
                wvecs = [wb[pl.ds(c * NCOL + t0, LANES)] for c in range(4)]
                for t16 in range(16):
                    t = t0 + t16
                    for j in range(2):
                        wl = jnp.full((LANES,), wvecs[2 * j][t16],
                                      dtype=jnp.float32)
                        wr = jnp.full((LANES,), wvecs[2 * j + 1][t16],
                                      dtype=jnp.float32)
                        for k in range(3):
                            word = gb[j * NCOL + t, pl.ds(k * LANES, LANES)]
                            ev = lax.bitcast_convert_type(
                                word << 16, jnp.float32)
                            od = lax.bitcast_convert_type(
                                word & jnp.int32(-65536), jnp.float32)
                            acc[k] = acc[k] + wl * ev + wr * od
                for k in range(3):
                    obuf[pl.ds(b * D_M + hh * HD + k * LANES, LANES)] = acc[k]
                return c2

            @pl.when(rl >= 2)
            def _():
                for j in range(3):
                    o_copy(rl - 2, b, j).wait()

            lax.fori_loop(0, NH, hbody, 0)
            for j in range(3):
                o_copy(rl, b, j).start()
        return carry

    lax.fori_loop(0, rows // 2, outer, 0)
    for j in range(3):
        o_copy(rows - 2, 0, j).wait()
    for j in range(3):
        o_copy(rows - 1, 1, j).wait()


def _make_sc(BQ):
    mesh = plsc.VectorSubcoreMesh(core_axis_name="c", subcore_axis_name="s")
    return pl.kernel(
        functools.partial(_sc_body, BQ),
        out_type=jax.ShapeDtypeStruct((BQ * D_M,), jnp.float32),
        mesh=mesh,
        compiler_params=pltpu.CompilerParams(use_tc_tiling_on_sc=False),
        scratch_types=[
            pltpu.VMEM((2 * NCOL,), jnp.int32),
            pltpu.VMEM((2 * NCOL,), jnp.int32),
            pltpu.VMEM((2 * NCOL, HD), jnp.int32),
            pltpu.VMEM((2 * NCOL, HD), jnp.int32),
            pltpu.VMEM((4 * NCOL,), jnp.float32),
            pltpu.VMEM((4 * NCOL,), jnp.float32),
            pltpu.VMEM((2 * D_M,), jnp.float32),
            pltpu.SemaphoreType.DMA,
            pltpu.SemaphoreType.DMA,
            pltpu.SemaphoreType.DMA,
            pltpu.SemaphoreType.DMA,
            pltpu.SemaphoreType.DMA,
            pltpu.SemaphoreType.DMA,
            pltpu.SemaphoreType.DMA,
            pltpu.SemaphoreType.DMA,
        ],
    )


def _oproj_body(a0_ref, a1_ref, a2_ref, w0_ref, w1_ref, w2_ref, b_ref, o_ref):
    a0 = a0_ref[...].reshape(RBLK, 128)
    a1 = a1_ref[...].reshape(RBLK, 128)
    a2 = a2_ref[...].reshape(RBLK, 128)
    acc = jnp.dot(a0, w0_ref[...], preferred_element_type=jnp.float32)
    acc += jnp.dot(a1, w1_ref[...], preferred_element_type=jnp.float32)
    acc += jnp.dot(a2, w2_ref[...], preferred_element_type=jnp.float32)
    o_ref[...] = acc + b_ref[...]


def _make_oproj(BQ):
    nblk = BQ // RBLK
    return pl.pallas_call(
        _oproj_body,
        grid=(nblk,),
        in_specs=[
            pl.BlockSpec((RBLK * 128,), lambda i: (i,)),
            pl.BlockSpec((RBLK * 128,), lambda i: (i + nblk,)),
            pl.BlockSpec((RBLK * 128,), lambda i: (i + 2 * nblk,)),
            pl.BlockSpec((128, D_M), lambda i: (0, 0)),
            pl.BlockSpec((128, D_M), lambda i: (1, 0)),
            pl.BlockSpec((128, D_M), lambda i: (2, 0)),
            pl.BlockSpec((1, D_M), lambda i: (0, 0)),
        ],
        out_specs=pl.BlockSpec((RBLK, D_M), lambda i: (i, 0)),
        out_shape=jax.ShapeDtypeStruct((BQ, D_M), jnp.float32),
    )


def kernel(query, feat0, feat1, feat2, feat3, reference_points,
           W_off, b_off, W_attn, b_attn, W_out, b_out):
    B, Q, _ = query.shape
    BQ = B * Q
    q2 = query.reshape(BQ, D_M)
    refp2 = reference_points.reshape(BQ, 2)
    Wx = W_off[:, 0::2]
    Wy = W_off[:, 1::2]
    bx = b_off[0::2].reshape(1, NCOL)
    by = b_off[1::2].reshape(1, NCOL)
    ba = b_attn.reshape(1, NCOL)

    attn, i00, i10, w00, w01, w10, w11 = _make_prep(BQ, Q // RBLK)(
        q2, refp2, Wx, Wy, bx, by, W_attn, ba,
        jnp.asarray(_GMASK), jnp.asarray(_WL_M1), jnp.asarray(_HL_M1),
        jnp.asarray(_COLBASE), jnp.asarray(_WL_I))

    table = _build_table([feat0, feat1, feat2, feat3])

    agg = _make_sc(BQ)(table,
                       i00.reshape(BQ * NCOL), i10.reshape(BQ * NCOL),
                       w00.reshape(BQ * NCOL), w01.reshape(BQ * NCOL),
                       w10.reshape(BQ * NCOL), w11.reshape(BQ * NCOL))
    out = _make_oproj(BQ)(agg, agg, agg, W_out, W_out, W_out,
                          b_out.reshape(1, D_M))
    return out.reshape(B, Q, D_M), attn.reshape(B, Q, NH, NL, NP)

# --- scband reference (transcript-rebuilt; emitter-appended) ---
"""Pipeline reference for scband-msdeform-attn-79869211836815 (READ-ONLY COPY).

The authoritative reference and input builder live on the scoring server;
editing this copy changes nothing except your own understanding.
"""

import jax, jax.numpy as jnp
import numpy as np

D_MODEL = 384
H = 8
L = 4
P = 4
HEAD = D_MODEL // H


def grid_sample(feat, grid):
    # feat: [N, C, Hh, Ww]; grid: [N, Qp, 2] in [-1,1] (x, y); bilinear, zeros padding, align_corners=True
    N, C, Hh, Ww = feat.shape
    x = (grid[..., 0] + 1.0) * 0.5 * (Ww - 1)
    y = (grid[..., 1] + 1.0) * 0.5 * (Hh - 1)
    x0 = jnp.floor(x); y0 = jnp.floor(y)
    x1 = x0 + 1.0; y1 = y0 + 1.0
    wx1 = x - x0; wx0 = 1.0 - wx1
    wy1 = y - y0; wy0 = 1.0 - wy1
    ff = feat.reshape(N, C, Hh * Ww)
    def tap(ix, iy):
        valid = ((ix >= 0) & (ix <= Ww - 1) & (iy >= 0) & (iy <= Hh - 1)).astype(feat.dtype)
        idx = (jnp.clip(iy, 0, Hh - 1) * Ww + jnp.clip(ix, 0, Ww - 1)).astype(jnp.int32)
        g = jax.vmap(lambda f, i: jnp.take(f, i, axis=1))(ff, idx)  # [N, C, Qp]
        return g * valid[:, None, :]
    g00 = tap(x0, y0); g01 = tap(x1, y0); g10 = tap(x0, y1); g11 = tap(x1, y1)
    return (g00 * (wx0 * wy0)[:, None, :] + g01 * (wx1 * wy0)[:, None, :]
            + g10 * (wx0 * wy1)[:, None, :] + g11 * (wx1 * wy1)[:, None, :])


def msdeform(query, feats, reference_points, W_off, b_off, W_attn, b_attn, W_out, b_out):
    B, Q, D = query.shape
    offsets = jnp.tanh((query @ W_off + b_off).reshape(B, Q, H, L, P, 2))
    attn = jax.nn.softmax((query @ W_attn + b_attn).reshape(B, Q, H, L * P), axis=3).reshape(B, Q, H, L, P)
    ref_grid = reference_points * 2.0 - 1.0
    agg = jnp.zeros((B, H, HEAD, Q), dtype=query.dtype)
    for lvl in range(L):
        feat = feats[lvl]
        Hl, Wl = feat.shape[2], feat.shape[3]
        f = feat.reshape(B * H, HEAD, Hl, Wl)
        off = jnp.transpose(offsets[:, :, :, lvl], (0, 2, 1, 3, 4))  # [B,H,Q,P,2]
        grid = (ref_grid[:, None, :, None, :] + off).reshape(B * H, Q * P, 2)
        sampled = grid_sample(f, grid).reshape(B, H, HEAD, Q, P)
        w = jnp.transpose(attn[:, :, :, lvl], (0, 2, 3, 1))[:, :, None, :, :]  # [B,H,1,P,Q]
        s = jnp.transpose(sampled, (0, 1, 2, 4, 3))  # [B,H,HEAD,P,Q]
        agg = agg + (s * w).sum(axis=3)
    out = jnp.transpose(agg, (0, 3, 1, 2)).reshape(B, Q, D) @ W_out + b_out
    return out, attn


def setup_inputs(seed: int = 0):
    key = jax.random.key(seed)
    ks = jax.random.split(key, 12)
    B, Q = 2, 4096
    sizes = [(64, 64), (32, 32), (16, 16), (8, 8)]
    inp = {}
    inp["query"] = jax.random.normal(ks[0], (B, Q, D_MODEL), dtype=jnp.float32)
    for i, (h, w) in enumerate(sizes):
        inp["feat%d" % i] = jax.random.normal(ks[1 + i], (B, D_MODEL, h, w), dtype=jnp.float32)
    inp["reference_points"] = jax.random.uniform(ks[5], (B, Q, 2), dtype=jnp.float32)
    inp["W_off"] = jax.random.normal(ks[6], (D_MODEL, H * L * P * 2), dtype=jnp.float32) * 0.02
    inp["b_off"] = jnp.zeros((H * L * P * 2,), dtype=jnp.float32)
    inp["W_attn"] = jax.random.normal(ks[7], (D_MODEL, H * L * P), dtype=jnp.float32) * 0.02
    inp["b_attn"] = jnp.zeros((H * L * P,), dtype=jnp.float32)
    inp["W_out"] = jax.random.normal(ks[8], (D_MODEL, D_MODEL), dtype=jnp.float32) * 0.02
    inp["b_out"] = jnp.zeros((D_MODEL,), dtype=jnp.float32)
    return inp


def reference(query, feat0, feat1, feat2, feat3, reference_points, W_off, b_off, W_attn, b_attn, W_out, b_out):
    return msdeform(query, [feat0, feat1, feat2, feat3], reference_points, W_off, b_off, W_attn, b_attn, W_out, b_out)

if __name__ == "__main__":
    import jax
    _d = setup_inputs()
    print(jax.jit(kernel)(*tuple(_d.values())))

</pallas_src>

<mosaic_0001>
#map = affine_map<(d0, d1) -> (0, 0)>
#map1 = affine_map<(d0, d1) -> (0)>
module attributes {stable_mosaic.version = 14 : i64} {
  func.func @_sc_body(%arg0: i32, %arg1: i32, %arg2: memref<87040x48xi32, #tpu.memory_space<hbm>>, %arg3: memref<1048576xi32, #tpu.memory_space<hbm>>, %arg4: memref<1048576xi32, #tpu.memory_space<hbm>>, %arg5: memref<1048576xf32, #tpu.memory_space<hbm>>, %arg6: memref<1048576xf32, #tpu.memory_space<hbm>>, %arg7: memref<1048576xf32, #tpu.memory_space<hbm>>, %arg8: memref<1048576xf32, #tpu.memory_space<hbm>>, %arg9: memref<3145728xf32, #tpu.memory_space<hbm>>, %arg10: memref<256xi32, #tpu.memory_space<vmem>>, %arg11: memref<256xi32, #tpu.memory_space<vmem>>, %arg12: memref<256x48xi32, #tpu.memory_space<vmem>>, %arg13: memref<256x48xi32, #tpu.memory_space<vmem>>, %arg14: memref<512xf32, #tpu.memory_space<vmem>>, %arg15: memref<512xf32, #tpu.memory_space<vmem>>, %arg16: memref<768xf32, #tpu.memory_space<vmem>>, %arg17: memref<!tpu.dma_semaphore, #tpu.memory_space<semaphore_mem>>, %arg18: memref<!tpu.dma_semaphore, #tpu.memory_space<semaphore_mem>>, %arg19: memref<!tpu.dma_semaphore, #tpu.memory_space<semaphore_mem>>, %arg20: memref<!tpu.dma_semaphore, #tpu.memory_space<semaphore_mem>>, %arg21: memref<!tpu.dma_semaphore, #tpu.memory_space<semaphore_mem>>, %arg22: memref<!tpu.dma_semaphore, #tpu.memory_space<semaphore_mem>>, %arg23: memref<!tpu.dma_semaphore, #tpu.memory_space<semaphore_mem>>, %arg24: memref<!tpu.dma_semaphore, #tpu.memory_space<semaphore_mem>>) attributes {dimension_semantics = [#tpu.dimension_semantics<core_parallel>, #tpu.dimension_semantics<subcore_parallel>], iteration_bounds = array<i64: 2, 16>, scalar_prefetch = 0 : i64, scratch_operands = 15 : i64, tpu.core_type = #tpu.core_type<sc_vector_subcore>, window_params = [{transform_indices = #map}, {transform_indices = #map1}, {transform_indices = #map1}, {transform_indices = #map1}, {transform_indices = #map1}, {transform_indices = #map1}, {transform_indices = #map1}, {transform_indices = #map1}]} {
    %mul3A = arith.constant 2 : i32
    %mul3A_0 = arith.muli %arg1, %mul3A : i32
    %add3A = arith.addi %mul3A_0, %arg0 : i32
    %mul3A_1 = arith.constant 256 : i32
    %mul3A_2 = arith.muli %add3A, %mul3A_1 : i32
    %add3A_3 = arith.constant 0 : i32
    %add3A_4 = arith.addi %mul3A_2, %add3A_3 : i32
    %mul3A_5 = arith.constant 128 : i32
    %mul3A_6 = arith.muli %add3A_4, %mul3A_5 : i32
    %dma_start3A = arith.constant 0 : i32
    %dma_start3A_7 = tpu.memref_slice %arg10[%dma_start3A] : memref<256xi32, #tpu.memory_space<vmem>> -> memref<128xi32, #tpu.memory_space<vmem>>
    %dma_start3A_8 = tpu.memref_slice %arg3[%mul3A_6] : memref<1048576xi32, #tpu.memory_space<hbm>> -> memref<128xi32, #tpu.memory_space<hbm>>
    %dma_start3A_9 = arith.constant 0 : i32
    %dma_start3A_10 = tpu.memref_slice %arg10[%dma_start3A_9] : memref<256xi32, #tpu.memory_space<vmem>> -> memref<128xi32, #tpu.memory_space<vmem>>
    %dma_start3A_11 = tpu.memref_slice %arg3[%mul3A_6] : memref<1048576xi32, #tpu.memory_space<hbm>> -> memref<128xi32, #tpu.memory_space<hbm>>
    tpu.enqueue_dma source(%dma_start3A_11 : memref<128xi32, #tpu.memory_space<hbm>>) target(%dma_start3A_10 : memref<128xi32, #tpu.memory_space<vmem>>) target_semaphore(%arg21 : memref<!tpu.dma_semaphore, #tpu.memory_space<semaphore_mem>>)
    %add3A_12 = arith.constant 0 : i32
    %add3A_13 = arith.addi %mul3A_2, %add3A_12 : i32
    %mul3A_14 = arith.constant 128 : i32
    %mul3A_15 = arith.muli %add3A_13, %mul3A_14 : i32
    %dma_start3A_16 = arith.constant 128 : i32
    %dma_start3A_17 = tpu.memref_slice %arg10[%dma_start3A_16] : memref<256xi32, #tpu.memory_space<vmem>> -> memref<128xi32, #tpu.memory_space<vmem>>
    %dma_start3A_18 = tpu.memref_slice %arg4[%mul3A_15] : memref<1048576xi32, #tpu.memory_space<hbm>> -> memref<128xi32, #tpu.memory_space<hbm>>
    %dma_start3A_19 = arith.constant 128 : i32
    %dma_start3A_20 = tpu.memref_slice %arg10[%dma_start3A_19] : memref<256xi32, #tpu.memory_space<vmem>> -> memref<128xi32, #tpu.memory_space<vmem>>
    %dma_start3A_21 = tpu.memref_slice %arg4[%mul3A_15] : memref<1048576xi32, #tpu.memory_space<hbm>> -> memref<128xi32, #tpu.memory_space<hbm>>
    tpu.enqueue_dma source(%dma_start3A_21 : memref<128xi32, #tpu.memory_space<hbm>>) target(%dma_start3A_20 : memref<128xi32, #tpu.memory_space<vmem>>) target_semaphore(%arg21 : memref<!tpu.dma_semaphore, #tpu.memory_space<semaphore_mem>>)
    %add3A_22 = arith.constant 0 : i32
    %add3A_23 = arith.addi %mul3A_2, %add3A_22 : i32
    %mul3A_24 = arith.constant 128 : i32
    %mul3A_25 = arith.muli %add3A_23, %mul3A_24 : i32
    %dma_wait3A = arith.constant 0 : i32
    %dma_wait3A_26 = tpu.memref_slice %arg10[%dma_wait3A] : memref<256xi32, #tpu.memory_space<vmem>> -> memref<128xi32, #tpu.memory_space<vmem>>
    %dma_wait3A_27 = tpu.memref_slice %arg3[%mul3A_25] : memref<1048576xi32, #tpu.memory_space<hbm>> -> memref<128xi32, #tpu.memory_space<hbm>>
    %dma_wait3A_28 = arith.constant 0 : i32
    %dma_wait3A_29 = tpu.memref_slice %arg10[%dma_wait3A_28] : memref<256xi32, #tpu.memory_space<vmem>> -> memref<128xi32, #tpu.memory_space<vmem>>
    %dma_wait3A_30 = tpu.memref_slice %arg3[%mul3A_25] : memref<1048576xi32, #tpu.memory_space<hbm>> -> memref<128xi32, #tpu.memory_space<hbm>>
    tpu.wait_dma2 semaphore(%arg21 : memref<!tpu.dma_semaphore, #tpu.memory_space<semaphore_mem>>) src(%dma_wait3A_30 : memref<128xi32, #tpu.memory_space<hbm>>) dst(%dma_wait3A_29 : memref<128xi32, #tpu.memory_space<vmem>>)
    %add3A_31 = arith.constant 0 : i32
    %add3A_32 = arith.addi %mul3A_2, %add3A_31 : i32
    %mul3A_33 = arith.constant 128 : i32
    %mul3A_34 = arith.muli %add3A_32, %mul3A_33 : i32
    %dma_wait3A_35 = arith.constant 128 : i32
    %dma_wait3A_36 = tpu.memref_slice %arg10[%dma_wait3A_35] : memref<256xi32, #tpu.memory_space<vmem>> -> memref<128xi32, #tpu.memory_space<vmem>>
    %dma_wait3A_37 = tpu.memref_slice %arg4[%mul3A_34] : memref<1048576xi32, #tpu.memory_space<hbm>> -> memref<128xi32, #tpu.memory_space<hbm>>
    %dma_wait3A_38 = arith.constant 128 : i32
    %dma_wait3A_39 = tpu.memref_slice %arg10[%dma_wait3A_38] : memref<256xi32, #tpu.memory_space<vmem>> -> memref<128xi32, #tpu.memory_space<vmem>>
    %dma_wait3A_40 = tpu.memref_slice %arg4[%mul3A_34] : memref<1048576xi32, #tpu.memory_space<hbm>> -> memref<128xi32, #tpu.memory_space<hbm>>
    tpu.wait_dma2 semaphore(%arg21 : memref<!tpu.dma_semaphore, #tpu.memory_space<semaphore_mem>>) src(%dma_wait3A_40 : memref<128xi32, #tpu.memory_space<hbm>>) dst(%dma_wait3A_39 : memref<128xi32, #tpu.memory_space<vmem>>)
    %add3A_41 = arith.constant 1 : i32
    %add3A_42 = arith.addi %mul3A_2, %add3A_41 : i32
    %mul3A_43 = arith.constant 128 : i32
    %mul3A_44 = arith.muli %add3A_42, %mul3A_43 : i32
    %dma_start3A_45 = arith.constant 0 : i32
    %dma_start3A_46 = tpu.memref_slice %arg11[%dma_start3A_45] : memref<256xi32, #tpu.memory_space<vmem>> -> memref<128xi32, #tpu.memory_space<vmem>>
    %dma_start3A_47 = tpu.memref_slice %arg3[%mul3A_44] : memref<1048576xi32, #tpu.memory_space<hbm>> -> memref<128xi32, #tpu.memory_space<hbm>>
    %dma_start3A_48 = arith.constant 0 : i32
    %dma_start3A_49 = tpu.memref_slice %arg11[%dma_start3A_48] : memref<256xi32, #tpu.memory_space<vmem>> -> memref<128xi32, #tpu.memory_space<vmem>>
    %dma_start3A_50 = tpu.memref_slice %arg3[%mul3A_44] : memref<1048576xi32, #tpu.memory_space<hbm>> -> memref<128xi32, #tpu.memory_space<hbm>>
    tpu.enqueue_dma source(%dma_start3A_50 : memref<128xi32, #tpu.memory_space<hbm>>) target(%dma_start3A_49 : memref<128xi32, #tpu.memory_space<vmem>>) target_semaphore(%arg22 : memref<!tpu.dma_semaphore, #tpu.memory_space<semaphore_mem>>)
    %add3A_51 = arith.constant 1 : i32
    %add3A_52 = arith.addi %mul3A_2, %add3A_51 : i32
    %mul3A_53 = arith.constant 128 : i32
    %mul3A_54 = arith.muli %add3A_52, %mul3A_53 : i32
    %dma_start3A_55 = arith.constant 128 : i32
    %dma_start3A_56 = tpu.memref_slice %arg11[%dma_start3A_55] : memref<256xi32, #tpu.memory_space<vmem>> -> memref<128xi32, #tpu.memory_space<vmem>>
    %dma_start3A_57 = tpu.memref_slice %arg4[%mul3A_54] : memref<1048576xi32, #tpu.memory_space<hbm>> -> memref<128xi32, #tpu.memory_space<hbm>>
    %dma_start3A_58 = arith.constant 128 : i32
    %dma_start3A_59 = tpu.memref_slice %arg11[%dma_start3A_58] : memref<256xi32, #tpu.memory_space<vmem>> -> memref<128xi32, #tpu.memory_space<vmem>>
    %dma_start3A_60 = tpu.memref_slice %arg4[%mul3A_54] : memref<1048576xi32, #tpu.memory_space<hbm>> -> memref<128xi32, #tpu.memory_space<hbm>>
    tpu.enqueue_dma source(%dma_start3A_60 : memref<128xi32, #tpu.memory_space<hbm>>) target(%dma_start3A_59 : memref<128xi32, #tpu.memory_space<vmem>>) target_semaphore(%arg22 : memref<!tpu.dma_semaphore, #tpu.memory_space<semaphore_mem>>)
    %dma_start3A_61 = arith.constant 0 : i32
    %dma_start3A_62 = arith.constant 0 : i32
    %dma_start3A_63 = tpu.memref_slice %arg12[%dma_start3A_61, %dma_start3A_62] : memref<256x48xi32, #tpu.memory_space<vmem>> -> memref<128x48xi32, #tpu.memory_space<vmem>>
    %dma_start3A_64 = arith.constant 0 : i32
    %dma_start3A_65 = tpu.memref_slice %arg10[%dma_start3A_64] : memref<256xi32, #tpu.memory_space<vmem>> -> memref<128xi32, #tpu.memory_space<vmem>>
    %dma_start3A_66 = arith.constant 0 : i32
    %dma_start3A_67 = arith.constant 0 : i32
    %dma_start3A_68 = tpu.memref_slice %arg2[%dma_start3A_66, %dma_start3A_67] : memref<87040x48xi32, #tpu.memory_space<hbm>> -> memref<87040x48xi32, #tpu.memory_space<hbm>>
    tpu.enqueue_indirect_dma source(%dma_start3A_68 : memref<87040x48xi32, #tpu.memory_space<hbm>>) target(%dma_start3A_63 : memref<128x48xi32, #tpu.memory_space<vmem>>) offsets(%dma_start3A_65 : memref<128xi32, #tpu.memory_space<vmem>>) semaphore(%arg17 : memref<!tpu.dma_semaphore, #tpu.memory_space<semaphore_mem>>)
    %dma_start3A_69 = arith.constant 128 : i32
    %dma_start3A_70 = arith.constant 0 : i32
    %dma_start3A_71 = tpu.memref_slice %arg12[%dma_start3A_69, %dma_start3A_70] : memref<256x48xi32, #tpu.memory_space<vmem>> -> memref<128x48xi32, #tpu.memory_space<vmem>>
    %dma_start3A_72 = arith.constant 128 : i32
    %dma_start3A_73 = tpu.memref_slice %arg10[%dma_start3A_72] : memref<256xi32, #tpu.memory_space<vmem>> -> memref<128xi32, #tpu.memory_space<vmem>>
    %dma_start3A_74 = arith.constant 0 : i32
    %dma_start3A_75 = arith.constant 0 : i32
    %dma_start3A_76 = tpu.memref_slice %arg2[%dma_start3A_74, %dma_start3A_75] : memref<87040x48xi32, #tpu.memory_space<hbm>> -> memref<87040x48xi32, #tpu.memory_space<hbm>>
    tpu.enqueue_indirect_dma source(%dma_start3A_76 : memref<87040x48xi32, #tpu.memory_space<hbm>>) target(%dma_start3A_71 : memref<128x48xi32, #tpu.memory_space<vmem>>) offsets(%dma_start3A_73 : memref<128xi32, #tpu.memory_space<vmem>>) semaphore(%arg17 : memref<!tpu.dma_semaphore, #tpu.memory_space<semaphore_mem>>)
    %add3A_77 = arith.constant 0 : i32
    %add3A_78 = arith.addi %mul3A_2, %add3A_77 : i32
    %mul3A_79 = arith.constant 128 : i32
    %mul3A_80 = arith.muli %add3A_78, %mul3A_79 : i32
    %dma_start3A_81 = arith.constant 0 : i32
    %dma_start3A_82 = tpu.memref_slice %arg14[%dma_start3A_81] : memref<512xf32, #tpu.memory_space<vmem>> -> memref<128xf32, #tpu.memory_space<vmem>>
    %dma_start3A_83 = tpu.memref_slice %arg5[%mul3A_80] : memref<1048576xf32, #tpu.memory_space<hbm>> -> memref<128xf32, #tpu.memory_space<hbm>>
    %dma_start3A_84 = arith.constant 0 : i32
    %dma_start3A_85 = tpu.memref_slice %arg14[%dma_start3A_84] : memref<512xf32, #tpu.memory_space<vmem>> -> memref<128xf32, #tpu.memory_space<vmem>>
    %dma_start3A_86 = tpu.memref_slice %arg5[%mul3A_80] : memref<1048576xf32, #tpu.memory_space<hbm>> -> memref<128xf32, #tpu.memory_space<hbm>>
    tpu.enqueue_dma source(%dma_start3A_86 : memref<128xf32, #tpu.memory_space<hbm>>) target(%dma_start3A_85 : memref<128xf32, #tpu.memory_space<vmem>>) target_semaphore(%arg19 : memref<!tpu.dma_semaphore, #tpu.memory_space<semaphore_mem>>)
    %add3A_87 = arith.constant 0 : i32
    %add3A_88 = arith.addi %mul3A_2, %add3A_87 : i32
    %mul3A_89 = arith.constant 128 : i32
    %mul3A_90 = arith.muli %add3A_88, %mul3A_89 : i32
    %dma_start3A_91 = arith.constant 128 : i32
    %dma_start3A_92 = tpu.memref_slice %arg14[%dma_start3A_91] : memref<512xf32, #tpu.memory_space<vmem>> -> memref<128xf32, #tpu.memory_space<vmem>>
    %dma_start3A_93 = tpu.memref_slice %arg6[%mul3A_90] : memref<1048576xf32, #tpu.memory_space<hbm>> -> memref<128xf32, #tpu.memory_space<hbm>>
    %dma_start3A_94 = arith.constant 128 : i32
    %dma_start3A_95 = tpu.memref_slice %arg14[%dma_start3A_94] : memref<512xf32, #tpu.memory_space<vmem>> -> memref<128xf32, #tpu.memory_space<vmem>>
    %dma_start3A_96 = tpu.memref_slice %arg6[%mul3A_90] : memref<1048576xf32, #tpu.memory_space<hbm>> -> memref<128xf32, #tpu.memory_space<hbm>>
    tpu.enqueue_dma source(%dma_start3A_96 : memref<128xf32, #tpu.memory_space<hbm>>) target(%dma_start3A_95 : memref<128xf32, #tpu.memory_space<vmem>>) target_semaphore(%arg19 : memref<!tpu.dma_semaphore, #tpu.memory_space<semaphore_mem>>)
    %add3A_97 = arith.constant 0 : i32
    %add3A_98 = arith.addi %mul3A_2, %add3A_97 : i32
    %mul3A_99 = arith.constant 128 : i32
    %mul3A_100 = arith.muli %add3A_98, %mul3A_99 : i32
    %dma_start3A_101 = arith.constant 256 : i32
    %dma_start3A_102 = tpu.memref_slice %arg14[%dma_start3A_101] : memref<512xf32, #tpu.memory_space<vmem>> -> memref<128xf32, #tpu.memory_space<vmem>>
    %dma_start3A_103 = tpu.memref_slice %arg7[%mul3A_100] : memref<1048576xf32, #tpu.memory_space<hbm>> -> memref<128xf32, #tpu.memory_space<hbm>>
    %dma_start3A_104 = arith.constant 256 : i32
    %dma_start3A_105 = tpu.memref_slice %arg14[%dma_start3A_104] : memref<512xf32, #tpu.memory_space<vmem>> -> memref<128xf32, #tpu.memory_space<vmem>>
    %dma_start3A_106 = tpu.memref_slice %arg7[%mul3A_100] : memref<1048576xf32, #tpu.memory_space<hbm>> -> memref<128xf32, #tpu.memory_space<hbm>>
    tpu.enqueue_dma source(%dma_start3A_106 : memref<128xf32, #tpu.memory_space<hbm>>) target(%dma_start3A_105 : memref<128xf32, #tpu.memory_space<vmem>>) target_semaphore(%arg19 : memref<!tpu.dma_semaphore, #tpu.memory_space<semaphore_mem>>)
    %add3A_107 = arith.constant 0 : i32
    %add3A_108 = arith.addi %mul3A_2, %add3A_107 : i32
    %mul3A_109 = arith.constant 128 : i32
    %mul3A_110 = arith.muli %add3A_108, %mul3A_109 : i32
    %dma_start3A_111 = arith.constant 384 : i32
    %dma_start3A_112 = tpu.memref_slice %arg14[%dma_start3A_111] : memref<512xf32, #tpu.memory_space<vmem>> -> memref<128xf32, #tpu.memory_space<vmem>>
    %dma_start3A_113 = tpu.memref_slice %arg8[%mul3A_110] : memref<1048576xf32, #tpu.memory_space<hbm>> -> memref<128xf32, #tpu.memory_space<hbm>>
    %dma_start3A_114 = arith.constant 384 : i32
    %dma_start3A_115 = tpu.memref_slice %arg14[%dma_start3A_114] : memref<512xf32, #tpu.memory_space<vmem>> -> memref<128xf32, #tpu.memory_space<vmem>>
    %dma_start3A_116 = tpu.memref_slice %arg8[%mul3A_110] : memref<1048576xf32, #tpu.memory_space<hbm>> -> memref<128xf32, #tpu.memory_space<hbm>>
    tpu.enqueue_dma source(%dma_start3A_116 : memref<128xf32, #tpu.memory_space<hbm>>) target(%dma_start3A_115 : memref<128xf32, #tpu.memory_space<vmem>>) target_semaphore(%arg19 : memref<!tpu.dma_semaphore, #tpu.memory_space<semaphore_mem>>)
    %scan3A = arith.constant 0 : i32
    %scan3A_117 = arith.constant 0 : i32
    %scan3A_118 = arith.constant 128 : i32
    %scan3A_119 = arith.addi %scan3A_117, %scan3A_118 : i32
    %scan3A_120 = arith.constant 1 : i32
    scf.for %scan3A_194 = %scan3A_117 to %scan3A_119 step %scan3A_120  : i32 {
      %mul3A_195 = arith.constant 2 : i32
      %mul3A_196 = arith.muli %scan3A_194, %mul3A_195 : i32
      %add3A_197 = arith.constant 0 : i32
      %add3A_198 = arith.addi %mul3A_196, %add3A_197 : i32
      %add3A_199 = arith.constant 1 : i32
      %add3A_200 = arith.addi %add3A_198, %add3A_199 : i32
      %lt3A = arith.constant 256 : i32
      %lt3A_201 = arith.cmpi slt, %add3A_200, %lt3A : i32
      %convert_element_type3A = arith.extui %lt3A_201 : i1 to i32
      %cond3A = arith.constant 0 : i32
      %cond3A_202 = arith.cmpi ne, %convert_element_type3A, %cond3A : i32
      scf.if %cond3A_202 {
        %add3A_417 = arith.constant 1 : i32
        %add3A_418 = arith.addi %add3A_198, %add3A_417 : i32
        %add3A_419 = arith.addi %mul3A_2, %add3A_418 : i32
        %mul3A_420 = arith.constant 128 : i32
        %mul3A_421 = arith.muli %add3A_419, %mul3A_420 : i32
        %dma_wait3A_422 = arith.constant 0 : i32
        %dma_wait3A_423 = tpu.memref_slice %arg11[%dma_wait3A_422] : memref<256xi32, #tpu.memory_space<vmem>> -> memref<128xi32, #tpu.memory_space<vmem>>
        %dma_wait3A_424 = tpu.memref_slice %arg3[%mul3A_421] : memref<1048576xi32, #tpu.memory_space<hbm>> -> memref<128xi32, #tpu.memory_space<hbm>>
        %dma_wait3A_425 = arith.constant 0 : i32
        %dma_wait3A_426 = tpu.memref_slice %arg11[%dma_wait3A_425] : memref<256xi32, #tpu.memory_space<vmem>> -> memref<128xi32, #tpu.memory_space<vmem>>
        %dma_wait3A_427 = tpu.memref_slice %arg3[%mul3A_421] : memref<1048576xi32, #tpu.memory_space<hbm>> -> memref<128xi32, #tpu.memory_space<hbm>>
        tpu.wait_dma2 semaphore(%arg22 : memref<!tpu.dma_semaphore, #tpu.memory_space<semaphore_mem>>) src(%dma_wait3A_427 : memref<128xi32, #tpu.memory_space<hbm>>) dst(%dma_wait3A_426 : memref<128xi32, #tpu.memory_space<vmem>>)
        %add3A_428 = arith.constant 1 : i32
        %add3A_429 = arith.addi %add3A_198, %add3A_428 : i32
        %add3A_430 = arith.addi %mul3A_2, %add3A_429 : i32
        %mul3A_431 = arith.constant 128 : i32
        %mul3A_432 = arith.muli %add3A_430, %mul3A_431 : i32
        %dma_wait3A_433 = arith.constant 128 : i32
        %dma_wait3A_434 = tpu.memref_slice %arg11[%dma_wait3A_433] : memref<256xi32, #tpu.memory_space<vmem>> -> memref<128xi32, #tpu.memory_space<vmem>>
        %dma_wait3A_435 = tpu.memref_slice %arg4[%mul3A_432] : memref<1048576xi32, #tpu.memory_space<hbm>> -> memref<128xi32, #tpu.memory_space<hbm>>
        %dma_wait3A_436 = arith.constant 128 : i32
        %dma_wait3A_437 = tpu.memref_slice %arg11[%dma_wait3A_436] : memref<256xi32, #tpu.memory_space<vmem>> -> memref<128xi32, #tpu.memory_space<vmem>>
        %dma_wait3A_438 = tpu.memref_slice %arg4[%mul3A_432] : memref<1048576xi32, #tpu.memory_space<hbm>> -> memref<128xi32, #tpu.memory_space<hbm>>
        tpu.wait_dma2 semaphore(%arg22 : memref<!tpu.dma_semaphore, #tpu.memory_space<semaphore_mem>>) src(%dma_wait3A_438 : memref<128xi32, #tpu.memory_space<hbm>>) dst(%dma_wait3A_437 : memref<128xi32, #tpu.memory_space<vmem>>)
        %add3A_439 = arith.constant 1 : i32
        %add3A_440 = arith.addi %add3A_198, %add3A_439 : i32
        %dma_start3A_441 = arith.constant 0 : i32
        %dma_start3A_442 = arith.constant 0 : i32
        %dma_start3A_443 = tpu.memref_slice %arg13[%dma_start3A_441, %dma_start3A_442] : memref<256x48xi32, #tpu.memory_space<vmem>> -> memref<128x48xi32, #tpu.memory_space<vmem>>
        %dma_start3A_444 = arith.constant 0 : i32
        %dma_start3A_445 = tpu.memref_slice %arg11[%dma_start3A_444] : memref<256xi32, #tpu.memory_space<vmem>> -> memref<128xi32, #tpu.memory_space<vmem>>
        %dma_start3A_446 = arith.constant 0 : i32
        %dma_start3A_447 = arith.constant 0 : i32
        %dma_start3A_448 = tpu.memref_slice %arg2[%dma_start3A_446, %dma_start3A_447] : memref<87040x48xi32, #tpu.memory_space<hbm>> -> memref<87040x48xi32, #tpu.memory_space<hbm>>
        tpu.enqueue_indirect_dma source(%dma_start3A_448 : memref<87040x48xi32, #tpu.memory_space<hbm>>) target(%dma_start3A_443 : memref<128x48xi32, #tpu.memory_space<vmem>>) offsets(%dma_start3A_445 : memref<128xi32, #tpu.memory_space<vmem>>) semaphore(%arg18 : memref<!tpu.dma_semaphore, #tpu.memory_space<semaphore_mem>>)
        %add3A_449 = arith.constant 1 : i32
        %add3A_450 = arith.addi %add3A_198, %add3A_449 : i32
        %dma_start3A_451 = arith.constant 128 : i32
        %dma_start3A_452 = arith.constant 0 : i32
        %dma_start3A_453 = tpu.memref_slice %arg13[%dma_start3A_451, %dma_start3A_452] : memref<256x48xi32, #tpu.memory_space<vmem>> -> memref<128x48xi32, #tpu.memory_space<vmem>>
        %dma_start3A_454 = arith.constant 128 : i32
        %dma_start3A_455 = tpu.memref_slice %arg11[%dma_start3A_454] : memref<256xi32, #tpu.memory_space<vmem>> -> memref<128xi32, #tpu.memory_space<vmem>>
        %dma_start3A_456 = arith.constant 0 : i32
        %dma_start3A_457 = arith.constant 0 : i32
        %dma_start3A_458 = tpu.memref_slice %arg2[%dma_start3A_456, %dma_start3A_457] : memref<87040x48xi32, #tpu.memory_space<hbm>> -> memref<87040x48xi32, #tpu.memory_space<hbm>>
        tpu.enqueue_indirect_dma source(%dma_start3A_458 : memref<87040x48xi32, #tpu.memory_space<hbm>>) target(%dma_start3A_453 : memref<128x48xi32, #tpu.memory_space<vmem>>) offsets(%dma_start3A_455 : memref<128xi32, #tpu.memory_space<vmem>>) semaphore(%arg18 : memref<!tpu.dma_semaphore, #tpu.memory_space<semaphore_mem>>)
        %add3A_459 = arith.constant 1 : i32
        %add3A_460 = arith.addi %add3A_198, %add3A_459 : i32
        %add3A_461 = arith.addi %mul3A_2, %add3A_460 : i32
        %mul3A_462 = arith.constant 128 : i32
        %mul3A_463 = arith.muli %add3A_461, %mul3A_462 : i32
        %dma_start3A_464 = arith.constant 0 : i32
        %dma_start3A_465 = tpu.memref_slice %arg15[%dma_start3A_464] : memref<512xf32, #tpu.memory_space<vmem>> -> memref<128xf32, #tpu.memory_space<vmem>>
        %dma_start3A_466 = tpu.memref_slice %arg5[%mul3A_463] : memref<1048576xf32, #tpu.memory_space<hbm>> -> memref<128xf32, #tpu.memory_space<hbm>>
        %dma_start3A_467 = arith.constant 0 : i32
        %dma_start3A_468 = tpu.memref_slice %arg15[%dma_start3A_467] : memref<512xf32, #tpu.memory_space<vmem>> -> memref<128xf32, #tpu.memory_space<vmem>>
        %dma_start3A_469 = tpu.memref_slice %arg5[%mul3A_463] : memref<1048576xf32, #tpu.memory_space<hbm>> -> memref<128xf32, #tpu.memory_space<hbm>>
        tpu.enqueue_dma source(%dma_start3A_469 : memref<128xf32, #tpu.memory_space<hbm>>) target(%dma_start3A_468 : memref<128xf32, #tpu.memory_space<vmem>>) target_semaphore(%arg20 : memref<!tpu.dma_semaphore, #tpu.memory_space<semaphore_mem>>)
        %add3A_470 = arith.constant 1 : i32
        %add3A_471 = arith.addi %add3A_198, %add3A_470 : i32
        %add3A_472 = arith.addi %mul3A_2, %add3A_471 : i32
        %mul3A_473 = arith.constant 128 : i32
        %mul3A_474 = arith.muli %add3A_472, %mul3A_473 : i32
        %dma_start3A_475 = arith.constant 128 : i32
        %dma_start3A_476 = tpu.memref_slice %arg15[%dma_start3A_475] : memref<512xf32, #tpu.memory_space<vmem>> -> memref<128xf32, #tpu.memory_space<vmem>>
        %dma_start3A_477 = tpu.memref_slice %arg6[%mul3A_474] : memref<1048576xf32, #tpu.memory_space<hbm>> -> memref<128xf32, #tpu.memory_space<hbm>>
        %dma_start3A_478 = arith.constant 128 : i32
        %dma_start3A_479 = tpu.memref_slice %arg15[%dma_start3A_478] : memref<512xf32, #tpu.memory_space<vmem>> -> memref<128xf32, #tpu.memory_space<vmem>>
        %dma_start3A_480 = tpu.memref_slice %arg6[%mul3A_474] : memref<1048576xf32, #tpu.memory_space<hbm>> -> memref<128xf32, #tpu.memory_space<hbm>>
        tpu.enqueue_dma source(%dma_start3A_480 : memref<128xf32, #tpu.memory_space<hbm>>) target(%dma_start3A_479 : memref<128xf32, #tpu.memory_space<vmem>>) target_semaphore(%arg20 : memref<!tpu.dma_semaphore, #tpu.memory_space<semaphore_mem>>)
        %add3A_481 = arith.constant 1 : i32
        %add3A_482 = arith.addi %add3A_198, %add3A_481 : i32
        %add3A_483 = arith.addi %mul3A_2, %add3A_482 : i32
        %mul3A_484 = arith.constant 128 : i32
        %mul3A_485 = arith.muli %add3A_483, %mul3A_484 : i32
        %dma_start3A_486 = arith.constant 256 : i32
        %dma_start3A_487 = tpu.memref_slice %arg15[%dma_start3A_486] : memref<512xf32, #tpu.memory_space<vmem>> -> memref<128xf32, #tpu.memory_space<vmem>>
        %dma_start3A_488 = tpu.memref_slice %arg7[%mul3A_485] : memref<1048576xf32, #tpu.memory_space<hbm>> -> memref<128xf32, #tpu.memory_space<hbm>>
        %dma_start3A_489 = arith.constant 256 : i32
        %dma_start3A_490 = tpu.memref_slice %arg15[%dma_start3A_489] : memref<512xf32, #tpu.memory_space<vmem>> -> memref<128xf32, #tpu.memory_space<vmem>>
        %dma_start3A_491 = tpu.memref_slice %arg7[%mul3A_485] : memref<1048576xf32, #tpu.memory_space<hbm>> -> memref<128xf32, #tpu.memory_space<hbm>>
        tpu.enqueue_dma source(%dma_start3A_491 : memref<128xf32, #tpu.memory_space<hbm>>) target(%dma_start3A_490 : memref<128xf32, #tpu.memory_space<vmem>>) target_semaphore(%arg20 : memref<!tpu.dma_semaphore, #tpu.memory_space<semaphore_mem>>)
        %add3A_492 = arith.constant 1 : i32
        %add3A_493 = arith.addi %add3A_198, %add3A_492 : i32
        %add3A_494 = arith.addi %mul3A_2, %add3A_493 : i32
        %mul3A_495 = arith.constant 128 : i32
        %mul3A_496 = arith.muli %add3A_494, %mul3A_495 : i32
        %dma_start3A_497 = arith.constant 384 : i32
        %dma_start3A_498 = tpu.memref_slice %arg15[%dma_start3A_497] : memref<512xf32, #tpu.memory_space<vmem>> -> memref<128xf32, #tpu.memory_space<vmem>>
        %dma_start3A_499 = tpu.memref_slice %arg8[%mul3A_496] : memref<1048576xf32, #tpu.memory_space<hbm>> -> memref<128xf32, #tpu.memory_space<hbm>>
        %dma_start3A_500 = arith.constant 384 : i32
        %dma_start3A_501 = tpu.memref_slice %arg15[%dma_start3A_500] : memref<512xf32, #tpu.memory_space<vmem>> -> memref<128xf32, #tpu.memory_space<vmem>>
        %dma_start3A_502 = tpu.memref_slice %arg8[%mul3A_496] : memref<1048576xf32, #tpu.memory_space<hbm>> -> memref<128xf32, #tpu.memory_space<hbm>>
        tpu.enqueue_dma source(%dma_start3A_502 : memref<128xf32, #tpu.memory_space<hbm>>) target(%dma_start3A_501 : memref<128xf32, #tpu.memory_space<vmem>>) target_semaphore(%arg20 : memref<!tpu.dma_semaphore, #tpu.memory_space<semaphore_mem>>)
      } else {
      }
      %dma_wait3A_203 = arith.constant 0 : i32
      %dma_wait3A_204 = arith.constant 0 : i32
      %dma_wait3A_205 = tpu.memref_slice %arg12[%dma_wait3A_203, %dma_wait3A_204] : memref<256x48xi32, #tpu.memory_space<vmem>> -> memref<128x48xi32, #tpu.memory_space<vmem>>
      %dma_wait3A_206 = arith.constant 0 : i32
      %dma_wait3A_207 = tpu.memref_slice %arg10[%dma_wait3A_206] : memref<256xi32, #tpu.memory_space<vmem>> -> memref<128xi32, #tpu.memory_space<vmem>>
      %dma_wait3A_208 = arith.constant 0 : i32
      %dma_wait3A_209 = arith.constant 0 : i32
      %dma_wait3A_210 = tpu.memref_slice %arg2[%dma_wait3A_208, %dma_wait3A_209] : memref<87040x48xi32, #tpu.memory_space<hbm>> -> memref<87040x48xi32, #tpu.memory_space<hbm>>
      tpu.wait_indirect_dma semaphore(%arg17 : memref<!tpu.dma_semaphore, #tpu.memory_space<semaphore_mem>>) src(%dma_wait3A_210 : memref<87040x48xi32, #tpu.memory_space<hbm>>) dst(%dma_wait3A_205 : memref<128x48xi32, #tpu.memory_space<vmem>>)
      %dma_wait3A_211 = arith.constant 128 : i32
      %dma_wait3A_212 = arith.constant 0 : i32
      %dma_wait3A_213 = tpu.memref_slice %arg12[%dma_wait3A_211, %dma_wait3A_212] : memref<256x48xi32, #tpu.memory_space<vmem>> -> memref<128x48xi32, #tpu.memory_space<vmem>>
      %dma_wait3A_214 = arith.constant 128 : i32
      %dma_wait3A_215 = tpu.memref_slice %arg10[%dma_wait3A_214] : memref<256xi32, #tpu.memory_space<vmem>> -> memref<128xi32, #tpu.memory_space<vmem>>
      %dma_wait3A_216 = arith.constant 0 : i32
      %dma_wait3A_217 = arith.constant 0 : i32
      %dma_wait3A_218 = tpu.memref_slice %arg2[%dma_wait3A_216, %dma_wait3A_217] : memref<87040x48xi32, #tpu.memory_space<hbm>> -> memref<87040x48xi32, #tpu.memory_space<hbm>>
      tpu.wait_indirect_dma semaphore(%arg17 : memref<!tpu.dma_semaphore, #tpu.memory_space<semaphore_mem>>) src(%dma_wait3A_218 : memref<87040x48xi32, #tpu.memory_space<hbm>>) dst(%dma_wait3A_213 : memref<128x48xi32, #tpu.memory_space<vmem>>)
      %add3A_219 = arith.addi %mul3A_2, %add3A_198 : i32
      %mul3A_220 = arith.constant 128 : i32
      %mul3A_221 = arith.muli %add3A_219, %mul3A_220 : i32
      %dma_wait3A_222 = arith.constant 0 : i32
      %dma_wait3A_223 = tpu.memref_slice %arg14[%dma_wait3A_222] : memref<512xf32, #tpu.memory_space<vmem>> -> memref<128xf32, #tpu.memory_space<vmem>>
      %dma_wait3A_224 = tpu.memref_slice %arg5[%mul3A_221] : memref<1048576xf32, #tpu.memory_space<hbm>> -> memref<128xf32, #tpu.memory_space<hbm>>
      %dma_wait3A_225 = arith.constant 0 : i32
      %dma_wait3A_226 = tpu.memref_slice %arg14[%dma_wait3A_225] : memref<512xf32, #tpu.memory_space<vmem>> -> memref<128xf32, #tpu.memory_space<vmem>>
      %dma_wait3A_227 = tpu.memref_slice %arg5[%mul3A_221] : memref<1048576xf32, #tpu.memory_space<hbm>> -> memref<128xf32, #tpu.memory_space<hbm>>
      tpu.wait_dma2 semaphore(%arg19 : memref<!tpu.dma_semaphore, #tpu.memory_space<semaphore_mem>>) src(%dma_wait3A_227 : memref<128xf32, #tpu.memory_space<hbm>>) dst(%dma_wait3A_226 : memref<128xf32, #tpu.memory_space<vmem>>)
      %add3A_228 = arith.addi %mul3A_2, %add3A_198 : i32
      %mul3A_229 = arith.constant 128 : i32
      %mul3A_230 = arith.muli %add3A_228, %mul3A_229 : i32
      %dma_wait3A_231 = arith.constant 128 : i32
      %dma_wait3A_232 = tpu.memref_slice %arg14[%dma_wait3A_231] : memref<512xf32, #tpu.memory_space<vmem>> -> memref<128xf32, #tpu.memory_space<vmem>>
      %dma_wait3A_233 = tpu.memref_slice %arg6[%mul3A_230] : memref<1048576xf32, #tpu.memory_space<hbm>> -> memref<128xf32, #tpu.memory_space<hbm>>
      %dma_wait3A_234 = arith.constant 128 : i32
      %dma_wait3A_235 = tpu.memref_slice %arg14[%dma_wait3A_234] : memref<512xf32, #tpu.memory_space<vmem>> -> memref<128xf32, #tpu.memory_space<vmem>>
      %dma_wait3A_236 = tpu.memref_slice %arg6[%mul3A_230] : memref<1048576xf32, #tpu.memory_space<hbm>> -> memref<128xf32, #tpu.memory_space<hbm>>
      tpu.wait_dma2 semaphore(%arg19 : memref<!tpu.dma_semaphore, #tpu.memory_space<semaphore_mem>>) src(%dma_wait3A_236 : memref<128xf32, #tpu.memory_space<hbm>>) dst(%dma_wait3A_235 : memref<128xf32, #tpu.memory_space<vmem>>)
      %add3A_237 = arith.addi %mul3A_2, %add3A_198 : i32
      %mul3A_238 = arith.constant 128 : i32
      %mul3A_239 = arith.muli %add3A_237, %mul3A_238 : i32
      %dma_wait3A_240 = arith.constant 256 : i32
      %dma_wait3A_241 = tpu.memref_slice %arg14[%dma_wait3A_240] : memref<512xf32, #tpu.memory_space<vmem>> -> memref<128xf32, #tpu.memory_space<vmem>>
      %dma_wait3A_242 = tpu.memref_slice %arg7[%mul3A_239] : memref<1048576xf32, #tpu.memory_space<hbm>> -> memref<128xf32, #tpu.memory_space<hbm>>
      %dma_wait3A_243 = arith.constant 256 : i32
      %dma_wait3A_244 = tpu.memref_slice %arg14[%dma_wait3A_243] : memref<512xf32, #tpu.memory_space<vmem>> -> memref<128xf32, #tpu.memory_space<vmem>>
      %dma_wait3A_245 = tpu.memref_slice %arg7[%mul3A_239] : memref<1048576xf32, #tpu.memory_space<hbm>> -> memref<128xf32, #tpu.memory_space<hbm>>
      tpu.wait_dma2 semaphore(%arg19 : memref<!tpu.dma_semaphore, #tpu.memory_space<semaphore_mem>>) src(%dma_wait3A_245 : memref<128xf32, #tpu.memory_space<hbm>>) dst(%dma_wait3A_244 : memref<128xf32, #tpu.memory_space<vmem>>)
      %add3A_246 = arith.addi %mul3A_2, %add3A_198 : i32
      %mul3A_247 = arith.constant 128 : i32
      %mul3A_248 = arith.muli %add3A_246, %mul3A_247 : i32
      %dma_wait3A_249 = arith.constant 384 : i32
      %dma_wait3A_250 = tpu.memref_slice %arg14[%dma_wait3A_249] : memref<512xf32, #tpu.memory_space<vmem>> -> memref<128xf32, #tpu.memory_space<vmem>>
      %dma_wait3A_251 = tpu.memref_slice %arg8[%mul3A_248] : memref<1048576xf32, #tpu.memory_space<hbm>> -> memref<128xf32, #tpu.memory_space<hbm>>
      %dma_wait3A_252 = arith.constant 384 : i32
      %dma_wait3A_253 = tpu.memref_slice %arg14[%dma_wait3A_252] : memref<512xf32, #tpu.memory_space<vmem>> -> memref<128xf32, #tpu.memory_space<vmem>>
      %dma_wait3A_254 = tpu.memref_slice %arg8[%mul3A_248] : memref<1048576xf32, #tpu.memory_space<hbm>> -> memref<128xf32, #tpu.memory_space<hbm>>
      tpu.wait_dma2 semaphore(%arg19 : memref<!tpu.dma_semaphore, #tpu.memory_space<semaphore_mem>>) src(%dma_wait3A_254 : memref<128xf32, #tpu.memory_space<hbm>>) dst(%dma_wait3A_253 : memref<128xf32, #tpu.memory_space<vmem>>)
      %add3A_255 = arith.constant 2 : i32
      %add3A_256 = arith.addi %add3A_198, %add3A_255 : i32
      %lt3A_257 = arith.constant 256 : i32
      %lt3A_258 = arith.cmpi slt, %add3A_256, %lt3A_257 : i32
      %convert_element_type3A_259 = arith.extui %lt3A_258 : i1 to i32
      %cond3A_260 = arith.constant 0 : i32
      %cond3A_261 = arith.cmpi ne, %convert_element_type3A_259, %cond3A_260 : i32
      scf.if %cond3A_261 {
        %add3A_417 = arith.constant 2 : i32
        %add3A_418 = arith.addi %add3A_198, %add3A_417 : i32
        %add3A_419 = arith.addi %mul3A_2, %add3A_418 : i32
        %mul3A_420 = arith.constant 128 : i32
        %mul3A_421 = arith.muli %add3A_419, %mul3A_420 : i32
        %dma_start3A_422 = arith.constant 0 : i32
        %dma_start3A_423 = tpu.memref_slice %arg10[%dma_start3A_422] : memref<256xi32, #tpu.memory_space<vmem>> -> memref<128xi32, #tpu.memory_space<vmem>>
        %dma_start3A_424 = tpu.memref_slice %arg3[%mul3A_421] : memref<1048576xi32, #tpu.memory_space<hbm>> -> memref<128xi32, #tpu.memory_space<hbm>>
        %dma_start3A_425 = arith.constant 0 : i32
        %dma_start3A_426 = tpu.memref_slice %arg10[%dma_start3A_425] : memref<256xi32, #tpu.memory_space<vmem>> -> memref<128xi32, #tpu.memory_space<vmem>>
        %dma_start3A_427 = tpu.memref_slice %arg3[%mul3A_421] : memref<1048576xi32, #tpu.memory_space<hbm>> -> memref<128xi32, #tpu.memory_space<hbm>>
        tpu.enqueue_dma source(%dma_start3A_427 : memref<128xi32, #tpu.memory_space<hbm>>) target(%dma_start3A_426 : memref<128xi32, #tpu.memory_space<vmem>>) target_semaphore(%arg21 : memref<!tpu.dma_semaphore, #tpu.memory_space<semaphore_mem>>)
        %add3A_428 = arith.constant 2 : i32
        %add3A_429 = arith.addi %add3A_198, %add3A_428 : i32
        %add3A_430 = arith.addi %mul3A_2, %add3A_429 : i32
        %mul3A_431 = arith.constant 128 : i32
        %mul3A_432 = arith.muli %add3A_430, %mul3A_431 : i32
        %dma_start3A_433 = arith.constant 128 : i32
        %dma_start3A_434 = tpu.memref_slice %arg10[%dma_start3A_433] : memref<256xi32, #tpu.memory_space<vmem>> -> memref<128xi32, #tpu.memory_space<vmem>>
        %dma_start3A_435 = tpu.memref_slice %arg4[%mul3A_432] : memref<1048576xi32, #tpu.memory_space<hbm>> -> memref<128xi32, #tpu.memory_space<hbm>>
        %dma_start3A_436 = arith.constant 128 : i32
        %dma_start3A_437 = tpu.memref_slice %arg10[%dma_start3A_436] : memref<256xi32, #tpu.memory_space<vmem>> -> memref<128xi32, #tpu.memory_space<vmem>>
        %dma_start3A_438 = tpu.memref_slice %arg4[%mul3A_432] : memref<1048576xi32, #tpu.memory_space<hbm>> -> memref<128xi32, #tpu.memory_space<hbm>>
        tpu.enqueue_dma source(%dma_start3A_438 : memref<128xi32, #tpu.memory_space<hbm>>) target(%dma_start3A_437 : memref<128xi32, #tpu.memory_space<vmem>>) target_semaphore(%arg21 : memref<!tpu.dma_semaphore, #tpu.memory_space<semaphore_mem>>)
      } else {
      }
      %ge3A = arith.constant 2 : i32
      %ge3A_262 = arith.cmpi sge, %add3A_198, %ge3A : i32
      %convert_element_type3A_263 = arith.extui %ge3A_262 : i1 to i32
      %cond3A_264 = arith.constant 0 : i32
      %cond3A_265 = arith.cmpi ne, %convert_element_type3A_263, %cond3A_264 : i32
      scf.if %cond3A_265 {
        %sub3A = arith.constant 2 : i32
        %sub3A_417 = arith.subi %add3A_198, %sub3A : i32
        %add3A_418 = arith.addi %mul3A_2, %sub3A_417 : i32
        %mul3A_419 = arith.constant 128 : i32
        %mul3A_420 = arith.muli %add3A_418, %mul3A_419 : i32
        %add3A_421 = arith.constant 0 : i32
        %add3A_422 = arith.addi %add3A_421, %mul3A_420 : i32
        %dma_wait3A_423 = arith.constant 0 : i32
        %dma_wait3A_424 = tpu.memref_slice %arg16[%dma_wait3A_423] : memref<768xf32, #tpu.memory_space<vmem>> -> memref<128xf32, #tpu.memory_space<vmem>>
        %dma_wait3A_425 = tpu.memref_slice %arg9[%add3A_422] : memref<3145728xf32, #tpu.memory_space<hbm>> -> memref<128xf32, #tpu.memory_space<hbm>>
        %dma_wait3A_426 = tpu.memref_slice %arg9[%add3A_422] : memref<3145728xf32, #tpu.memory_space<hbm>> -> memref<128xf32, #tpu.memory_space<hbm>>
        %dma_wait3A_427 = arith.constant 0 : i32
        %dma_wait3A_428 = tpu.memref_slice %arg16[%dma_wait3A_427] : memref<768xf32, #tpu.memory_space<vmem>> -> memref<128xf32, #tpu.memory_space<vmem>>
        tpu.wait_dma2 semaphore(%arg23 : memref<!tpu.dma_semaphore, #tpu.memory_space<semaphore_mem>>) src(%dma_wait3A_428 : memref<128xf32, #tpu.memory_space<vmem>>) dst(%dma_wait3A_426 : memref<128xf32, #tpu.memory_space<hbm>>)
        %sub3A_429 = arith.constant 2 : i32
        %sub3A_430 = arith.subi %add3A_198, %sub3A_429 : i32
        %add3A_431 = arith.addi %mul3A_2, %sub3A_430 : i32
        %mul3A_432 = arith.constant 128 : i32
        %mul3A_433 = arith.muli %add3A_431, %mul3A_432 : i32
        %add3A_434 = arith.constant 1048576 : i32
        %add3A_435 = arith.addi %add3A_434, %mul3A_433 : i32
        %dma_wait3A_436 = arith.constant 128 : i32
        %dma_wait3A_437 = tpu.memref_slice %arg16[%dma_wait3A_436] : memref<768xf32, #tpu.memory_space<vmem>> -> memref<128xf32, #tpu.memory_space<vmem>>
        %dma_wait3A_438 = tpu.memref_slice %arg9[%add3A_435] : memref<3145728xf32, #tpu.memory_space<hbm>> -> memref<128xf32, #tpu.memory_space<hbm>>
        %dma_wait3A_439 = tpu.memref_slice %arg9[%add3A_435] : memref<3145728xf32, #tpu.memory_space<hbm>> -> memref<128xf32, #tpu.memory_space<hbm>>
        %dma_wait3A_440 = arith.constant 128 : i32
        %dma_wait3A_441 = tpu.memref_slice %arg16[%dma_wait3A_440] : memref<768xf32, #tpu.memory_space<vmem>> -> memref<128xf32, #tpu.memory_space<vmem>>
        tpu.wait_dma2 semaphore(%arg23 : memref<!tpu.dma_semaphore, #tpu.memory_space<semaphore_mem>>) src(%dma_wait3A_441 : memref<128xf32, #tpu.memory_space<vmem>>) dst(%dma_wait3A_439 : memref<128xf32, #tpu.memory_space<hbm>>)
        %sub3A_442 = arith.constant 2 : i32
        %sub3A_443 = arith.subi %add3A_198, %sub3A_442 : i32
        %add3A_444 = arith.addi %mul3A_2, %sub3A_443 : i32
        %mul3A_445 = arith.constant 128 : i32
        %mul3A_446 = arith.muli %add3A_444, %mul3A_445 : i32
        %add3A_447 = arith.constant 2097152 : i32
        %add3A_448 = arith.addi %add3A_447, %mul3A_446 : i32
        %dma_wait3A_449 = arith.constant 256 : i32
        %dma_wait3A_450 = tpu.memref_slice %arg16[%dma_wait3A_449] : memref<768xf32, #tpu.memory_space<vmem>> -> memref<128xf32, #tpu.memory_space<vmem>>
        %dma_wait3A_451 = tpu.memref_slice %arg9[%add3A_448] : memref<3145728xf32, #tpu.memory_space<hbm>> -> memref<128xf32, #tpu.memory_space<hbm>>
        %dma_wait3A_452 = tpu.memref_slice %arg9[%add3A_448] : memref<3145728xf32, #tpu.memory_space<hbm>> -> memref<128xf32, #tpu.memory_space<hbm>>
        %dma_wait3A_453 = arith.constant 256 : i32
        %dma_wait3A_454 = tpu.memref_slice %arg16[%dma_wait3A_453] : memref<768xf32, #tpu.memory_space<vmem>> -> memref<128xf32, #tpu.memory_space<vmem>>
        tpu.wait_dma2 semaphore(%arg23 : memref<!tpu.dma_semaphore, #tpu.memory_space<semaphore_mem>>) src(%dma_wait3A_454 : memref<128xf32, #tpu.memory_space<vmem>>) dst(%dma_wait3A_452 : memref<128xf32, #tpu.memory_space<hbm>>)
      } else {
      }
      %scan3A_266 = arith.constant 0 : i32
      %scan3A_267 = arith.constant 0 : i32
      %scan3A_268 = arith.constant 8 : i32
      %scan3A_269 = arith.addi %scan3A_267, %scan3A_268 : i32
      %scan3A_270 = arith.constant 1 : i32
      scf.for %scan3A_417 = %scan3A_267 to %scan3A_269 step %scan3A_270  : i32 {
        %mul3A_418 = arith.constant 16 : i32
        %mul3A_419 = arith.muli %scan3A_417, %mul3A_418 : i32
        %broadcast_in_dim3A = arith.constant 0.000000e+00 : f32
        %broadcast_in_dim3A_420 = vector.broadcast %broadcast_in_dim3A : f32 to vector<16xf32>
        %broadcast_in_dim3A_421 = arith.constant 0.000000e+00 : f32
        %broadcast_in_dim3A_422 = vector.broadcast %broadcast_in_dim3A_421 : f32 to vector<16xf32>
        %broadcast_in_dim3A_423 = arith.constant 0.000000e+00 : f32
        %broadcast_in_dim3A_424 = vector.broadcast %broadcast_in_dim3A_423 : f32 to vector<16xf32>
        %add3A_425 = arith.constant 0 : i32
        %add3A_426 = arith.addi %add3A_425, %mul3A_419 : i32
        %get3A = arith.index_cast %add3A_426 : i32 to index
        %get3A_427 = tpu.vector_load %arg14[%get3A] {strides = array<i32>} : memref<512xf32, #tpu.memory_space<vmem>>, vector<16xf32>,
        %get3A_428 = vector.shape_cast %get3A_427 : vector<16xf32> to vector<16xf32>
        %add3A_429 = arith.constant 128 : i32
        %add3A_430 = arith.addi %add3A_429, %mul3A_419 : i32
        %get3A_431 = arith.index_cast %add3A_430 : i32 to index
        %get3A_432 = tpu.vector_load %arg14[%get3A_431] {strides = array<i32>} : memref<512xf32, #tpu.memory_space<vmem>>, vector<16xf32>,
        %get3A_433 = vector.shape_cast %get3A_432 : vector<16xf32> to vector<16xf32>
        %add3A_434 = arith.constant 256 : i32
        %add3A_435 = arith.addi %add3A_434, %mul3A_419 : i32
        %get3A_436 = arith.index_cast %add3A_435 : i32 to index
        %get3A_437 = tpu.vector_load %arg14[%get3A_436] {strides = array<i32>} : memref<512xf32, #tpu.memory_space<vmem>>, vector<16xf32>,
        %get3A_438 = vector.shape_cast %get3A_437 : vector<16xf32> to vector<16xf32>
        %add3A_439 = arith.constant 384 : i32
        %add3A_440 = arith.addi %add3A_439, %mul3A_419 : i32
        %get3A_441 = arith.index_cast %add3A_440 : i32 to index
        %get3A_442 = tpu.vector_load %arg14[%get3A_441] {strides = array<i32>} : memref<512xf32, #tpu.memory_space<vmem>>, vector<16xf32>,
        %get3A_443 = vector.shape_cast %get3A_442 : vector<16xf32> to vector<16xf32>
        %add3A_444 = arith.constant 0 : i32
        %add3A_445 = arith.addi %mul3A_419, %add3A_444 : i32
        %slice3A = vector.extract_strided_slice %get3A_428 {offsets = [0], sizes = [1], strides = [1]} : vector<16xf32> to vector<1xf32>
        %squeeze3A = vector.extract %slice3A[0] : f32 from vector<1xf32>
        %broadcast_in_dim3A_446 = vector.broadcast %squeeze3A : f32 to vector<16xf32>
        %slice3A_447 = vector.extract_strided_slice %get3A_433 {offsets = [0], sizes = [1], strides = [1]} : vector<16xf32> to vector<1xf32>
        %squeeze3A_448 = vector.extract %slice3A_447[0] : f32 from vector<1xf32>
        %broadcast_in_dim3A_449 = vector.broadcast %squeeze3A_448 : f32 to vector<16xf32>
        %add3A_450 = arith.constant 0 : i32
        %add3A_451 = arith.addi %add3A_450, %add3A_445 : i32
        %get3A_452 = arith.index_cast %add3A_451 : i32 to index
        %get3A_453 = arith.constant 0 : index
        %get3A_454 = tpu.vector_load %arg12[%get3A_452, %get3A_453] {strides = array<i32>} : memref<256x48xi32, #tpu.memory_space<vmem>>, vector<1x16xi32>,
        %get3A_455 = vector.shape_cast %get3A_454 : vector<1x16xi32> to vector<16xi32>
        %shift_left3A = arith.constant 16 : i32
        %shift_left3A_456 = vector.broadcast %shift_left3A : i32 to vector<16xi32>
        %shift_left3A_457 = arith.shli %get3A_455, %shift_left3A_456 : vector<16xi32>
        %bitcast_convert_type3A = tpu.bitcast %shift_left3A_457 : vector<16xi32> -> vector<16xf32>
        %and3A = arith.constant -65536 : i32
        %and3A_458 = vector.broadcast %and3A : i32 to vector<16xi32>
        %and3A_459 = arith.andi %get3A_455, %and3A_458 : vector<16xi32>
        %bitcast_convert_type3A_460 = tpu.bitcast %and3A_459 : vector<16xi32> -> vector<16xf32>
        %mul3A_461 = arith.mulf %broadcast_in_dim3A_446, %bitcast_convert_type3A : vector<16xf32>
        %add3A_462 = arith.addf %broadcast_in_dim3A_420, %mul3A_461 : vector<16xf32>
        %mul3A_463 = arith.mulf %broadcast_in_dim3A_449, %bitcast_convert_type3A_460 : vector<16xf32>
        %add3A_464 = arith.addf %add3A_462, %mul3A_463 : vector<16xf32>
        %add3A_465 = arith.constant 0 : i32
        %add3A_466 = arith.addi %add3A_465, %add3A_445 : i32
        %get3A_467 = arith.index_cast %add3A_466 : i32 to index
        %get3A_468 = arith.constant 16 : index
        %get3A_469 = tpu.vector_load %arg12[%get3A_467, %get3A_468] {strides = array<i32>} : memref<256x48xi32, #tpu.memory_space<vmem>>, vector<1x16xi32>,
        %get3A_470 = vector.shape_cast %get3A_469 : vector<1x16xi32> to vector<16xi32>
        %shift_left3A_471 = arith.constant 16 : i32
        %shift_left3A_472 = vector.broadcast %shift_left3A_471 : i32 to vector<16xi32>
        %shift_left3A_473 = arith.shli %get3A_470, %shift_left3A_472 : vector<16xi32>
        %bitcast_convert_type3A_474 = tpu.bitcast %shift_left3A_473 : vector<16xi32> -> vector<16xf32>
        %and3A_475 = arith.constant -65536 : i32
        %and3A_476 = vector.broadcast %and3A_475 : i32 to vector<16xi32>
        %and3A_477 = arith.andi %get3A_470, %and3A_476 : vector<16xi32>
        %bitcast_convert_type3A_478 = tpu.bitcast %and3A_477 : vector<16xi32> -> vector<16xf32>
        %mul3A_479 = arith.mulf %broadcast_in_dim3A_446, %bitcast_convert_type3A_474 : vector<16xf32>
        %add3A_480 = arith.addf %broadcast_in_dim3A_422, %mul3A_479 : vector<16xf32>
        %mul3A_481 = arith.mulf %broadcast_in_dim3A_449, %bitcast_convert_type3A_478 : vector<16xf32>
        %add3A_482 = arith.addf %add3A_480, %mul3A_481 : vector<16xf32>
        %add3A_483 = arith.constant 0 : i32
        %add3A_484 = arith.addi %add3A_483, %add3A_445 : i32
        %get3A_485 = arith.index_cast %add3A_484 : i32 to index
        %get3A_486 = arith.constant 32 : index
        %get3A_487 = tpu.vector_load %arg12[%get3A_485, %get3A_486] {strides = array<i32>} : memref<256x48xi32, #tpu.memory_space<vmem>>, vector<1x16xi32>,
        %get3A_488 = vector.shape_cast %get3A_487 : vector<1x16xi32> to vector<16xi32>
        %shift_left3A_489 = arith.constant 16 : i32
        %shift_left3A_490 = vector.broadcast %shift_left3A_489 : i32 to vector<16xi32>
        %shift_left3A_491 = arith.shli %get3A_488, %shift_left3A_490 : vector<16xi32>
        %bitcast_convert_type3A_492 = tpu.bitcast %shift_left3A_491 : vector<16xi32> -> vector<16xf32>
        %and3A_493 = arith.constant -65536 : i32
        %and3A_494 = vector.broadcast %and3A_493 : i32 to vector<16xi32>
        %and3A_495 = arith.andi %get3A_488, %and3A_494 : vector<16xi32>
        %bitcast_convert_type3A_496 = tpu.bitcast %and3A_495 : vector<16xi32> -> vector<16xf32>
        %mul3A_497 = arith.mulf %broadcast_in_dim3A_446, %bitcast_convert_type3A_492 : vector<16xf32>
        %add3A_498 = arith.addf %broadcast_in_dim3A_424, %mul3A_497 : vector<16xf32>
        %mul3A_499 = arith.mulf %broadcast_in_dim3A_449, %bitcast_convert_type3A_496 : vector<16xf32>
        %add3A_500 = arith.addf %add3A_498, %mul3A_499 : vector<16xf32>
        %slice3A_501 = vector.extract_strided_slice %get3A_438 {offsets = [0], sizes = [1], strides = [1]} : vector<16xf32> to vector<1xf32>
        %squeeze3A_502 = vector.extract %slice3A_501[0] : f32 from vector<1xf32>
        %broadcast_in_dim3A_503 = vector.broadcast %squeeze3A_502 : f32 to vector<16xf32>
        %slice3A_504 = vector.extract_strided_slice %get3A_443 {offsets = [0], sizes = [1], strides = [1]} : vector<16xf32> to vector<1xf32>
        %squeeze3A_505 = vector.extract %slice3A_504[0] : f32 from vector<1xf32>
        %broadcast_in_dim3A_506 = vector.broadcast %squeeze3A_505 : f32 to vector<16xf32>
        %add3A_507 = arith.constant 128 : i32
        %add3A_508 = arith.addi %add3A_507, %add3A_445 : i32
        %get3A_509 = arith.index_cast %add3A_508 : i32 to index
        %get3A_510 = arith.constant 0 : index
        %get3A_511 = tpu.vector_load %arg12[%get3A_509, %get3A_510] {strides = array<i32>} : memref<256x48xi32, #tpu.memory_space<vmem>>, vector<1x16xi32>,
        %get3A_512 = vector.shape_cast %get3A_511 : vector<1x16xi32> to vector<16xi32>
        %shift_left3A_513 = arith.constant 16 : i32
        %shift_left3A_514 = vector.broadcast %shift_left3A_513 : i32 to vector<16xi32>
        %shift_left3A_515 = arith.shli %get3A_512, %shift_left3A_514 : vector<16xi32>
        %bitcast_convert_type3A_516 = tpu.bitcast %shift_left3A_515 : vector<16xi32> -> vector<16xf32>
        %and3A_517 = arith.constant -65536 : i32
        %and3A_518 = vector.broadcast %and3A_517 : i32 to vector<16xi32>
        %and3A_519 = arith.andi %get3A_512, %and3A_518 : vector<16xi32>
        %bitcast_convert_type3A_520 = tpu.bitcast %and3A_519 : vector<16xi32> -> vector<16xf32>
        %mul3A_521 = arith.mulf %broadcast_in_dim3A_503, %bitcast_convert_type3A_516 : vector<16xf32>
        %add3A_522 = arith.addf %add3A_464, %mul3A_521 : vector<16xf32>
        %mul3A_523 = arith.mulf %broadcast_in_dim3A_506, %bitcast_convert_type3A_520 : vector<16xf32>
        %add3A_524 = arith.addf %add3A_522, %mul3A_523 : vector<16xf32>
        %add3A_525 = arith.constant 128 : i32
        %add3A_526 = arith.addi %add3A_525, %add3A_445 : i32
        %get3A_527 = arith.index_cast %add3A_526 : i32 to index
        %get3A_528 = arith.constant 16 : index
        %get3A_529 = tpu.vector_load %arg12[%get3A_527, %get3A_528] {strides = array<i32>} : memref<256x48xi32, #tpu.memory_space<vmem>>, vector<1x16xi32>,
        %get3A_530 = vector.shape_cast %get3A_529 : vector<1x16xi32> to vector<16xi32>
        %shift_left3A_531 = arith.constant 16 : i32
        %shift_left3A_532 = vector.broadcast %shift_left3A_531 : i32 to vector<16xi32>
        %shift_left3A_533 = arith.shli %get3A_530, %shift_left3A_532 : vector<16xi32>
        %bitcast_convert_type3A_534 = tpu.bitcast %shift_left3A_533 : vector<16xi32> -> vector<16xf32>
        %and3A_535 = arith.constant -65536 : i32
        %and3A_536 = vector.broadcast %and3A_535 : i32 to vector<16xi32>
        %and3A_537 = arith.andi %get3A_530, %and3A_536 : vector<16xi32>
        %bitcast_convert_type3A_538 = tpu.bitcast %and3A_537 : vector<16xi32> -> vector<16xf32>
        %mul3A_539 = arith.mulf %broadcast_in_dim3A_503, %bitcast_convert_type3A_534 : vector<16xf32>
        %add3A_540 = arith.addf %add3A_482, %mul3A_539 : vector<16xf32>
        %mul3A_541 = arith.mulf %broadcast_in_dim3A_506, %bitcast_convert_type3A_538 : vector<16xf32>
        %add3A_542 = arith.addf %add3A_540, %mul3A_541 : vector<16xf32>
        %add3A_543 = arith.constant 128 : i32
        %add3A_544 = arith.addi %add3A_543, %add3A_445 : i32
        %get3A_545 = arith.index_cast %add3A_544 : i32 to index
        %get3A_546 = arith.constant 32 : index
        %get3A_547 = tpu.vector_load %arg12[%get3A_545, %get3A_546] {strides = array<i32>} : memref<256x48xi32, #tpu.memory_space<vmem>>, vector<1x16xi32>,
        %get3A_548 = vector.shape_cast %get3A_547 : vector<1x16xi32> to vector<16xi32>
        %shift_left3A_549 = arith.constant 16 : i32
        %shift_left3A_550 = vector.broadcast %shift_left3A_549 : i32 to vector<16xi32>
        %shift_left3A_551 = arith.shli %get3A_548, %shift_left3A_550 : vector<16xi32>
        %bitcast_convert_type3A_552 = tpu.bitcast %shift_left3A_551 : vector<16xi32> -> vector<16xf32>
        %and3A_553 = arith.constant -65536 : i32
        %and3A_554 = vector.broadcast %and3A_553 : i32 to vector<16xi32>
        %and3A_555 = arith.andi %get3A_548, %and3A_554 : vector<16xi32>
        %bitcast_convert_type3A_556 = tpu.bitcast %and3A_555 : vector<16xi32> -> vector<16xf32>
        %mul3A_557 = arith.mulf %broadcast_in_dim3A_503, %bitcast_convert_type3A_552 : vector<16xf32>
        %add3A_558 = arith.addf %add3A_500, %mul3A_557 : vector<16xf32>
        %mul3A_559 = arith.mulf %broadcast_in_dim3A_506, %bitcast_convert_type3A_556 : vector<16xf32>
        %add3A_560 = arith.addf %add3A_558, %mul3A_559 : vector<16xf32>
        %add3A_561 = arith.constant 1 : i32
        %add3A_562 = arith.addi %mul3A_419, %add3A_561 : i32
        %slice3A_563 = vector.extract_strided_slice %get3A_428 {offsets = [1], sizes = [1], strides = [1]} : vector<16xf32> to vector<1xf32>
        %squeeze3A_564 = vector.extract %slice3A_563[0] : f32 from vector<1xf32>
        %broadcast_in_dim3A_565 = vector.broadcast %squeeze3A_564 : f32 to vector<16xf32>
        %slice3A_566 = vector.extract_strided_slice %get3A_433 {offsets = [1], sizes = [1], strides = [1]} : vector<16xf32> to vector<1xf32>
        %squeeze3A_567 = vector.extract %slice3A_566[0] : f32 from vector<1xf32>
        %broadcast_in_dim3A_568 = vector.broadcast %squeeze3A_567 : f32 to vector<16xf32>
        %add3A_569 = arith.constant 0 : i32
        %add3A_570 = arith.addi %add3A_569, %add3A_562 : i32
        %get3A_571 = arith.index_cast %add3A_570 : i32 to index
        %get3A_572 = arith.constant 0 : index
        %get3A_573 = tpu.vector_load %arg12[%get3A_571, %get3A_572] {strides = array<i32>} : memref<256x48xi32, #tpu.memory_space<vmem>>, vector<1x16xi32>,
        %get3A_574 = vector.shape_cast %get3A_573 : vector<1x16xi32> to vector<16xi32>
        %shift_left3A_575 = arith.constant 16 : i32
        %shift_left3A_576 = vector.broadcast %shift_left3A_575 : i32 to vector<16xi32>
        %shift_left3A_577 = arith.shli %get3A_574, %shift_left3A_576 : vector<16xi32>
        %bitcast_convert_type3A_578 = tpu.bitcast %shift_left3A_577 : vector<16xi32> -> vector<16xf32>
        %and3A_579 = arith.constant -65536 : i32
        %and3A_580 = vector.broadcast %and3A_579 : i32 to vector<16xi32>
        %and3A_581 = arith.andi %get3A_574, %and3A_580 : vector<16xi32>
        %bitcast_convert_type3A_582 = tpu.bitcast %and3A_581 : vector<16xi32> -> vector<16xf32>
        %mul3A_583 = arith.mulf %broadcast_in_dim3A_565, %bitcast_convert_type3A_578 : vector<16xf32>
        %add3A_584 = arith.addf %add3A_524, %mul3A_583 : vector<16xf32>
        %mul3A_585 = arith.mulf %broadcast_in_dim3A_568, %bitcast_convert_type3A_582 : vector<16xf32>
        %add3A_586 = arith.addf %add3A_584, %mul3A_585 : vector<16xf32>
        %add3A_587 = arith.constant 0 : i32
        %add3A_588 = arith.addi %add3A_587, %add3A_562 : i32
        %get3A_589 = arith.index_cast %add3A_588 : i32 to index
        %get3A_590 = arith.constant 16 : index
        %get3A_591 = tpu.vector_load %arg12[%get3A_589, %get3A_590] {strides = array<i32>} : memref<256x48xi32, #tpu.memory_space<vmem>>, vector<1x16xi32>,
        %get3A_592 = vector.shape_cast %get3A_591 : vector<1x16xi32> to vector<16xi32>
        %shift_left3A_593 = arith.constant 16 : i32
        %shift_left3A_594 = vector.broadcast %shift_left3A_593 : i32 to vector<16xi32>
        %shift_left3A_595 = arith.shli %get3A_592, %shift_left3A_594 : vector<16xi32>
        %bitcast_convert_type3A_596 = tpu.bitcast %shift_left3A_595 : vector<16xi32> -> vector<16xf32>
        %and3A_597 = arith.constant -65536 : i32
        %and3A_598 = vector.broadcast %and3A_597 : i32 to vector<16xi32>
        %and3A_599 = arith.andi %get3A_592, %and3A_598 : vector<16xi32>
        %bitcast_convert_type3A_600 = tpu.bitcast %and3A_599 : vector<16xi32> -> vector<16xf32>
        %mul3A_601 = arith.mulf %broadcast_in_dim3A_565, %bitcast_convert_type3A_596 : vector<16xf32>
        %add3A_602 = arith.addf %add3A_542, %mul3A_601 : vector<16xf32>
        %mul3A_603 = arith.mulf %broadcast_in_dim3A_568, %bitcast_convert_type3A_600 : vector<16xf32>
        %add3A_604 = arith.addf %add3A_602, %mul3A_603 : vector<16xf32>
        %add3A_605 = arith.constant 0 : i32
        %add3A_606 = arith.addi %add3A_605, %add3A_562 : i32
        %get3A_607 = arith.index_cast %add3A_606 : i32 to index
        %get3A_608 = arith.constant 32 : index
        %get3A_609 = tpu.vector_load %arg12[%get3A_607, %get3A_608] {strides = array<i32>} : memref<256x48xi32, #tpu.memory_space<vmem>>, vector<1x16xi32>,
        %get3A_610 = vector.shape_cast %get3A_609 : vector<1x16xi32> to vector<16xi32>
        %shift_left3A_611 = arith.constant 16 : i32
        %shift_left3A_612 = vector.broadcast %shift_left3A_611 : i32 to vector<16xi32>
        %shift_left3A_613 = arith.shli %get3A_610, %shift_left3A_612 : vector<16xi32>
        %bitcast_convert_type3A_614 = tpu.bitcast %shift_left3A_613 : vector<16xi32> -> vector<16xf32>
        %and3A_615 = arith.constant -65536 : i32
        %and3A_616 = vector.broadcast %and3A_615 : i32 to vector<16xi32>
        %and3A_617 = arith.andi %get3A_610, %and3A_616 : vector<16xi32>
        %bitcast_convert_type3A_618 = tpu.bitcast %and3A_617 : vector<16xi32> -> vector<16xf32>
        %mul3A_619 = arith.mulf %broadcast_in_dim3A_565, %bitcast_convert_type3A_614 : vector<16xf32>
        %add3A_620 = arith.addf %add3A_560, %mul3A_619 : vector<16xf32>
        %mul3A_621 = arith.mulf %broadcast_in_dim3A_568, %bitcast_convert_type3A_618 : vector<16xf32>
        %add3A_622 = arith.addf %add3A_620, %mul3A_621 : vector<16xf32>
        %slice3A_623 = vector.extract_strided_slice %get3A_438 {offsets = [1], sizes = [1], strides = [1]} : vector<16xf32> to vector<1xf32>
        %squeeze3A_624 = vector.extract %slice3A_623[0] : f32 from vector<1xf32>
        %broadcast_in_dim3A_625 = vector.broadcast %squeeze3A_624 : f32 to vector<16xf32>
        %slice3A_626 = vector.extract_strided_slice %get3A_443 {offsets = [1], sizes = [1], strides = [1]} : vector<16xf32> to vector<1xf32>
        %squeeze3A_627 = vector.extract %slice3A_626[0] : f32 from vector<1xf32>
        %broadcast_in_dim3A_628 = vector.broadcast %squeeze3A_627 : f32 to vector<16xf32>
        %add3A_629 = arith.constant 128 : i32
        %add3A_630 = arith.addi %add3A_629, %add3A_562 : i32
        %get3A_631 = arith.index_cast %add3A_630 : i32 to index
        %get3A_632 = arith.constant 0 : index
        %get3A_633 = tpu.vector_load %arg12[%get3A_631, %get3A_632] {strides = array<i32>} : memref<256x48xi32, #tpu.memory_space<vmem>>, vector<1x16xi32>,
        %get3A_634 = vector.shape_cast %get3A_633 : vector<1x16xi32> to vector<16xi32>
        %shift_left3A_635 = arith.constant 16 : i32
        %shift_left3A_636 = vector.broadcast %shift_left3A_635 : i32 to vector<16xi32>
        %shift_left3A_637 = arith.shli %get3A_634, %shift_left3A_636 : vector<16xi32>
        %bitcast_convert_type3A_638 = tpu.bitcast %shift_left3A_637 : vector<16xi32> -> vector<16xf32>
        %and3A_639 = arith.constant -65536 : i32
        %and3A_640 = vector.broadcast %and3A_639 : i32 to vector<16xi32>
        %and3A_641 = arith.andi %get3A_634, %and3A_640 : vector<16xi32>
        %bitcast_convert_type3A_642 = tpu.bitcast %and3A_641 : vector<16xi32> -> vector<16xf32>
        %mul3A_643 = arith.mulf %broadcast_in_dim3A_625, %bitcast_convert_type3A_638 : vector<16xf32>
        %add3A_644 = arith.addf %add3A_586, %mul3A_643 : vector<16xf32>
        %mul3A_645 = arith.mulf %broadcast_in_dim3A_628, %bitcast_convert_type3A_642 : vector<16xf32>
        %add3A_646 = arith.addf %add3A_644, %mul3A_645 : vector<16xf32>
        %add3A_647 = arith.constant 128 : i32
        %add3A_648 = arith.addi %add3A_647, %add3A_562 : i32
        %get3A_649 = arith.index_cast %add3A_648 : i32 to index
        %get3A_650 = arith.constant 16 : index
        %get3A_651 = tpu.vector_load %arg12[%get3A_649, %get3A_650] {strides = array<i32>} : memref<256x48xi32, #tpu.memory_space<vmem>>, vector<1x16xi32>,
        %get3A_652 = vector.shape_cast %get3A_651 : vector<1x16xi32> to vector<16xi32>
        %shift_left3A_653 = arith.constant 16 : i32
        %shift_left3A_654 = vector.broadcast %shift_left3A_653 : i32 to vector<16xi32>
        %shift_left3A_655 = arith.shli %get3A_652, %shift_left3A_654 : vector<16xi32>
        %bitcast_convert_type3A_656 = tpu.bitcast %shift_left3A_655 : vector<16xi32> -> vector<16xf32>
        %and3A_657 = arith.constant -65536 : i32
        %and3A_658 = vector.broadcast %and3A_657 : i32 to vector<16xi32>
        %and3A_659 = arith.andi %get3A_652, %and3A_658 : vector<16xi32>
        %bitcast_convert_type3A_660 = tpu.bitcast %and3A_659 : vector<16xi32> -> vector<16xf32>
        %mul3A_661 = arith.mulf %broadcast_in_dim3A_625, %bitcast_convert_type3A_656 : vector<16xf32>
        %add3A_662 = arith.addf %add3A_604, %mul3A_661 : vector<16xf32>
        %mul3A_663 = arith.mulf %broadcast_in_dim3A_628, %bitcast_convert_type3A_660 : vector<16xf32>
        %add3A_664 = arith.addf %add3A_662, %mul3A_663 : vector<16xf32>
        %add3A_665 = arith.constant 128 : i32
        %add3A_666 = arith.addi %add3A_665, %add3A_562 : i32
        %get3A_667 = arith.index_cast %add3A_666 : i32 to index
        %get3A_668 = arith.constant 32 : index
        %get3A_669 = tpu.vector_load %arg12[%get3A_667, %get3A_668] {strides = array<i32>} : memref<256x48xi32, #tpu.memory_space<vmem>>, vector<1x16xi32>,
        %get3A_670 = vector.shape_cast %get3A_669 : vector<1x16xi32> to vector<16xi32>
        %shift_left3A_671 = arith.constant 16 : i32
        %shift_left3A_672 = vector.broadcast %shift_left3A_671 : i32 to vector<16xi32>
        %shift_left3A_673 = arith.shli %get3A_670, %shift_left3A_672 : vector<16xi32>
        %bitcast_convert_type3A_674 = tpu.bitcast %shift_left3A_673 : vector<16xi32> -> vector<16xf32>
        %and3A_675 = arith.constant -65536 : i32
        %and3A_676 = vector.broadcast %and3A_675 : i32 to vector<16xi32>
        %and3A_677 = arith.andi %get3A_670, %and3A_676 : vector<16xi32>
        %bitcast_convert_type3A_678 = tpu.bitcast %and3A_677 : vector<16xi32> -> vector<16xf32>
        %mul3A_679 = arith.mulf %broadcast_in_dim3A_625, %bitcast_convert_type3A_674 : vector<16xf32>
        %add3A_680 = arith.addf %add3A_622, %mul3A_679 : vector<16xf32>
        %mul3A_681 = arith.mulf %broadcast_in_dim3A_628, %bitcast_convert_type3A_678 : vector<16xf32>
        %add3A_682 = arith.addf %add3A_680, %mul3A_681 : vector<16xf32>
        %add3A_683 = arith.constant 2 : i32
        %add3A_684 = arith.addi %mul3A_419, %add3A_683 : i32
        %slice3A_685 = vector.extract_strided_slice %get3A_428 {offsets = [2], sizes = [1], strides = [1]} : vector<16xf32> to vector<1xf32>
        %squeeze3A_686 = vector.extract %slice3A_685[0] : f32 from vector<1xf32>
        %broadcast_in_dim3A_687 = vector.broadcast %squeeze3A_686 : f32 to vector<16xf32>
        %slice3A_688 = vector.extract_strided_slice %get3A_433 {offsets = [2], sizes = [1], strides = [1]} : vector<16xf32> to vector<1xf32>
        %squeeze3A_689 = vector.extract %slice3A_688[0] : f32 from vector<1xf32>
        %broadcast_in_dim3A_690 = vector.broadcast %squeeze3A_689 : f32 to vector<16xf32>
        %add3A_691 = arith.constant 0 : i32
        %add3A_692 = arith.addi %add3A_691, %add3A_684 : i32
        %get3A_693 = arith.index_cast %add3A_692 : i32 to index
        %get3A_694 = arith.constant 0 : index
        %get3A_695 = tpu.vector_load %arg12[%get3A_693, %get3A_694] {strides = array<i32>} : memref<256x48xi32, #tpu.memory_space<vmem>>, vector<1x16xi32>,
        %get3A_696 = vector.shape_cast %get3A_695 : vector<1x16xi32> to vector<16xi32>
        %shift_left3A_697 = arith.constant 16 : i32
        %shift_left3A_698 = vector.broadcast %shift_left3A_697 : i32 to vector<16xi32>
        %shift_left3A_699 = arith.shli %get3A_696, %shift_left3A_698 : vector<16xi32>
        %bitcast_convert_type3A_700 = tpu.bitcast %shift_left3A_699 : vector<16xi32> -> vector<16xf32>
        %and3A_701 = arith.constant -65536 : i32
        %and3A_702 = vector.broadcast %and3A_701 : i32 to vector<16xi32>
        %and3A_703 = arith.andi %get3A_696, %and3A_702 : vector<16xi32>
        %bitcast_convert_type3A_704 = tpu.bitcast %and3A_703 : vector<16xi32> -> vector<16xf32>
        %mul3A_705 = arith.mulf %broadcast_in_dim3A_687, %bitcast_convert_type3A_700 : vector<16xf32>
        %add3A_706 = arith.addf %add3A_646, %mul3A_705 : vector<16xf32>
        %mul3A_707 = arith.mulf %broadcast_in_dim3A_690, %bitcast_convert_type3A_704 : vector<16xf32>
        %add3A_708 = arith.addf %add3A_706, %mul3A_707 : vector<16xf32>
        %add3A_709 = arith.constant 0 : i32
        %add3A_710 = arith.addi %add3A_709, %add3A_684 : i32
        %get3A_711 = arith.index_cast %add3A_710 : i32 to index
        %get3A_712 = arith.constant 16 : index
        %get3A_713 = tpu.vector_load %arg12[%get3A_711, %get3A_712] {strides = array<i32>} : memref<256x48xi32, #tpu.memory_space<vmem>>, vector<1x16xi32>,
        %get3A_714 = vector.shape_cast %get3A_713 : vector<1x16xi32> to vector<16xi32>
        %shift_left3A_715 = arith.constant 16 : i32
        %shift_left3A_716 = vector.broadcast %shift_left3A_715 : i32 to vector<16xi32>
        %shift_left3A_717 = arith.shli %get3A_714, %shift_left3A_716 : vector<16xi32>
        %bitcast_convert_type3A_718 = tpu.bitcast %shift_left3A_717 : vector<16xi32> -> vector<16xf32>
        %and3A_719 = arith.constant -65536 : i32
        %and3A_720 = vector.broadcast %and3A_719 : i32 to vector<16xi32>
        %and3A_721 = arith.andi %get3A_714, %and3A_720 : vector<16xi32>
        %bitcast_convert_type3A_722 = tpu.bitcast %and3A_721 : vector<16xi32> -> vector<16xf32>
        %mul3A_723 = arith.mulf %broadcast_in_dim3A_687, %bitcast_convert_type3A_718 : vector<16xf32>
        %add3A_724 = arith.addf %add3A_664, %mul3A_723 : vector<16xf32>
        %mul3A_725 = arith.mulf %broadcast_in_dim3A_690, %bitcast_convert_type3A_722 : vector<16xf32>
        %add3A_726 = arith.addf %add3A_724, %mul3A_725 : vector<16xf32>
        %add3A_727 = arith.constant 0 : i32
        %add3A_728 = arith.addi %add3A_727, %add3A_684 : i32
        %get3A_729 = arith.index_cast %add3A_728 : i32 to index
        %get3A_730 = arith.constant 32 : index
        %get3A_731 = tpu.vector_load %arg12[%get3A_729, %get3A_730] {strides = array<i32>} : memref<256x48xi32, #tpu.memory_space<vmem>>, vector<1x16xi32>,
        %get3A_732 = vector.shape_cast %get3A_731 : vector<1x16xi32> to vector<16xi32>
        %shift_left3A_733 = arith.constant 16 : i32
        %shift_left3A_734 = vector.broadcast %shift_left3A_733 : i32 to vector<16xi32>
        %shift_left3A_735 = arith.shli %get3A_732, %shift_left3A_734 : vector<16xi32>
        %bitcast_convert_type3A_736 = tpu.bitcast %shift_left3A_735 : vector<16xi32> -> vector<16xf32>
        %and3A_737 = arith.constant -65536 : i32
        %and3A_738 = vector.broadcast %and3A_737 : i32 to vector<16xi32>
        %and3A_739 = arith.andi %get3A_732, %and3A_738 : vector<16xi32>
        %bitcast_convert_type3A_740 = tpu.bitcast %and3A_739 : vector<16xi32> -> vector<16xf32>
        %mul3A_741 = arith.mulf %broadcast_in_dim3A_687, %bitcast_convert_type3A_736 : vector<16xf32>
        %add3A_742 = arith.addf %add3A_682, %mul3A_741 : vector<16xf32>
        %mul3A_743 = arith.mulf %broadcast_in_dim3A_690, %bitcast_convert_type3A_740 : vector<16xf32>
        %add3A_744 = arith.addf %add3A_742, %mul3A_743 : vector<16xf32>
        %slice3A_745 = vector.extract_strided_slice %get3A_438 {offsets = [2], sizes = [1], strides = [1]} : vector<16xf32> to vector<1xf32>
        %squeeze3A_746 = vector.extract %slice3A_745[0] : f32 from vector<1xf32>
        %broadcast_in_dim3A_747 = vector.broadcast %squeeze3A_746 : f32 to vector<16xf32>
        %slice3A_748 = vector.extract_strided_slice %get3A_443 {offsets = [2], sizes = [1], strides = [1]} : vector<16xf32> to vector<1xf32>
        %squeeze3A_749 = vector.extract %slice3A_748[0] : f32 from vector<1xf32>
        %broadcast_in_dim3A_750 = vector.broadcast %squeeze3A_749 : f32 to vector<16xf32>
        %add3A_751 = arith.constant 128 : i32
        %add3A_752 = arith.addi %add3A_751, %add3A_684 : i32
        %get3A_753 = arith.index_cast %add3A_752 : i32 to index
        %get3A_754 = arith.constant 0 : index
        %get3A_755 = tpu.vector_load %arg12[%get3A_753, %get3A_754] {strides = array<i32>} : memref<256x48xi32, #tpu.memory_space<vmem>>, vector<1x16xi32>,
        %get3A_756 = vector.shape_cast %get3A_755 : vector<1x16xi32> to vector<16xi32>
        %shift_left3A_757 = arith.constant 16 : i32
        %shift_left3A_758 = vector.broadcast %shift_left3A_757 : i32 to vector<16xi32>
        %shift_left3A_759 = arith.shli %get3A_756, %shift_left3A_758 : vector<16xi32>
        %bitcast_convert_type3A_760 = tpu.bitcast %shift_left3A_759 : vector<16xi32> -> vector<16xf32>
        %and3A_761 = arith.constant -65536 : i32
        %and3A_762 = vector.broadcast %and3A_761 : i32 to vector<16xi32>
        %and3A_763 = arith.andi %get3A_756, %and3A_762 : vector<16xi32>
        %bitcast_convert_type3A_764 = tpu.bitcast %and3A_763 : vector<16xi32> -> vector<16xf32>
        %mul3A_765 = arith.mulf %broadcast_in_dim3A_747, %bitcast_convert_type3A_760 : vector<16xf32>
        %add3A_766 = arith.addf %add3A_708, %mul3A_765 : vector<16xf32>
        %mul3A_767 = arith.mulf %broadcast_in_dim3A_750, %bitcast_convert_type3A_764 : vector<16xf32>
        %add3A_768 = arith.addf %add3A_766, %mul3A_767 : vector<16xf32>
        %add3A_769 = arith.constant 128 : i32
        %add3A_770 = arith.addi %add3A_769, %add3A_684 : i32
        %get3A_771 = arith.index_cast %add3A_770 : i32 to index
        %get3A_772 = arith.constant 16 : index
        %get3A_773 = tpu.vector_load %arg12[%get3A_771, %get3A_772] {strides = array<i32>} : memref<256x48xi32, #tpu.memory_space<vmem>>, vector<1x16xi32>,
        %get3A_774 = vector.shape_cast %get3A_773 : vector<1x16xi32> to vector<16xi32>
        %shift_left3A_775 = arith.constant 16 : i32
        %shift_left3A_776 = vector.broadcast %shift_left3A_775 : i32 to vector<16xi32>
        %shift_left3A_777 = arith.shli %get3A_774, %shift_left3A_776 : vector<16xi32>
        %bitcast_convert_type3A_778 = tpu.bitcast %shift_left3A_777 : vector<16xi32> -> vector<16xf32>
        %and3A_779 = arith.constant -65536 : i32
        %and3A_780 = vector.broadcast %and3A_779 : i32 to vector<16xi32>
        %and3A_781 = arith.andi %get3A_774, %and3A_780 : vector<16xi32>
        %bitcast_convert_type3A_782 = tpu.bitcast %and3A_781 : vector<16xi32> -> vector<16xf32>
        %mul3A_783 = arith.mulf %broadcast_in_dim3A_747, %bitcast_convert_type3A_778 : vector<16xf32>
        %add3A_784 = arith.addf %add3A_726, %mul3A_783 : vector<16xf32>
        %mul3A_785 = arith.mulf %broadcast_in_dim3A_750, %bitcast_convert_type3A_782 : vector<16xf32>
        %add3A_786 = arith.addf %add3A_784, %mul3A_785 : vector<16xf32>
        %add3A_787 = arith.constant 128 : i32
        %add3A_788 = arith.addi %add3A_787, %add3A_684 : i32
        %get3A_789 = arith.index_cast %add3A_788 : i32 to index
        %get3A_790 = arith.constant 32 : index
        %get3A_791 = tpu.vector_load %arg12[%get3A_789, %get3A_790] {strides = array<i32>} : memref<256x48xi32, #tpu.memory_space<vmem>>, vector<1x16xi32>,
        %get3A_792 = vector.shape_cast %get3A_791 : vector<1x16xi32> to vector<16xi32>
        %shift_left3A_793 = arith.constant 16 : i32
        %shift_left3A_794 = vector.broadcast %shift_left3A_793 : i32 to vector<16xi32>
        %shift_left3A_795 = arith.shli %get3A_792, %shift_left3A_794 : vector<16xi32>
        %bitcast_convert_type3A_796 = tpu.bitcast %shift_left3A_795 : vector<16xi32> -> vector<16xf32>
        %and3A_797 = arith.constant -65536 : i32
        %and3A_798 = vector.broadcast %and3A_797 : i32 to vector<16xi32>
        %and3A_799 = arith.andi %get3A_792, %and3A_798 : vector<16xi32>
        %bitcast_convert_type3A_800 = tpu.bitcast %and3A_799 : vector<16xi32> -> vector<16xf32>
        %mul3A_801 = arith.mulf %broadcast_in_dim3A_747, %bitcast_convert_type3A_796 : vector<16xf32>
        %add3A_802 = arith.addf %add3A_744, %mul3A_801 : vector<16xf32>
        %mul3A_803 = arith.mulf %broadcast_in_dim3A_750, %bitcast_convert_type3A_800 : vector<16xf32>
        %add3A_804 = arith.addf %add3A_802, %mul3A_803 : vector<16xf32>
        %add3A_805 = arith.constant 3 : i32
        %add3A_806 = arith.addi %mul3A_419, %add3A_805 : i32
        %slice3A_807 = vector.extract_strided_slice %get3A_428 {offsets = [3], sizes = [1], strides = [1]} : vector<16xf32> to vector<1xf32>
        %squeeze3A_808 = vector.extract %slice3A_807[0] : f32 from vector<1xf32>
        %broadcast_in_dim3A_809 = vector.broadcast %squeeze3A_808 : f32 to vector<16xf32>
        %slice3A_810 = vector.extract_strided_slice %get3A_433 {offsets = [3], sizes = [1], strides = [1]} : vector<16xf32> to vector<1xf32>
        %squeeze3A_811 = vector.extract %slice3A_810[0] : f32 from vector<1xf32>
        %broadcast_in_dim3A_812 = vector.broadcast %squeeze3A_811 : f32 to vector<16xf32>
        %add3A_813 = arith.constant 0 : i32
        %add3A_814 = arith.addi %add3A_813, %add3A_806 : i32
        %get3A_815 = arith.index_cast %add3A_814 : i32 to index
        %get3A_816 = arith.constant 0 : index
        %get3A_817 = tpu.vector_load %arg12[%get3A_815, %get3A_816] {strides = array<i32>} : memref<256x48xi32, #tpu.memory_space<vmem>>, vector<1x16xi32>,
        %get3A_818 = vector.shape_cast %get3A_817 : vector<1x16xi32> to vector<16xi32>
        %shift_left3A_819 = arith.constant 16 : i32
        %shift_left3A_820 = vector.broadcast %shift_left3A_819 : i32 to vector<16xi32>
        %shift_left3A_821 = arith.shli %get3A_818, %shift_left3A_820 : vector<16xi32>
        %bitcast_convert_type3A_822 = tpu.bitcast %shift_left3A_821 : vector<16xi32> -> vector<16xf32>
        %and3A_823 = arith.constant -65536 : i32
        %and3A_824 = vector.broadcast %and3A_823 : i32 to vector<16xi32>
        %and3A_825 = arith.andi %get3A_818, %and3A_824 : vector<16xi32>
        %bitcast_convert_type3A_826 = tpu.bitcast %and3A_825 : vector<16xi32> -> vector<16xf32>
        %mul3A_827 = arith.mulf %broadcast_in_dim3A_809, %bitcast_convert_type3A_822 : vector<16xf32>
        %add3A_828 = arith.addf %add3A_768, %mul3A_827 : vector<16xf32>
        %mul3A_829 = arith.mulf %broadcast_in_dim3A_812, %bitcast_convert_type3A_826 : vector<16xf32>
        %add3A_830 = arith.addf %add3A_828, %mul3A_829 : vector<16xf32>
        %add3A_831 = arith.constant 0 : i32
        %add3A_832 = arith.addi %add3A_831, %add3A_806 : i32
        %get3A_833 = arith.index_cast %add3A_832 : i32 to index
        %get3A_834 = arith.constant 16 : index
        %get3A_835 = tpu.vector_load %arg12[%get3A_833, %get3A_834] {strides = array<i32>} : memref<256x48xi32, #tpu.memory_space<vmem>>, vector<1x16xi32>,
        %get3A_836 = vector.shape_cast %get3A_835 : vector<1x16xi32> to vector<16xi32>
        %shift_left3A_837 = arith.constant 16 : i32
        %shift_left3A_838 = vector.broadcast %shift_left3A_837 : i32 to vector<16xi32>
        %shift_left3A_839 = arith.shli %get3A_836, %shift_left3A_838 : vector<16xi32>
        %bitcast_convert_type3A_840 = tpu.bitcast %shift_left3A_839 : vector<16xi32> -> vector<16xf32>
        %and3A_841 = arith.constant -65536 : i32
        %and3A_842 = vector.broadcast %and3A_841 : i32 to vector<16xi32>
        %and3A_843 = arith.andi %get3A_836, %and3A_842 : vector<16xi32>
        %bitcast_convert_type3A_844 = tpu.bitcast %and3A_843 : vector<16xi32> -> vector<16xf32>
        %mul3A_845 = arith.mulf %broadcast_in_dim3A_809, %bitcast_convert_type3A_840 : vector<16xf32>
        %add3A_846 = arith.addf %add3A_786, %mul3A_845 : vector<16xf32>
        %mul3A_847 = arith.mulf %broadcast_in_dim3A_812, %bitcast_convert_type3A_844 : vector<16xf32>
        %add3A_848 = arith.addf %add3A_846, %mul3A_847 : vector<16xf32>
        %add3A_849 = arith.constant 0 : i32
        %add3A_850 = arith.addi %add3A_849, %add3A_806 : i32
        %get3A_851 = arith.index_cast %add3A_850 : i32 to index
        %get3A_852 = arith.constant 32 : index
        %get3A_853 = tpu.vector_load %arg12[%get3A_851, %get3A_852] {strides = array<i32>} : memref<256x48xi32, #tpu.memory_space<vmem>>, vector<1x16xi32>,
        %get3A_854 = vector.shape_cast %get3A_853 : vector<1x16xi32> to vector<16xi32>
        %shift_left3A_855 = arith.constant 16 : i32
        %shift_left3A_856 = vector.broadcast %shift_left3A_855 : i32 to vector<16xi32>
        %shift_left3A_857 = arith.shli %get3A_854, %shift_left3A_856 : vector<16xi32>
        %bitcast_convert_type3A_858 = tpu.bitcast %shift_left3A_857 : vector<16xi32> -> vector<16xf32>
        %and3A_859 = arith.constant -65536 : i32
        %and3A_860 = vector.broadcast %and3A_859 : i32 to vector<16xi32>
        %and3A_861 = arith.andi %get3A_854, %and3A_860 : vector<16xi32>
        %bitcast_convert_type3A_862 = tpu.bitcast %and3A_861 : vector<16xi32> -> vector<16xf32>
        %mul3A_863 = arith.mulf %broadcast_in_dim3A_809, %bitcast_convert_type3A_858 : vector<16xf32>
        %add3A_864 = arith.addf %add3A_804, %mul3A_863 : vector<16xf32>
        %mul3A_865 = arith.mulf %broadcast_in_dim3A_812, %bitcast_convert_type3A_862 : vector<16xf32>
        %add3A_866 = arith.addf %add3A_864, %mul3A_865 : vector<16xf32>
        %slice3A_867 = vector.extract_strided_slice %get3A_438 {offsets = [3], sizes = [1], strides = [1]} : vector<16xf32> to vector<1xf32>
        %squeeze3A_868 = vector.extract %slice3A_867[0] : f32 from vector<1xf32>
        %broadcast_in_dim3A_869 = vector.broadcast %squeeze3A_868 : f32 to vector<16xf32>
        %slice3A_870 = vector.extract_strided_slice %get3A_443 {offsets = [3], sizes = [1], strides = [1]} : vector<16xf32> to vector<1xf32>
        %squeeze3A_871 = vector.extract %slice3A_870[0] : f32 from vector<1xf32>
        %broadcast_in_dim3A_872 = vector.broadcast %squeeze3A_871 : f32 to vector<16xf32>
        %add3A_873 = arith.constant 128 : i32
        %add3A_874 = arith.addi %add3A_873, %add3A_806 : i32
        %get3A_875 = arith.index_cast %add3A_874 : i32 to index
        %get3A_876 = arith.constant 0 : index
        %get3A_877 = tpu.vector_load %arg12[%get3A_875, %get3A_876] {strides = array<i32>} : memref<256x48xi32, #tpu.memory_space<vmem>>, vector<1x16xi32>,
        %get3A_878 = vector.shape_cast %get3A_877 : vector<1x16xi32> to vector<16xi32>
        %shift_left3A_879 = arith.constant 16 : i32
        %shift_left3A_880 = vector.broadcast %shift_left3A_879 : i32 to vector<16xi32>
        %shift_left3A_881 = arith.shli %get3A_878, %shift_left3A_880 : vector<16xi32>
        %bitcast_convert_type3A_882 = tpu.bitcast %shift_left3A_881 : vector<16xi32> -> vector<16xf32>
        %and3A_883 = arith.constant -65536 : i32
        %and3A_884 = vector.broadcast %and3A_883 : i32 to vector<16xi32>
        %and3A_885 = arith.andi %get3A_878, %and3A_884 : vector<16xi32>
        %bitcast_convert_type3A_886 = tpu.bitcast %and3A_885 : vector<16xi32> -> vector<16xf32>
        %mul3A_887 = arith.mulf %broadcast_in_dim3A_869, %bitcast_convert_type3A_882 : vector<16xf32>
        %add3A_888 = arith.addf %add3A_830, %mul3A_887 : vector<16xf32>
        %mul3A_889 = arith.mulf %broadcast_in_dim3A_872, %bitcast_convert_type3A_886 : vector<16xf32>
        %add3A_890 = arith.addf %add3A_888, %mul3A_889 : vector<16xf32>
        %add3A_891 = arith.constant 128 : i32
        %add3A_892 = arith.addi %add3A_891, %add3A_806 : i32
        %get3A_893 = arith.index_cast %add3A_892 : i32 to index
        %get3A_894 = arith.constant 16 : index
        %get3A_895 = tpu.vector_load %arg12[%get3A_893, %get3A_894] {strides = array<i32>} : memref<256x48xi32, #tpu.memory_space<vmem>>, vector<1x16xi32>,
        %get3A_896 = vector.shape_cast %get3A_895 : vector<1x16xi32> to vector<16xi32>
        %shift_left3A_897 = arith.constant 16 : i32
        %shift_left3A_898 = vector.broadcast %shift_left3A_897 : i32 to vector<16xi32>
        %shift_left3A_899 = arith.shli %get3A_896, %shift_left3A_898 : vector<16xi32>
        %bitcast_convert_type3A_900 = tpu.bitcast %shift_left3A_899 : vector<16xi32> -> vector<16xf32>
        %and3A_901 = arith.constant -65536 : i32
        %and3A_902 = vector.broadcast %and3A_901 : i32 to vector<16xi32>
        %and3A_903 = arith.andi %get3A_896, %and3A_902 : vector<16xi32>
        %bitcast_convert_type3A_904 = tpu.bitcast %and3A_903 : vector<16xi32> -> vector<16xf32>
        %mul3A_905 = arith.mulf %broadcast_in_dim3A_869, %bitcast_convert_type3A_900 : vector<16xf32>
        %add3A_906 = arith.addf %add3A_848, %mul3A_905 : vector<16xf32>
        %mul3A_907 = arith.mulf %broadcast_in_dim3A_872, %bitcast_convert_type3A_904 : vector<16xf32>
        %add3A_908 = arith.addf %add3A_906, %mul3A_907 : vector<16xf32>
        %add3A_909 = arith.constant 128 : i32
        %add3A_910 = arith.addi %add3A_909, %add3A_806 : i32
        %get3A_911 = arith.index_cast %add3A_910 : i32 to index
        %get3A_912 = arith.constant 32 : index
        %get3A_913 = tpu.vector_load %arg12[%get3A_911, %get3A_912] {strides = array<i32>} : memref<256x48xi32, #tpu.memory_space<vmem>>, vector<1x16xi32>,
        %get3A_914 = vector.shape_cast %get3A_913 : vector<1x16xi32> to vector<16xi32>
        %shift_left3A_915 = arith.constant 16 : i32
        %shift_left3A_916 = vector.broadcast %shift_left3A_915 : i32 to vector<16xi32>
        %shift_left3A_917 = arith.shli %get3A_914, %shift_left3A_916 : vector<16xi32>
        %bitcast_convert_type3A_918 = tpu.bitcast %shift_left3A_917 : vector<16xi32> -> vector<16xf32>
        %and3A_919 = arith.constant -65536 : i32
        %and3A_920 = vector.broadcast %and3A_919 : i32 to vector<16xi32>
        %and3A_921 = arith.andi %get3A_914, %and3A_920 : vector<16xi32>
        %bitcast_convert_type3A_922 = tpu.bitcast %and3A_921 : vector<16xi32> -> vector<16xf32>
        %mul3A_923 = arith.mulf %broadcast_in_dim3A_869, %bitcast_convert_type3A_918 : vector<16xf32>
        %add3A_924 = arith.addf %add3A_866, %mul3A_923 : vector<16xf32>
        %mul3A_925 = arith.mulf %broadcast_in_dim3A_872, %bitcast_convert_type3A_922 : vector<16xf32>
        %add3A_926 = arith.addf %add3A_924, %mul3A_925 : vector<16xf32>
        %add3A_927 = arith.constant 4 : i32
        %add3A_928 = arith.addi %mul3A_419, %add3A_927 : i32
        %slice3A_929 = vector.extract_strided_slice %get3A_428 {offsets = [4], sizes = [1], strides = [1]} : vector<16xf32> to vector<1xf32>
        %squeeze3A_930 = vector.extract %slice3A_929[0] : f32 from vector<1xf32>
        %broadcast_in_dim3A_931 = vector.broadcast %squeeze3A_930 : f32 to vector<16xf32>
        %slice3A_932 = vector.extract_strided_slice %get3A_433 {offsets = [4], sizes = [1], strides = [1]} : vector<16xf32> to vector<1xf32>
        %squeeze3A_933 = vector.extract %slice3A_932[0] : f32 from vector<1xf32>
        %broadcast_in_dim3A_934 = vector.broadcast %squeeze3A_933 : f32 to vector<16xf32>
        %add3A_935 = arith.constant 0 : i32
        %add3A_936 = arith.addi %add3A_935, %add3A_928 : i32
        %get3A_937 = arith.index_cast %add3A_936 : i32 to index
        %get3A_938 = arith.constant 0 : index
        %get3A_939 = tpu.vector_load %arg12[%get3A_937, %get3A_938] {strides = array<i32>} : memref<256x48xi32, #tpu.memory_space<vmem>>, vector<1x16xi32>,
        %get3A_940 = vector.shape_cast %get3A_939 : vector<1x16xi32> to vector<16xi32>
        %shift_left3A_941 = arith.constant 16 : i32
        %shift_left3A_942 = vector.broadcast %shift_left3A_941 : i32 to vector<16xi32>
        %shift_left3A_943 = arith.shli %get3A_940, %shift_left3A_942 : vector<16xi32>
        %bitcast_convert_type3A_944 = tpu.bitcast %shift_left3A_943 : vector<16xi32> -> vector<16xf32>
        %and3A_945 = arith.constant -65536 : i32
        %and3A_946 = vector.broadcast %and3A_945 : i32 to vector<16xi32>
        %and3A_947 = arith.andi %get3A_940, %and3A_946 : vector<16xi32>
        %bitcast_convert_type3A_948 = tpu.bitcast %and3A_947 : vector<16xi32> -> vector<16xf32>
        %mul3A_949 = arith.mulf %broadcast_in_dim3A_931, %bitcast_convert_type3A_944 : vector<16xf32>
        %add3A_950 = arith.addf %add3A_890, %mul3A_949 : vector<16xf32>
        %mul3A_951 = arith.mulf %broadcast_in_dim3A_934, %bitcast_convert_type3A_948 : vector<16xf32>
        %add3A_952 = arith.addf %add3A_950, %mul3A_951 : vector<16xf32>
        %add3A_953 = arith.constant 0 : i32
        %add3A_954 = arith.addi %add3A_953, %add3A_928 : i32
        %get3A_955 = arith.index_cast %add3A_954 : i32 to index
        %get3A_956 = arith.constant 16 : index
        %get3A_957 = tpu.vector_load %arg12[%get3A_955, %get3A_956] {strides = array<i32>} : memref<256x48xi32, #tpu.memory_space<vmem>>, vector<1x16xi32>,
        %get3A_958 = vector.shape_cast %get3A_957 : vector<1x16xi32> to vector<16xi32>
        %shift_left3A_959 = arith.constant 16 : i32
        %shift_left3A_960 = vector.broadcast %shift_left3A_959 : i32 to vector<16xi32>
        %shift_left3A_961 = arith.shli %get3A_958, %shift_left3A_960 : vector<16xi32>
        %bitcast_convert_type3A_962 = tpu.bitcast %shift_left3A_961 : vector<16xi32> -> vector<16xf32>
        %and3A_963 = arith.constant -65536 : i32
        %and3A_964 = vector.broadcast %and3A_963 : i32 to vector<16xi32>
        %and3A_965 = arith.andi %get3A_958, %and3A_964 : vector<16xi32>
        %bitcast_convert_type3A_966 = tpu.bitcast %and3A_965 : vector<16xi32> -> vector<16xf32>
        %mul3A_967 = arith.mulf %broadcast_in_dim3A_931, %bitcast_convert_type3A_962 : vector<16xf32>
        %add3A_968 = arith.addf %add3A_908, %mul3A_967 : vector<16xf32>
        %mul3A_969 = arith.mulf %broadcast_in_dim3A_934, %bitcast_convert_type3A_966 : vector<16xf32>
        %add3A_970 = arith.addf %add3A_968, %mul3A_969 : vector<16xf32>
        %add3A_971 = arith.constant 0 : i32
        %add3A_972 = arith.addi %add3A_971, %add3A_928 : i32
        %get3A_973 = arith.index_cast %add3A_972 : i32 to index
        %get3A_974 = arith.constant 32 : index
        %get3A_975 = tpu.vector_load %arg12[%get3A_973, %get3A_974] {strides = array<i32>} : memref<256x48xi32, #tpu.memory_space<vmem>>, vector<1x16xi32>,
        %get3A_976 = vector.shape_cast %get3A_975 : vector<1x16xi32> to vector<16xi32>
        %shift_left3A_977 = arith.constant 16 : i32
        %shift_left3A_978 = vector.broadcast %shift_left3A_977 : i32 to vector<16xi32>
        %shift_left3A_979 = arith.shli %get3A_976, %shift_left3A_978 : vector<16xi32>
        %bitcast_convert_type3A_980 = tpu.bitcast %shift_left3A_979 : vector<16xi32> -> vector<16xf32>
        %and3A_981 = arith.constant -65536 : i32
        %and3A_982 = vector.broadcast %and3A_981 : i32 to vector<16xi32>
        %and3A_983 = arith.andi %get3A_976, %and3A_982 : vector<16xi32>
        %bitcast_convert_type3A_984 = tpu.bitcast %and3A_983 : vector<16xi32> -> vector<16xf32>
        %mul3A_985 = arith.mulf %broadcast_in_dim3A_931, %bitcast_convert_type3A_980 : vector<16xf32>
        %add3A_986 = arith.addf %add3A_926, %mul3A_985 : vector<16xf32>
        %mul3A_987 = arith.mulf %broadcast_in_dim3A_934, %bitcast_convert_type3A_984 : vector<16xf32>
        %add3A_988 = arith.addf %add3A_986, %mul3A_987 : vector<16xf32>
        %slice3A_989 = vector.extract_strided_slice %get3A_438 {offsets = [4], sizes = [1], strides = [1]} : vector<16xf32> to vector<1xf32>
        %squeeze3A_990 = vector.extract %slice3A_989[0] : f32 from vector<1xf32>
        %broadcast_in_dim3A_991 = vector.broadcast %squeeze3A_990 : f32 to vector<16xf32>
        %slice3A_992 = vector.extract_strided_slice %get3A_443 {offsets = [4], sizes = [1], strides = [1]} : vector<16xf32> to vector<1xf32>
        %squeeze3A_993 = vector.extract %slice3A_992[0] : f32 from vector<1xf32>
        %broadcast_in_dim3A_994 = vector.broadcast %squeeze3A_993 : f32 to vector<16xf32>
        %add3A_995 = arith.constant 128 : i32
        %add3A_996 = arith.addi %add3A_995, %add3A_928 : i32
        %get3A_997 = arith.index_cast %add3A_996 : i32 to index
        %get3A_998 = arith.constant 0 : index
        %get3A_999 = tpu.vector_load %arg12[%get3A_997, %get3A_998] {strides = array<i32>} : memref<256x48xi32, #tpu.memory_space<vmem>>, vector<1x16xi32>,
        %get3A_1000 = vector.shape_cast %get3A_999 : vector<1x16xi32> to vector<16xi32>
        %shift_left3A_1001 = arith.constant 16 : i32
        %shift_left3A_1002 = vector.broadcast %shift_left3A_1001 : i32 to vector<16xi32>
        %shift_left3A_1003 = arith.shli %get3A_1000, %shift_left3A_1002 : vector<16xi32>
        %bitcast_convert_type3A_1004 = tpu.bitcast %shift_left3A_1003 : vector<16xi32> -> vector<16xf32>
        %and3A_1005 = arith.constant -65536 : i32
        %and3A_1006 = vector.broadcast %and3A_1005 : i32 to vector<16xi32>
        %and3A_1007 = arith.andi %get3A_1000, %and3A_1006 : vector<16xi32>
        %bitcast_convert_type3A_1008 = tpu.bitcast %and3A_1007 : vector<16xi32> -> vector<16xf32>
        %mul3A_1009 = arith.mulf %broadcast_in_dim3A_991, %bitcast_convert_type3A_1004 : vector<16xf32>
        %add3A_1010 = arith.addf %add3A_952, %mul3A_1009 : vector<16xf32>
        %mul3A_1011 = arith.mulf %broadcast_in_dim3A_994, %bitcast_convert_type3A_1008 : vector<16xf32>
        %add3A_1012 = arith.addf %add3A_1010, %mul3A_1011 : vector<16xf32>
        %add3A_1013 = arith.constant 128 : i32
        %add3A_1014 = arith.addi %add3A_1013, %add3A_928 : i32
        %get3A_1015 = arith.index_cast %add3A_1014 : i32 to index
        %get3A_1016 = arith.constant 16 : index
        %get3A_1017 = tpu.vector_load %arg12[%get3A_1015, %get3A_1016] {strides = array<i32>} : memref<256x48xi32, #tpu.memory_space<vmem>>, vector<1x16xi32>,
        %get3A_1018 = vector.shape_cast %get3A_1017 : vector<1x16xi32> to vector<16xi32>
        %shift_left3A_1019 = arith.constant 16 : i32
        %shift_left3A_1020 = vector.broadcast %shift_left3A_1019 : i32 to vector<16xi32>
        %shift_left3A_1021 = arith.shli %get3A_1018, %shift_left3A_1020 : vector<16xi32>
        %bitcast_convert_type3A_1022 = tpu.bitcast %shift_left3A_1021 : vector<16xi32> -> vector<16xf32>
        %and3A_1023 = arith.constant -65536 : i32
        %and3A_1024 = vector.broadcast %and3A_1023 : i32 to vector<16xi32>
        %and3A_1025 = arith.andi %get3A_1018, %and3A_1024 : vector<16xi32>
        %bitcast_convert_type3A_1026 = tpu.bitcast %and3A_1025 : vector<16xi32> -> vector<16xf32>
        %mul3A_1027 = arith.mulf %broadcast_in_dim3A_991, %bitcast_convert_type3A_1022 : vector<16xf32>
        %add3A_1028 = arith.addf %add3A_970, %mul3A_1027 : vector<16xf32>
        %mul3A_1029 = arith.mulf %broadcast_in_dim3A_994, %bitcast_convert_type3A_1026 : vector<16xf32>
        %add3A_1030 = arith.addf %add3A_1028, %mul3A_1029 : vector<16xf32>
        %add3A_1031 = arith.constant 128 : i32
        %add3A_1032 = arith.addi %add3A_1031, %add3A_928 : i32
        %get3A_1033 = arith.index_cast %add3A_1032 : i32 to index
        %get3A_1034 = arith.constant 32 : index
        %get3A_1035 = tpu.vector_load %arg12[%get3A_1033, %get3A_1034] {strides = array<i32>} : memref<256x48xi32, #tpu.memory_space<vmem>>, vector<1x16xi32>,
        %get3A_1036 = vector.shape_cast %get3A_1035 : vector<1x16xi32> to vector<16xi32>
        %shift_left3A_1037 = arith.constant 16 : i32
        %shift_left3A_1038 = vector.broadcast %shift_left3A_1037 : i32 to vector<16xi32>
        %shift_left3A_1039 = arith.shli %get3A_1036, %shift_left3A_1038 : vector<16xi32>
        %bitcast_convert_type3A_1040 = tpu.bitcast %shift_left3A_1039 : vector<16xi32> -> vector<16xf32>
        %and3A_1041 = arith.constant -65536 : i32
        %and3A_1042 = vector.broadcast %and3A_1041 : i32 to vector<16xi32>
        %and3A_1043 = arith.andi %get3A_1036, %and3A_1042 : vector<16xi32>
        %bitcast_convert_type3A_1044 = tpu.bitcast %and3A_1043 : vector<16xi32> -> vector<16xf32>
        %mul3A_1045 = arith.mulf %broadcast_in_dim3A_991, %bitcast_convert_type3A_1040 : vector<16xf32>
        %add3A_1046 = arith.addf %add3A_988, %mul3A_1045 : vector<16xf32>
        %mul3A_1047 = arith.mulf %broadcast_in_dim3A_994, %bitcast_convert_type3A_1044 : vector<16xf32>
        %add3A_1048 = arith.addf %add3A_1046, %mul3A_1047 : vector<16xf32>
        %add3A_1049 = arith.constant 5 : i32
        %add3A_1050 = arith.addi %mul3A_419, %add3A_1049 : i32
        %slice3A_1051 = vector.extract_strided_slice %get3A_428 {offsets = [5], sizes = [1], strides = [1]} : vector<16xf32> to vector<1xf32>
        %squeeze3A_1052 = vector.extract %slice3A_1051[0] : f32 from vector<1xf32>
        %broadcast_in_dim3A_1053 = vector.broadcast %squeeze3A_1052 : f32 to vector<16xf32>
        %slice3A_1054 = vector.extract_strided_slice %get3A_433 {offsets = [5], sizes = [1], strides = [1]} : vector<16xf32> to vector<1xf32>
        %squeeze3A_1055 = vector.extract %slice3A_1054[0] : f32 from vector<1xf32>
        %broadcast_in_dim3A_1056 = vector.broadcast %squeeze3A_1055 : f32 to vector<16xf32>
        %add3A_1057 = arith.constant 0 : i32
        %add3A_1058 = arith.addi %add3A_1057, %add3A_1050 : i32
        %get3A_1059 = arith.index_cast %add3A_1058 : i32 to index
        %get3A_1060 = arith.constant 0 : index
        %get3A_1061 = tpu.vector_load %arg12[%get3A_1059, %get3A_1060] {strides = array<i32>} : memref<256x48xi32, #tpu.memory_space<vmem>>, vector<1x16xi32>,
        %get3A_1062 = vector.shape_cast %get3A_1061 : vector<1x16xi32> to vector<16xi32>
        %shift_left3A_1063 = arith.constant 16 : i32
        %shift_left3A_1064 = vector.broadcast %shift_left3A_1063 : i32 to vector<16xi32>
        %shift_left3A_1065 = arith.shli %get3A_1062, %shift_left3A_1064 : vector<16xi32>
        %bitcast_convert_type3A_1066 = tpu.bitcast %shift_left3A_1065 : vector<16xi32> -> vector<16xf32>
        %and3A_1067 = arith.constant -65536 : i32
        %and3A_1068 = vector.broadcast %and3A_1067 : i32 to vector<16xi32>
        %and3A_1069 = arith.andi %get3A_1062, %and3A_1068 : vector<16xi32>
        %bitcast_convert_type3A_1070 = tpu.bitcast %and3A_1069 : vector<16xi32> -> vector<16xf32>
        %mul3A_1071 = arith.mulf %broadcast_in_dim3A_1053, %bitcast_convert_type3A_1066 : vector<16xf32>
        %add3A_1072 = arith.addf %add3A_1012, %mul3A_1071 : vector<16xf32>
        %mul3A_1073 = arith.mulf %broadcast_in_dim3A_1056, %bitcast_convert_type3A_1070 : vector<16xf32>
        %add3A_1074 = arith.addf %add3A_1072, %mul3A_1073 : vector<16xf32>
        %add3A_1075 = arith.constant 0 : i32
        %add3A_1076 = arith.addi %add3A_1075, %add3A_1050 : i32
        %get3A_1077 = arith.index_cast %add3A_1076 : i32 to index
        %get3A_1078 = arith.constant 16 : index
        %get3A_1079 = tpu.vector_load %arg12[%get3A_1077, %get3A_1078] {strides = array<i32>} : memref<256x48xi32, #tpu.memory_space<vmem>>, vector<1x16xi32>,
        %get3A_1080 = vector.shape_cast %get3A_1079 : vector<1x16xi32> to vector<16xi32>
        %shift_left3A_1081 = arith.constant 16 : i32
        %shift_left3A_1082 = vector.broadcast %shift_left3A_1081 : i32 to vector<16xi32>
        %shift_left3A_1083 = arith.shli %get3A_1080, %shift_left3A_1082 : vector<16xi32>
        %bitcast_convert_type3A_1084 = tpu.bitcast %shift_left3A_1083 : vector<16xi32> -> vector<16xf32>
        %and3A_1085 = arith.constant -65536 : i32
        %and3A_1086 = vector.broadcast %and3A_1085 : i32 to vector<16xi32>
        %and3A_1087 = arith.andi %get3A_1080, %and3A_1086 : vector<16xi32>
        %bitcast_convert_type3A_1088 = tpu.bitcast %and3A_1087 : vector<16xi32> -> vector<16xf32>
        %mul3A_1089 = arith.mulf %broadcast_in_dim3A_1053, %bitcast_convert_type3A_1084 : vector<16xf32>
        %add3A_1090 = arith.addf %add3A_1030, %mul3A_1089 : vector<16xf32>
        %mul3A_1091 = arith.mulf %broadcast_in_dim3A_1056, %bitcast_convert_type3A_1088 : vector<16xf32>
        %add3A_1092 = arith.addf %add3A_1090, %mul3A_1091 : vector<16xf32>
        %add3A_1093 = arith.constant 0 : i32
        %add3A_1094 = arith.addi %add3A_1093, %add3A_1050 : i32
        %get3A_1095 = arith.index_cast %add3A_1094 : i32 to index
        %get3A_1096 = arith.constant 32 : index
        %get3A_1097 = tpu.vector_load %arg12[%get3A_1095, %get3A_1096] {strides = array<i32>} : memref<256x48xi32, #tpu.memory_space<vmem>>, vector<1x16xi32>,
        %get3A_1098 = vector.shape_cast %get3A_1097 : vector<1x16xi32> to vector<16xi32>
        %shift_left3A_1099 = arith.constant 16 : i32
        %shift_left3A_1100 = vector.broadcast %shift_left3A_1099 : i32 to vector<16xi32>
        %shift_left3A_1101 = arith.shli %get3A_1098, %shift_left3A_1100 : vector<16xi32>
        %bitcast_convert_type3A_1102 = tpu.bitcast %shift_left3A_1101 : vector<16xi32> -> vector<16xf32>
        %and3A_1103 = arith.constant -65536 : i32
        %and3A_1104 = vector.broadcast %and3A_1103 : i32 to vector<16xi32>
        %and3A_1105 = arith.andi %get3A_1098, %and3A_1104 : vector<16xi32>
        %bitcast_convert_type3A_1106 = tpu.bitcast %and3A_1105 : vector<16xi32> -> vector<16xf32>
        %mul3A_1107 = arith.mulf %broadcast_in_dim3A_1053, %bitcast_convert_type3A_1102 : vector<16xf32>
        %add3A_1108 = arith.addf %add3A_1048, %mul3A_1107 : vector<16xf32>
        %mul3A_1109 = arith.mulf %broadcast_in_dim3A_1056, %bitcast_convert_type3A_1106 : vector<16xf32>
        %add3A_1110 = arith.addf %add3A_1108, %mul3A_1109 : vector<16xf32>
        %slice3A_1111 = vector.extract_strided_slice %get3A_438 {offsets = [5], sizes = [1], strides = [1]} : vector<16xf32> to vector<1xf32>
        %squeeze3A_1112 = vector.extract %slice3A_1111[0] : f32 from vector<1xf32>
        %broadcast_in_dim3A_1113 = vector.broadcast %squeeze3A_1112 : f32 to vector<16xf32>
        %slice3A_1114 = vector.extract_strided_slice %get3A_443 {offsets = [5], sizes = [1], strides = [1]} : vector<16xf32> to vector<1xf32>
        %squeeze3A_1115 = vector.extract %slice3A_1114[0] : f32 from vector<1xf32>
        %broadcast_in_dim3A_1116 = vector.broadcast %squeeze3A_1115 : f32 to vector<16xf32>
        %add3A_1117 = arith.constant 128 : i32
        %add3A_1118 = arith.addi %add3A_1117, %add3A_1050 : i32
        %get3A_1119 = arith.index_cast %add3A_1118 : i32 to index
        %get3A_1120 = arith.constant 0 : index
        %get3A_1121 = tpu.vector_load %arg12[%get3A_1119, %get3A_1120] {strides = array<i32>} : memref<256x48xi32, #tpu.memory_space<vmem>>, vector<1x16xi32>,
        %get3A_1122 = vector.shape_cast %get3A_1121 : vector<1x16xi32> to vector<16xi32>
        %shift_left3A_1123 = arith.constant 16 : i32
        %shift_left3A_1124 = vector.broadcast %shift_left3A_1123 : i32 to vector<16xi32>
        %shift_left3A_1125 = arith.shli %get3A_1122, %shift_left3A_1124 : vector<16xi32>
        %bitcast_convert_type3A_1126 = tpu.bitcast %shift_left3A_1125 : vector<16xi32> -> vector<16xf32>
        %and3A_1127 = arith.constant -65536 : i32
        %and3A_1128 = vector.broadcast %and3A_1127 : i32 to vector<16xi32>
        %and3A_1129 = arith.andi %get3A_1122, %and3A_1128 : vector<16xi32>
        %bitcast_convert_type3A_1130 = tpu.bitcast %and3A_1129 : vector<16xi32> -> vector<16xf32>
        %mul3A_1131 = arith.mulf %broadcast_in_dim3A_1113, %bitcast_convert_type3A_1126 : vector<16xf32>
        %add3A_1132 = arith.addf %add3A_1074, %mul3A_1131 : vector<16xf32>
        %mul3A_1133 = arith.mulf %broadcast_in_dim3A_1116, %bitcast_convert_type3A_1130 : vector<16xf32>
        %add3A_1134 = arith.addf %add3A_1132, %mul3A_1133 : vector<16xf32>
        %add3A_1135 = arith.constant 128 : i32
        %add3A_1136 = arith.addi %add3A_1135, %add3A_1050 : i32
        %get3A_1137 = arith.index_cast %add3A_1136 : i32 to index
        %get3A_1138 = arith.constant 16 : index
        %get3A_1139 = tpu.vector_load %arg12[%get3A_1137, %get3A_1138] {strides = array<i32>} : memref<256x48xi32, #tpu.memory_space<vmem>>, vector<1x16xi32>,
        %get3A_1140 = vector.shape_cast %get3A_1139 : vector<1x16xi32> to vector<16xi32>
        %shift_left3A_1141 = arith.constant 16 : i32
        %shift_left3A_1142 = vector.broadcast %shift_left3A_1141 : i32 to vector<16xi32>
        %shift_left3A_1143 = arith.shli %get3A_1140, %shift_left3A_1142 : vector<16xi32>
        %bitcast_convert_type3A_1144 = tpu.bitcast %shift_left3A_1143 : vector<16xi32> -> vector<16xf32>
        %and3A_1145 = arith.constant -65536 : i32
        %and3A_1146 = vector.broadcast %and3A_1145 : i32 to vector<16xi32>
        %and3A_1147 = arith.andi %get3A_1140, %and3A_1146 : vector<16xi32>
        %bitcast_convert_type3A_1148 = tpu.bitcast %and3A_1147 : vector<16xi32> -> vector<16xf32>
        %mul3A_1149 = arith.mulf %broadcast_in_dim3A_1113, %bitcast_convert_type3A_1144 : vector<16xf32>
        %add3A_1150 = arith.addf %add3A_1092, %mul3A_1149 : vector<16xf32>
        %mul3A_1151 = arith.mulf %broadcast_in_dim3A_1116, %bitcast_convert_type3A_1148 : vector<16xf32>
        %add3A_1152 = arith.addf %add3A_1150, %mul3A_1151 : vector<16xf32>
        %add3A_1153 = arith.constant 128 : i32
        %add3A_1154 = arith.addi %add3A_1153, %add3A_1050 : i32
        %get3A_1155 = arith.index_cast %add3A_1154 : i32 to index
        %get3A_1156 = arith.constant 32 : index
        %get3A_1157 = tpu.vector_load %arg12[%get3A_1155, %get3A_1156] {strides = array<i32>} : memref<256x48xi32, #tpu.memory_space<vmem>>, vector<1x16xi32>,
        %get3A_1158 = vector.shape_cast %get3A_1157 : vector<1x16xi32> to vector<16xi32>
        %shift_left3A_1159 = arith.constant 16 : i32
        %shift_left3A_1160 = vector.broadcast %shift_left3A_1159 : i32 to vector<16xi32>
        %shift_left3A_1161 = arith.shli %get3A_1158, %shift_left3A_1160 : vector<16xi32>
        %bitcast_convert_type3A_1162 = tpu.bitcast %shift_left3A_1161 : vector<16xi32> -> vector<16xf32>
        %and3A_1163 = arith.constant -65536 : i32
        %and3A_1164 = vector.broadcast %and3A_1163 : i32 to vector<16xi32>
        %and3A_1165 = arith.andi %get3A_1158, %and3A_1164 : vector<16xi32>
        %bitcast_convert_type3A_1166 = tpu.bitcast %and3A_1165 : vector<16xi32> -> vector<16xf32>
        %mul3A_1167 = arith.mulf %broadcast_in_dim3A_1113, %bitcast_convert_type3A_1162 : vector<16xf32>
        %add3A_1168 = arith.addf %add3A_1110, %mul3A_1167 : vector<16xf32>
        %mul3A_1169 = arith.mulf %broadcast_in_dim3A_1116, %bitcast_convert_type3A_1166 : vector<16xf32>
        %add3A_1170 = arith.addf %add3A_1168, %mul3A_1169 : vector<16xf32>
        %add3A_1171 = arith.constant 6 : i32
        %add3A_1172 = arith.addi %mul3A_419, %add3A_1171 : i32
        %slice3A_1173 = vector.extract_strided_slice %get3A_428 {offsets = [6], sizes = [1], strides = [1]} : vector<16xf32> to vector<1xf32>
        %squeeze3A_1174 = vector.extract %slice3A_1173[0] : f32 from vector<1xf32>
        %broadcast_in_dim3A_1175 = vector.broadcast %squeeze3A_1174 : f32 to vector<16xf32>
        %slice3A_1176 = vector.extract_strided_slice %get3A_433 {offsets = [6], sizes = [1], strides = [1]} : vector<16xf32> to vector<1xf32>
        %squeeze3A_1177 = vector.extract %slice3A_1176[0] : f32 from vector<1xf32>
        %broadcast_in_dim3A_1178 = vector.broadcast %squeeze3A_1177 : f32 to vector<16xf32>
        %add3A_1179 = arith.constant 0 : i32
        %add3A_1180 = arith.addi %add3A_1179, %add3A_1172 : i32
        %get3A_1181 = arith.index_cast %add3A_1180 : i32 to index
        %get3A_1182 = arith.constant 0 : index
        %get3A_1183 = tpu.vector_load %arg12[%get3A_1181, %get3A_1182] {strides = array<i32>} : memref<256x48xi32, #tpu.memory_space<vmem>>, vector<1x16xi32>,
        %get3A_1184 = vector.shape_cast %get3A_1183 : vector<1x16xi32> to vector<16xi32>
        %shift_left3A_1185 = arith.constant 16 : i32
        %shift_left3A_1186 = vector.broadcast %shift_left3A_1185 : i32 to vector<16xi32>
        %shift_left3A_1187 = arith.shli %get3A_1184, %shift_left3A_1186 : vector<16xi32>
        %bitcast_convert_type3A_1188 = tpu.bitcast %shift_left3A_1187 : vector<16xi32> -> vector<16xf32>
        %and3A_1189 = arith.constant -65536 : i32
        %and3A_1190 = vector.broadcast %and3A_1189 : i32 to vector<16xi32>
        %and3A_1191 = arith.andi %get3A_1184, %and3A_1190 : vector<16xi32>
        %bitcast_convert_type3A_1192 = tpu.bitcast %and3A_1191 : vector<16xi32> -> vector<16xf32>
        %mul3A_1193 = arith.mulf %broadcast_in_dim3A_1175, %bitcast_convert_type3A_1188 : vector<16xf32>
        %add3A_1194 = arith.addf %add3A_1134, %mul3A_1193 : vector<16xf32>
        %mul3A_1195 = arith.mulf %broadcast_in_dim3A_1178, %bitcast_convert_type3A_1192 : vector<16xf32>
        %add3A_1196 = arith.addf %add3A_1194, %mul3A_1195 : vector<16xf32>
        %add3A_1197 = arith.constant 0 : i32
        %add3A_1198 = arith.addi %add3A_1197, %add3A_1172 : i32
        %get3A_1199 = arith.index_cast %add3A_1198 : i32 to index
        %get3A_1200 = arith.constant 16 : index
        %get3A_1201 = tpu.vector_load %arg12[%get3A_1199, %get3A_1200] {strides = array<i32>} : memref<256x48xi32, #tpu.memory_space<vmem>>, vector<1x16xi32>,
        %get3A_1202 = vector.shape_cast %get3A_1201 : vector<1x16xi32> to vector<16xi32>
        %shift_left3A_1203 = arith.constant 16 : i32
        %shift_left3A_1204 = vector.broadcast %shift_left3A_1203 : i32 to vector<16xi32>
        %shift_left3A_1205 = arith.shli %get3A_1202, %shift_left3A_1204 : vector<16xi32>
        %bitcast_convert_type3A_1206 = tpu.bitcast %shift_left3A_1205 : vector<16xi32> -> vector<16xf32>
        %and3A_1207 = arith.constant -65536 : i32
        %and3A_1208 = vector.broadcast %and3A_1207 : i32 to vector<16xi32>
        %and3A_1209 = arith.andi %get3A_1202, %and3A_1208 : vector<16xi32>
        %bitcast_convert_type3A_1210 = tpu.bitcast %and3A_1209 : vector<16xi32> -> vector<16xf32>
        %mul3A_1211 = arith.mulf %broadcast_in_dim3A_1175, %bitcast_convert_type3A_1206 : vector<16xf32>
        %add3A_1212 = arith.addf %add3A_1152, %mul3A_1211 : vector<16xf32>
        %mul3A_1213 = arith.mulf %broadcast_in_dim3A_1178, %bitcast_convert_type3A_1210 : vector<16xf32>
        %add3A_1214 = arith.addf %add3A_1212, %mul3A_1213 : vector<16xf32>
        %add3A_1215 = arith.constant 0 : i32
        %add3A_1216 = arith.addi %add3A_1215, %add3A_1172 : i32
        %get3A_1217 = arith.index_cast %add3A_1216 : i32 to index
        %get3A_1218 = arith.constant 32 : index
        %get3A_1219 = tpu.vector_load %arg12[%get3A_1217, %get3A_1218] {strides = array<i32>} : memref<256x48xi32, #tpu.memory_space<vmem>>, vector<1x16xi32>,
        %get3A_1220 = vector.shape_cast %get3A_1219 : vector<1x16xi32> to vector<16xi32>
        %shift_left3A_1221 = arith.constant 16 : i32
        %shift_left3A_1222 = vector.broadcast %shift_left3A_1221 : i32 to vector<16xi32>
        %shift_left3A_1223 = arith.shli %get3A_1220, %shift_left3A_1222 : vector<16xi32>
        %bitcast_convert_type3A_1224 = tpu.bitcast %shift_left3A_1223 : vector<16xi32> -> vector<16xf32>
        %and3A_1225 = arith.constant -65536 : i32
        %and3A_1226 = vector.broadcast %and3A_1225 : i32 to vector<16xi32>
        %and3A_1227 = arith.andi %get3A_1220, %and3A_1226 : vector<16xi32>
        %bitcast_convert_type3A_1228 = tpu.bitcast %and3A_1227 : vector<16xi32> -> vector<16xf32>
        %mul3A_1229 = arith.mulf %broadcast_in_dim3A_1175, %bitcast_convert_type3A_1224 : vector<16xf32>
        %add3A_1230 = arith.addf %add3A_1170, %mul3A_1229 : vector<16xf32>
        %mul3A_1231 = arith.mulf %broadcast_in_dim3A_1178, %bitcast_convert_type3A_1228 : vector<16xf32>
        %add3A_1232 = arith.addf %add3A_1230, %mul3A_1231 : vector<16xf32>
        %slice3A_1233 = vector.extract_strided_slice %get3A_438 {offsets = [6], sizes = [1], strides = [1]} : vector<16xf32> to vector<1xf32>
        %squeeze3A_1234 = vector.extract %slice3A_1233[0] : f32 from vector<1xf32>
        %broadcast_in_dim3A_1235 = vector.broadcast %squeeze3A_1234 : f32 to vector<16xf32>
        %slice3A_1236 = vector.extract_strided_slice %get3A_443 {offsets = [6], sizes = [1], strides = [1]} : vector<16xf32> to vector<1xf32>
        %squeeze3A_1237 = vector.extract %slice3A_1236[0] : f32 from vector<1xf32>
        %broadcast_in_dim3A_1238 = vector.broadcast %squeeze3A_1237 : f32 to vector<16xf32>
        %add3A_1239 = arith.constant 128 : i32
        %add3A_1240 = arith.addi %add3A_1239, %add3A_1172 : i32
        %get3A_1241 = arith.index_cast %add3A_1240 : i32 to index
        %get3A_1242 = arith.constant 0 : index
        %get3A_1243 = tpu.vector_load %arg12[%get3A_1241, %get3A_1242] {strides = array<i32>} : memref<256x48xi32, #tpu.memory_space<vmem>>, vector<1x16xi32>,
        %get3A_1244 = vector.shape_cast %get3A_1243 : vector<1x16xi32> to vector<16xi32>
        %shift_left3A_1245 = arith.constant 16 : i32
        %shift_left3A_1246 = vector.broadcast %shift_left3A_1245 : i32 to vector<16xi32>
        %shift_left3A_1247 = arith.shli %get3A_1244, %shift_left3A_1246 : vector<16xi32>
        %bitcast_convert_type3A_1248 = tpu.bitcast %shift_left3A_1247 : vector<16xi32> -> vector<16xf32>
        %and3A_1249 = arith.constant -65536 : i32
        %and3A_1250 = vector.broadcast %and3A_1249 : i32 to vector<16xi32>
        %and3A_1251 = arith.andi %get3A_1244, %and3A_1250 : vector<16xi32>
        %bitcast_convert_type3A_1252 = tpu.bitcast %and3A_1251 : vector<16xi32> -> vector<16xf32>
        %mul3A_1253 = arith.mulf %broadcast_in_dim3A_1235, %bitcast_convert_type3A_1248 : vector<16xf32>
        %add3A_1254 = arith.addf %add3A_1196, %mul3A_1253 : vector<16xf32>
        %mul3A_1255 = arith.mulf %broadcast_in_dim3A_1238, %bitcast_convert_type3A_1252 : vector<16xf32>
        %add3A_1256 = arith.addf %add3A_1254, %mul3A_1255 : vector<16xf32>
        %add3A_1257 = arith.constant 128 : i32
        %add3A_1258 = arith.addi %add3A_1257, %add3A_1172 : i32
        %get3A_1259 = arith.index_cast %add3A_1258 : i32 to index
        %get3A_1260 = arith.constant 16 : index
        %get3A_1261 = tpu.vector_load %arg12[%get3A_1259, %get3A_1260] {strides = array<i32>} : memref<256x48xi32, #tpu.memory_space<vmem>>, vector<1x16xi32>,
        %get3A_1262 = vector.shape_cast %get3A_1261 : vector<1x16xi32> to vector<16xi32>
        %shift_left3A_1263 = arith.constant 16 : i32
        %shift_left3A_1264 = vector.broadcast %shift_left3A_1263 : i32 to vector<16xi32>
        %shift_left3A_1265 = arith.shli %get3A_1262, %shift_left3A_1264 : vector<16xi32>
        %bitcast_convert_type3A_1266 = tpu.bitcast %shift_left3A_1265 : vector<16xi32> -> vector<16xf32>
        %and3A_1267 = arith.constant -65536 : i32
        %and3A_1268 = vector.broadcast %and3A_1267 : i32 to vector<16xi32>
        %and3A_1269 = arith.andi %get3A_1262, %and3A_1268 : vector<16xi32>
        %bitcast_convert_type3A_1270 = tpu.bitcast %and3A_1269 : vector<16xi32> -> vector<16xf32>
        %mul3A_1271 = arith.mulf %broadcast_in_dim3A_1235, %bitcast_convert_type3A_1266 : vector<16xf32>
        %add3A_1272 = arith.addf %add3A_1214, %mul3A_1271 : vector<16xf32>
        %mul3A_1273 = arith.mulf %broadcast_in_dim3A_1238, %bitcast_convert_type3A_1270 : vector<16xf32>
        %add3A_1274 = arith.addf %add3A_1272, %mul3A_1273 : vector<16xf32>
        %add3A_1275 = arith.constant 128 : i32
        %add3A_1276 = arith.addi %add3A_1275, %add3A_1172 : i32
        %get3A_1277 = arith.index_cast %add3A_1276 : i32 to index
        %get3A_1278 = arith.constant 32 : index
        %get3A_1279 = tpu.vector_load %arg12[%get3A_1277, %get3A_1278] {strides = array<i32>} : memref<256x48xi32, #tpu.memory_space<vmem>>, vector<1x16xi32>,
        %get3A_1280 = vector.shape_cast %get3A_1279 : vector<1x16xi32> to vector<16xi32>
        %shift_left3A_1281 = arith.constant 16 : i32
        %shift_left3A_1282 = vector.broadcast %shift_left3A_1281 : i32 to vector<16xi32>
        %shift_left3A_1283 = arith.shli %get3A_1280, %shift_left3A_1282 : vector<16xi32>
        %bitcast_convert_type3A_1284 = tpu.bitcast %shift_left3A_1283 : vector<16xi32> -> vector<16xf32>
        %and3A_1285 = arith.constant -65536 : i32
        %and3A_1286 = vector.broadcast %and3A_1285 : i32 to vector<16xi32>
        %and3A_1287 = arith.andi %get3A_1280, %and3A_1286 : vector<16xi32>
        %bitcast_convert_type3A_1288 = tpu.bitcast %and3A_1287 : vector<16xi32> -> vector<16xf32>
        %mul3A_1289 = arith.mulf %broadcast_in_dim3A_1235, %bitcast_convert_type3A_1284 : vector<16xf32>
        %add3A_1290 = arith.addf %add3A_1232, %mul3A_1289 : vector<16xf32>
        %mul3A_1291 = arith.mulf %broadcast_in_dim3A_1238, %bitcast_convert_type3A_1288 : vector<16xf32>
        %add3A_1292 = arith.addf %add3A_1290, %mul3A_1291 : vector<16xf32>
        %add3A_1293 = arith.constant 7 : i32
        %add3A_1294 = arith.addi %mul3A_419, %add3A_1293 : i32
        %slice3A_1295 = vector.extract_strided_slice %get3A_428 {offsets = [7], sizes = [1], strides = [1]} : vector<16xf32> to vector<1xf32>
        %squeeze3A_1296 = vector.extract %slice3A_1295[0] : f32 from vector<1xf32>
        %broadcast_in_dim3A_1297 = vector.broadcast %squeeze3A_1296 : f32 to vector<16xf32>
        %slice3A_1298 = vector.extract_strided_slice %get3A_433 {offsets = [7], sizes = [1], strides = [1]} : vector<16xf32> to vector<1xf32>
        %squeeze3A_1299 = vector.extract %slice3A_1298[0] : f32 from vector<1xf32>
        %broadcast_in_dim3A_1300 = vector.broadcast %squeeze3A_1299 : f32 to vector<16xf32>
        %add3A_1301 = arith.constant 0 : i32
        %add3A_1302 = arith.addi %add3A_1301, %add3A_1294 : i32
        %get3A_1303 = arith.index_cast %add3A_1302 : i32 to index
        %get3A_1304 = arith.constant 0 : index
        %get3A_1305 = tpu.vector_load %arg12[%get3A_1303, %get3A_1304] {strides = array<i32>} : memref<256x48xi32, #tpu.memory_space<vmem>>, vector<1x16xi32>,
        %get3A_1306 = vector.shape_cast %get3A_1305 : vector<1x16xi32> to vector<16xi32>
        %shift_left3A_1307 = arith.constant 16 : i32
        %shift_left3A_1308 = vector.broadcast %shift_left3A_1307 : i32 to vector<16xi32>
        %shift_left3A_1309 = arith.shli %get3A_1306, %shift_left3A_1308 : vector<16xi32>
        %bitcast_convert_type3A_1310 = tpu.bitcast %shift_left3A_1309 : vector<16xi32> -> vector<16xf32>
        %and3A_1311 = arith.constant -65536 : i32
        %and3A_1312 = vector.broadcast %and3A_1311 : i32 to vector<16xi32>
        %and3A_1313 = arith.andi %get3A_1306, %and3A_1312 : vector<16xi32>
        %bitcast_convert_type3A_1314 = tpu.bitcast %and3A_1313 : vector<16xi32> -> vector<16xf32>
        %mul3A_1315 = arith.mulf %broadcast_in_dim3A_1297, %bitcast_convert_type3A_1310 : vector<16xf32>
        %add3A_1316 = arith.addf %add3A_1256, %mul3A_1315 : vector<16xf32>
        %mul3A_1317 = arith.mulf %broadcast_in_dim3A_1300, %bitcast_convert_type3A_1314 : vector<16xf32>
        %add3A_1318 = arith.addf %add3A_1316, %mul3A_1317 : vector<16xf32>
        %add3A_1319 = arith.constant 0 : i32
        %add3A_1320 = arith.addi %add3A_1319, %add3A_1294 : i32
        %get3A_1321 = arith.index_cast %add3A_1320 : i32 to index
        %get3A_1322 = arith.constant 16 : index
        %get3A_1323 = tpu.vector_load %arg12[%get3A_1321, %get3A_1322] {strides = array<i32>} : memref<256x48xi32, #tpu.memory_space<vmem>>, vector<1x16xi32>,
        %get3A_1324 = vector.shape_cast %get3A_1323 : vector<1x16xi32> to vector<16xi32>
        %shift_left3A_1325 = arith.constant 16 : i32
        %shift_left3A_1326 = vector.broadcast %shift_left3A_1325 : i32 to vector<16xi32>
        %shift_left3A_1327 = arith.shli %get3A_1324, %shift_left3A_1326 : vector<16xi32>
        %bitcast_convert_type3A_1328 = tpu.bitcast %shift_left3A_1327 : vector<16xi32> -> vector<16xf32>
        %and3A_1329 = arith.constant -65536 : i32
        %and3A_1330 = vector.broadcast %and3A_1329 : i32 to vector<16xi32>
        %and3A_1331 = arith.andi %get3A_1324, %and3A_1330 : vector<16xi32>
        %bitcast_convert_type3A_1332 = tpu.bitcast %and3A_1331 : vector<16xi32> -> vector<16xf32>
        %mul3A_1333 = arith.mulf %broadcast_in_dim3A_1297, %bitcast_convert_type3A_1328 : vector<16xf32>
        %add3A_1334 = arith.addf %add3A_1274, %mul3A_1333 : vector<16xf32>
        %mul3A_1335 = arith.mulf %broadcast_in_dim3A_1300, %bitcast_convert_type3A_1332 : vector<16xf32>
        %add3A_1336 = arith.addf %add3A_1334, %mul3A_1335 : vector<16xf32>
        %add3A_1337 = arith.constant 0 : i32
        %add3A_1338 = arith.addi %add3A_1337, %add3A_1294 : i32
        %get3A_1339 = arith.index_cast %add3A_1338 : i32 to index
        %get3A_1340 = arith.constant 32 : index
        %get3A_1341 = tpu.vector_load %arg12[%get3A_1339, %get3A_1340] {strides = array<i32>} : memref<256x48xi32, #tpu.memory_space<vmem>>, vector<1x16xi32>,
        %get3A_1342 = vector.shape_cast %get3A_1341 : vector<1x16xi32> to vector<16xi32>
        %shift_left3A_1343 = arith.constant 16 : i32
        %shift_left3A_1344 = vector.broadcast %shift_left3A_1343 : i32 to vector<16xi32>
        %shift_left3A_1345 = arith.shli %get3A_1342, %shift_left3A_1344 : vector<16xi32>
        %bitcast_convert_type3A_1346 = tpu.bitcast %shift_left3A_1345 : vector<16xi32> -> vector<16xf32>
        %and3A_1347 = arith.constant -65536 : i32
        %and3A_1348 = vector.broadcast %and3A_1347 : i32 to vector<16xi32>
        %and3A_1349 = arith.andi %get3A_1342, %and3A_1348 : vector<16xi32>
        %bitcast_convert_type3A_1350 = tpu.bitcast %and3A_1349 : vector<16xi32> -> vector<16xf32>
        %mul3A_1351 = arith.mulf %broadcast_in_dim3A_1297, %bitcast_convert_type3A_1346 : vector<16xf32>
        %add3A_1352 = arith.addf %add3A_1292, %mul3A_1351 : vector<16xf32>
        %mul3A_1353 = arith.mulf %broadcast_in_dim3A_1300, %bitcast_convert_type3A_1350 : vector<16xf32>
        %add3A_1354 = arith.addf %add3A_1352, %mul3A_1353 : vector<16xf32>
        %slice3A_1355 = vector.extract_strided_slice %get3A_438 {offsets = [7], sizes = [1], strides = [1]} : vector<16xf32> to vector<1xf32>
        %squeeze3A_1356 = vector.extract %slice3A_1355[0] : f32 from vector<1xf32>
        %broadcast_in_dim3A_1357 = vector.broadcast %squeeze3A_1356 : f32 to vector<16xf32>
        %slice3A_1358 = vector.extract_strided_slice %get3A_443 {offsets = [7], sizes = [1], strides = [1]} : vector<16xf32> to vector<1xf32>
        %squeeze3A_1359 = vector.extract %slice3A_1358[0] : f32 from vector<1xf32>
        %broadcast_in_dim3A_1360 = vector.broadcast %squeeze3A_1359 : f32 to vector<16xf32>
        %add3A_1361 = arith.constant 128 : i32
        %add3A_1362 = arith.addi %add3A_1361, %add3A_1294 : i32
        %get3A_1363 = arith.index_cast %add3A_1362 : i32 to index
        %get3A_1364 = arith.constant 0 : index
        %get3A_1365 = tpu.vector_load %arg12[%get3A_1363, %get3A_1364] {strides = array<i32>} : memref<256x48xi32, #tpu.memory_space<vmem>>, vector<1x16xi32>,
        %get3A_1366 = vector.shape_cast %get3A_1365 : vector<1x16xi32> to vector<16xi32>
        %shift_left3A_1367 = arith.constant 16 : i32
        %shift_left3A_1368 = vector.broadcast %shift_left3A_1367 : i32 to vector<16xi32>
        %shift_left3A_1369 = arith.shli %get3A_1366, %shift_left3A_1368 : vector<16xi32>
        %bitcast_convert_type3A_1370 = tpu.bitcast %shift_left3A_1369 : vector<16xi32> -> vector<16xf32>
        %and3A_1371 = arith.constant -65536 : i32
        %and3A_1372 = vector.broadcast %and3A_1371 : i32 to vector<16xi32>
        %and3A_1373 = arith.andi %get3A_1366, %and3A_1372 : vector<16xi32>
        %bitcast_convert_type3A_1374 = tpu.bitcast %and3A_1373 : vector<16xi32> -> vector<16xf32>
        %mul3A_1375 = arith.mulf %broadcast_in_dim3A_1357, %bitcast_convert_type3A_1370 : vector<16xf32>
        %add3A_1376 = arith.addf %add3A_1318, %mul3A_1375 : vector<16xf32>
        %mul3A_1377 = arith.mulf %broadcast_in_dim3A_1360, %bitcast_convert_type3A_1374 : vector<16xf32>
        %add3A_1378 = arith.addf %add3A_1376, %mul3A_1377 : vector<16xf32>
        %add3A_1379 = arith.constant 128 : i32
        %add3A_1380 = arith.addi %add3A_1379, %add3A_1294 : i32
        %get3A_1381 = arith.index_cast %add3A_1380 : i32 to index
        %get3A_1382 = arith.constant 16 : index
        %get3A_1383 = tpu.vector_load %arg12[%get3A_1381, %get3A_1382] {strides = array<i32>} : memref<256x48xi32, #tpu.memory_space<vmem>>, vector<1x16xi32>,
        %get3A_1384 = vector.shape_cast %get3A_1383 : vector<1x16xi32> to vector<16xi32>
        %shift_left3A_1385 = arith.constant 16 : i32
        %shift_left3A_1386 = vector.broadcast %shift_left3A_1385 : i32 to vector<16xi32>
        %shift_left3A_1387 = arith.shli %get3A_1384, %shift_left3A_1386 : vector<16xi32>
        %bitcast_convert_type3A_1388 = tpu.bitcast %shift_left3A_1387 : vector<16xi32> -> vector<16xf32>
        %and3A_1389 = arith.constant -65536 : i32
        %and3A_1390 = vector.broadcast %and3A_1389 : i32 to vector<16xi32>
        %and3A_1391 = arith.andi %get3A_1384, %and3A_1390 : vector<16xi32>
        %bitcast_convert_type3A_1392 = tpu.bitcast %and3A_1391 : vector<16xi32> -> vector<16xf32>
        %mul3A_1393 = arith.mulf %broadcast_in_dim3A_1357, %bitcast_convert_type3A_1388 : vector<16xf32>
        %add3A_1394 = arith.addf %add3A_1336, %mul3A_1393 : vector<16xf32>
        %mul3A_1395 = arith.mulf %broadcast_in_dim3A_1360, %bitcast_convert_type3A_1392 : vector<16xf32>
        %add3A_1396 = arith.addf %add3A_1394, %mul3A_1395 : vector<16xf32>
        %add3A_1397 = arith.constant 128 : i32
        %add3A_1398 = arith.addi %add3A_1397, %add3A_1294 : i32
        %get3A_1399 = arith.index_cast %add3A_1398 : i32 to index
        %get3A_1400 = arith.constant 32 : index
        %get3A_1401 = tpu.vector_load %arg12[%get3A_1399, %get3A_1400] {strides = array<i32>} : memref<256x48xi32, #tpu.memory_space<vmem>>, vector<1x16xi32>,
        %get3A_1402 = vector.shape_cast %get3A_1401 : vector<1x16xi32> to vector<16xi32>
        %shift_left3A_1403 = arith.constant 16 : i32
        %shift_left3A_1404 = vector.broadcast %shift_left3A_1403 : i32 to vector<16xi32>
        %shift_left3A_1405 = arith.shli %get3A_1402, %shift_left3A_1404 : vector<16xi32>
        %bitcast_convert_type3A_1406 = tpu.bitcast %shift_left3A_1405 : vector<16xi32> -> vector<16xf32>
        %and3A_1407 = arith.constant -65536 : i32
        %and3A_1408 = vector.broadcast %and3A_1407 : i32 to vector<16xi32>
        %and3A_1409 = arith.andi %get3A_1402, %and3A_1408 : vector<16xi32>
        %bitcast_convert_type3A_1410 = tpu.bitcast %and3A_1409 : vector<16xi32> -> vector<16xf32>
        %mul3A_1411 = arith.mulf %broadcast_in_dim3A_1357, %bitcast_convert_type3A_1406 : vector<16xf32>
        %add3A_1412 = arith.addf %add3A_1354, %mul3A_1411 : vector<16xf32>
        %mul3A_1413 = arith.mulf %broadcast_in_dim3A_1360, %bitcast_convert_type3A_1410 : vector<16xf32>
        %add3A_1414 = arith.addf %add3A_1412, %mul3A_1413 : vector<16xf32>
        %add3A_1415 = arith.constant 8 : i32
        %add3A_1416 = arith.addi %mul3A_419, %add3A_1415 : i32
        %slice3A_1417 = vector.extract_strided_slice %get3A_428 {offsets = [8], sizes = [1], strides = [1]} : vector<16xf32> to vector<1xf32>
        %squeeze3A_1418 = vector.extract %slice3A_1417[0] : f32 from vector<1xf32>
        %broadcast_in_dim3A_1419 = vector.broadcast %squeeze3A_1418 : f32 to vector<16xf32>
        %slice3A_1420 = vector.extract_strided_slice %get3A_433 {offsets = [8], sizes = [1], strides = [1]} : vector<16xf32> to vector<1xf32>
        %squeeze3A_1421 = vector.extract %slice3A_1420[0] : f32 from vector<1xf32>
        %broadcast_in_dim3A_1422 = vector.broadcast %squeeze3A_1421 : f32 to vector<16xf32>
        %add3A_1423 = arith.constant 0 : i32
        %add3A_1424 = arith.addi %add3A_1423, %add3A_1416 : i32
        %get3A_1425 = arith.index_cast %add3A_1424 : i32 to index
        %get3A_1426 = arith.constant 0 : index
        %get3A_1427 = tpu.vector_load %arg12[%get3A_1425, %get3A_1426] {strides = array<i32>} : memref<256x48xi32, #tpu.memory_space<vmem>>, vector<1x16xi32>,
        %get3A_1428 = vector.shape_cast %get3A_1427 : vector<1x16xi32> to vector<16xi32>
        %shift_left3A_1429 = arith.constant 16 : i32
        %shift_left3A_1430 = vector.broadcast %shift_left3A_1429 : i32 to vector<16xi32>
        %shift_left3A_1431 = arith.shli %get3A_1428, %shift_left3A_1430 : vector<16xi32>
        %bitcast_convert_type3A_1432 = tpu.bitcast %shift_left3A_1431 : vector<16xi32> -> vector<16xf32>
        %and3A_1433 = arith.constant -65536 : i32
        %and3A_1434 = vector.broadcast %and3A_1433 : i32 to vector<16xi32>
        %and3A_1435 = arith.andi %get3A_1428, %and3A_1434 : vector<16xi32>
        %bitcast_convert_type3A_1436 = tpu.bitcast %and3A_1435 : vector<16xi32> -> vector<16xf32>
        %mul3A_1437 = arith.mulf %broadcast_in_dim3A_1419, %bitcast_convert_type3A_1432 : vector<16xf32>
        %add3A_1438 = arith.addf %add3A_1378, %mul3A_1437 : vector<16xf32>
        %mul3A_1439 = arith.mulf %broadcast_in_dim3A_1422, %bitcast_convert_type3A_1436 : vector<16xf32>
        %add3A_1440 = arith.addf %add3A_1438, %mul3A_1439 : vector<16xf32>
        %add3A_1441 = arith.constant 0 : i32
        %add3A_1442 = arith.addi %add3A_1441, %add3A_1416 : i32
        %get3A_1443 = arith.index_cast %add3A_1442 : i32 to index
        %get3A_1444 = arith.constant 16 : index
        %get3A_1445 = tpu.vector_load %arg12[%get3A_1443, %get3A_1444] {strides = array<i32>} : memref<256x48xi32, #tpu.memory_space<vmem>>, vector<1x16xi32>,
        %get3A_1446 = vector.shape_cast %get3A_1445 : vector<1x16xi32> to vector<16xi32>
        %shift_left3A_1447 = arith.constant 16 : i32
        %shift_left3A_1448 = vector.broadcast %shift_left3A_1447 : i32 to vector<16xi32>
        %shift_left3A_1449 = arith.shli %get3A_1446, %shift_left3A_1448 : vector<16xi32>
        %bitcast_convert_type3A_1450 = tpu.bitcast %shift_left3A_1449 : vector<16xi32> -> vector<16xf32>
        %and3A_1451 = arith.constant -65536 : i32
        %and3A_1452 = vector.broadcast %and3A_1451 : i32 to vector<16xi32>
        %and3A_1453 = arith.andi %get3A_1446, %and3A_1452 : vector<16xi32>
        %bitcast_convert_type3A_1454 = tpu.bitcast %and3A_1453 : vector<16xi32> -> vector<16xf32>
        %mul3A_1455 = arith.mulf %broadcast_in_dim3A_1419, %bitcast_convert_type3A_1450 : vector<16xf32>
        %add3A_1456 = arith.addf %add3A_1396, %mul3A_1455 : vector<16xf32>
        %mul3A_1457 = arith.mulf %broadcast_in_dim3A_1422, %bitcast_convert_type3A_1454 : vector<16xf32>
        %add3A_1458 = arith.addf %add3A_1456, %mul3A_1457 : vector<16xf32>
        %add3A_1459 = arith.constant 0 : i32
        %add3A_1460 = arith.addi %add3A_1459, %add3A_1416 : i32
        %get3A_1461 = arith.index_cast %add3A_1460 : i32 to index
        %get3A_1462 = arith.constant 32 : index
        %get3A_1463 = tpu.vector_load %arg12[%get3A_1461, %get3A_1462] {strides = array<i32>} : memref<256x48xi32, #tpu.memory_space<vmem>>, vector<1x16xi32>,
        %get3A_1464 = vector.shape_cast %get3A_1463 : vector<1x16xi32> to vector<16xi32>
        %shift_left3A_1465 = arith.constant 16 : i32
        %shift_left3A_1466 = vector.broadcast %shift_left3A_1465 : i32 to vector<16xi32>
        %shift_left3A_1467 = arith.shli %get3A_1464, %shift_left3A_1466 : vector<16xi32>
        %bitcast_convert_type3A_1468 = tpu.bitcast %shift_left3A_1467 : vector<16xi32> -> vector<16xf32>
        %and3A_1469 = arith.constant -65536 : i32
        %and3A_1470 = vector.broadcast %and3A_1469 : i32 to vector<16xi32>
        %and3A_1471 = arith.andi %get3A_1464, %and3A_1470 : vector<16xi32>
        %bitcast_convert_type3A_1472 = tpu.bitcast %and3A_1471 : vector<16xi32> -> vector<16xf32>
        %mul3A_1473 = arith.mulf %broadcast_in_dim3A_1419, %bitcast_convert_type3A_1468 : vector<16xf32>
        %add3A_1474 = arith.addf %add3A_1414, %mul3A_1473 : vector<16xf32>
        %mul3A_1475 = arith.mulf %broadcast_in_dim3A_1422, %bitcast_convert_type3A_1472 : vector<16xf32>
        %add3A_1476 = arith.addf %add3A_1474, %mul3A_1475 : vector<16xf32>
        %slice3A_1477 = vector.extract_strided_slice %get3A_438 {offsets = [8], sizes = [1], strides = [1]} : vector<16xf32> to vector<1xf32>
        %squeeze3A_1478 = vector.extract %slice3A_1477[0] : f32 from vector<1xf32>
        %broadcast_in_dim3A_1479 = vector.broadcast %squeeze3A_1478 : f32 to vector<16xf32>
        %slice3A_1480 = vector.extract_strided_slice %get3A_443 {offsets = [8], sizes = [1], strides = [1]} : vector<16xf32> to vector<1xf32>
        %squeeze3A_1481 = vector.extract %slice3A_1480[0] : f32 from vector<1xf32>
        %broadcast_in_dim3A_1482 = vector.broadcast %squeeze3A_1481 : f32 to vector<16xf32>
        %add3A_1483 = arith.constant 128 : i32
        %add3A_1484 = arith.addi %add3A_1483, %add3A_1416 : i32
        %get3A_1485 = arith.index_cast %add3A_1484 : i32 to index
        %get3A_1486 = arith.constant 0 : index
        %get3A_1487 = tpu.vector_load %arg12[%get3A_1485, %get3A_1486] {strides = array<i32>} : memref<256x48xi32, #tpu.memory_space<vmem>>, vector<1x16xi32>,
        %get3A_1488 = vector.shape_cast %get3A_1487 : vector<1x16xi32> to vector<16xi32>
        %shift_left3A_1489 = arith.constant 16 : i32
        %shift_left3A_1490 = vector.broadcast %shift_left3A_1489 : i32 to vector<16xi32>
        %shift_left3A_1491 = arith.shli %get3A_1488, %shift_left3A_1490 : vector<16xi32>
        %bitcast_convert_type3A_1492 = tpu.bitcast %shift_left3A_1491 : vector<16xi32> -> vector<16xf32>
        %and3A_1493 = arith.constant -65536 : i32
        %and3A_1494 = vector.broadcast %and3A_1493 : i32 to vector<16xi32>
        %and3A_1495 = arith.andi %get3A_1488, %and3A_1494 : vector<16xi32>
        %bitcast_convert_type3A_1496 = tpu.bitcast %and3A_1495 : vector<16xi32> -> vector<16xf32>
        %mul3A_1497 = arith.mulf %broadcast_in_dim3A_1479, %bitcast_convert_type3A_1492 : vector<16xf32>
        %add3A_1498 = arith.addf %add3A_1440, %mul3A_1497 : vector<16xf32>
        %mul3A_1499 = arith.mulf %broadcast_in_dim3A_1482, %bitcast_convert_type3A_1496 : vector<16xf32>
        %add3A_1500 = arith.addf %add3A_1498, %mul3A_1499 : vector<16xf32>
        %add3A_1501 = arith.constant 128 : i32
        %add3A_1502 = arith.addi %add3A_1501, %add3A_1416 : i32
        %get3A_1503 = arith.index_cast %add3A_1502 : i32 to index
        %get3A_1504 = arith.constant 16 : index
        %get3A_1505 = tpu.vector_load %arg12[%get3A_1503, %get3A_1504] {strides = array<i32>} : memref<256x48xi32, #tpu.memory_space<vmem>>, vector<1x16xi32>,
        %get3A_1506 = vector.shape_cast %get3A_1505 : vector<1x16xi32> to vector<16xi32>
        %shift_left3A_1507 = arith.constant 16 : i32
        %shift_left3A_1508 = vector.broadcast %shift_left3A_1507 : i32 to vector<16xi32>
        %shift_left3A_1509 = arith.shli %get3A_1506, %shift_left3A_1508 : vector<16xi32>
        %bitcast_convert_type3A_1510 = tpu.bitcast %shift_left3A_1509 : vector<16xi32> -> vector<16xf32>
        %and3A_1511 = arith.constant -65536 : i32
        %and3A_1512 = vector.broadcast %and3A_1511 : i32 to vector<16xi32>
        %and3A_1513 = arith.andi %get3A_1506, %and3A_1512 : vector<16xi32>
        %bitcast_convert_type3A_1514 = tpu.bitcast %and3A_1513 : vector<16xi32> -> vector<16xf32>
        %mul3A_1515 = arith.mulf %broadcast_in_dim3A_1479, %bitcast_convert_type3A_1510 : vector<16xf32>
        %add3A_1516 = arith.addf %add3A_1458, %mul3A_1515 : vector<16xf32>
        %mul3A_1517 = arith.mulf %broadcast_in_dim3A_1482, %bitcast_convert_type3A_1514 : vector<16xf32>
        %add3A_1518 = arith.addf %add3A_1516, %mul3A_1517 : vector<16xf32>
        %add3A_1519 = arith.constant 128 : i32
        %add3A_1520 = arith.addi %add3A_1519, %add3A_1416 : i32
        %get3A_1521 = arith.index_cast %add3A_1520 : i32 to index
        %get3A_1522 = arith.constant 32 : index
        %get3A_1523 = tpu.vector_load %arg12[%get3A_1521, %get3A_1522] {strides = array<i32>} : memref<256x48xi32, #tpu.memory_space<vmem>>, vector<1x16xi32>,
        %get3A_1524 = vector.shape_cast %get3A_1523 : vector<1x16xi32> to vector<16xi32>
        %shift_left3A_1525 = arith.constant 16 : i32
        %shift_left3A_1526 = vector.broadcast %shift_left3A_1525 : i32 to vector<16xi32>
        %shift_left3A_1527 = arith.shli %get3A_1524, %shift_left3A_1526 : vector<16xi32>
        %bitcast_convert_type3A_1528 = tpu.bitcast %shift_left3A_1527 : vector<16xi32> -> vector<16xf32>
        %and3A_1529 = arith.constant -65536 : i32
        %and3A_1530 = vector.broadcast %and3A_1529 : i32 to vector<16xi32>
        %and3A_1531 = arith.andi %get3A_1524, %and3A_1530 : vector<16xi32>
        %bitcast_convert_type3A_1532 = tpu.bitcast %and3A_1531 : vector<16xi32> -> vector<16xf32>
        %mul3A_1533 = arith.mulf %broadcast_in_dim3A_1479, %bitcast_convert_type3A_1528 : vector<16xf32>
        %add3A_1534 = arith.addf %add3A_1476, %mul3A_1533 : vector<16xf32>
        %mul3A_1535 = arith.mulf %broadcast_in_dim3A_1482, %bitcast_convert_type3A_1532 : vector<16xf32>
        %add3A_1536 = arith.addf %add3A_1534, %mul3A_1535 : vector<16xf32>
        %add3A_1537 = arith.constant 9 : i32
        %add3A_1538 = arith.addi %mul3A_419, %add3A_1537 : i32
        %slice3A_1539 = vector.extract_strided_slice %get3A_428 {offsets = [9], sizes = [1], strides = [1]} : vector<16xf32> to vector<1xf32>
        %squeeze3A_1540 = vector.extract %slice3A_1539[0] : f32 from vector<1xf32>
        %broadcast_in_dim3A_1541 = vector.broadcast %squeeze3A_1540 : f32 to vector<16xf32>
        %slice3A_1542 = vector.extract_strided_slice %get3A_433 {offsets = [9], sizes = [1], strides = [1]} : vector<16xf32> to vector<1xf32>
        %squeeze3A_1543 = vector.extract %slice3A_1542[0] : f32 from vector<1xf32>
        %broadcast_in_dim3A_1544 = vector.broadcast %squeeze3A_1543 : f32 to vector<16xf32>
        %add3A_1545 = arith.constant 0 : i32
        %add3A_1546 = arith.addi %add3A_1545, %add3A_1538 : i32
        %get3A_1547 = arith.index_cast %add3A_1546 : i32 to index
        %get3A_1548 = arith.constant 0 : index
        %get3A_1549 = tpu.vector_load %arg12[%get3A_1547, %get3A_1548] {strides = array<i32>} : memref<256x48xi32, #tpu.memory_space<vmem>>, vector<1x16xi32>,
        %get3A_1550 = vector.shape_cast %get3A_1549 : vector<1x16xi32> to vector<16xi32>
        %shift_left3A_1551 = arith.constant 16 : i32
        %shift_left3A_1552 = vector.broadcast %shift_left3A_1551 : i32 to vector<16xi32>
        %shift_left3A_1553 = arith.shli %get3A_1550, %shift_left3A_1552 : vector<16xi32>
        %bitcast_convert_type3A_1554 = tpu.bitcast %shift_left3A_1553 : vector<16xi32> -> vector<16xf32>
        %and3A_1555 = arith.constant -65536 : i32
        %and3A_1556 = vector.broadcast %and3A_1555 : i32 to vector<16xi32>
        %and3A_1557 = arith.andi %get3A_1550, %and3A_1556 : vector<16xi32>
        %bitcast_convert_type3A_1558 = tpu.bitcast %and3A_1557 : vector<16xi32> -> vector<16xf32>
        %mul3A_1559 = arith.mulf %broadcast_in_dim3A_1541, %bitcast_convert_type3A_1554 : vector<16xf32>
        %add3A_1560 = arith.addf %add3A_1500, %mul3A_1559 : vector<16xf32>
        %mul3A_1561 = arith.mulf %broadcast_in_dim3A_1544, %bitcast_convert_type3A_1558 : vector<16xf32>
        %add3A_1562 = arith.addf %add3A_1560, %mul3A_1561 : vector<16xf32>
        %add3A_1563 = arith.constant 0 : i32
        %add3A_1564 = arith.addi %add3A_1563, %add3A_1538 : i32
        %get3A_1565 = arith.index_cast %add3A_1564 : i32 to index
        %get3A_1566 = arith.constant 16 : index
        %get3A_1567 = tpu.vector_load %arg12[%get3A_1565, %get3A_1566] {strides = array<i32>} : memref<256x48xi32, #tpu.memory_space<vmem>>, vector<1x16xi32>,
        %get3A_1568 = vector.shape_cast %get3A_1567 : vector<1x16xi32> to vector<16xi32>
        %shift_left3A_1569 = arith.constant 16 : i32
        %shift_left3A_1570 = vector.broadcast %shift_left3A_1569 : i32 to vector<16xi32>
        %shift_left3A_1571 = arith.shli %get3A_1568, %shift_left3A_1570 : vector<16xi32>
        %bitcast_convert_type3A_1572 = tpu.bitcast %shift_left3A_1571 : vector<16xi32> -> vector<16xf32>
        %and3A_1573 = arith.constant -65536 : i32
        %and3A_1574 = vector.broadcast %and3A_1573 : i32 to vector<16xi32>
        %and3A_1575 = arith.andi %get3A_1568, %and3A_1574 : vector<16xi32>
        %bitcast_convert_type3A_1576 = tpu.bitcast %and3A_1575 : vector<16xi32> -> vector<16xf32>
        %mul3A_1577 = arith.mulf %broadcast_in_dim3A_1541, %bitcast_convert_type3A_1572 : vector<16xf32>
        %add3A_1578 = arith.addf %add3A_1518, %mul3A_1577 : vector<16xf32>
        %mul3A_1579 = arith.mulf %broadcast_in_dim3A_1544, %bitcast_convert_type3A_1576 : vector<16xf32>
        %add3A_1580 = arith.addf %add3A_1578, %mul3A_1579 : vector<16xf32>
        %add3A_1581 = arith.constant 0 : i32
        %add3A_1582 = arith.addi %add3A_1581, %add3A_1538 : i32
        %get3A_1583 = arith.index_cast %add3A_1582 : i32 to index
        %get3A_1584 = arith.constant 32 : index
        %get3A_1585 = tpu.vector_load %arg12[%get3A_1583, %get3A_1584] {strides = array<i32>} : memref<256x48xi32, #tpu.memory_space<vmem>>, vector<1x16xi32>,
        %get3A_1586 = vector.shape_cast %get3A_1585 : vector<1x16xi32> to vector<16xi32>
        %shift_left3A_1587 = arith.constant 16 : i32
        %shift_left3A_1588 = vector.broadcast %shift_left3A_1587 : i32 to vector<16xi32>
        %shift_left3A_1589 = arith.shli %get3A_1586, %shift_left3A_1588 : vector<16xi32>
        %bitcast_convert_type3A_1590 = tpu.bitcast %shift_left3A_1589 : vector<16xi32> -> vector<16xf32>
        %and3A_1591 = arith.constant -65536 : i32
        %and3A_1592 = vector.broadcast %and3A_1591 : i32 to vector<16xi32>
        %and3A_1593 = arith.andi %get3A_1586, %and3A_1592 : vector<16xi32>
        %bitcast_convert_type3A_1594 = tpu.bitcast %and3A_1593 : vector<16xi32> -> vector<16xf32>
        %mul3A_1595 = arith.mulf %broadcast_in_dim3A_1541, %bitcast_convert_type3A_1590 : vector<16xf32>
        %add3A_1596 = arith.addf %add3A_1536, %mul3A_1595 : vector<16xf32>
        %mul3A_1597 = arith.mulf %broadcast_in_dim3A_1544, %bitcast_convert_type3A_1594 : vector<16xf32>
        %add3A_1598 = arith.addf %add3A_1596, %mul3A_1597 : vector<16xf32>
        %slice3A_1599 = vector.extract_strided_slice %get3A_438 {offsets = [9], sizes = [1], strides = [1]} : vector<16xf32> to vector<1xf32>
        %squeeze3A_1600 = vector.extract %slice3A_1599[0] : f32 from vector<1xf32>
        %broadcast_in_dim3A_1601 = vector.broadcast %squeeze3A_1600 : f32 to vector<16xf32>
        %slice3A_1602 = vector.extract_strided_slice %get3A_443 {offsets = [9], sizes = [1], strides = [1]} : vector<16xf32> to vector<1xf32>
        %squeeze3A_1603 = vector.extract %slice3A_1602[0] : f32 from vector<1xf32>
        %broadcast_in_dim3A_1604 = vector.broadcast %squeeze3A_1603 : f32 to vector<16xf32>
        %add3A_1605 = arith.constant 128 : i32
        %add3A_1606 = arith.addi %add3A_1605, %add3A_1538 : i32
        %get3A_1607 = arith.index_cast %add3A_1606 : i32 to index
        %get3A_1608 = arith.constant 0 : index
        %get3A_1609 = tpu.vector_load %arg12[%get3A_1607, %get3A_1608] {strides = array<i32>} : memref<256x48xi32, #tpu.memory_space<vmem>>, vector<1x16xi32>,
        %get3A_1610 = vector.shape_cast %get3A_1609 : vector<1x16xi32> to vector<16xi32>
        %shift_left3A_1611 = arith.constant 16 : i32
        %shift_left3A_1612 = vector.broadcast %shift_left3A_1611 : i32 to vector<16xi32>
        %shift_left3A_1613 = arith.shli %get3A_1610, %shift_left3A_1612 : vector<16xi32>
        %bitcast_convert_type3A_1614 = tpu.bitcast %shift_left3A_1613 : vector<16xi32> -> vector<16xf32>
        %and3A_1615 = arith.constant -65536 : i32
        %and3A_1616 = vector.broadcast %and3A_1615 : i32 to vector<16xi32>
        %and3A_1617 = arith.andi %get3A_1610, %and3A_1616 : vector<16xi32>
        %bitcast_convert_type3A_1618 = tpu.bitcast %and3A_1617 : vector<16xi32> -> vector<16xf32>
        %mul3A_1619 = arith.mulf %broadcast_in_dim3A_1601, %bitcast_convert_type3A_1614 : vector<16xf32>
        %add3A_1620 = arith.addf %add3A_1562, %mul3A_1619 : vector<16xf32>
        %mul3A_1621 = arith.mulf %broadcast_in_dim3A_1604, %bitcast_convert_type3A_1618 : vector<16xf32>
        %add3A_1622 = arith.addf %add3A_1620, %mul3A_1621 : vector<16xf32>
        %add3A_1623 = arith.constant 128 : i32
        %add3A_1624 = arith.addi %add3A_1623, %add3A_1538 : i32
        %get3A_1625 = arith.index_cast %add3A_1624 : i32 to index
        %get3A_1626 = arith.constant 16 : index
        %get3A_1627 = tpu.vector_load %arg12[%get3A_1625, %get3A_1626] {strides = array<i32>} : memref<256x48xi32, #tpu.memory_space<vmem>>, vector<1x16xi32>,
        %get3A_1628 = vector.shape_cast %get3A_1627 : vector<1x16xi32> to vector<16xi32>
        %shift_left3A_1629 = arith.constant 16 : i32
        %shift_left3A_1630 = vector.broadcast %shift_left3A_1629 : i32 to vector<16xi32>
        %shift_left3A_1631 = arith.shli %get3A_1628, %shift_left3A_1630 : vector<16xi32>
        %bitcast_convert_type3A_1632 = tpu.bitcast %shift_left3A_1631 : vector<16xi32> -> vector<16xf32>
        %and3A_1633 = arith.constant -65536 : i32
        %and3A_1634 = vector.broadcast %and3A_1633 : i32 to vector<16xi32>
        %and3A_1635 = arith.andi %get3A_1628, %and3A_1634 : vector<16xi32>
        %bitcast_convert_type3A_1636 = tpu.bitcast %and3A_1635 : vector<16xi32> -> vector<16xf32>
        %mul3A_1637 = arith.mulf %broadcast_in_dim3A_1601, %bitcast_convert_type3A_1632 : vector<16xf32>
        %add3A_1638 = arith.addf %add3A_1580, %mul3A_1637 : vector<16xf32>
        %mul3A_1639 = arith.mulf %broadcast_in_dim3A_1604, %bitcast_convert_type3A_1636 : vector<16xf32>
        %add3A_1640 = arith.addf %add3A_1638, %mul3A_1639 : vector<16xf32>
        %add3A_1641 = arith.constant 128 : i32
        %add3A_1642 = arith.addi %add3A_1641, %add3A_1538 : i32
        %get3A_1643 = arith.index_cast %add3A_1642 : i32 to index
        %get3A_1644 = arith.constant 32 : index
        %get3A_1645 = tpu.vector_load %arg12[%get3A_1643, %get3A_1644] {strides = array<i32>} : memref<256x48xi32, #tpu.memory_space<vmem>>, vector<1x16xi32>,
        %get3A_1646 = vector.shape_cast %get3A_1645 : vector<1x16xi32> to vector<16xi32>
        %shift_left3A_1647 = arith.constant 16 : i32
        %shift_left3A_1648 = vector.broadcast %shift_left3A_1647 : i32 to vector<16xi32>
        %shift_left3A_1649 = arith.shli %get3A_1646, %shift_left3A_1648 : vector<16xi32>
        %bitcast_convert_type3A_1650 = tpu.bitcast %shift_left3A_1649 : vector<16xi32> -> vector<16xf32>
        %and3A_1651 = arith.constant -65536 : i32
        %and3A_1652 = vector.broadcast %and3A_1651 : i32 to vector<16xi32>
        %and3A_1653 = arith.andi %get3A_1646, %and3A_1652 : vector<16xi32>
        %bitcast_convert_type3A_1654 = tpu.bitcast %and3A_1653 : vector<16xi32> -> vector<16xf32>
        %mul3A_1655 = arith.mulf %broadcast_in_dim3A_1601, %bitcast_convert_type3A_1650 : vector<16xf32>
        %add3A_1656 = arith.addf %add3A_1598, %mul3A_1655 : vector<16xf32>
        %mul3A_1657 = arith.mulf %broadcast_in_dim3A_1604, %bitcast_convert_type3A_1654 : vector<16xf32>
        %add3A_1658 = arith.addf %add3A_1656, %mul3A_1657 : vector<16xf32>
        %add3A_1659 = arith.constant 10 : i32
        %add3A_1660 = arith.addi %mul3A_419, %add3A_1659 : i32
        %slice3A_1661 = vector.extract_strided_slice %get3A_428 {offsets = [10], sizes = [1], strides = [1]} : vector<16xf32> to vector<1xf32>
        %squeeze3A_1662 = vector.extract %slice3A_1661[0] : f32 from vector<1xf32>
        %broadcast_in_dim3A_1663 = vector.broadcast %squeeze3A_1662 : f32 to vector<16xf32>
        %slice3A_1664 = vector.extract_strided_slice %get3A_433 {offsets = [10], sizes = [1], strides = [1]} : vector<16xf32> to vector<1xf32>
        %squeeze3A_1665 = vector.extract %slice3A_1664[0] : f32 from vector<1xf32>
        %broadcast_in_dim3A_1666 = vector.broadcast %squeeze3A_1665 : f32 to vector<16xf32>
        %add3A_1667 = arith.constant 0 : i32
        %add3A_1668 = arith.addi %add3A_1667, %add3A_1660 : i32
        %get3A_1669 = arith.index_cast %add3A_1668 : i32 to index
        %get3A_1670 = arith.constant 0 : index
        %get3A_1671 = tpu.vector_load %arg12[%get3A_1669, %get3A_1670] {strides = array<i32>} : memref<256x48xi32, #tpu.memory_space<vmem>>, vector<1x16xi32>,
        %get3A_1672 = vector.shape_cast %get3A_1671 : vector<1x16xi32> to vector<16xi32>
        %shift_left3A_1673 = arith.constant 16 : i32
        %shift_left3A_1674 = vector.broadcast %shift_left3A_1673 : i32 to vector<16xi32>
        %shift_left3A_1675 = arith.shli %get3A_1672, %shift_left3A_1674 : vector<16xi32>
        %bitcast_convert_type3A_1676 = tpu.bitcast %shift_left3A_1675 : vector<16xi32> -> vector<16xf32>
        %and3A_1677 = arith.constant -65536 : i32
        %and3A_1678 = vector.broadcast %and3A_1677 : i32 to vector<16xi32>
        %and3A_1679 = arith.andi %get3A_1672, %and3A_1678 : vector<16xi32>
        %bitcast_convert_type3A_1680 = tpu.bitcast %and3A_1679 : vector<16xi32> -> vector<16xf32>
        %mul3A_1681 = arith.mulf %broadcast_in_dim3A_1663, %bitcast_convert_type3A_1676 : vector<16xf32>
        %add3A_1682 = arith.addf %add3A_1622, %mul3A_1681 : vector<16xf32>
        %mul3A_1683 = arith.mulf %broadcast_in_dim3A_1666, %bitcast_convert_type3A_1680 : vector<16xf32>
        %add3A_1684 = arith.addf %add3A_1682, %mul3A_1683 : vector<16xf32>
        %add3A_1685 = arith.constant 0 : i32
        %add3A_1686 = arith.addi %add3A_1685, %add3A_1660 : i32
        %get3A_1687 = arith.index_cast %add3A_1686 : i32 to index
        %get3A_1688 = arith.constant 16 : index
        %get3A_1689 = tpu.vector_load %arg12[%get3A_1687, %get3A_1688] {strides = array<i32>} : memref<256x48xi32, #tpu.memory_space<vmem>>, vector<1x16xi32>,
        %get3A_1690 = vector.shape_cast %get3A_1689 : vector<1x16xi32> to vector<16xi32>
        %shift_left3A_1691 = arith.constant 16 : i32
        %shift_left3A_1692 = vector.broadcast %shift_left3A_1691 : i32 to vector<16xi32>
        %shift_left3A_1693 = arith.shli %get3A_1690, %shift_left3A_1692 : vector<16xi32>
        %bitcast_convert_type3A_1694 = tpu.bitcast %shift_left3A_1693 : vector<16xi32> -> vector<16xf32>
        %and3A_1695 = arith.constant -65536 : i32
        %and3A_1696 = vector.broadcast %and3A_1695 : i32 to vector<16xi32>
        %and3A_1697 = arith.andi %get3A_1690, %and3A_1696 : vector<16xi32>
        %bitcast_convert_type3A_1698 = tpu.bitcast %and3A_1697 : vector<16xi32> -> vector<16xf32>
        %mul3A_1699 = arith.mulf %broadcast_in_dim3A_1663, %bitcast_convert_type3A_1694 : vector<16xf32>
        %add3A_1700 = arith.addf %add3A_1640, %mul3A_1699 : vector<16xf32>
        %mul3A_1701 = arith.mulf %broadcast_in_dim3A_1666, %bitcast_convert_type3A_1698 : vector<16xf32>
        %add3A_1702 = arith.addf %add3A_1700, %mul3A_1701 : vector<16xf32>
        %add3A_1703 = arith.constant 0 : i32
        %add3A_1704 = arith.addi %add3A_1703, %add3A_1660 : i32
        %get3A_1705 = arith.index_cast %add3A_1704 : i32 to index
        %get3A_1706 = arith.constant 32 : index
        %get3A_1707 = tpu.vector_load %arg12[%get3A_1705, %get3A_1706] {strides = array<i32>} : memref<256x48xi32, #tpu.memory_space<vmem>>, vector<1x16xi32>,
        %get3A_1708 = vector.shape_cast %get3A_1707 : vector<1x16xi32> to vector<16xi32>
        %shift_left3A_1709 = arith.constant 16 : i32
        %shift_left3A_1710 = vector.broadcast %shift_left3A_1709 : i32 to vector<16xi32>
        %shift_left3A_1711 = arith.shli %get3A_1708, %shift_left3A_1710 : vector<16xi32>
        %bitcast_convert_type3A_1712 = tpu.bitcast %shift_left3A_1711 : vector<16xi32> -> vector<16xf32>
        %and3A_1713 = arith.constant -65536 : i32
        %and3A_1714 = vector.broadcast %and3A_1713 : i32 to vector<16xi32>
        %and3A_1715 = arith.andi %get3A_1708, %and3A_1714 : vector<16xi32>
        %bitcast_convert_type3A_1716 = tpu.bitcast %and3A_1715 : vector<16xi32> -> vector<16xf32>
        %mul3A_1717 = arith.mulf %broadcast_in_dim3A_1663, %bitcast_convert_type3A_1712 : vector<16xf32>
        %add3A_1718 = arith.addf %add3A_1658, %mul3A_1717 : vector<16xf32>
        %mul3A_1719 = arith.mulf %broadcast_in_dim3A_1666, %bitcast_convert_type3A_1716 : vector<16xf32>
        %add3A_1720 = arith.addf %add3A_1718, %mul3A_1719 : vector<16xf32>
        %slice3A_1721 = vector.extract_strided_slice %get3A_438 {offsets = [10], sizes = [1], strides = [1]} : vector<16xf32> to vector<1xf32>
        %squeeze3A_1722 = vector.extract %slice3A_1721[0] : f32 from vector<1xf32>
        %broadcast_in_dim3A_1723 = vector.broadcast %squeeze3A_1722 : f32 to vector<16xf32>
        %slice3A_1724 = vector.extract_strided_slice %get3A_443 {offsets = [10], sizes = [1], strides = [1]} : vector<16xf32> to vector<1xf32>
        %squeeze3A_1725 = vector.extract %slice3A_1724[0] : f32 from vector<1xf32>
        %broadcast_in_dim3A_1726 = vector.broadcast %squeeze3A_1725 : f32 to vector<16xf32>
        %add3A_1727 = arith.constant 128 : i32
        %add3A_1728 = arith.addi %add3A_1727, %add3A_1660 : i32
        %get3A_1729 = arith.index_cast %add3A_1728 : i32 to index
        %get3A_1730 = arith.constant 0 : index
        %get3A_1731 = tpu.vector_load %arg12[%get3A_1729, %get3A_1730] {strides = array<i32>} : memref<256x48xi32, #tpu.memory_space<vmem>>, vector<1x16xi32>,
        %get3A_1732 = vector.shape_cast %get3A_1731 : vector<1x16xi32> to vector<16xi32>
        %shift_left3A_1733 = arith.constant 16 : i32
        %shift_left3A_1734 = vector.broadcast %shift_left3A_1733 : i32 to vector<16xi32>
        %shift_left3A_1735 = arith.shli %get3A_1732, %shift_left3A_1734 : vector<16xi32>
        %bitcast_convert_type3A_1736 = tpu.bitcast %shift_left3A_1735 : vector<16xi32> -> vector<16xf32>
        %and3A_1737 = arith.constant -65536 : i32
        %and3A_1738 = vector.broadcast %and3A_1737 : i32 to vector<16xi32>
        %and3A_1739 = arith.andi %get3A_1732, %and3A_1738 : vector<16xi32>
        %bitcast_convert_type3A_1740 = tpu.bitcast %and3A_1739 : vector<16xi32> -> vector<16xf32>
        %mul3A_1741 = arith.mulf %broadcast_in_dim3A_1723, %bitcast_convert_type3A_1736 : vector<16xf32>
        %add3A_1742 = arith.addf %add3A_1684, %mul3A_1741 : vector<16xf32>
        %mul3A_1743 = arith.mulf %broadcast_in_dim3A_1726, %bitcast_convert_type3A_1740 : vector<16xf32>
        %add3A_1744 = arith.addf %add3A_1742, %mul3A_1743 : vector<16xf32>
        %add3A_1745 = arith.constant 128 : i32
        %add3A_1746 = arith.addi %add3A_1745, %add3A_1660 : i32
        %get3A_1747 = arith.index_cast %add3A_1746 : i32 to index
        %get3A_1748 = arith.constant 16 : index
        %get3A_1749 = tpu.vector_load %arg12[%get3A_1747, %get3A_1748] {strides = array<i32>} : memref<256x48xi32, #tpu.memory_space<vmem>>, vector<1x16xi32>,
        %get3A_1750 = vector.shape_cast %get3A_1749 : vector<1x16xi32> to vector<16xi32>
        %shift_left3A_1751 = arith.constant 16 : i32
        %shift_left3A_1752 = vector.broadcast %shift_left3A_1751 : i32 to vector<16xi32>
        %shift_left3A_1753 = arith.shli %get3A_1750, %shift_left3A_1752 : vector<16xi32>
        %bitcast_convert_type3A_1754 = tpu.bitcast %shift_left3A_1753 : vector<16xi32> -> vector<16xf32>
        %and3A_1755 = arith.constant -65536 : i32
        %and3A_1756 = vector.broadcast %and3A_1755 : i32 to vector<16xi32>
        %and3A_1757 = arith.andi %get3A_1750, %and3A_1756 : vector<16xi32>
        %bitcast_convert_type3A_1758 = tpu.bitcast %and3A_1757 : vector<16xi32> -> vector<16xf32>
        %mul3A_1759 = arith.mulf %broadcast_in_dim3A_1723, %bitcast_convert_type3A_1754 : vector<16xf32>
        %add3A_1760 = arith.addf %add3A_1702, %mul3A_1759 : vector<16xf32>
        %mul3A_1761 = arith.mulf %broadcast_in_dim3A_1726, %bitcast_convert_type3A_1758 : vector<16xf32>
        %add3A_1762 = arith.addf %add3A_1760, %mul3A_1761 : vector<16xf32>
        %add3A_1763 = arith.constant 128 : i32
        %add3A_1764 = arith.addi %add3A_1763, %add3A_1660 : i32
        %get3A_1765 = arith.index_cast %add3A_1764 : i32 to index
        %get3A_1766 = arith.constant 32 : index
        %get3A_1767 = tpu.vector_load %arg12[%get3A_1765, %get3A_1766] {strides = array<i32>} : memref<256x48xi32, #tpu.memory_space<vmem>>, vector<1x16xi32>,
        %get3A_1768 = vector.shape_cast %get3A_1767 : vector<1x16xi32> to vector<16xi32>
        %shift_left3A_1769 = arith.constant 16 : i32
        %shift_left3A_1770 = vector.broadcast %shift_left3A_1769 : i32 to vector<16xi32>
        %shift_left3A_1771 = arith.shli %get3A_1768, %shift_left3A_1770 : vector<16xi32>
        %bitcast_convert_type3A_1772 = tpu.bitcast %shift_left3A_1771 : vector<16xi32> -> vector<16xf32>
        %and3A_1773 = arith.constant -65536 : i32
        %and3A_1774 = vector.broadcast %and3A_1773 : i32 to vector<16xi32>
        %and3A_1775 = arith.andi %get3A_1768, %and3A_1774 : vector<16xi32>
        %bitcast_convert_type3A_1776 = tpu.bitcast %and3A_1775 : vector<16xi32> -> vector<16xf32>
        %mul3A_1777 = arith.mulf %broadcast_in_dim3A_1723, %bitcast_convert_type3A_1772 : vector<16xf32>
        %add3A_1778 = arith.addf %add3A_1720, %mul3A_1777 : vector<16xf32>
        %mul3A_1779 = arith.mulf %broadcast_in_dim3A_1726, %bitcast_convert_type3A_1776 : vector<16xf32>
        %add3A_1780 = arith.addf %add3A_1778, %mul3A_1779 : vector<16xf32>
        %add3A_1781 = arith.constant 11 : i32
        %add3A_1782 = arith.addi %mul3A_419, %add3A_1781 : i32
        %slice3A_1783 = vector.extract_strided_slice %get3A_428 {offsets = [11], sizes = [1], strides = [1]} : vector<16xf32> to vector<1xf32>
        %squeeze3A_1784 = vector.extract %slice3A_1783[0] : f32 from vector<1xf32>
        %broadcast_in_dim3A_1785 = vector.broadcast %squeeze3A_1784 : f32 to vector<16xf32>
        %slice3A_1786 = vector.extract_strided_slice %get3A_433 {offsets = [11], sizes = [1], strides = [1]} : vector<16xf32> to vector<1xf32>
        %squeeze3A_1787 = vector.extract %slice3A_1786[0] : f32 from vector<1xf32>
        %broadcast_in_dim3A_1788 = vector.broadcast %squeeze3A_1787 : f32 to vector<16xf32>
        %add3A_1789 = arith.constant 0 : i32
        %add3A_1790 = arith.addi %add3A_1789, %add3A_1782 : i32
        %get3A_1791 = arith.index_cast %add3A_1790 : i32 to index
        %get3A_1792 = arith.constant 0 : index
        %get3A_1793 = tpu.vector_load %arg12[%get3A_1791, %get3A_1792] {strides = array<i32>} : memref<256x48xi32, #tpu.memory_space<vmem>>, vector<1x16xi32>,
        %get3A_1794 = vector.shape_cast %get3A_1793 : vector<1x16xi32> to vector<16xi32>
        %shift_left3A_1795 = arith.constant 16 : i32
        %shift_left3A_1796 = vector.broadcast %shift_left3A_1795 : i32 to vector<16xi32>
        %shift_left3A_1797 = arith.shli %get3A_1794, %shift_left3A_1796 : vector<16xi32>
        %bitcast_convert_type3A_1798 = tpu.bitcast %shift_left3A_1797 : vector<16xi32> -> vector<16xf32>
        %and3A_1799 = arith.constant -65536 : i32
        %and3A_1800 = vector.broadcast %and3A_1799 : i32 to vector<16xi32>
        %and3A_1801 = arith.andi %get3A_1794, %and3A_1800 : vector<16xi32>
        %bitcast_convert_type3A_1802 = tpu.bitcast %and3A_1801 : vector<16xi32> -> vector<16xf32>
        %mul3A_1803 = arith.mulf %broadcast_in_dim3A_1785, %bitcast_convert_type3A_1798 : vector<16xf32>
        %add3A_1804 = arith.addf %add3A_1744, %mul3A_1803 : vector<16xf32>
        %mul3A_1805 = arith.mulf %broadcast_in_dim3A_1788, %bitcast_convert_type3A_1802 : vector<16xf32>
        %add3A_1806 = arith.addf %add3A_1804, %mul3A_1805 : vector<16xf32>
        %add3A_1807 = arith.constant 0 : i32
        %add3A_1808 = arith.addi %add3A_1807, %add3A_1782 : i32
        %get3A_1809 = arith.index_cast %add3A_1808 : i32 to index
        %get3A_1810 = arith.constant 16 : index
        %get3A_1811 = tpu.vector_load %arg12[%get3A_1809, %get3A_1810] {strides = array<i32>} : memref<256x48xi32, #tpu.memory_space<vmem>>, vector<1x16xi32>,
        %get3A_1812 = vector.shape_cast %get3A_1811 : vector<1x16xi32> to vector<16xi32>
        %shift_left3A_1813 = arith.constant 16 : i32
        %shift_left3A_1814 = vector.broadcast %shift_left3A_1813 : i32 to vector<16xi32>
        %shift_left3A_1815 = arith.shli %get3A_1812, %shift_left3A_1814 : vector<16xi32>
        %bitcast_convert_type3A_1816 = tpu.bitcast %shift_left3A_1815 : vector<16xi32> -> vector<16xf32>
        %and3A_1817 = arith.constant -65536 : i32
        %and3A_1818 = vector.broadcast %and3A_1817 : i32 to vector<16xi32>
        %and3A_1819 = arith.andi %get3A_1812, %and3A_1818 : vector<16xi32>
        %bitcast_convert_type3A_1820 = tpu.bitcast %and3A_1819 : vector<16xi32> -> vector<16xf32>
        %mul3A_1821 = arith.mulf %broadcast_in_dim3A_1785, %bitcast_convert_type3A_1816 : vector<16xf32>
        %add3A_1822 = arith.addf %add3A_1762, %mul3A_1821 : vector<16xf32>
        %mul3A_1823 = arith.mulf %broadcast_in_dim3A_1788, %bitcast_convert_type3A_1820 : vector<16xf32>
        %add3A_1824 = arith.addf %add3A_1822, %mul3A_1823 : vector<16xf32>
        %add3A_1825 = arith.constant 0 : i32
        %add3A_1826 = arith.addi %add3A_1825, %add3A_1782 : i32
        %get3A_1827 = arith.index_cast %add3A_1826 : i32 to index
        %get3A_1828 = arith.constant 32 : index
        %get3A_1829 = tpu.vector_load %arg12[%get3A_1827, %get3A_1828] {strides = array<i32>} : memref<256x48xi32, #tpu.memory_space<vmem>>, vector<1x16xi32>,
        %get3A_1830 = vector.shape_cast %get3A_1829 : vector<1x16xi32> to vector<16xi32>
        %shift_left3A_1831 = arith.constant 16 : i32
        %shift_left3A_1832 = vector.broadcast %shift_left3A_1831 : i32 to vector<16xi32>
        %shift_left3A_1833 = arith.shli %get3A_1830, %shift_left3A_1832 : vector<16xi32>
        %bitcast_convert_type3A_1834 = tpu.bitcast %shift_left3A_1833 : vector<16xi32> -> vector<16xf32>
        %and3A_1835 = arith.constant -65536 : i32
        %and3A_1836 = vector.broadcast %and3A_1835 : i32 to vector<16xi32>
        %and3A_1837 = arith.andi %get3A_1830, %and3A_1836 : vector<16xi32>
        %bitcast_convert_type3A_1838 = tpu.bitcast %and3A_1837 : vector<16xi32> -> vector<16xf32>
        %mul3A_1839 = arith.mulf %broadcast_in_dim3A_1785, %bitcast_convert_type3A_1834 : vector<16xf32>
        %add3A_1840 = arith.addf %add3A_1780, %mul3A_1839 : vector<16xf32>
        %mul3A_1841 = arith.mulf %broadcast_in_dim3A_1788, %bitcast_convert_type3A_1838 : vector<16xf32>
        %add3A_1842 = arith.addf %add3A_1840, %mul3A_1841 : vector<16xf32>
        %slice3A_1843 = vector.extract_strided_slice %get3A_438 {offsets = [11], sizes = [1], strides = [1]} : vector<16xf32> to vector<1xf32>
        %squeeze3A_1844 = vector.extract %slice3A_1843[0] : f32 from vector<1xf32>
        %broadcast_in_dim3A_1845 = vector.broadcast %squeeze3A_1844 : f32 to vector<16xf32>
        %slice3A_1846 = vector.extract_strided_slice %get3A_443 {offsets = [11], sizes = [1], strides = [1]} : vector<16xf32> to vector<1xf32>
        %squeeze3A_1847 = vector.extract %slice3A_1846[0] : f32 from vector<1xf32>
        %broadcast_in_dim3A_1848 = vector.broadcast %squeeze3A_1847 : f32 to vector<16xf32>
        %add3A_1849 = arith.constant 128 : i32
        %add3A_1850 = arith.addi %add3A_1849, %add3A_1782 : i32
        %get3A_1851 = arith.index_cast %add3A_1850 : i32 to index
        %get3A_1852 = arith.constant 0 : index
        %get3A_1853 = tpu.vector_load %arg12[%get3A_1851, %get3A_1852] {strides = array<i32>} : memref<256x48xi32, #tpu.memory_space<vmem>>, vector<1x16xi32>,
        %get3A_1854 = vector.shape_cast %get3A_1853 : vector<1x16xi32> to vector<16xi32>
        %shift_left3A_1855 = arith.constant 16 : i32
        %shift_left3A_1856 = vector.broadcast %shift_left3A_1855 : i32 to vector<16xi32>
        %shift_left3A_1857 = arith.shli %get3A_1854, %shift_left3A_1856 : vector<16xi32>
        %bitcast_convert_type3A_1858 = tpu.bitcast %shift_left3A_1857 : vector<16xi32> -> vector<16xf32>
        %and3A_1859 = arith.constant -65536 : i32
        %and3A_1860 = vector.broadcast %and3A_1859 : i32 to vector<16xi32>
        %and3A_1861 = arith.andi %get3A_1854, %and3A_1860 : vector<16xi32>
        %bitcast_convert_type3A_1862 = tpu.bitcast %and3A_1861 : vector<16xi32> -> vector<16xf32>
        %mul3A_1863 = arith.mulf %broadcast_in_dim3A_1845, %bitcast_convert_type3A_1858 : vector<16xf32>
        %add3A_1864 = arith.addf %add3A_1806, %mul3A_1863 : vector<16xf32>
        %mul3A_1865 = arith.mulf %broadcast_in_dim3A_1848, %bitcast_convert_type3A_1862 : vector<16xf32>
        %add3A_1866 = arith.addf %add3A_1864, %mul3A_1865 : vector<16xf32>
        %add3A_1867 = arith.constant 128 : i32
        %add3A_1868 = arith.addi %add3A_1867, %add3A_1782 : i32
        %get3A_1869 = arith.index_cast %add3A_1868 : i32 to index
        %get3A_1870 = arith.constant 16 : index
        %get3A_1871 = tpu.vector_load %arg12[%get3A_1869, %get3A_1870] {strides = array<i32>} : memref<256x48xi32, #tpu.memory_space<vmem>>, vector<1x16xi32>,
        %get3A_1872 = vector.shape_cast %get3A_1871 : vector<1x16xi32> to vector<16xi32>
        %shift_left3A_1873 = arith.constant 16 : i32
        %shift_left3A_1874 = vector.broadcast %shift_left3A_1873 : i32 to vector<16xi32>
        %shift_left3A_1875 = arith.shli %get3A_1872, %shift_left3A_1874 : vector<16xi32>
        %bitcast_convert_type3A_1876 = tpu.bitcast %shift_left3A_1875 : vector<16xi32> -> vector<16xf32>
        %and3A_1877 = arith.constant -65536 : i32
        %and3A_1878 = vector.broadcast %and3A_1877 : i32 to vector<16xi32>
        %and3A_1879 = arith.andi %get3A_1872, %and3A_1878 : vector<16xi32>
        %bitcast_convert_type3A_1880 = tpu.bitcast %and3A_1879 : vector<16xi32> -> vector<16xf32>
        %mul3A_1881 = arith.mulf %broadcast_in_dim3A_1845, %bitcast_convert_type3A_1876 : vector<16xf32>
        %add3A_1882 = arith.addf %add3A_1824, %mul3A_1881 : vector<16xf32>
        %mul3A_1883 = arith.mulf %broadcast_in_dim3A_1848, %bitcast_convert_type3A_1880 : vector<16xf32>
        %add3A_1884 = arith.addf %add3A_1882, %mul3A_1883 : vector<16xf32>
        %add3A_1885 = arith.constant 128 : i32
        %add3A_1886 = arith.addi %add3A_1885, %add3A_1782 : i32
        %get3A_1887 = arith.index_cast %add3A_1886 : i32 to index
        %get3A_1888 = arith.constant 32 : index
        %get3A_1889 = tpu.vector_load %arg12[%get3A_1887, %get3A_1888] {strides = array<i32>} : memref<256x48xi32, #tpu.memory_space<vmem>>, vector<1x16xi32>,
        %get3A_1890 = vector.shape_cast %get3A_1889 : vector<1x16xi32> to vector<16xi32>
        %shift_left3A_1891 = arith.constant 16 : i32
        %shift_left3A_1892 = vector.broadcast %shift_left3A_1891 : i32 to vector<16xi32>
        %shift_left3A_1893 = arith.shli %get3A_1890, %shift_left3A_1892 : vector<16xi32>
        %bitcast_convert_type3A_1894 = tpu.bitcast %shift_left3A_1893 : vector<16xi32> -> vector<16xf32>
        %and3A_1895 = arith.constant -65536 : i32
        %and3A_1896 = vector.broadcast %and3A_1895 : i32 to vector<16xi32>
        %and3A_1897 = arith.andi %get3A_1890, %and3A_1896 : vector<16xi32>
        %bitcast_convert_type3A_1898 = tpu.bitcast %and3A_1897 : vector<16xi32> -> vector<16xf32>
        %mul3A_1899 = arith.mulf %broadcast_in_dim3A_1845, %bitcast_convert_type3A_1894 : vector<16xf32>
        %add3A_1900 = arith.addf %add3A_1842, %mul3A_1899 : vector<16xf32>
        %mul3A_1901 = arith.mulf %broadcast_in_dim3A_1848, %bitcast_convert_type3A_1898 : vector<16xf32>
        %add3A_1902 = arith.addf %add3A_1900, %mul3A_1901 : vector<16xf32>
        %add3A_1903 = arith.constant 12 : i32
        %add3A_1904 = arith.addi %mul3A_419, %add3A_1903 : i32
        %slice3A_1905 = vector.extract_strided_slice %get3A_428 {offsets = [12], sizes = [1], strides = [1]} : vector<16xf32> to vector<1xf32>
        %squeeze3A_1906 = vector.extract %slice3A_1905[0] : f32 from vector<1xf32>
        %broadcast_in_dim3A_1907 = vector.broadcast %squeeze3A_1906 : f32 to vector<16xf32>
        %slice3A_1908 = vector.extract_strided_slice %get3A_433 {offsets = [12], sizes = [1], strides = [1]} : vector<16xf32> to vector<1xf32>
        %squeeze3A_1909 = vector.extract %slice3A_1908[0] : f32 from vector<1xf32>
        %broadcast_in_dim3A_1910 = vector.broadcast %squeeze3A_1909 : f32 to vector<16xf32>
        %add3A_1911 = arith.constant 0 : i32
        %add3A_1912 = arith.addi %add3A_1911, %add3A_1904 : i32
        %get3A_1913 = arith.index_cast %add3A_1912 : i32 to index
        %get3A_1914 = arith.constant 0 : index
        %get3A_1915 = tpu.vector_load %arg12[%get3A_1913, %get3A_1914] {strides = array<i32>} : memref<256x48xi32, #tpu.memory_space<vmem>>, vector<1x16xi32>,
        %get3A_1916 = vector.shape_cast %get3A_1915 : vector<1x16xi32> to vector<16xi32>
        %shift_left3A_1917 = arith.constant 16 : i32
        %shift_left3A_1918 = vector.broadcast %shift_left3A_1917 : i32 to vector<16xi32>
        %shift_left3A_1919 = arith.shli %get3A_1916, %shift_left3A_1918 : vector<16xi32>
        %bitcast_convert_type3A_1920 = tpu.bitcast %shift_left3A_1919 : vector<16xi32> -> vector<16xf32>
        %and3A_1921 = arith.constant -65536 : i32
        %and3A_1922 = vector.broadcast %and3A_1921 : i32 to vector<16xi32>
        %and3A_1923 = arith.andi %get3A_1916, %and3A_1922 : vector<16xi32>
        %bitcast_convert_type3A_1924 = tpu.bitcast %and3A_1923 : vector<16xi32> -> vector<16xf32>
        %mul3A_1925 = arith.mulf %broadcast_in_dim3A_1907, %bitcast_convert_type3A_1920 : vector<16xf32>
        %add3A_1926 = arith.addf %add3A_1866, %mul3A_1925 : vector<16xf32>
        %mul3A_1927 = arith.mulf %broadcast_in_dim3A_1910, %bitcast_convert_type3A_1924 : vector<16xf32>
        %add3A_1928 = arith.addf %add3A_1926, %mul3A_1927 : vector<16xf32>
        %add3A_1929 = arith.constant 0 : i32
        %add3A_1930 = arith.addi %add3A_1929, %add3A_1904 : i32
        %get3A_1931 = arith.index_cast %add3A_1930 : i32 to index
        %get3A_1932 = arith.constant 16 : index
        %get3A_1933 = tpu.vector_load %arg12[%get3A_1931, %get3A_1932] {strides = array<i32>} : memref<256x48xi32, #tpu.memory_space<vmem>>, vector<1x16xi32>,
        %get3A_1934 = vector.shape_cast %get3A_1933 : vector<1x16xi32> to vector<16xi32>
        %shift_left3A_1935 = arith.constant 16 : i32
        %shift_left3A_1936 = vector.broadcast %shift_left3A_1935 : i32 to vector<16xi32>
        %shift_left3A_1937 = arith.shli %get3A_1934, %shift_left3A_1936 : vector<16xi32>
        %bitcast_convert_type3A_1938 = tpu.bitcast %shift_left3A_1937 : vector<16xi32> -> vector<16xf32>
        %and3A_1939 = arith.constant -65536 : i32
        %and3A_1940 = vector.broadcast %and3A_1939 : i32 to vector<16xi32>
        %and3A_1941 = arith.andi %get3A_1934, %and3A_1940 : vector<16xi32>
        %bitcast_convert_type3A_1942 = tpu.bitcast %and3A_1941 : vector<16xi32> -> vector<16xf32>
        %mul3A_1943 = arith.mulf %broadcast_in_dim3A_1907, %bitcast_convert_type3A_1938 : vector<16xf32>
        %add3A_1944 = arith.addf %add3A_1884, %mul3A_1943 : vector<16xf32>
        %mul3A_1945 = arith.mulf %broadcast_in_dim3A_1910, %bitcast_convert_type3A_1942 : vector<16xf32>
        %add3A_1946 = arith.addf %add3A_1944, %mul3A_1945 : vector<16xf32>
        %add3A_1947 = arith.constant 0 : i32
        %add3A_1948 = arith.addi %add3A_1947, %add3A_1904 : i32
        %get3A_1949 = arith.index_cast %add3A_1948 : i32 to index
        %get3A_1950 = arith.constant 32 : index
        %get3A_1951 = tpu.vector_load %arg12[%get3A_1949, %get3A_1950] {strides = array<i32>} : memref<256x48xi32, #tpu.memory_space<vmem>>, vector<1x16xi32>,
        %get3A_1952 = vector.shape_cast %get3A_1951 : vector<1x16xi32> to vector<16xi32>
        %shift_left3A_1953 = arith.constant 16 : i32
        %shift_left3A_1954 = vector.broadcast %shift_left3A_1953 : i32 to vector<16xi32>
        %shift_left3A_1955 = arith.shli %get3A_1952, %shift_left3A_1954 : vector<16xi32>
        %bitcast_convert_type3A_1956 = tpu.bitcast %shift_left3A_1955 : vector<16xi32> -> vector<16xf32>
        %and3A_1957 = arith.constant -65536 : i32
        %and3A_1958 = vector.broadcast %and3A_1957 : i32 to vector<16xi32>
        %and3A_1959 = arith.andi %get3A_1952, %and3A_1958 : vector<16xi32>
        %bitcast_convert_type3A_1960 = tpu.bitcast %and3A_1959 : vector<16xi32> -> vector<16xf32>
        %mul3A_1961 = arith.mulf %broadcast_in_dim3A_1907, %bitcast_convert_type3A_1956 : vector<16xf32>
        %add3A_1962 = arith.addf %add3A_1902, %mul3A_1961 : vector<16xf32>
        %mul3A_1963 = arith.mulf %broadcast_in_dim3A_1910, %bitcast_convert_type3A_1960 : vector<16xf32>
        %add3A_1964 = arith.addf %add3A_1962, %mul3A_1963 : vector<16xf32>
        %slice3A_1965 = vector.extract_strided_slice %get3A_438 {offsets = [12], sizes = [1], strides = [1]} : vector<16xf32> to vector<1xf32>
        %squeeze3A_1966 = vector.extract %slice3A_1965[0] : f32 from vector<1xf32>
        %broadcast_in_dim3A_1967 = vector.broadcast %squeeze3A_1966 : f32 to vector<16xf32>
        %slice3A_1968 = vector.extract_strided_slice %get3A_443 {offsets = [12], sizes = [1], strides = [1]} : vector<16xf32> to vector<1xf32>
        %squeeze3A_1969 = vector.extract %slice3A_1968[0] : f32 from vector<1xf32>
        %broadcast_in_dim3A_1970 = vector.broadcast %squeeze3A_1969 : f32 to vector<16xf32>
        %add3A_1971 = arith.constant 128 : i32
        %add3A_1972 = arith.addi %add3A_1971, %add3A_1904 : i32
        %get3A_1973 = arith.index_cast %add3A_1972 : i32 to index
        %get3A_1974 = arith.constant 0 : index
        %get3A_1975 = tpu.vector_load %arg12[%get3A_1973, %get3A_1974] {strides = array<i32>} : memref<256x48xi32, #tpu.memory_space<vmem>>, vector<1x16xi32>,
        %get3A_1976 = vector.shape_cast %get3A_1975 : vector<1x16xi32> to vector<16xi32>
        %shift_left3A_1977 = arith.constant 16 : i32
        %shift_left3A_1978 = vector.broadcast %shift_left3A_1977 : i32 to vector<16xi32>
        %shift_left3A_1979 = arith.shli %get3A_1976, %shift_left3A_1978 : vector<16xi32>
        %bitcast_convert_type3A_1980 = tpu.bitcast %shift_left3A_1979 : vector<16xi32> -> vector<16xf32>
        %and3A_1981 = arith.constant -65536 : i32
        %and3A_1982 = vector.broadcast %and3A_1981 : i32 to vector<16xi32>
        %and3A_1983 = arith.andi %get3A_1976, %and3A_1982 : vector<16xi32>
        %bitcast_convert_type3A_1984 = tpu.bitcast %and3A_1983 : vector<16xi32> -> vector<16xf32>
        %mul3A_1985 = arith.mulf %broadcast_in_dim3A_1967, %bitcast_convert_type3A_1980 : vector<16xf32>
        %add3A_1986 = arith.addf %add3A_1928, %mul3A_1985 : vector<16xf32>
        %mul3A_1987 = arith.mulf %broadcast_in_dim3A_1970, %bitcast_convert_type3A_1984 : vector<16xf32>
        %add3A_1988 = arith.addf %add3A_1986, %mul3A_1987 : vector<16xf32>
        %add3A_1989 = arith.constant 128 : i32
        %add3A_1990 = arith.addi %add3A_1989, %add3A_1904 : i32
        %get3A_1991 = arith.index_cast %add3A_1990 : i32 to index
        %get3A_1992 = arith.constant 16 : index
        %get3A_1993 = tpu.vector_load %arg12[%get3A_1991, %get3A_1992] {strides = array<i32>} : memref<256x48xi32, #tpu.memory_space<vmem>>, vector<1x16xi32>,
        %get3A_1994 = vector.shape_cast %get3A_1993 : vector<1x16xi32> to vector<16xi32>
        %shift_left3A_1995 = arith.constant 16 : i32
        %shift_left3A_1996 = vector.broadcast %shift_left3A_1995 : i32 to vector<16xi32>
        %shift_left3A_1997 = arith.shli %get3A_1994, %shift_left3A_1996 : vector<16xi32>
        %bitcast_convert_type3A_1998 = tpu.bitcast %shift_left3A_1997 : vector<16xi32> -> vector<16xf32>
        %and3A_1999 = arith.constant -65536 : i32
        %and3A_2000 = vector.broadcast %and3A_1999 : i32 to vector<16xi32>
        %and3A_2001 = arith.andi %get3A_1994, %and3A_2000 : vector<16xi32>
        %bitcast_convert_type3A_2002 = tpu.bitcast %and3A_2001 : vector<16xi32> -> vector<16xf32>
        %mul3A_2003 = arith.mulf %broadcast_in_dim3A_1967, %bitcast_convert_type3A_1998 : vector<16xf32>
        %add3A_2004 = arith.addf %add3A_1946, %mul3A_2003 : vector<16xf32>
        %mul3A_2005 = arith.mulf %broadcast_in_dim3A_1970, %bitcast_convert_type3A_2002 : vector<16xf32>
        %add3A_2006 = arith.addf %add3A_2004, %mul3A_2005 : vector<16xf32>
        %add3A_2007 = arith.constant 128 : i32
        %add3A_2008 = arith.addi %add3A_2007, %add3A_1904 : i32
        %get3A_2009 = arith.index_cast %add3A_2008 : i32 to index
        %get3A_2010 = arith.constant 32 : index
        %get3A_2011 = tpu.vector_load %arg12[%get3A_2009, %get3A_2010] {strides = array<i32>} : memref<256x48xi32, #tpu.memory_space<vmem>>, vector<1x16xi32>,
        %get3A_2012 = vector.shape_cast %get3A_2011 : vector<1x16xi32> to vector<16xi32>
        %shift_left3A_2013 = arith.constant 16 : i32
        %shift_left3A_2014 = vector.broadcast %shift_left3A_2013 : i32 to vector<16xi32>
        %shift_left3A_2015 = arith.shli %get3A_2012, %shift_left3A_2014 : vector<16xi32>
        %bitcast_convert_type3A_2016 = tpu.bitcast %shift_left3A_2015 : vector<16xi32> -> vector<16xf32>
        %and3A_2017 = arith.constant -65536 : i32
        %and3A_2018 = vector.broadcast %and3A_2017 : i32 to vector<16xi32>
        %and3A_2019 = arith.andi %get3A_2012, %and3A_2018 : vector<16xi32>
        %bitcast_convert_type3A_2020 = tpu.bitcast %and3A_2019 : vector<16xi32> -> vector<16xf32>
        %mul3A_2021 = arith.mulf %broadcast_in_dim3A_1967, %bitcast_convert_type3A_2016 : vector<16xf32>
        %add3A_2022 = arith.addf %add3A_1964, %mul3A_2021 : vector<16xf32>
        %mul3A_2023 = arith.mulf %broadcast_in_dim3A_1970, %bitcast_convert_type3A_2020 : vector<16xf32>
        %add3A_2024 = arith.addf %add3A_2022, %mul3A_2023 : vector<16xf32>
        %add3A_2025 = arith.constant 13 : i32
        %add3A_2026 = arith.addi %mul3A_419, %add3A_2025 : i32
        %slice3A_2027 = vector.extract_strided_slice %get3A_428 {offsets = [13], sizes = [1], strides = [1]} : vector<16xf32> to vector<1xf32>
        %squeeze3A_2028 = vector.extract %slice3A_2027[0] : f32 from vector<1xf32>
        %broadcast_in_dim3A_2029 = vector.broadcast %squeeze3A_2028 : f32 to vector<16xf32>
        %slice3A_2030 = vector.extract_strided_slice %get3A_433 {offsets = [13], sizes = [1], strides = [1]} : vector<16xf32> to vector<1xf32>
        %squeeze3A_2031 = vector.extract %slice3A_2030[0] : f32 from vector<1xf32>
        %broadcast_in_dim3A_2032 = vector.broadcast %squeeze3A_2031 : f32 to vector<16xf32>
        %add3A_2033 = arith.constant 0 : i32
        %add3A_2034 = arith.addi %add3A_2033, %add3A_2026 : i32
        %get3A_2035 = arith.index_cast %add3A_2034 : i32 to index
        %get3A_2036 = arith.constant 0 : index
        %get3A_2037 = tpu.vector_load %arg12[%get3A_2035, %get3A_2036] {strides = array<i32>} : memref<256x48xi32, #tpu.memory_space<vmem>>, vector<1x16xi32>,
        %get3A_2038 = vector.shape_cast %get3A_2037 : vector<1x16xi32> to vector<16xi32>
        %shift_left3A_2039 = arith.constant 16 : i32
        %shift_left3A_2040 = vector.broadcast %shift_left3A_2039 : i32 to vector<16xi32>
        %shift_left3A_2041 = arith.shli %get3A_2038, %shift_left3A_2040 : vector<16xi32>
        %bitcast_convert_type3A_2042 = tpu.bitcast %shift_left3A_2041 : vector<16xi32> -> vector<16xf32>
        %and3A_2043 = arith.constant -65536 : i32
        %and3A_2044 = vector.broadcast %and3A_2043 : i32 to vector<16xi32>
        %and3A_2045 = arith.andi %get3A_2038, %and3A_2044 : vector<16xi32>
        %bitcast_convert_type3A_2046 = tpu.bitcast %and3A_2045 : vector<16xi32> -> vector<16xf32>
        %mul3A_2047 = arith.mulf %broadcast_in_dim3A_2029, %bitcast_convert_type3A_2042 : vector<16xf32>
        %add3A_2048 = arith.addf %add3A_1988, %mul3A_2047 : vector<16xf32>
        %mul3A_2049 = arith.mulf %broadcast_in_dim3A_2032, %bitcast_convert_type3A_2046 : vector<16xf32>
        %add3A_2050 = arith.addf %add3A_2048, %mul3A_2049 : vector<16xf32>
        %add3A_2051 = arith.constant 0 : i32
        %add3A_2052 = arith.addi %add3A_2051, %add3A_2026 : i32
        %get3A_2053 = arith.index_cast %add3A_2052 : i32 to index
        %get3A_2054 = arith.constant 16 : index
        %get3A_2055 = tpu.vector_load %arg12[%get3A_2053, %get3A_2054] {strides = array<i32>} : memref<256x48xi32, #tpu.memory_space<vmem>>, vector<1x16xi32>,
        %get3A_2056 = vector.shape_cast %get3A_2055 : vector<1x16xi32> to vector<16xi32>
        %shift_left3A_2057 = arith.constant 16 : i32
        %shift_left3A_2058 = vector.broadcast %shift_left3A_2057 : i32 to vector<16xi32>
        %shift_left3A_2059 = arith.shli %get3A_2056, %shift_left3A_2058 : vector<16xi32>
        %bitcast_convert_type3A_2060 = tpu.bitcast %shift_left3A_2059 : vector<16xi32> -> vector<16xf32>
        %and3A_2061 = arith.constant -65536 : i32
        %and3A_2062 = vector.broadcast %and3A_2061 : i32 to vector<16xi32>
        %and3A_2063 = arith.andi %get3A_2056, %and3A_2062 : vector<16xi32>
        %bitcast_convert_type3A_2064 = tpu.bitcast %and3A_2063 : vector<16xi32> -> vector<16xf32>
        %mul3A_2065 = arith.mulf %broadcast_in_dim3A_2029, %bitcast_convert_type3A_2060 : vector<16xf32>
        %add3A_2066 = arith.addf %add3A_2006, %mul3A_2065 : vector<16xf32>
        %mul3A_2067 = arith.mulf %broadcast_in_dim3A_2032, %bitcast_convert_type3A_2064 : vector<16xf32>
        %add3A_2068 = arith.addf %add3A_2066, %mul3A_2067 : vector<16xf32>
        %add3A_2069 = arith.constant 0 : i32
        %add3A_2070 = arith.addi %add3A_2069, %add3A_2026 : i32
        %get3A_2071 = arith.index_cast %add3A_2070 : i32 to index
        %get3A_2072 = arith.constant 32 : index
        %get3A_2073 = tpu.vector_load %arg12[%get3A_2071, %get3A_2072] {strides = array<i32>} : memref<256x48xi32, #tpu.memory_space<vmem>>, vector<1x16xi32>,
        %get3A_2074 = vector.shape_cast %get3A_2073 : vector<1x16xi32> to vector<16xi32>
        %shift_left3A_2075 = arith.constant 16 : i32
        %shift_left3A_2076 = vector.broadcast %shift_left3A_2075 : i32 to vector<16xi32>
        %shift_left3A_2077 = arith.shli %get3A_2074, %shift_left3A_2076 : vector<16xi32>
        %bitcast_convert_type3A_2078 = tpu.bitcast %shift_left3A_2077 : vector<16xi32> -> vector<16xf32>
        %and3A_2079 = arith.constant -65536 : i32
        %and3A_2080 = vector.broadcast %and3A_2079 : i32 to vector<16xi32>
        %and3A_2081 = arith.andi %get3A_2074, %and3A_2080 : vector<16xi32>
        %bitcast_convert_type3A_2082 = tpu.bitcast %and3A_2081 : vector<16xi32> -> vector<16xf32>
        %mul3A_2083 = arith.mulf %broadcast_in_dim3A_2029, %bitcast_convert_type3A_2078 : vector<16xf32>
        %add3A_2084 = arith.addf %add3A_2024, %mul3A_2083 : vector<16xf32>
        %mul3A_2085 = arith.mulf %broadcast_in_dim3A_2032, %bitcast_convert_type3A_2082 : vector<16xf32>
        %add3A_2086 = arith.addf %add3A_2084, %mul3A_2085 : vector<16xf32>
        %slice3A_2087 = vector.extract_strided_slice %get3A_438 {offsets = [13], sizes = [1], strides = [1]} : vector<16xf32> to vector<1xf32>
        %squeeze3A_2088 = vector.extract %slice3A_2087[0] : f32 from vector<1xf32>
        %broadcast_in_dim3A_2089 = vector.broadcast %squeeze3A_2088 : f32 to vector<16xf32>
        %slice3A_2090 = vector.extract_strided_slice %get3A_443 {offsets = [13], sizes = [1], strides = [1]} : vector<16xf32> to vector<1xf32>
        %squeeze3A_2091 = vector.extract %slice3A_2090[0] : f32 from vector<1xf32>
        %broadcast_in_dim3A_2092 = vector.broadcast %squeeze3A_2091 : f32 to vector<16xf32>
        %add3A_2093 = arith.constant 128 : i32
        %add3A_2094 = arith.addi %add3A_2093, %add3A_2026 : i32
        %get3A_2095 = arith.index_cast %add3A_2094 : i32 to index
        %get3A_2096 = arith.constant 0 : index
        %get3A_2097 = tpu.vector_load %arg12[%get3A_2095, %get3A_2096] {strides = array<i32>} : memref<256x48xi32, #tpu.memory_space<vmem>>, vector<1x16xi32>,
        %get3A_2098 = vector.shape_cast %get3A_2097 : vector<1x16xi32> to vector<16xi32>
        %shift_left3A_2099 = arith.constant 16 : i32
        %shift_left3A_2100 = vector.broadcast %shift_left3A_2099 : i32 to vector<16xi32>
        %shift_left3A_2101 = arith.shli %get3A_2098, %shift_left3A_2100 : vector<16xi32>
        %bitcast_convert_type3A_2102 = tpu.bitcast %shift_left3A_2101 : vector<16xi32> -> vector<16xf32>
        %and3A_2103 = arith.constant -65536 : i32
        %and3A_2104 = vector.broadcast %and3A_2103 : i32 to vector<16xi32>
        %and3A_2105 = arith.andi %get3A_2098, %and3A_2104 : vector<16xi32>
        %bitcast_convert_type3A_2106 = tpu.bitcast %and3A_2105 : vector<16xi32> -> vector<16xf32>
        %mul3A_2107 = arith.mulf %broadcast_in_dim3A_2089, %bitcast_convert_type3A_2102 : vector<16xf32>
        %add3A_2108 = arith.addf %add3A_2050, %mul3A_2107 : vector<16xf32>
        %mul3A_2109 = arith.mulf %broadcast_in_dim3A_2092, %bitcast_convert_type3A_2106 : vector<16xf32>
        %add3A_2110 = arith.addf %add3A_2108, %mul3A_2109 : vector<16xf32>
        %add3A_2111 = arith.constant 128 : i32
        %add3A_2112 = arith.addi %add3A_2111, %add3A_2026 : i32
        %get3A_2113 = arith.index_cast %add3A_2112 : i32 to index
        %get3A_2114 = arith.constant 16 : index
        %get3A_2115 = tpu.vector_load %arg12[%get3A_2113, %get3A_2114] {strides = array<i32>} : memref<256x48xi32, #tpu.memory_space<vmem>>, vector<1x16xi32>,
        %get3A_2116 = vector.shape_cast %get3A_2115 : vector<1x16xi32> to vector<16xi32>
        %shift_left3A_2117 = arith.constant 16 : i32
        %shift_left3A_2118 = vector.broadcast %shift_left3A_2117 : i32 to vector<16xi32>
        %shift_left3A_2119 = arith.shli %get3A_2116, %shift_left3A_2118 : vector<16xi32>
        %bitcast_convert_type3A_2120 = tpu.bitcast %shift_left3A_2119 : vector<16xi32> -> vector<16xf32>
        %and3A_2121 = arith.constant -65536 : i32
        %and3A_2122 = vector.broadcast %and3A_2121 : i32 to vector<16xi32>
        %and3A_2123 = arith.andi %get3A_2116, %and3A_2122 : vector<16xi32>
        %bitcast_convert_type3A_2124 = tpu.bitcast %and3A_2123 : vector<16xi32> -> vector<16xf32>
        %mul3A_2125 = arith.mulf %broadcast_in_dim3A_2089, %bitcast_convert_type3A_2120 : vector<16xf32>
        %add3A_2126 = arith.addf %add3A_2068, %mul3A_2125 : vector<16xf32>
        %mul3A_2127 = arith.mulf %broadcast_in_dim3A_2092, %bitcast_convert_type3A_2124 : vector<16xf32>
        %add3A_2128 = arith.addf %add3A_2126, %mul3A_2127 : vector<16xf32>
        %add3A_2129 = arith.constant 128 : i32
        %add3A_2130 = arith.addi %add3A_2129, %add3A_2026 : i32
        %get3A_2131 = arith.index_cast %add3A_2130 : i32 to index
        %get3A_2132 = arith.constant 32 : index
        %get3A_2133 = tpu.vector_load %arg12[%get3A_2131, %get3A_2132] {strides = array<i32>} : memref<256x48xi32, #tpu.memory_space<vmem>>, vector<1x16xi32>,
        %get3A_2134 = vector.shape_cast %get3A_2133 : vector<1x16xi32> to vector<16xi32>
        %shift_left3A_2135 = arith.constant 16 : i32
        %shift_left3A_2136 = vector.broadcast %shift_left3A_2135 : i32 to vector<16xi32>
        %shift_left3A_2137 = arith.shli %get3A_2134, %shift_left3A_2136 : vector<16xi32>
        %bitcast_convert_type3A_2138 = tpu.bitcast %shift_left3A_2137 : vector<16xi32> -> vector<16xf32>
        %and3A_2139 = arith.constant -65536 : i32
        %and3A_2140 = vector.broadcast %and3A_2139 : i32 to vector<16xi32>
        %and3A_2141 = arith.andi %get3A_2134, %and3A_2140 : vector<16xi32>
        %bitcast_convert_type3A_2142 = tpu.bitcast %and3A_2141 : vector<16xi32> -> vector<16xf32>
        %mul3A_2143 = arith.mulf %broadcast_in_dim3A_2089, %bitcast_convert_type3A_2138 : vector<16xf32>
        %add3A_2144 = arith.addf %add3A_2086, %mul3A_2143 : vector<16xf32>
        %mul3A_2145 = arith.mulf %broadcast_in_dim3A_2092, %bitcast_convert_type3A_2142 : vector<16xf32>
        %add3A_2146 = arith.addf %add3A_2144, %mul3A_2145 : vector<16xf32>
        %add3A_2147 = arith.constant 14 : i32
        %add3A_2148 = arith.addi %mul3A_419, %add3A_2147 : i32
        %slice3A_2149 = vector.extract_strided_slice %get3A_428 {offsets = [14], sizes = [1], strides = [1]} : vector<16xf32> to vector<1xf32>
        %squeeze3A_2150 = vector.extract %slice3A_2149[0] : f32 from vector<1xf32>
        %broadcast_in_dim3A_2151 = vector.broadcast %squeeze3A_2150 : f32 to vector<16xf32>
        %slice3A_2152 = vector.extract_strided_slice %get3A_433 {offsets = [14], sizes = [1], strides = [1]} : vector<16xf32> to vector<1xf32>
        %squeeze3A_2153 = vector.extract %slice3A_2152[0] : f32 from vector<1xf32>
        %broadcast_in_dim3A_2154 = vector.broadcast %squeeze3A_2153 : f32 to vector<16xf32>
        %add3A_2155 = arith.constant 0 : i32
        %add3A_2156 = arith.addi %add3A_2155, %add3A_2148 : i32
        %get3A_2157 = arith.index_cast %add3A_2156 : i32 to index
        %get3A_2158 = arith.constant 0 : index
        %get3A_2159 = tpu.vector_load %arg12[%get3A_2157, %get3A_2158] {strides = array<i32>} : memref<256x48xi32, #tpu.memory_space<vmem>>, vector<1x16xi32>,
        %get3A_2160 = vector.shape_cast %get3A_2159 : vector<1x16xi32> to vector<16xi32>
        %shift_left3A_2161 = arith.constant 16 : i32
        %shift_left3A_2162 = vector.broadcast %shift_left3A_2161 : i32 to vector<16xi32>
        %shift_left3A_2163 = arith.shli %get3A_2160, %shift_left3A_2162 : vector<16xi32>
        %bitcast_convert_type3A_2164 = tpu.bitcast %shift_left3A_2163 : vector<16xi32> -> vector<16xf32>
        %and3A_2165 = arith.constant -65536 : i32
        %and3A_2166 = vector.broadcast %and3A_2165 : i32 to vector<16xi32>
        %and3A_2167 = arith.andi %get3A_2160, %and3A_2166 : vector<16xi32>
        %bitcast_convert_type3A_2168 = tpu.bitcast %and3A_2167 : vector<16xi32> -> vector<16xf32>
        %mul3A_2169 = arith.mulf %broadcast_in_dim3A_2151, %bitcast_convert_type3A_2164 : vector<16xf32>
        %add3A_2170 = arith.addf %add3A_2110, %mul3A_2169 : vector<16xf32>
        %mul3A_2171 = arith.mulf %broadcast_in_dim3A_2154, %bitcast_convert_type3A_2168 : vector<16xf32>
        %add3A_2172 = arith.addf %add3A_2170, %mul3A_2171 : vector<16xf32>
        %add3A_2173 = arith.constant 0 : i32
        %add3A_2174 = arith.addi %add3A_2173, %add3A_2148 : i32
        %get3A_2175 = arith.index_cast %add3A_2174 : i32 to index
        %get3A_2176 = arith.constant 16 : index
        %get3A_2177 = tpu.vector_load %arg12[%get3A_2175, %get3A_2176] {strides = array<i32>} : memref<256x48xi32, #tpu.memory_space<vmem>>, vector<1x16xi32>,
        %get3A_2178 = vector.shape_cast %get3A_2177 : vector<1x16xi32> to vector<16xi32>
        %shift_left3A_2179 = arith.constant 16 : i32
        %shift_left3A_2180 = vector.broadcast %shift_left3A_2179 : i32 to vector<16xi32>
        %shift_left3A_2181 = arith.shli %get3A_2178, %shift_left3A_2180 : vector<16xi32>
        %bitcast_convert_type3A_2182 = tpu.bitcast %shift_left3A_2181 : vector<16xi32> -> vector<16xf32>
        %and3A_2183 = arith.constant -65536 : i32
        %and3A_2184 = vector.broadcast %and3A_2183 : i32 to vector<16xi32>
        %and3A_2185 = arith.andi %get3A_2178, %and3A_2184 : vector<16xi32>
        %bitcast_convert_type3A_2186 = tpu.bitcast %and3A_2185 : vector<16xi32> -> vector<16xf32>
        %mul3A_2187 = arith.mulf %broadcast_in_dim3A_2151, %bitcast_convert_type3A_2182 : vector<16xf32>
        %add3A_2188 = arith.addf %add3A_2128, %mul3A_2187 : vector<16xf32>
        %mul3A_2189 = arith.mulf %broadcast_in_dim3A_2154, %bitcast_convert_type3A_2186 : vector<16xf32>
        %add3A_2190 = arith.addf %add3A_2188, %mul3A_2189 : vector<16xf32>
        %add3A_2191 = arith.constant 0 : i32
        %add3A_2192 = arith.addi %add3A_2191, %add3A_2148 : i32
        %get3A_2193 = arith.index_cast %add3A_2192 : i32 to index
        %get3A_2194 = arith.constant 32 : index
        %get3A_2195 = tpu.vector_load %arg12[%get3A_2193, %get3A_2194] {strides = array<i32>} : memref<256x48xi32, #tpu.memory_space<vmem>>, vector<1x16xi32>,
        %get3A_2196 = vector.shape_cast %get3A_2195 : vector<1x16xi32> to vector<16xi32>
        %shift_left3A_2197 = arith.constant 16 : i32
        %shift_left3A_2198 = vector.broadcast %shift_left3A_2197 : i32 to vector<16xi32>
        %shift_left3A_2199 = arith.shli %get3A_2196, %shift_left3A_2198 : vector<16xi32>
        %bitcast_convert_type3A_2200 = tpu.bitcast %shift_left3A_2199 : vector<16xi32> -> vector<16xf32>
        %and3A_2201 = arith.constant -65536 : i32
        %and3A_2202 = vector.broadcast %and3A_2201 : i32 to vector<16xi32>
        %and3A_2203 = arith.andi %get3A_2196, %and3A_2202 : vector<16xi32>
        %bitcast_convert_type3A_2204 = tpu.bitcast %and3A_2203 : vector<16xi32> -> vector<16xf32>
        %mul3A_2205 = arith.mulf %broadcast_in_dim3A_2151, %bitcast_convert_type3A_2200 : vector<16xf32>
        %add3A_2206 = arith.addf %add3A_2146, %mul3A_2205 : vector<16xf32>
        %mul3A_2207 = arith.mulf %broadcast_in_dim3A_2154, %bitcast_convert_type3A_2204 : vector<16xf32>
        %add3A_2208 = arith.addf %add3A_2206, %mul3A_2207 : vector<16xf32>
        %slice3A_2209 = vector.extract_strided_slice %get3A_438 {offsets = [14], sizes = [1], strides = [1]} : vector<16xf32> to vector<1xf32>
        %squeeze3A_2210 = vector.extract %slice3A_2209[0] : f32 from vector<1xf32>
        %broadcast_in_dim3A_2211 = vector.broadcast %squeeze3A_2210 : f32 to vector<16xf32>
        %slice3A_2212 = vector.extract_strided_slice %get3A_443 {offsets = [14], sizes = [1], strides = [1]} : vector<16xf32> to vector<1xf32>
        %squeeze3A_2213 = vector.extract %slice3A_2212[0] : f32 from vector<1xf32>
        %broadcast_in_dim3A_2214 = vector.broadcast %squeeze3A_2213 : f32 to vector<16xf32>
        %add3A_2215 = arith.constant 128 : i32
        %add3A_2216 = arith.addi %add3A_2215, %add3A_2148 : i32
        %get3A_2217 = arith.index_cast %add3A_2216 : i32 to index
        %get3A_2218 = arith.constant 0 : index
        %get3A_2219 = tpu.vector_load %arg12[%get3A_2217, %get3A_2218] {strides = array<i32>} : memref<256x48xi32, #tpu.memory_space<vmem>>, vector<1x16xi32>,
        %get3A_2220 = vector.shape_cast %get3A_2219 : vector<1x16xi32> to vector<16xi32>
        %shift_left3A_2221 = arith.constant 16 : i32
        %shift_left3A_2222 = vector.broadcast %shift_left3A_2221 : i32 to vector<16xi32>
        %shift_left3A_2223 = arith.shli %get3A_2220, %shift_left3A_2222 : vector<16xi32>
        %bitcast_convert_type3A_2224 = tpu.bitcast %shift_left3A_2223 : vector<16xi32> -> vector<16xf32>
        %and3A_2225 = arith.constant -65536 : i32
        %and3A_2226 = vector.broadcast %and3A_2225 : i32 to vector<16xi32>
        %and3A_2227 = arith.andi %get3A_2220, %and3A_2226 : vector<16xi32>
        %bitcast_convert_type3A_2228 = tpu.bitcast %and3A_2227 : vector<16xi32> -> vector<16xf32>
        %mul3A_2229 = arith.mulf %broadcast_in_dim3A_2211, %bitcast_convert_type3A_2224 : vector<16xf32>
        %add3A_2230 = arith.addf %add3A_2172, %mul3A_2229 : vector<16xf32>
        %mul3A_2231 = arith.mulf %broadcast_in_dim3A_2214, %bitcast_convert_type3A_2228 : vector<16xf32>
        %add3A_2232 = arith.addf %add3A_2230, %mul3A_2231 : vector<16xf32>
        %add3A_2233 = arith.constant 128 : i32
        %add3A_2234 = arith.addi %add3A_2233, %add3A_2148 : i32
        %get3A_2235 = arith.index_cast %add3A_2234 : i32 to index
        %get3A_2236 = arith.constant 16 : index
        %get3A_2237 = tpu.vector_load %arg12[%get3A_2235, %get3A_2236] {strides = array<i32>} : memref<256x48xi32, #tpu.memory_space<vmem>>, vector<1x16xi32>,
        %get3A_2238 = vector.shape_cast %get3A_2237 : vector<1x16xi32> to vector<16xi32>
        %shift_left3A_2239 = arith.constant 16 : i32
        %shift_left3A_2240 = vector.broadcast %shift_left3A_2239 : i32 to vector<16xi32>
        %shift_left3A_2241 = arith.shli %get3A_2238, %shift_left3A_2240 : vector<16xi32>
        %bitcast_convert_type3A_2242 = tpu.bitcast %shift_left3A_2241 : vector<16xi32> -> vector<16xf32>
        %and3A_2243 = arith.constant -65536 : i32
        %and3A_2244 = vector.broadcast %and3A_2243 : i32 to vector<16xi32>
        %and3A_2245 = arith.andi %get3A_2238, %and3A_2244 : vector<16xi32>
        %bitcast_convert_type3A_2246 = tpu.bitcast %and3A_2245 : vector<16xi32> -> vector<16xf32>
        %mul3A_2247 = arith.mulf %broadcast_in_dim3A_2211, %bitcast_convert_type3A_2242 : vector<16xf32>
        %add3A_2248 = arith.addf %add3A_2190, %mul3A_2247 : vector<16xf32>
        %mul3A_2249 = arith.mulf %broadcast_in_dim3A_2214, %bitcast_convert_type3A_2246 : vector<16xf32>
        %add3A_2250 = arith.addf %add3A_2248, %mul3A_2249 : vector<16xf32>
        %add3A_2251 = arith.constant 128 : i32
        %add3A_2252 = arith.addi %add3A_2251, %add3A_2148 : i32
        %get3A_2253 = arith.index_cast %add3A_2252 : i32 to index
        %get3A_2254 = arith.constant 32 : index
        %get3A_2255 = tpu.vector_load %arg12[%get3A_2253, %get3A_2254] {strides = array<i32>} : memref<256x48xi32, #tpu.memory_space<vmem>>, vector<1x16xi32>,
        %get3A_2256 = vector.shape_cast %get3A_2255 : vector<1x16xi32> to vector<16xi32>
        %shift_left3A_2257 = arith.constant 16 : i32
        %shift_left3A_2258 = vector.broadcast %shift_left3A_2257 : i32 to vector<16xi32>
        %shift_left3A_2259 = arith.shli %get3A_2256, %shift_left3A_2258 : vector<16xi32>
        %bitcast_convert_type3A_2260 = tpu.bitcast %shift_left3A_2259 : vector<16xi32> -> vector<16xf32>
        %and3A_2261 = arith.constant -65536 : i32
        %and3A_2262 = vector.broadcast %and3A_2261 : i32 to vector<16xi32>
        %and3A_2263 = arith.andi %get3A_2256, %and3A_2262 : vector<16xi32>
        %bitcast_convert_type3A_2264 = tpu.bitcast %and3A_2263 : vector<16xi32> -> vector<16xf32>
        %mul3A_2265 = arith.mulf %broadcast_in_dim3A_2211, %bitcast_convert_type3A_2260 : vector<16xf32>
        %add3A_2266 = arith.addf %add3A_2208, %mul3A_2265 : vector<16xf32>
        %mul3A_2267 = arith.mulf %broadcast_in_dim3A_2214, %bitcast_convert_type3A_2264 : vector<16xf32>
        %add3A_2268 = arith.addf %add3A_2266, %mul3A_2267 : vector<16xf32>
        %add3A_2269 = arith.constant 15 : i32
        %add3A_2270 = arith.addi %mul3A_419, %add3A_2269 : i32
        %slice3A_2271 = vector.extract_strided_slice %get3A_428 {offsets = [15], sizes = [1], strides = [1]} : vector<16xf32> to vector<1xf32>
        %squeeze3A_2272 = vector.extract %slice3A_2271[0] : f32 from vector<1xf32>
        %broadcast_in_dim3A_2273 = vector.broadcast %squeeze3A_2272 : f32 to vector<16xf32>
        %slice3A_2274 = vector.extract_strided_slice %get3A_433 {offsets = [15], sizes = [1], strides = [1]} : vector<16xf32> to vector<1xf32>
        %squeeze3A_2275 = vector.extract %slice3A_2274[0] : f32 from vector<1xf32>
        %broadcast_in_dim3A_2276 = vector.broadcast %squeeze3A_2275 : f32 to vector<16xf32>
        %add3A_2277 = arith.constant 0 : i32
        %add3A_2278 = arith.addi %add3A_2277, %add3A_2270 : i32
        %get3A_2279 = arith.index_cast %add3A_2278 : i32 to index
        %get3A_2280 = arith.constant 0 : index
        %get3A_2281 = tpu.vector_load %arg12[%get3A_2279, %get3A_2280] {strides = array<i32>} : memref<256x48xi32, #tpu.memory_space<vmem>>, vector<1x16xi32>,
        %get3A_2282 = vector.shape_cast %get3A_2281 : vector<1x16xi32> to vector<16xi32>
        %shift_left3A_2283 = arith.constant 16 : i32
        %shift_left3A_2284 = vector.broadcast %shift_left3A_2283 : i32 to vector<16xi32>
        %shift_left3A_2285 = arith.shli %get3A_2282, %shift_left3A_2284 : vector<16xi32>
        %bitcast_convert_type3A_2286 = tpu.bitcast %shift_left3A_2285 : vector<16xi32> -> vector<16xf32>
        %and3A_2287 = arith.constant -65536 : i32
        %and3A_2288 = vector.broadcast %and3A_2287 : i32 to vector<16xi32>
        %and3A_2289 = arith.andi %get3A_2282, %and3A_2288 : vector<16xi32>
        %bitcast_convert_type3A_2290 = tpu.bitcast %and3A_2289 : vector<16xi32> -> vector<16xf32>
        %mul3A_2291 = arith.mulf %broadcast_in_dim3A_2273, %bitcast_convert_type3A_2286 : vector<16xf32>
        %add3A_2292 = arith.addf %add3A_2232, %mul3A_2291 : vector<16xf32>
        %mul3A_2293 = arith.mulf %broadcast_in_dim3A_2276, %bitcast_convert_type3A_2290 : vector<16xf32>
        %add3A_2294 = arith.addf %add3A_2292, %mul3A_2293 : vector<16xf32>
        %add3A_2295 = arith.constant 0 : i32
        %add3A_2296 = arith.addi %add3A_2295, %add3A_2270 : i32
        %get3A_2297 = arith.index_cast %add3A_2296 : i32 to index
        %get3A_2298 = arith.constant 16 : index
        %get3A_2299 = tpu.vector_load %arg12[%get3A_2297, %get3A_2298] {strides = array<i32>} : memref<256x48xi32, #tpu.memory_space<vmem>>, vector<1x16xi32>,
        %get3A_2300 = vector.shape_cast %get3A_2299 : vector<1x16xi32> to vector<16xi32>
        %shift_left3A_2301 = arith.constant 16 : i32
        %shift_left3A_2302 = vector.broadcast %shift_left3A_2301 : i32 to vector<16xi32>
        %shift_left3A_2303 = arith.shli %get3A_2300, %shift_left3A_2302 : vector<16xi32>
        %bitcast_convert_type3A_2304 = tpu.bitcast %shift_left3A_2303 : vector<16xi32> -> vector<16xf32>
        %and3A_2305 = arith.constant -65536 : i32
        %and3A_2306 = vector.broadcast %and3A_2305 : i32 to vector<16xi32>
        %and3A_2307 = arith.andi %get3A_2300, %and3A_2306 : vector<16xi32>
        %bitcast_convert_type3A_2308 = tpu.bitcast %and3A_2307 : vector<16xi32> -> vector<16xf32>
        %mul3A_2309 = arith.mulf %broadcast_in_dim3A_2273, %bitcast_convert_type3A_2304 : vector<16xf32>
        %add3A_2310 = arith.addf %add3A_2250, %mul3A_2309 : vector<16xf32>
        %mul3A_2311 = arith.mulf %broadcast_in_dim3A_2276, %bitcast_convert_type3A_2308 : vector<16xf32>
        %add3A_2312 = arith.addf %add3A_2310, %mul3A_2311 : vector<16xf32>
        %add3A_2313 = arith.constant 0 : i32
        %add3A_2314 = arith.addi %add3A_2313, %add3A_2270 : i32
        %get3A_2315 = arith.index_cast %add3A_2314 : i32 to index
        %get3A_2316 = arith.constant 32 : index
        %get3A_2317 = tpu.vector_load %arg12[%get3A_2315, %get3A_2316] {strides = array<i32>} : memref<256x48xi32, #tpu.memory_space<vmem>>, vector<1x16xi32>,
        %get3A_2318 = vector.shape_cast %get3A_2317 : vector<1x16xi32> to vector<16xi32>
        %shift_left3A_2319 = arith.constant 16 : i32
        %shift_left3A_2320 = vector.broadcast %shift_left3A_2319 : i32 to vector<16xi32>
        %shift_left3A_2321 = arith.shli %get3A_2318, %shift_left3A_2320 : vector<16xi32>
        %bitcast_convert_type3A_2322 = tpu.bitcast %shift_left3A_2321 : vector<16xi32> -> vector<16xf32>
        %and3A_2323 = arith.constant -65536 : i32
        %and3A_2324 = vector.broadcast %and3A_2323 : i32 to vector<16xi32>
        %and3A_2325 = arith.andi %get3A_2318, %and3A_2324 : vector<16xi32>
        %bitcast_convert_type3A_2326 = tpu.bitcast %and3A_2325 : vector<16xi32> -> vector<16xf32>
        %mul3A_2327 = arith.mulf %broadcast_in_dim3A_2273, %bitcast_convert_type3A_2322 : vector<16xf32>
        %add3A_2328 = arith.addf %add3A_2268, %mul3A_2327 : vector<16xf32>
        %mul3A_2329 = arith.mulf %broadcast_in_dim3A_2276, %bitcast_convert_type3A_2326 : vector<16xf32>
        %add3A_2330 = arith.addf %add3A_2328, %mul3A_2329 : vector<16xf32>
        %slice3A_2331 = vector.extract_strided_slice %get3A_438 {offsets = [15], sizes = [1], strides = [1]} : vector<16xf32> to vector<1xf32>
        %squeeze3A_2332 = vector.extract %slice3A_2331[0] : f32 from vector<1xf32>
        %broadcast_in_dim3A_2333 = vector.broadcast %squeeze3A_2332 : f32 to vector<16xf32>
        %slice3A_2334 = vector.extract_strided_slice %get3A_443 {offsets = [15], sizes = [1], strides = [1]} : vector<16xf32> to vector<1xf32>
        %squeeze3A_2335 = vector.extract %slice3A_2334[0] : f32 from vector<1xf32>
        %broadcast_in_dim3A_2336 = vector.broadcast %squeeze3A_2335 : f32 to vector<16xf32>
        %add3A_2337 = arith.constant 128 : i32
        %add3A_2338 = arith.addi %add3A_2337, %add3A_2270 : i32
        %get3A_2339 = arith.index_cast %add3A_2338 : i32 to index
        %get3A_2340 = arith.constant 0 : index
        %get3A_2341 = tpu.vector_load %arg12[%get3A_2339, %get3A_2340] {strides = array<i32>} : memref<256x48xi32, #tpu.memory_space<vmem>>, vector<1x16xi32>,
        %get3A_2342 = vector.shape_cast %get3A_2341 : vector<1x16xi32> to vector<16xi32>
        %shift_left3A_2343 = arith.constant 16 : i32
        %shift_left3A_2344 = vector.broadcast %shift_left3A_2343 : i32 to vector<16xi32>
        %shift_left3A_2345 = arith.shli %get3A_2342, %shift_left3A_2344 : vector<16xi32>
        %bitcast_convert_type3A_2346 = tpu.bitcast %shift_left3A_2345 : vector<16xi32> -> vector<16xf32>
        %and3A_2347 = arith.constant -65536 : i32
        %and3A_2348 = vector.broadcast %and3A_2347 : i32 to vector<16xi32>
        %and3A_2349 = arith.andi %get3A_2342, %and3A_2348 : vector<16xi32>
        %bitcast_convert_type3A_2350 = tpu.bitcast %and3A_2349 : vector<16xi32> -> vector<16xf32>
        %mul3A_2351 = arith.mulf %broadcast_in_dim3A_2333, %bitcast_convert_type3A_2346 : vector<16xf32>
        %add3A_2352 = arith.addf %add3A_2294, %mul3A_2351 : vector<16xf32>
        %mul3A_2353 = arith.mulf %broadcast_in_dim3A_2336, %bitcast_convert_type3A_2350 : vector<16xf32>
        %add3A_2354 = arith.addf %add3A_2352, %mul3A_2353 : vector<16xf32>
        %add3A_2355 = arith.constant 128 : i32
        %add3A_2356 = arith.addi %add3A_2355, %add3A_2270 : i32
        %get3A_2357 = arith.index_cast %add3A_2356 : i32 to index
        %get3A_2358 = arith.constant 16 : index
        %get3A_2359 = tpu.vector_load %arg12[%get3A_2357, %get3A_2358] {strides = array<i32>} : memref<256x48xi32, #tpu.memory_space<vmem>>, vector<1x16xi32>,
        %get3A_2360 = vector.shape_cast %get3A_2359 : vector<1x16xi32> to vector<16xi32>
        %shift_left3A_2361 = arith.constant 16 : i32
        %shift_left3A_2362 = vector.broadcast %shift_left3A_2361 : i32 to vector<16xi32>
        %shift_left3A_2363 = arith.shli %get3A_2360, %shift_left3A_2362 : vector<16xi32>
        %bitcast_convert_type3A_2364 = tpu.bitcast %shift_left3A_2363 : vector<16xi32> -> vector<16xf32>
        %and3A_2365 = arith.constant -65536 : i32
        %and3A_2366 = vector.broadcast %and3A_2365 : i32 to vector<16xi32>
        %and3A_2367 = arith.andi %get3A_2360, %and3A_2366 : vector<16xi32>
        %bitcast_convert_type3A_2368 = tpu.bitcast %and3A_2367 : vector<16xi32> -> vector<16xf32>
        %mul3A_2369 = arith.mulf %broadcast_in_dim3A_2333, %bitcast_convert_type3A_2364 : vector<16xf32>
        %add3A_2370 = arith.addf %add3A_2312, %mul3A_2369 : vector<16xf32>
        %mul3A_2371 = arith.mulf %broadcast_in_dim3A_2336, %bitcast_convert_type3A_2368 : vector<16xf32>
        %add3A_2372 = arith.addf %add3A_2370, %mul3A_2371 : vector<16xf32>
        %add3A_2373 = arith.constant 128 : i32
        %add3A_2374 = arith.addi %add3A_2373, %add3A_2270 : i32
        %get3A_2375 = arith.index_cast %add3A_2374 : i32 to index
        %get3A_2376 = arith.constant 32 : index
        %get3A_2377 = tpu.vector_load %arg12[%get3A_2375, %get3A_2376] {strides = array<i32>} : memref<256x48xi32, #tpu.memory_space<vmem>>, vector<1x16xi32>,
        %get3A_2378 = vector.shape_cast %get3A_2377 : vector<1x16xi32> to vector<16xi32>
        %shift_left3A_2379 = arith.constant 16 : i32
        %shift_left3A_2380 = vector.broadcast %shift_left3A_2379 : i32 to vector<16xi32>
        %shift_left3A_2381 = arith.shli %get3A_2378, %shift_left3A_2380 : vector<16xi32>
        %bitcast_convert_type3A_2382 = tpu.bitcast %shift_left3A_2381 : vector<16xi32> -> vector<16xf32>
        %and3A_2383 = arith.constant -65536 : i32
        %and3A_2384 = vector.broadcast %and3A_2383 : i32 to vector<16xi32>
        %and3A_2385 = arith.andi %get3A_2378, %and3A_2384 : vector<16xi32>
        %bitcast_convert_type3A_2386 = tpu.bitcast %and3A_2385 : vector<16xi32> -> vector<16xf32>
        %mul3A_2387 = arith.mulf %broadcast_in_dim3A_2333, %bitcast_convert_type3A_2382 : vector<16xf32>
        %add3A_2388 = arith.addf %add3A_2330, %mul3A_2387 : vector<16xf32>
        %mul3A_2389 = arith.mulf %broadcast_in_dim3A_2336, %bitcast_convert_type3A_2386 : vector<16xf32>
        %add3A_2390 = arith.addf %add3A_2388, %mul3A_2389 : vector<16xf32>
        %mul3A_2391 = arith.constant 48 : i32
        %mul3A_2392 = arith.muli %scan3A_417, %mul3A_2391 : i32
        %add3A_2393 = arith.constant 0 : i32
        %add3A_2394 = arith.addi %add3A_2393, %mul3A_2392 : i32
        %add3A_2395 = arith.constant 0 : i32
        %add3A_2396 = arith.addi %add3A_2394, %add3A_2395 : i32
        %swap3A = arith.index_cast %add3A_2396 : i32 to index
        %swap3A_2397 = tpu.vector_load %arg16[%swap3A] {strides = array<i32>} : memref<768xf32, #tpu.memory_space<vmem>>, vector<16xf32>,
        %swap3A_2398 = vector.shape_cast %swap3A_2397 : vector<16xf32> to vector<16xf32>
        %swap3A_2399 = vector.shape_cast %add3A_2354 : vector<16xf32> to vector<16xf32>
        tpu.vector_store %arg16[%swap3A], %swap3A_2399 {strides = array<i32>} : memref<768xf32, #tpu.memory_space<vmem>>, vector<16xf32>,
        %mul3A_2400 = arith.constant 48 : i32
        %mul3A_2401 = arith.muli %scan3A_417, %mul3A_2400 : i32
        %add3A_2402 = arith.constant 0 : i32
        %add3A_2403 = arith.addi %add3A_2402, %mul3A_2401 : i32
        %add3A_2404 = arith.constant 16 : i32
        %add3A_2405 = arith.addi %add3A_2403, %add3A_2404 : i32
        %swap3A_2406 = arith.index_cast %add3A_2405 : i32 to index
        %swap3A_2407 = tpu.vector_load %arg16[%swap3A_2406] {strides = array<i32>} : memref<768xf32, #tpu.memory_space<vmem>>, vector<16xf32>,
        %swap3A_2408 = vector.shape_cast %swap3A_2407 : vector<16xf32> to vector<16xf32>
        %swap3A_2409 = vector.shape_cast %add3A_2372 : vector<16xf32> to vector<16xf32>
        tpu.vector_store %arg16[%swap3A_2406], %swap3A_2409 {strides = array<i32>} : memref<768xf32, #tpu.memory_space<vmem>>, vector<16xf32>,
        %mul3A_2410 = arith.constant 48 : i32
        %mul3A_2411 = arith.muli %scan3A_417, %mul3A_2410 : i32
        %add3A_2412 = arith.constant 0 : i32
        %add3A_2413 = arith.addi %add3A_2412, %mul3A_2411 : i32
        %add3A_2414 = arith.constant 32 : i32
        %add3A_2415 = arith.addi %add3A_2413, %add3A_2414 : i32
        %swap3A_2416 = arith.index_cast %add3A_2415 : i32 to index
        %swap3A_2417 = tpu.vector_load %arg16[%swap3A_2416] {strides = array<i32>} : memref<768xf32, #tpu.memory_space<vmem>>, vector<16xf32>,
        %swap3A_2418 = vector.shape_cast %swap3A_2417 : vector<16xf32> to vector<16xf32>
        %swap3A_2419 = vector.shape_cast %add3A_2390 : vector<16xf32> to vector<16xf32>
        tpu.vector_store %arg16[%swap3A_2416], %swap3A_2419 {strides = array<i32>} : memref<768xf32, #tpu.memory_space<vmem>>, vector<16xf32>,
      }
      %scan3A_271 = arith.constant 8 : i32
      %add3A_272 = arith.addi %mul3A_2, %add3A_198 : i32
      %mul3A_273 = arith.constant 128 : i32
      %mul3A_274 = arith.muli %add3A_272, %mul3A_273 : i32
      %add3A_275 = arith.constant 0 : i32
      %add3A_276 = arith.addi %add3A_275, %mul3A_274 : i32
      %dma_start3A_277 = arith.constant 0 : i32
      %dma_start3A_278 = tpu.memref_slice %arg16[%dma_start3A_277] : memref<768xf32, #tpu.memory_space<vmem>> -> memref<128xf32, #tpu.memory_space<vmem>>
      %dma_start3A_279 = tpu.memref_slice %arg9[%add3A_276] : memref<3145728xf32, #tpu.memory_space<hbm>> -> memref<128xf32, #tpu.memory_space<hbm>>
      %dma_start3A_280 = tpu.memref_slice %arg9[%add3A_276] : memref<3145728xf32, #tpu.memory_space<hbm>> -> memref<128xf32, #tpu.memory_space<hbm>>
      %dma_start3A_281 = arith.constant 0 : i32
      %dma_start3A_282 = tpu.memref_slice %arg16[%dma_start3A_281] : memref<768xf32, #tpu.memory_space<vmem>> -> memref<128xf32, #tpu.memory_space<vmem>>
      tpu.enqueue_dma source(%dma_start3A_282 : memref<128xf32, #tpu.memory_space<vmem>>) target(%dma_start3A_280 : memref<128xf32, #tpu.memory_space<hbm>>) target_semaphore(%arg23 : memref<!tpu.dma_semaphore, #tpu.memory_space<semaphore_mem>>)
      %add3A_283 = arith.addi %mul3A_2, %add3A_198 : i32
      %mul3A_284 = arith.constant 128 : i32
      %mul3A_285 = arith.muli %add3A_283, %mul3A_284 : i32
      %add3A_286 = arith.constant 1048576 : i32
      %add3A_287 = arith.addi %add3A_286, %mul3A_285 : i32
      %dma_start3A_288 = arith.constant 128 : i32
      %dma_start3A_289 = tpu.memref_slice %arg16[%dma_start3A_288] : memref<768xf32, #tpu.memory_space<vmem>> -> memref<128xf32, #tpu.memory_space<vmem>>
      %dma_start3A_290 = tpu.memref_slice %arg9[%add3A_287] : memref<3145728xf32, #tpu.memory_space<hbm>> -> memref<128xf32, #tpu.memory_space<hbm>>
      %dma_start3A_291 = tpu.memref_slice %arg9[%add3A_287] : memref<3145728xf32, #tpu.memory_space<hbm>> -> memref<128xf32, #tpu.memory_space<hbm>>
      %dma_start3A_292 = arith.constant 128 : i32
      %dma_start3A_293 = tpu.memref_slice %arg16[%dma_start3A_292] : memref<768xf32, #tpu.memory_space<vmem>> -> memref<128xf32, #tpu.memory_space<vmem>>
      tpu.enqueue_dma source(%dma_start3A_293 : memref<128xf32, #tpu.memory_space<vmem>>) target(%dma_start3A_291 : memref<128xf32, #tpu.memory_space<hbm>>) target_semaphore(%arg23 : memref<!tpu.dma_semaphore, #tpu.memory_space<semaphore_mem>>)
      %add3A_294 = arith.addi %mul3A_2, %add3A_198 : i32
      %mul3A_295 = arith.constant 128 : i32
      %mul3A_296 = arith.muli %add3A_294, %mul3A_295 : i32
      %add3A_297 = arith.constant 2097152 : i32
      %add3A_298 = arith.addi %add3A_297, %mul3A_296 : i32
      %dma_start3A_299 = arith.constant 256 : i32
      %dma_start3A_300 = tpu.memref_slice %arg16[%dma_start3A_299] : memref<768xf32, #tpu.memory_space<vmem>> -> memref<128xf32, #tpu.memory_space<vmem>>
      %dma_start3A_301 = tpu.memref_slice %arg9[%add3A_298] : memref<3145728xf32, #tpu.memory_space<hbm>> -> memref<128xf32, #tpu.memory_space<hbm>>
      %dma_start3A_302 = tpu.memref_slice %arg9[%add3A_298] : memref<3145728xf32, #tpu.memory_space<hbm>> -> memref<128xf32, #tpu.memory_space<hbm>>
      %dma_start3A_303 = arith.constant 256 : i32
      %dma_start3A_304 = tpu.memref_slice %arg16[%dma_start3A_303] : memref<768xf32, #tpu.memory_space<vmem>> -> memref<128xf32, #tpu.memory_space<vmem>>
      tpu.enqueue_dma source(%dma_start3A_304 : memref<128xf32, #tpu.memory_space<vmem>>) target(%dma_start3A_302 : memref<128xf32, #tpu.memory_space<hbm>>) target_semaphore(%arg23 : memref<!tpu.dma_semaphore, #tpu.memory_space<semaphore_mem>>)
      %add3A_305 = arith.constant 1 : i32
      %add3A_306 = arith.addi %mul3A_196, %add3A_305 : i32
      %add3A_307 = arith.constant 1 : i32
      %add3A_308 = arith.addi %add3A_306, %add3A_307 : i32
      %lt3A_309 = arith.constant 256 : i32
      %lt3A_310 = arith.cmpi slt, %add3A_308, %lt3A_309 : i32
      %convert_element_type3A_311 = arith.extui %lt3A_310 : i1 to i32
      %cond3A_312 = arith.constant 0 : i32
      %cond3A_313 = arith.cmpi ne, %convert_element_type3A_311, %cond3A_312 : i32
      scf.if %cond3A_313 {
        %add3A_417 = arith.constant 1 : i32
        %add3A_418 = arith.addi %add3A_306, %add3A_417 : i32
        %add3A_419 = arith.addi %mul3A_2, %add3A_418 : i32
        %mul3A_420 = arith.constant 128 : i32
        %mul3A_421 = arith.muli %add3A_419, %mul3A_420 : i32
        %dma_wait3A_422 = arith.constant 0 : i32
        %dma_wait3A_423 = tpu.memref_slice %arg10[%dma_wait3A_422] : memref<256xi32, #tpu.memory_space<vmem>> -> memref<128xi32, #tpu.memory_space<vmem>>
        %dma_wait3A_424 = tpu.memref_slice %arg3[%mul3A_421] : memref<1048576xi32, #tpu.memory_space<hbm>> -> memref<128xi32, #tpu.memory_space<hbm>>
        %dma_wait3A_425 = arith.constant 0 : i32
        %dma_wait3A_426 = tpu.memref_slice %arg10[%dma_wait3A_425] : memref<256xi32, #tpu.memory_space<vmem>> -> memref<128xi32, #tpu.memory_space<vmem>>
        %dma_wait3A_427 = tpu.memref_slice %arg3[%mul3A_421] : memref<1048576xi32, #tpu.memory_space<hbm>> -> memref<128xi32, #tpu.memory_space<hbm>>
        tpu.wait_dma2 semaphore(%arg21 : memref<!tpu.dma_semaphore, #tpu.memory_space<semaphore_mem>>) src(%dma_wait3A_427 : memref<128xi32, #tpu.memory_space<hbm>>) dst(%dma_wait3A_426 : memref<128xi32, #tpu.memory_space<vmem>>)
        %add3A_428 = arith.constant 1 : i32
        %add3A_429 = arith.addi %add3A_306, %add3A_428 : i32
        %add3A_430 = arith.addi %mul3A_2, %add3A_429 : i32
        %mul3A_431 = arith.constant 128 : i32
        %mul3A_432 = arith.muli %add3A_430, %mul3A_431 : i32
        %dma_wait3A_433 = arith.constant 128 : i32
        %dma_wait3A_434 = tpu.memref_slice %arg10[%dma_wait3A_433] : memref<256xi32, #tpu.memory_space<vmem>> -> memref<128xi32, #tpu.memory_space<vmem>>
        %dma_wait3A_435 = tpu.memref_slice %arg4[%mul3A_432] : memref<1048576xi32, #tpu.memory_space<hbm>> -> memref<128xi32, #tpu.memory_space<hbm>>
        %dma_wait3A_436 = arith.constant 128 : i32
        %dma_wait3A_437 = tpu.memref_slice %arg10[%dma_wait3A_436] : memref<256xi32, #tpu.memory_space<vmem>> -> memref<128xi32, #tpu.memory_space<vmem>>
        %dma_wait3A_438 = tpu.memref_slice %arg4[%mul3A_432] : memref<1048576xi32, #tpu.memory_space<hbm>> -> memref<128xi32, #tpu.memory_space<hbm>>
        tpu.wait_dma2 semaphore(%arg21 : memref<!tpu.dma_semaphore, #tpu.memory_space<semaphore_mem>>) src(%dma_wait3A_438 : memref<128xi32, #tpu.memory_space<hbm>>) dst(%dma_wait3A_437 : memref<128xi32, #tpu.memory_space<vmem>>)
        %add3A_439 = arith.constant 1 : i32
        %add3A_440 = arith.addi %add3A_306, %add3A_439 : i32
        %dma_start3A_441 = arith.constant 0 : i32
        %dma_start3A_442 = arith.constant 0 : i32
        %dma_start3A_443 = tpu.memref_slice %arg12[%dma_start3A_441, %dma_start3A_442] : memref<256x48xi32, #tpu.memory_space<vmem>> -> memref<128x48xi32, #tpu.memory_space<vmem>>
        %dma_start3A_444 = arith.constant 0 : i32
        %dma_start3A_445 = tpu.memref_slice %arg10[%dma_start3A_444] : memref<256xi32, #tpu.memory_space<vmem>> -> memref<128xi32, #tpu.memory_space<vmem>>
        %dma_start3A_446 = arith.constant 0 : i32
        %dma_start3A_447 = arith.constant 0 : i32
        %dma_start3A_448 = tpu.memref_slice %arg2[%dma_start3A_446, %dma_start3A_447] : memref<87040x48xi32, #tpu.memory_space<hbm>> -> memref<87040x48xi32, #tpu.memory_space<hbm>>
        tpu.enqueue_indirect_dma source(%dma_start3A_448 : memref<87040x48xi32, #tpu.memory_space<hbm>>) target(%dma_start3A_443 : memref<128x48xi32, #tpu.memory_space<vmem>>) offsets(%dma_start3A_445 : memref<128xi32, #tpu.memory_space<vmem>>) semaphore(%arg17 : memref<!tpu.dma_semaphore, #tpu.memory_space<semaphore_mem>>)
        %add3A_449 = arith.constant 1 : i32
        %add3A_450 = arith.addi %add3A_306, %add3A_449 : i32
        %dma_start3A_451 = arith.constant 128 : i32
        %dma_start3A_452 = arith.constant 0 : i32
        %dma_start3A_453 = tpu.memref_slice %arg12[%dma_start3A_451, %dma_start3A_452] : memref<256x48xi32, #tpu.memory_space<vmem>> -> memref<128x48xi32, #tpu.memory_space<vmem>>
        %dma_start3A_454 = arith.constant 128 : i32
        %dma_start3A_455 = tpu.memref_slice %arg10[%dma_start3A_454] : memref<256xi32, #tpu.memory_space<vmem>> -> memref<128xi32, #tpu.memory_space<vmem>>
        %dma_start3A_456 = arith.constant 0 : i32
        %dma_start3A_457 = arith.constant 0 : i32
        %dma_start3A_458 = tpu.memref_slice %arg2[%dma_start3A_456, %dma_start3A_457] : memref<87040x48xi32, #tpu.memory_space<hbm>> -> memref<87040x48xi32, #tpu.memory_space<hbm>>
        tpu.enqueue_indirect_dma source(%dma_start3A_458 : memref<87040x48xi32, #tpu.memory_space<hbm>>) target(%dma_start3A_453 : memref<128x48xi32, #tpu.memory_space<vmem>>) offsets(%dma_start3A_455 : memref<128xi32, #tpu.memory_space<vmem>>) semaphore(%arg17 : memref<!tpu.dma_semaphore, #tpu.memory_space<semaphore_mem>>)
        %add3A_459 = arith.constant 1 : i32
        %add3A_460 = arith.addi %add3A_306, %add3A_459 : i32
        %add3A_461 = arith.addi %mul3A_2, %add3A_460 : i32
        %mul3A_462 = arith.constant 128 : i32
        %mul3A_463 = arith.muli %add3A_461, %mul3A_462 : i32
        %dma_start3A_464 = arith.constant 0 : i32
        %dma_start3A_465 = tpu.memref_slice %arg14[%dma_start3A_464] : memref<512xf32, #tpu.memory_space<vmem>> -> memref<128xf32, #tpu.memory_space<vmem>>
        %dma_start3A_466 = tpu.memref_slice %arg5[%mul3A_463] : memref<1048576xf32, #tpu.memory_space<hbm>> -> memref<128xf32, #tpu.memory_space<hbm>>
        %dma_start3A_467 = arith.constant 0 : i32
        %dma_start3A_468 = tpu.memref_slice %arg14[%dma_start3A_467] : memref<512xf32, #tpu.memory_space<vmem>> -> memref<128xf32, #tpu.memory_space<vmem>>
        %dma_start3A_469 = tpu.memref_slice %arg5[%mul3A_463] : memref<1048576xf32, #tpu.memory_space<hbm>> -> memref<128xf32, #tpu.memory_space<hbm>>
        tpu.enqueue_dma source(%dma_start3A_469 : memref<128xf32, #tpu.memory_space<hbm>>) target(%dma_start3A_468 : memref<128xf32, #tpu.memory_space<vmem>>) target_semaphore(%arg19 : memref<!tpu.dma_semaphore, #tpu.memory_space<semaphore_mem>>)
        %add3A_470 = arith.constant 1 : i32
        %add3A_471 = arith.addi %add3A_306, %add3A_470 : i32
        %add3A_472 = arith.addi %mul3A_2, %add3A_471 : i32
        %mul3A_473 = arith.constant 128 : i32
        %mul3A_474 = arith.muli %add3A_472, %mul3A_473 : i32
        %dma_start3A_475 = arith.constant 128 : i32
        %dma_start3A_476 = tpu.memref_slice %arg14[%dma_start3A_475] : memref<512xf32, #tpu.memory_space<vmem>> -> memref<128xf32, #tpu.memory_space<vmem>>
        %dma_start3A_477 = tpu.memref_slice %arg6[%mul3A_474] : memref<1048576xf32, #tpu.memory_space<hbm>> -> memref<128xf32, #tpu.memory_space<hbm>>
        %dma_start3A_478 = arith.constant 128 : i32
        %dma_start3A_479 = tpu.memref_slice %arg14[%dma_start3A_478] : memref<512xf32, #tpu.memory_space<vmem>> -> memref<128xf32, #tpu.memory_space<vmem>>
        %dma_start3A_480 = tpu.memref_slice %arg6[%mul3A_474] : memref<1048576xf32, #tpu.memory_space<hbm>> -> memref<128xf32, #tpu.memory_space<hbm>>
        tpu.enqueue_dma source(%dma_start3A_480 : memref<128xf32, #tpu.memory_space<hbm>>) target(%dma_start3A_479 : memref<128xf32, #tpu.memory_space<vmem>>) target_semaphore(%arg19 : memref<!tpu.dma_semaphore, #tpu.memory_space<semaphore_mem>>)
        %add3A_481 = arith.constant 1 : i32
        %add3A_482 = arith.addi %add3A_306, %add3A_481 : i32
        %add3A_483 = arith.addi %mul3A_2, %add3A_482 : i32
        %mul3A_484 = arith.constant 128 : i32
        %mul3A_485 = arith.muli %add3A_483, %mul3A_484 : i32
        %dma_start3A_486 = arith.constant 256 : i32
        %dma_start3A_487 = tpu.memref_slice %arg14[%dma_start3A_486] : memref<512xf32, #tpu.memory_space<vmem>> -> memref<128xf32, #tpu.memory_space<vmem>>
        %dma_start3A_488 = tpu.memref_slice %arg7[%mul3A_485] : memref<1048576xf32, #tpu.memory_space<hbm>> -> memref<128xf32, #tpu.memory_space<hbm>>
        %dma_start3A_489 = arith.constant 256 : i32
        %dma_start3A_490 = tpu.memref_slice %arg14[%dma_start3A_489] : memref<512xf32, #tpu.memory_space<vmem>> -> memref<128xf32, #tpu.memory_space<vmem>>
        %dma_start3A_491 = tpu.memref_slice %arg7[%mul3A_485] : memref<1048576xf32, #tpu.memory_space<hbm>> -> memref<128xf32, #tpu.memory_space<hbm>>
        tpu.enqueue_dma source(%dma_start3A_491 : memref<128xf32, #tpu.memory_space<hbm>>) target(%dma_start3A_490 : memref<128xf32, #tpu.memory_space<vmem>>) target_semaphore(%arg19 : memref<!tpu.dma_semaphore, #tpu.memory_space<semaphore_mem>>)
        %add3A_492 = arith.constant 1 : i32
        %add3A_493 = arith.addi %add3A_306, %add3A_492 : i32
        %add3A_494 = arith.addi %mul3A_2, %add3A_493 : i32
        %mul3A_495 = arith.constant 128 : i32
        %mul3A_496 = arith.muli %add3A_494, %mul3A_495 : i32
        %dma_start3A_497 = arith.constant 384 : i32
        %dma_start3A_498 = tpu.memref_slice %arg14[%dma_start3A_497] : memref<512xf32, #tpu.memory_space<vmem>> -> memref<128xf32, #tpu.memory_space<vmem>>
        %dma_start3A_499 = tpu.memref_slice %arg8[%mul3A_496] : memref<1048576xf32, #tpu.memory_space<hbm>> -> memref<128xf32, #tpu.memory_space<hbm>>
        %dma_start3A_500 = arith.constant 384 : i32
        %dma_start3A_501 = tpu.memref_slice %arg14[%dma_start3A_500] : memref<512xf32, #tpu.memory_space<vmem>> -> memref<128xf32, #tpu.memory_space<vmem>>
        %dma_start3A_502 = tpu.memref_slice %arg8[%mul3A_496] : memref<1048576xf32, #tpu.memory_space<hbm>> -> memref<128xf32, #tpu.memory_space<hbm>>
        tpu.enqueue_dma source(%dma_start3A_502 : memref<128xf32, #tpu.memory_space<hbm>>) target(%dma_start3A_501 : memref<128xf32, #tpu.memory_space<vmem>>) target_semaphore(%arg19 : memref<!tpu.dma_semaphore, #tpu.memory_space<semaphore_mem>>)
      } else {
      }
      %dma_wait3A_314 = arith.constant 0 : i32
      %dma_wait3A_315 = arith.constant 0 : i32
      %dma_wait3A_316 = tpu.memref_slice %arg13[%dma_wait3A_314, %dma_wait3A_315] : memref<256x48xi32, #tpu.memory_space<vmem>> -> memref<128x48xi32, #tpu.memory_space<vmem>>
      %dma_wait3A_317 = arith.constant 0 : i32
      %dma_wait3A_318 = tpu.memref_slice %arg11[%dma_wait3A_317] : memref<256xi32, #tpu.memory_space<vmem>> -> memref<128xi32, #tpu.memory_space<vmem>>
      %dma_wait3A_319 = arith.constant 0 : i32
      %dma_wait3A_320 = arith.constant 0 : i32
      %dma_wait3A_321 = tpu.memref_slice %arg2[%dma_wait3A_319, %dma_wait3A_320] : memref<87040x48xi32, #tpu.memory_space<hbm>> -> memref<87040x48xi32, #tpu.memory_space<hbm>>
      tpu.wait_indirect_dma semaphore(%arg18 : memref<!tpu.dma_semaphore, #tpu.memory_space<semaphore_mem>>) src(%dma_wait3A_321 : memref<87040x48xi32, #tpu.memory_space<hbm>>) dst(%dma_wait3A_316 : memref<128x48xi32, #tpu.memory_space<vmem>>)
      %dma_wait3A_322 = arith.constant 128 : i32
      %dma_wait3A_323 = arith.constant 0 : i32
      %dma_wait3A_324 = tpu.memref_slice %arg13[%dma_wait3A_322, %dma_wait3A_323] : memref<256x48xi32, #tpu.memory_space<vmem>> -> memref<128x48xi32, #tpu.memory_space<vmem>>
      %dma_wait3A_325 = arith.constant 128 : i32
      %dma_wait3A_326 = tpu.memref_slice %arg11[%dma_wait3A_325] : memref<256xi32, #tpu.memory_space<vmem>> -> memref<128xi32, #tpu.memory_space<vmem>>
      %dma_wait3A_327 = arith.constant 0 : i32
      %dma_wait3A_328 = arith.constant 0 : i32
      %dma_wait3A_329 = tpu.memref_slice %arg2[%dma_wait3A_327, %dma_wait3A_328] : memref<87040x48xi32, #tpu.memory_space<hbm>> -> memref<87040x48xi32, #tpu.memory_space<hbm>>
      tpu.wait_indirect_dma semaphore(%arg18 : memref<!tpu.dma_semaphore, #tpu.memory_space<semaphore_mem>>) src(%dma_wait3A_329 : memref<87040x48xi32, #tpu.memory_space<hbm>>) dst(%dma_wait3A_324 : memref<128x48xi32, #tpu.memory_space<vmem>>)
      %add3A_330 = arith.addi %mul3A_2, %add3A_306 : i32
      %mul3A_331 = arith.constant 128 : i32
      %mul3A_332 = arith.muli %add3A_330, %mul3A_331 : i32
      %dma_wait3A_333 = arith.constant 0 : i32
      %dma_wait3A_334 = tpu.memref_slice %arg15[%dma_wait3A_333] : memref<512xf32, #tpu.memory_space<vmem>> -> memref<128xf32, #tpu.memory_space<vmem>>
      %dma_wait3A_335 = tpu.memref_slice %arg5[%mul3A_332] : memref<1048576xf32, #tpu.memory_space<hbm>> -> memref<128xf32, #tpu.memory_space<hbm>>
      %dma_wait3A_336 = arith.constant 0 : i32
      %dma_wait3A_337 = tpu.memref_slice %arg15[%dma_wait3A_336] : memref<512xf32, #tpu.memory_space<vmem>> -> memref<128xf32, #tpu.memory_space<vmem>>
      %dma_wait3A_338 = tpu.memref_slice %arg5[%mul3A_332] : memref<1048576xf32, #tpu.memory_space<hbm>> -> memref<128xf32, #tpu.memory_space<hbm>>
      tpu.wait_dma2 semaphore(%arg20 : memref<!tpu.dma_semaphore, #tpu.memory_space<semaphore_mem>>) src(%dma_wait3A_338 : memref<128xf32, #tpu.memory_space<hbm>>) dst(%dma_wait3A_337 : memref<128xf32, #tpu.memory_space<vmem>>)
      %add3A_339 = arith.addi %mul3A_2, %add3A_306 : i32
      %mul3A_340 = arith.constant 128 : i32
      %mul3A_341 = arith.muli %add3A_339, %mul3A_340 : i32
      %dma_wait3A_342 = arith.constant 128 : i32
      %dma_wait3A_343 = tpu.memref_slice %arg15[%dma_wait3A_342] : memref<512xf32, #tpu.memory_space<vmem>> -> memref<128xf32, #tpu.memory_space<vmem>>
      %dma_wait3A_344 = tpu.memref_slice %arg6[%mul3A_341] : memref<1048576xf32, #tpu.memory_space<hbm>> -> memref<128xf32, #tpu.memory_space<hbm>>
      %dma_wait3A_345 = arith.constant 128 : i32
      %dma_wait3A_346 = tpu.memref_slice %arg15[%dma_wait3A_345] : memref<512xf32, #tpu.memory_space<vmem>> -> memref<128xf32, #tpu.memory_space<vmem>>
      %dma_wait3A_347 = tpu.memref_slice %arg6[%mul3A_341] : memref<1048576xf32, #tpu.memory_space<hbm>> -> memref<128xf32, #tpu.memory_space<hbm>>
      tpu.wait_dma2 semaphore(%arg20 : memref<!tpu.dma_semaphore, #tpu.memory_space<semaphore_mem>>) src(%dma_wait3A_347 : memref<128xf32, #tpu.memory_space<hbm>>) dst(%dma_wait3A_346 : memref<128xf32, #tpu.memory_space<vmem>>)
      %add3A_348 = arith.addi %mul3A_2, %add3A_306 : i32
      %mul3A_349 = arith.constant 128 : i32
      %mul3A_350 = arith.muli %add3A_348, %mul3A_349 : i32
      %dma_wait3A_351 = arith.constant 256 : i32
      %dma_wait3A_352 = tpu.memref_slice %arg15[%dma_wait3A_351] : memref<512xf32, #tpu.memory_space<vmem>> -> memref<128xf32, #tpu.memory_space<vmem>>
      %dma_wait3A_353 = tpu.memref_slice %arg7[%mul3A_350] : memref<1048576xf32, #tpu.memory_space<hbm>> -> memref<128xf32, #tpu.memory_space<hbm>>
      %dma_wait3A_354 = arith.constant 256 : i32
      %dma_wait3A_355 = tpu.memref_slice %arg15[%dma_wait3A_354] : memref<512xf32, #tpu.memory_space<vmem>> -> memref<128xf32, #tpu.memory_space<vmem>>
      %dma_wait3A_356 = tpu.memref_slice %arg7[%mul3A_350] : memref<1048576xf32, #tpu.memory_space<hbm>> -> memref<128xf32, #tpu.memory_space<hbm>>
      tpu.wait_dma2 semaphore(%arg20 : memref<!tpu.dma_semaphore, #tpu.memory_space<semaphore_mem>>) src(%dma_wait3A_356 : memref<128xf32, #tpu.memory_space<hbm>>) dst(%dma_wait3A_355 : memref<128xf32, #tpu.memory_space<vmem>>)
      %add3A_357 = arith.addi %mul3A_2, %add3A_306 : i32
      %mul3A_358 = arith.constant 128 : i32
      %mul3A_359 = arith.muli %add3A_357, %mul3A_358 : i32
      %dma_wait3A_360 = arith.constant 384 : i32
      %dma_wait3A_361 = tpu.memref_slice %arg15[%dma_wait3A_360] : memref<512xf32, #tpu.memory_space<vmem>> -> memref<128xf32, #tpu.memory_space<vmem>>
      %dma_wait3A_362 = tpu.memref_slice %arg8[%mul3A_359] : memref<1048576xf32, #tpu.memory_space<hbm>> -> memref<128xf32, #tpu.memory_space<hbm>>
      %dma_wait3A_363 = arith.constant 384 : i32
      %dma_wait3A_364 = tpu.memref_slice %arg15[%dma_wait3A_363] : memref<512xf32, #tpu.memory_space<vmem>> -> memref<128xf32, #tpu.memory_space<vmem>>
      %dma_wait3A_365 = tpu.memref_slice %arg8[%mul3A_359] : memref<1048576xf32, #tpu.memory_space<hbm>> -> memref<128xf32, #tpu.memory_space<hbm>>
      tpu.wait_dma2 semaphore(%arg20 : memref<!tpu.dma_semaphore, #tpu.memory_space<semaphore_mem>>) src(%dma_wait3A_365 : memref<128xf32, #tpu.memory_space<hbm>>) dst(%dma_wait3A_364 : memref<128xf32, #tpu.memory_space<vmem>>)
      %add3A_366 = arith.constant 2 : i32
      %add3A_367 = arith.addi %add3A_306, %add3A_366 : i32
      %lt3A_368 = arith.constant 256 : i32
      %lt3A_369 = arith.cmpi slt, %add3A_367, %lt3A_368 : i32
      %convert_element_type3A_370 = arith.extui %lt3A_369 : i1 to i32
      %cond3A_371 = arith.constant 0 : i32
      %cond3A_372 = arith.cmpi ne, %convert_element_type3A_370, %cond3A_371 : i32
      scf.if %cond3A_372 {
        %add3A_417 = arith.constant 2 : i32
        %add3A_418 = arith.addi %add3A_306, %add3A_417 : i32
        %add3A_419 = arith.addi %mul3A_2, %add3A_418 : i32
        %mul3A_420 = arith.constant 128 : i32
        %mul3A_421 = arith.muli %add3A_419, %mul3A_420 : i32
        %dma_start3A_422 = arith.constant 0 : i32
        %dma_start3A_423 = tpu.memref_slice %arg11[%dma_start3A_422] : memref<256xi32, #tpu.memory_space<vmem>> -> memref<128xi32, #tpu.memory_space<vmem>>
        %dma_start3A_424 = tpu.memref_slice %arg3[%mul3A_421] : memref<1048576xi32, #tpu.memory_space<hbm>> -> memref<128xi32, #tpu.memory_space<hbm>>
        %dma_start3A_425 = arith.constant 0 : i32
        %dma_start3A_426 = tpu.memref_slice %arg11[%dma_start3A_425] : memref<256xi32, #tpu.memory_space<vmem>> -> memref<128xi32, #tpu.memory_space<vmem>>
        %dma_start3A_427 = tpu.memref_slice %arg3[%mul3A_421] : memref<1048576xi32, #tpu.memory_space<hbm>> -> memref<128xi32, #tpu.memory_space<hbm>>
        tpu.enqueue_dma source(%dma_start3A_427 : memref<128xi32, #tpu.memory_space<hbm>>) target(%dma_start3A_426 : memref<128xi32, #tpu.memory_space<vmem>>) target_semaphore(%arg22 : memref<!tpu.dma_semaphore, #tpu.memory_space<semaphore_mem>>)
        %add3A_428 = arith.constant 2 : i32
        %add3A_429 = arith.addi %add3A_306, %add3A_428 : i32
        %add3A_430 = arith.addi %mul3A_2, %add3A_429 : i32
        %mul3A_431 = arith.constant 128 : i32
        %mul3A_432 = arith.muli %add3A_430, %mul3A_431 : i32
        %dma_start3A_433 = arith.constant 128 : i32
        %dma_start3A_434 = tpu.memref_slice %arg11[%dma_start3A_433] : memref<256xi32, #tpu.memory_space<vmem>> -> memref<128xi32, #tpu.memory_space<vmem>>
        %dma_start3A_435 = tpu.memref_slice %arg4[%mul3A_432] : memref<1048576xi32, #tpu.memory_space<hbm>> -> memref<128xi32, #tpu.memory_space<hbm>>
        %dma_start3A_436 = arith.constant 128 : i32
        %dma_start3A_437 = tpu.memref_slice %arg11[%dma_start3A_436] : memref<256xi32, #tpu.memory_space<vmem>> -> memref<128xi32, #tpu.memory_space<vmem>>
        %dma_start3A_438 = tpu.memref_slice %arg4[%mul3A_432] : memref<1048576xi32, #tpu.memory_space<hbm>> -> memref<128xi32, #tpu.memory_space<hbm>>
        tpu.enqueue_dma source(%dma_start3A_438 : memref<128xi32, #tpu.memory_space<hbm>>) target(%dma_start3A_437 : memref<128xi32, #tpu.memory_space<vmem>>) target_semaphore(%arg22 : memref<!tpu.dma_semaphore, #tpu.memory_space<semaphore_mem>>)
      } else {
      }
      %ge3A_373 = arith.constant 2 : i32
      %ge3A_374 = arith.cmpi sge, %add3A_306, %ge3A_373 : i32
      %convert_element_type3A_375 = arith.extui %ge3A_374 : i1 to i32
      %cond3A_376 = arith.constant 0 : i32
      %cond3A_377 = arith.cmpi ne, %convert_element_type3A_375, %cond3A_376 : i32
      scf.if %cond3A_377 {
        %sub3A = arith.constant 2 : i32
        %sub3A_417 = arith.subi %add3A_306, %sub3A : i32
        %add3A_418 = arith.addi %mul3A_2, %sub3A_417 : i32
        %mul3A_419 = arith.constant 128 : i32
        %mul3A_420 = arith.muli %add3A_418, %mul3A_419 : i32
        %add3A_421 = arith.constant 0 : i32
        %add3A_422 = arith.addi %add3A_421, %mul3A_420 : i32
        %dma_wait3A_423 = arith.constant 384 : i32
        %dma_wait3A_424 = tpu.memref_slice %arg16[%dma_wait3A_423] : memref<768xf32, #tpu.memory_space<vmem>> -> memref<128xf32, #tpu.memory_space<vmem>>
        %dma_wait3A_425 = tpu.memref_slice %arg9[%add3A_422] : memref<3145728xf32, #tpu.memory_space<hbm>> -> memref<128xf32, #tpu.memory_space<hbm>>
        %dma_wait3A_426 = tpu.memref_slice %arg9[%add3A_422] : memref<3145728xf32, #tpu.memory_space<hbm>> -> memref<128xf32, #tpu.memory_space<hbm>>
        %dma_wait3A_427 = arith.constant 384 : i32
        %dma_wait3A_428 = tpu.memref_slice %arg16[%dma_wait3A_427] : memref<768xf32, #tpu.memory_space<vmem>> -> memref<128xf32, #tpu.memory_space<vmem>>
        tpu.wait_dma2 semaphore(%arg24 : memref<!tpu.dma_semaphore, #tpu.memory_space<semaphore_mem>>) src(%dma_wait3A_428 : memref<128xf32, #tpu.memory_space<vmem>>) dst(%dma_wait3A_426 : memref<128xf32, #tpu.memory_space<hbm>>)
        %sub3A_429 = arith.constant 2 : i32
        %sub3A_430 = arith.subi %add3A_306, %sub3A_429 : i32
        %add3A_431 = arith.addi %mul3A_2, %sub3A_430 : i32
        %mul3A_432 = arith.constant 128 : i32
        %mul3A_433 = arith.muli %add3A_431, %mul3A_432 : i32
        %add3A_434 = arith.constant 1048576 : i32
        %add3A_435 = arith.addi %add3A_434, %mul3A_433 : i32
        %dma_wait3A_436 = arith.constant 512 : i32
        %dma_wait3A_437 = tpu.memref_slice %arg16[%dma_wait3A_436] : memref<768xf32, #tpu.memory_space<vmem>> -> memref<128xf32, #tpu.memory_space<vmem>>
        %dma_wait3A_438 = tpu.memref_slice %arg9[%add3A_435] : memref<3145728xf32, #tpu.memory_space<hbm>> -> memref<128xf32, #tpu.memory_space<hbm>>
        %dma_wait3A_439 = tpu.memref_slice %arg9[%add3A_435] : memref<3145728xf32, #tpu.memory_space<hbm>> -> memref<128xf32, #tpu.memory_space<hbm>>
        %dma_wait3A_440 = arith.constant 512 : i32
        %dma_wait3A_441 = tpu.memref_slice %arg16[%dma_wait3A_440] : memref<768xf32, #tpu.memory_space<vmem>> -> memref<128xf32, #tpu.memory_space<vmem>>
        tpu.wait_dma2 semaphore(%arg24 : memref<!tpu.dma_semaphore, #tpu.memory_space<semaphore_mem>>) src(%dma_wait3A_441 : memref<128xf32, #tpu.memory_space<vmem>>) dst(%dma_wait3A_439 : memref<128xf32, #tpu.memory_space<hbm>>)
        %sub3A_442 = arith.constant 2 : i32
        %sub3A_443 = arith.subi %add3A_306, %sub3A_442 : i32
        %add3A_444 = arith.addi %mul3A_2, %sub3A_443 : i32
        %mul3A_445 = arith.constant 128 : i32
        %mul3A_446 = arith.muli %add3A_444, %mul3A_445 : i32
        %add3A_447 = arith.constant 2097152 : i32
        %add3A_448 = arith.addi %add3A_447, %mul3A_446 : i32
        %dma_wait3A_449 = arith.constant 640 : i32
        %dma_wait3A_450 = tpu.memref_slice %arg16[%dma_wait3A_449] : memref<768xf32, #tpu.memory_space<vmem>> -> memref<128xf32, #tpu.memory_space<vmem>>
        %dma_wait3A_451 = tpu.memref_slice %arg9[%add3A_448] : memref<3145728xf32, #tpu.memory_space<hbm>> -> memref<128xf32, #tpu.memory_space<hbm>>
        %dma_wait3A_452 = tpu.memref_slice %arg9[%add3A_448] : memref<3145728xf32, #tpu.memory_space<hbm>> -> memref<128xf32, #tpu.memory_space<hbm>>
        %dma_wait3A_453 = arith.constant 640 : i32
        %dma_wait3A_454 = tpu.memref_slice %arg16[%dma_wait3A_453] : memref<768xf32, #tpu.memory_space<vmem>> -> memref<128xf32, #tpu.memory_space<vmem>>
        tpu.wait_dma2 semaphore(%arg24 : memref<!tpu.dma_semaphore, #tpu.memory_space<semaphore_mem>>) src(%dma_wait3A_454 : memref<128xf32, #tpu.memory_space<vmem>>) dst(%dma_wait3A_452 : memref<128xf32, #tpu.memory_space<hbm>>)
      } else {
      }
      %scan3A_378 = arith.constant 0 : i32
      %scan3A_379 = arith.constant 0 : i32
      %scan3A_380 = arith.constant 8 : i32
      %scan3A_381 = arith.addi %scan3A_379, %scan3A_380 : i32
      %scan3A_382 = arith.constant 1 : i32
      scf.for %scan3A_417 = %scan3A_379 to %scan3A_381 step %scan3A_382  : i32 {
        %mul3A_418 = arith.constant 16 : i32
        %mul3A_419 = arith.muli %scan3A_417, %mul3A_418 : i32
        %broadcast_in_dim3A = arith.constant 0.000000e+00 : f32
        %broadcast_in_dim3A_420 = vector.broadcast %broadcast_in_dim3A : f32 to vector<16xf32>
        %broadcast_in_dim3A_421 = arith.constant 0.000000e+00 : f32
        %broadcast_in_dim3A_422 = vector.broadcast %broadcast_in_dim3A_421 : f32 to vector<16xf32>
        %broadcast_in_dim3A_423 = arith.constant 0.000000e+00 : f32
        %broadcast_in_dim3A_424 = vector.broadcast %broadcast_in_dim3A_423 : f32 to vector<16xf32>
        %add3A_425 = arith.constant 0 : i32
        %add3A_426 = arith.addi %add3A_425, %mul3A_419 : i32
        %get3A = arith.index_cast %add3A_426 : i32 to index
        %get3A_427 = tpu.vector_load %arg15[%get3A] {strides = array<i32>} : memref<512xf32, #tpu.memory_space<vmem>>, vector<16xf32>,
        %get3A_428 = vector.shape_cast %get3A_427 : vector<16xf32> to vector<16xf32>
        %add3A_429 = arith.constant 128 : i32
        %add3A_430 = arith.addi %add3A_429, %mul3A_419 : i32
        %get3A_431 = arith.index_cast %add3A_430 : i32 to index
        %get3A_432 = tpu.vector_load %arg15[%get3A_431] {strides = array<i32>} : memref<512xf32, #tpu.memory_space<vmem>>, vector<16xf32>,
        %get3A_433 = vector.shape_cast %get3A_432 : vector<16xf32> to vector<16xf32>
        %add3A_434 = arith.constant 256 : i32
        %add3A_435 = arith.addi %add3A_434, %mul3A_419 : i32
        %get3A_436 = arith.index_cast %add3A_435 : i32 to index
        %get3A_437 = tpu.vector_load %arg15[%get3A_436] {strides = array<i32>} : memref<512xf32, #tpu.memory_space<vmem>>, vector<16xf32>,
        %get3A_438 = vector.shape_cast %get3A_437 : vector<16xf32> to vector<16xf32>
        %add3A_439 = arith.constant 384 : i32
        %add3A_440 = arith.addi %add3A_439, %mul3A_419 : i32
        %get3A_441 = arith.index_cast %add3A_440 : i32 to index
        %get3A_442 = tpu.vector_load %arg15[%get3A_441] {strides = array<i32>} : memref<512xf32, #tpu.memory_space<vmem>>, vector<16xf32>,
        %get3A_443 = vector.shape_cast %get3A_442 : vector<16xf32> to vector<16xf32>
        %add3A_444 = arith.constant 0 : i32
        %add3A_445 = arith.addi %mul3A_419, %add3A_444 : i32
        %slice3A = vector.extract_strided_slice %get3A_428 {offsets = [0], sizes = [1], strides = [1]} : vector<16xf32> to vector<1xf32>
        %squeeze3A = vector.extract %slice3A[0] : f32 from vector<1xf32>
        %broadcast_in_dim3A_446 = vector.broadcast %squeeze3A : f32 to vector<16xf32>
        %slice3A_447 = vector.extract_strided_slice %get3A_433 {offsets = [0], sizes = [1], strides = [1]} : vector<16xf32> to vector<1xf32>
        %squeeze3A_448 = vector.extract %slice3A_447[0] : f32 from vector<1xf32>
        %broadcast_in_dim3A_449 = vector.broadcast %squeeze3A_448 : f32 to vector<16xf32>
        %add3A_450 = arith.constant 0 : i32
        %add3A_451 = arith.addi %add3A_450, %add3A_445 : i32
        %get3A_452 = arith.index_cast %add3A_451 : i32 to index
        %get3A_453 = arith.constant 0 : index
        %get3A_454 = tpu.vector_load %arg13[%get3A_452, %get3A_453] {strides = array<i32>} : memref<256x48xi32, #tpu.memory_space<vmem>>, vector<1x16xi32>,
        %get3A_455 = vector.shape_cast %get3A_454 : vector<1x16xi32> to vector<16xi32>
        %shift_left3A = arith.constant 16 : i32
        %shift_left3A_456 = vector.broadcast %shift_left3A : i32 to vector<16xi32>
        %shift_left3A_457 = arith.shli %get3A_455, %shift_left3A_456 : vector<16xi32>
        %bitcast_convert_type3A = tpu.bitcast %shift_left3A_457 : vector<16xi32> -> vector<16xf32>
        %and3A = arith.constant -65536 : i32
        %and3A_458 = vector.broadcast %and3A : i32 to vector<16xi32>
        %and3A_459 = arith.andi %get3A_455, %and3A_458 : vector<16xi32>
        %bitcast_convert_type3A_460 = tpu.bitcast %and3A_459 : vector<16xi32> -> vector<16xf32>
        %mul3A_461 = arith.mulf %broadcast_in_dim3A_446, %bitcast_convert_type3A : vector<16xf32>
        %add3A_462 = arith.addf %broadcast_in_dim3A_420, %mul3A_461 : vector<16xf32>
        %mul3A_463 = arith.mulf %broadcast_in_dim3A_449, %bitcast_convert_type3A_460 : vector<16xf32>
        %add3A_464 = arith.addf %add3A_462, %mul3A_463 : vector<16xf32>
        %add3A_465 = arith.constant 0 : i32
        %add3A_466 = arith.addi %add3A_465, %add3A_445 : i32
        %get3A_467 = arith.index_cast %add3A_466 : i32 to index
        %get3A_468 = arith.constant 16 : index
        %get3A_469 = tpu.vector_load %arg13[%get3A_467, %get3A_468] {strides = array<i32>} : memref<256x48xi32, #tpu.memory_space<vmem>>, vector<1x16xi32>,
        %get3A_470 = vector.shape_cast %get3A_469 : vector<1x16xi32> to vector<16xi32>
        %shift_left3A_471 = arith.constant 16 : i32
        %shift_left3A_472 = vector.broadcast %shift_left3A_471 : i32 to vector<16xi32>
        %shift_left3A_473 = arith.shli %get3A_470, %shift_left3A_472 : vector<16xi32>
        %bitcast_convert_type3A_474 = tpu.bitcast %shift_left3A_473 : vector<16xi32> -> vector<16xf32>
        %and3A_475 = arith.constant -65536 : i32
        %and3A_476 = vector.broadcast %and3A_475 : i32 to vector<16xi32>
        %and3A_477 = arith.andi %get3A_470, %and3A_476 : vector<16xi32>
        %bitcast_convert_type3A_478 = tpu.bitcast %and3A_477 : vector<16xi32> -> vector<16xf32>
        %mul3A_479 = arith.mulf %broadcast_in_dim3A_446, %bitcast_convert_type3A_474 : vector<16xf32>
        %add3A_480 = arith.addf %broadcast_in_dim3A_422, %mul3A_479 : vector<16xf32>
        %mul3A_481 = arith.mulf %broadcast_in_dim3A_449, %bitcast_convert_type3A_478 : vector<16xf32>
        %add3A_482 = arith.addf %add3A_480, %mul3A_481 : vector<16xf32>
        %add3A_483 = arith.constant 0 : i32
        %add3A_484 = arith.addi %add3A_483, %add3A_445 : i32
        %get3A_485 = arith.index_cast %add3A_484 : i32 to index
        %get3A_486 = arith.constant 32 : index
        %get3A_487 = tpu.vector_load %arg13[%get3A_485, %get3A_486] {strides = array<i32>} : memref<256x48xi32, #tpu.memory_space<vmem>>, vector<1x16xi32>,
        %get3A_488 = vector.shape_cast %get3A_487 : vector<1x16xi32> to vector<16xi32>
        %shift_left3A_489 = arith.constant 16 : i32
        %shift_left3A_490 = vector.broadcast %shift_left3A_489 : i32 to vector<16xi32>
        %shift_left3A_491 = arith.shli %get3A_488, %shift_left3A_490 : vector<16xi32>
        %bitcast_convert_type3A_492 = tpu.bitcast %shift_left3A_491 : vector<16xi32> -> vector<16xf32>
        %and3A_493 = arith.constant -65536 : i32
        %and3A_494 = vector.broadcast %and3A_493 : i32 to vector<16xi32>
        %and3A_495 = arith.andi %get3A_488, %and3A_494 : vector<16xi32>
        %bitcast_convert_type3A_496 = tpu.bitcast %and3A_495 : vector<16xi32> -> vector<16xf32>
        %mul3A_497 = arith.mulf %broadcast_in_dim3A_446, %bitcast_convert_type3A_492 : vector<16xf32>
        %add3A_498 = arith.addf %broadcast_in_dim3A_424, %mul3A_497 : vector<16xf32>
        %mul3A_499 = arith.mulf %broadcast_in_dim3A_449, %bitcast_convert_type3A_496 : vector<16xf32>
        %add3A_500 = arith.addf %add3A_498, %mul3A_499 : vector<16xf32>
        %slice3A_501 = vector.extract_strided_slice %get3A_438 {offsets = [0], sizes = [1], strides = [1]} : vector<16xf32> to vector<1xf32>
        %squeeze3A_502 = vector.extract %slice3A_501[0] : f32 from vector<1xf32>
        %broadcast_in_dim3A_503 = vector.broadcast %squeeze3A_502 : f32 to vector<16xf32>
        %slice3A_504 = vector.extract_strided_slice %get3A_443 {offsets = [0], sizes = [1], strides = [1]} : vector<16xf32> to vector<1xf32>
        %squeeze3A_505 = vector.extract %slice3A_504[0] : f32 from vector<1xf32>
        %broadcast_in_dim3A_506 = vector.broadcast %squeeze3A_505 : f32 to vector<16xf32>
        %add3A_507 = arith.constant 128 : i32
        %add3A_508 = arith.addi %add3A_507, %add3A_445 : i32
        %get3A_509 = arith.index_cast %add3A_508 : i32 to index
        %get3A_510 = arith.constant 0 : index
        %get3A_511 = tpu.vector_load %arg13[%get3A_509, %get3A_510] {strides = array<i32>} : memref<256x48xi32, #tpu.memory_space<vmem>>, vector<1x16xi32>,
        %get3A_512 = vector.shape_cast %get3A_511 : vector<1x16xi32> to vector<16xi32>
        %shift_left3A_513 = arith.constant 16 : i32
        %shift_left3A_514 = vector.broadcast %shift_left3A_513 : i32 to vector<16xi32>
        %shift_left3A_515 = arith.shli %get3A_512, %shift_left3A_514 : vector<16xi32>
        %bitcast_convert_type3A_516 = tpu.bitcast %shift_left3A_515 : vector<16xi32> -> vector<16xf32>
        %and3A_517 = arith.constant -65536 : i32
        %and3A_518 = vector.broadcast %and3A_517 : i32 to vector<16xi32>
        %and3A_519 = arith.andi %get3A_512, %and3A_518 : vector<16xi32>
        %bitcast_convert_type3A_520 = tpu.bitcast %and3A_519 : vector<16xi32> -> vector<16xf32>
        %mul3A_521 = arith.mulf %broadcast_in_dim3A_503, %bitcast_convert_type3A_516 : vector<16xf32>
        %add3A_522 = arith.addf %add3A_464, %mul3A_521 : vector<16xf32>
        %mul3A_523 = arith.mulf %broadcast_in_dim3A_506, %bitcast_convert_type3A_520 : vector<16xf32>
        %add3A_524 = arith.addf %add3A_522, %mul3A_523 : vector<16xf32>
        %add3A_525 = arith.constant 128 : i32
        %add3A_526 = arith.addi %add3A_525, %add3A_445 : i32
        %get3A_527 = arith.index_cast %add3A_526 : i32 to index
        %get3A_528 = arith.constant 16 : index
        %get3A_529 = tpu.vector_load %arg13[%get3A_527, %get3A_528] {strides = array<i32>} : memref<256x48xi32, #tpu.memory_space<vmem>>, vector<1x16xi32>,
        %get3A_530 = vector.shape_cast %get3A_529 : vector<1x16xi32> to vector<16xi32>
        %shift_left3A_531 = arith.constant 16 : i32
        %shift_left3A_532 = vector.broadcast %shift_left3A_531 : i32 to vector<16xi32>
        %shift_left3A_533 = arith.shli %get3A_530, %shift_left3A_532 : vector<16xi32>
        %bitcast_convert_type3A_534 = tpu.bitcast %shift_left3A_533 : vector<16xi32> -> vector<16xf32>
        %and3A_535 = arith.constant -65536 : i32
        %and3A_536 = vector.broadcast %and3A_535 : i32 to vector<16xi32>
        %and3A_537 = arith.andi %get3A_530, %and3A_536 : vector<16xi32>
        %bitcast_convert_type3A_538 = tpu.bitcast %and3A_537 : vector<16xi32> -> vector<16xf32>
        %mul3A_539 = arith.mulf %broadcast_in_dim3A_503, %bitcast_convert_type3A_534 : vector<16xf32>
        %add3A_540 = arith.addf %add3A_482, %mul3A_539 : vector<16xf32>
        %mul3A_541 = arith.mulf %broadcast_in_dim3A_506, %bitcast_convert_type3A_538 : vector<16xf32>
        %add3A_542 = arith.addf %add3A_540, %mul3A_541 : vector<16xf32>
        %add3A_543 = arith.constant 128 : i32
        %add3A_544 = arith.addi %add3A_543, %add3A_445 : i32
        %get3A_545 = arith.index_cast %add3A_544 : i32 to index
        %get3A_546 = arith.constant 32 : index
        %get3A_547 = tpu.vector_load %arg13[%get3A_545, %get3A_546] {strides = array<i32>} : memref<256x48xi32, #tpu.memory_space<vmem>>, vector<1x16xi32>,
        %get3A_548 = vector.shape_cast %get3A_547 : vector<1x16xi32> to vector<16xi32>
        %shift_left3A_549 = arith.constant 16 : i32
        %shift_left3A_550 = vector.broadcast %shift_left3A_549 : i32 to vector<16xi32>
        %shift_left3A_551 = arith.shli %get3A_548, %shift_left3A_550 : vector<16xi32>
        %bitcast_convert_type3A_552 = tpu.bitcast %shift_left3A_551 : vector<16xi32> -> vector<16xf32>
        %and3A_553 = arith.constant -65536 : i32
        %and3A_554 = vector.broadcast %and3A_553 : i32 to vector<16xi32>
        %and3A_555 = arith.andi %get3A_548, %and3A_554 : vector<16xi32>
        %bitcast_convert_type3A_556 = tpu.bitcast %and3A_555 : vector<16xi32> -> vector<16xf32>
        %mul3A_557 = arith.mulf %broadcast_in_dim3A_503, %bitcast_convert_type3A_552 : vector<16xf32>
        %add3A_558 = arith.addf %add3A_500, %mul3A_557 : vector<16xf32>
        %mul3A_559 = arith.mulf %broadcast_in_dim3A_506, %bitcast_convert_type3A_556 : vector<16xf32>
        %add3A_560 = arith.addf %add3A_558, %mul3A_559 : vector<16xf32>
        %add3A_561 = arith.constant 1 : i32
        %add3A_562 = arith.addi %mul3A_419, %add3A_561 : i32
        %slice3A_563 = vector.extract_strided_slice %get3A_428 {offsets = [1], sizes = [1], strides = [1]} : vector<16xf32> to vector<1xf32>
        %squeeze3A_564 = vector.extract %slice3A_563[0] : f32 from vector<1xf32>
        %broadcast_in_dim3A_565 = vector.broadcast %squeeze3A_564 : f32 to vector<16xf32>
        %slice3A_566 = vector.extract_strided_slice %get3A_433 {offsets = [1], sizes = [1], strides = [1]} : vector<16xf32> to vector<1xf32>
        %squeeze3A_567 = vector.extract %slice3A_566[0] : f32 from vector<1xf32>
        %broadcast_in_dim3A_568 = vector.broadcast %squeeze3A_567 : f32 to vector<16xf32>
        %add3A_569 = arith.constant 0 : i32
        %add3A_570 = arith.addi %add3A_569, %add3A_562 : i32
        %get3A_571 = arith.index_cast %add3A_570 : i32 to index
        %get3A_572 = arith.constant 0 : index
        %get3A_573 = tpu.vector_load %arg13[%get3A_571, %get3A_572] {strides = array<i32>} : memref<256x48xi32, #tpu.memory_space<vmem>>, vector<1x16xi32>,
        %get3A_574 = vector.shape_cast %get3A_573 : vector<1x16xi32> to vector<16xi32>
        %shift_left3A_575 = arith.constant 16 : i32
        %shift_left3A_576 = vector.broadcast %shift_left3A_575 : i32 to vector<16xi32>
        %shift_left3A_577 = arith.shli %get3A_574, %shift_left3A_576 : vector<16xi32>
        %bitcast_convert_type3A_578 = tpu.bitcast %shift_left3A_577 : vector<16xi32> -> vector<16xf32>
        %and3A_579 = arith.constant -65536 : i32
        %and3A_580 = vector.broadcast %and3A_579 : i32 to vector<16xi32>
        %and3A_581 = arith.andi %get3A_574, %and3A_580 : vector<16xi32>
        %bitcast_convert_type3A_582 = tpu.bitcast %and3A_581 : vector<16xi32> -> vector<16xf32>
        %mul3A_583 = arith.mulf %broadcast_in_dim3A_565, %bitcast_convert_type3A_578 : vector<16xf32>
        %add3A_584 = arith.addf %add3A_524, %mul3A_583 : vector<16xf32>
        %mul3A_585 = arith.mulf %broadcast_in_dim3A_568, %bitcast_convert_type3A_582 : vector<16xf32>
        %add3A_586 = arith.addf %add3A_584, %mul3A_585 : vector<16xf32>
        %add3A_587 = arith.constant 0 : i32
        %add3A_588 = arith.addi %add3A_587, %add3A_562 : i32
        %get3A_589 = arith.index_cast %add3A_588 : i32 to index
        %get3A_590 = arith.constant 16 : index
        %get3A_591 = tpu.vector_load %arg13[%get3A_589, %get3A_590] {strides = array<i32>} : memref<256x48xi32, #tpu.memory_space<vmem>>, vector<1x16xi32>,
        %get3A_592 = vector.shape_cast %get3A_591 : vector<1x16xi32> to vector<16xi32>
        %shift_left3A_593 = arith.constant 16 : i32
        %shift_left3A_594 = vector.broadcast %shift_left3A_593 : i32 to vector<16xi32>
        %shift_left3A_595 = arith.shli %get3A_592, %shift_left3A_594 : vector<16xi32>
        %bitcast_convert_type3A_596 = tpu.bitcast %shift_left3A_595 : vector<16xi32> -> vector<16xf32>
        %and3A_597 = arith.constant -65536 : i32
        %and3A_598 = vector.broadcast %and3A_597 : i32 to vector<16xi32>
        %and3A_599 = arith.andi %get3A_592, %and3A_598 : vector<16xi32>
        %bitcast_convert_type3A_600 = tpu.bitcast %and3A_599 : vector<16xi32> -> vector<16xf32>
        %mul3A_601 = arith.mulf %broadcast_in_dim3A_565, %bitcast_convert_type3A_596 : vector<16xf32>
        %add3A_602 = arith.addf %add3A_542, %mul3A_601 : vector<16xf32>
        %mul3A_603 = arith.mulf %broadcast_in_dim3A_568, %bitcast_convert_type3A_600 : vector<16xf32>
        %add3A_604 = arith.addf %add3A_602, %mul3A_603 : vector<16xf32>
        %add3A_605 = arith.constant 0 : i32
        %add3A_606 = arith.addi %add3A_605, %add3A_562 : i32
        %get3A_607 = arith.index_cast %add3A_606 : i32 to index
        %get3A_608 = arith.constant 32 : index
        %get3A_609 = tpu.vector_load %arg13[%get3A_607, %get3A_608] {strides = array<i32>} : memref<256x48xi32, #tpu.memory_space<vmem>>, vector<1x16xi32>,
        %get3A_610 = vector.shape_cast %get3A_609 : vector<1x16xi32> to vector<16xi32>
        %shift_left3A_611 = arith.constant 16 : i32
        %shift_left3A_612 = vector.broadcast %shift_left3A_611 : i32 to vector<16xi32>
        %shift_left3A_613 = arith.shli %get3A_610, %shift_left3A_612 : vector<16xi32>
        %bitcast_convert_type3A_614 = tpu.bitcast %shift_left3A_613 : vector<16xi32> -> vector<16xf32>
        %and3A_615 = arith.constant -65536 : i32
        %and3A_616 = vector.broadcast %and3A_615 : i32 to vector<16xi32>
        %and3A_617 = arith.andi %get3A_610, %and3A_616 : vector<16xi32>
        %bitcast_convert_type3A_618 = tpu.bitcast %and3A_617 : vector<16xi32> -> vector<16xf32>
        %mul3A_619 = arith.mulf %broadcast_in_dim3A_565, %bitcast_convert_type3A_614 : vector<16xf32>
        %add3A_620 = arith.addf %add3A_560, %mul3A_619 : vector<16xf32>
        %mul3A_621 = arith.mulf %broadcast_in_dim3A_568, %bitcast_convert_type3A_618 : vector<16xf32>
        %add3A_622 = arith.addf %add3A_620, %mul3A_621 : vector<16xf32>
        %slice3A_623 = vector.extract_strided_slice %get3A_438 {offsets = [1], sizes = [1], strides = [1]} : vector<16xf32> to vector<1xf32>
        %squeeze3A_624 = vector.extract %slice3A_623[0] : f32 from vector<1xf32>
        %broadcast_in_dim3A_625 = vector.broadcast %squeeze3A_624 : f32 to vector<16xf32>
        %slice3A_626 = vector.extract_strided_slice %get3A_443 {offsets = [1], sizes = [1], strides = [1]} : vector<16xf32> to vector<1xf32>
        %squeeze3A_627 = vector.extract %slice3A_626[0] : f32 from vector<1xf32>
        %broadcast_in_dim3A_628 = vector.broadcast %squeeze3A_627 : f32 to vector<16xf32>
        %add3A_629 = arith.constant 128 : i32
        %add3A_630 = arith.addi %add3A_629, %add3A_562 : i32
        %get3A_631 = arith.index_cast %add3A_630 : i32 to index
        %get3A_632 = arith.constant 0 : index
        %get3A_633 = tpu.vector_load %arg13[%get3A_631, %get3A_632] {strides = array<i32>} : memref<256x48xi32, #tpu.memory_space<vmem>>, vector<1x16xi32>,
        %get3A_634 = vector.shape_cast %get3A_633 : vector<1x16xi32> to vector<16xi32>
        %shift_left3A_635 = arith.constant 16 : i32
        %shift_left3A_636 = vector.broadcast %shift_left3A_635 : i32 to vector<16xi32>
        %shift_left3A_637 = arith.shli %get3A_634, %shift_left3A_636 : vector<16xi32>
        %bitcast_convert_type3A_638 = tpu.bitcast %shift_left3A_637 : vector<16xi32> -> vector<16xf32>
        %and3A_639 = arith.constant -65536 : i32
        %and3A_640 = vector.broadcast %and3A_639 : i32 to vector<16xi32>
        %and3A_641 = arith.andi %get3A_634, %and3A_640 : vector<16xi32>
        %bitcast_convert_type3A_642 = tpu.bitcast %and3A_641 : vector<16xi32> -> vector<16xf32>
        %mul3A_643 = arith.mulf %broadcast_in_dim3A_625, %bitcast_convert_type3A_638 : vector<16xf32>
        %add3A_644 = arith.addf %add3A_586, %mul3A_643 : vector<16xf32>
        %mul3A_645 = arith.mulf %broadcast_in_dim3A_628, %bitcast_convert_type3A_642 : vector<16xf32>
        %add3A_646 = arith.addf %add3A_644, %mul3A_645 : vector<16xf32>
        %add3A_647 = arith.constant 128 : i32
        %add3A_648 = arith.addi %add3A_647, %add3A_562 : i32
        %get3A_649 = arith.index_cast %add3A_648 : i32 to index
        %get3A_650 = arith.constant 16 : index
        %get3A_651 = tpu.vector_load %arg13[%get3A_649, %get3A_650] {strides = array<i32>} : memref<256x48xi32, #tpu.memory_space<vmem>>, vector<1x16xi32>,
        %get3A_652 = vector.shape_cast %get3A_651 : vector<1x16xi32> to vector<16xi32>
        %shift_left3A_653 = arith.constant 16 : i32
        %shift_left3A_654 = vector.broadcast %shift_left3A_653 : i32 to vector<16xi32>
        %shift_left3A_655 = arith.shli %get3A_652, %shift_left3A_654 : vector<16xi32>
        %bitcast_convert_type3A_656 = tpu.bitcast %shift_left3A_655 : vector<16xi32> -> vector<16xf32>
        %and3A_657 = arith.constant -65536 : i32
        %and3A_658 = vector.broadcast %and3A_657 : i32 to vector<16xi32>
        %and3A_659 = arith.andi %get3A_652, %and3A_658 : vector<16xi32>
        %bitcast_convert_type3A_660 = tpu.bitcast %and3A_659 : vector<16xi32> -> vector<16xf32>
        %mul3A_661 = arith.mulf %broadcast_in_dim3A_625, %bitcast_convert_type3A_656 : vector<16xf32>
        %add3A_662 = arith.addf %add3A_604, %mul3A_661 : vector<16xf32>
        %mul3A_663 = arith.mulf %broadcast_in_dim3A_628, %bitcast_convert_type3A_660 : vector<16xf32>
        %add3A_664 = arith.addf %add3A_662, %mul3A_663 : vector<16xf32>
        %add3A_665 = arith.constant 128 : i32
        %add3A_666 = arith.addi %add3A_665, %add3A_562 : i32
        %get3A_667 = arith.index_cast %add3A_666 : i32 to index
        %get3A_668 = arith.constant 32 : index
        %get3A_669 = tpu.vector_load %arg13[%get3A_667, %get3A_668] {strides = array<i32>} : memref<256x48xi32, #tpu.memory_space<vmem>>, vector<1x16xi32>,
        %get3A_670 = vector.shape_cast %get3A_669 : vector<1x16xi32> to vector<16xi32>
        %shift_left3A_671 = arith.constant 16 : i32
        %shift_left3A_672 = vector.broadcast %shift_left3A_671 : i32 to vector<16xi32>
        %shift_left3A_673 = arith.shli %get3A_670, %shift_left3A_672 : vector<16xi32>
        %bitcast_convert_type3A_674 = tpu.bitcast %shift_left3A_673 : vector<16xi32> -> vector<16xf32>
        %and3A_675 = arith.constant -65536 : i32
        %and3A_676 = vector.broadcast %and3A_675 : i32 to vector<16xi32>
        %and3A_677 = arith.andi %get3A_670, %and3A_676 : vector<16xi32>
        %bitcast_convert_type3A_678 = tpu.bitcast %and3A_677 : vector<16xi32> -> vector<16xf32>
        %mul3A_679 = arith.mulf %broadcast_in_dim3A_625, %bitcast_convert_type3A_674 : vector<16xf32>
        %add3A_680 = arith.addf %add3A_622, %mul3A_679 : vector<16xf32>
        %mul3A_681 = arith.mulf %broadcast_in_dim3A_628, %bitcast_convert_type3A_678 : vector<16xf32>
        %add3A_682 = arith.addf %add3A_680, %mul3A_681 : vector<16xf32>
        %add3A_683 = arith.constant 2 : i32
        %add3A_684 = arith.addi %mul3A_419, %add3A_683 : i32
        %slice3A_685 = vector.extract_strided_slice %get3A_428 {offsets = [2], sizes = [1], strides = [1]} : vector<16xf32> to vector<1xf32>
        %squeeze3A_686 = vector.extract %slice3A_685[0] : f32 from vector<1xf32>
        %broadcast_in_dim3A_687 = vector.broadcast %squeeze3A_686 : f32 to vector<16xf32>
        %slice3A_688 = vector.extract_strided_slice %get3A_433 {offsets = [2], sizes = [1], strides = [1]} : vector<16xf32> to vector<1xf32>
        %squeeze3A_689 = vector.extract %slice3A_688[0] : f32 from vector<1xf32>
        %broadcast_in_dim3A_690 = vector.broadcast %squeeze3A_689 : f32 to vector<16xf32>
        %add3A_691 = arith.constant 0 : i32
        %add3A_692 = arith.addi %add3A_691, %add3A_684 : i32
        %get3A_693 = arith.index_cast %add3A_692 : i32 to index
        %get3A_694 = arith.constant 0 : index
        %get3A_695 = tpu.vector_load %arg13[%get3A_693, %get3A_694] {strides = array<i32>} : memref<256x48xi32, #tpu.memory_space<vmem>>, vector<1x16xi32>,
        %get3A_696 = vector.shape_cast %get3A_695 : vector<1x16xi32> to vector<16xi32>
        %shift_left3A_697 = arith.constant 16 : i32
        %shift_left3A_698 = vector.broadcast %shift_left3A_697 : i32 to vector<16xi32>
        %shift_left3A_699 = arith.shli %get3A_696, %shift_left3A_698 : vector<16xi32>
        %bitcast_convert_type3A_700 = tpu.bitcast %shift_left3A_699 : vector<16xi32> -> vector<16xf32>
        %and3A_701 = arith.constant -65536 : i32
        %and3A_702 = vector.broadcast %and3A_701 : i32 to vector<16xi32>
        %and3A_703 = arith.andi %get3A_696, %and3A_702 : vector<16xi32>
        %bitcast_convert_type3A_704 = tpu.bitcast %and3A_703 : vector<16xi32> -> vector<16xf32>
        %mul3A_705 = arith.mulf %broadcast_in_dim3A_687, %bitcast_convert_type3A_700 : vector<16xf32>
        %add3A_706 = arith.addf %add3A_646, %mul3A_705 : vector<16xf32>
        %mul3A_707 = arith.mulf %broadcast_in_dim3A_690, %bitcast_convert_type3A_704 : vector<16xf32>
        %add3A_708 = arith.addf %add3A_706, %mul3A_707 : vector<16xf32>
        %add3A_709 = arith.constant 0 : i32
        %add3A_710 = arith.addi %add3A_709, %add3A_684 : i32
        %get3A_711 = arith.index_cast %add3A_710 : i32 to index
        %get3A_712 = arith.constant 16 : index
        %get3A_713 = tpu.vector_load %arg13[%get3A_711, %get3A_712] {strides = array<i32>} : memref<256x48xi32, #tpu.memory_space<vmem>>, vector<1x16xi32>,
        %get3A_714 = vector.shape_cast %get3A_713 : vector<1x16xi32> to vector<16xi32>
        %shift_left3A_715 = arith.constant 16 : i32
        %shift_left3A_716 = vector.broadcast %shift_left3A_715 : i32 to vector<16xi32>
        %shift_left3A_717 = arith.shli %get3A_714, %shift_left3A_716 : vector<16xi32>
        %bitcast_convert_type3A_718 = tpu.bitcast %shift_left3A_717 : vector<16xi32> -> vector<16xf32>
        %and3A_719 = arith.constant -65536 : i32
        %and3A_720 = vector.broadcast %and3A_719 : i32 to vector<16xi32>
        %and3A_721 = arith.andi %get3A_714, %and3A_720 : vector<16xi32>
        %bitcast_convert_type3A_722 = tpu.bitcast %and3A_721 : vector<16xi32> -> vector<16xf32>
        %mul3A_723 = arith.mulf %broadcast_in_dim3A_687, %bitcast_convert_type3A_718 : vector<16xf32>
        %add3A_724 = arith.addf %add3A_664, %mul3A_723 : vector<16xf32>
        %mul3A_725 = arith.mulf %broadcast_in_dim3A_690, %bitcast_convert_type3A_722 : vector<16xf32>
        %add3A_726 = arith.addf %add3A_724, %mul3A_725 : vector<16xf32>
        %add3A_727 = arith.constant 0 : i32
        %add3A_728 = arith.addi %add3A_727, %add3A_684 : i32
        %get3A_729 = arith.index_cast %add3A_728 : i32 to index
        %get3A_730 = arith.constant 32 : index
        %get3A_731 = tpu.vector_load %arg13[%get3A_729, %get3A_730] {strides = array<i32>} : memref<256x48xi32, #tpu.memory_space<vmem>>, vector<1x16xi32>,
        %get3A_732 = vector.shape_cast %get3A_731 : vector<1x16xi32> to vector<16xi32>
        %shift_left3A_733 = arith.constant 16 : i32
        %shift_left3A_734 = vector.broadcast %shift_left3A_733 : i32 to vector<16xi32>
        %shift_left3A_735 = arith.shli %get3A_732, %shift_left3A_734 : vector<16xi32>
        %bitcast_convert_type3A_736 = tpu.bitcast %shift_left3A_735 : vector<16xi32> -> vector<16xf32>
        %and3A_737 = arith.constant -65536 : i32
        %and3A_738 = vector.broadcast %and3A_737 : i32 to vector<16xi32>
        %and3A_739 = arith.andi %get3A_732, %and3A_738 : vector<16xi32>
        %bitcast_convert_type3A_740 = tpu.bitcast %and3A_739 : vector<16xi32> -> vector<16xf32>
        %mul3A_741 = arith.mulf %broadcast_in_dim3A_687, %bitcast_convert_type3A_736 : vector<16xf32>
        %add3A_742 = arith.addf %add3A_682, %mul3A_741 : vector<16xf32>
        %mul3A_743 = arith.mulf %broadcast_in_dim3A_690, %bitcast_convert_type3A_740 : vector<16xf32>
        %add3A_744 = arith.addf %add3A_742, %mul3A_743 : vector<16xf32>
        %slice3A_745 = vector.extract_strided_slice %get3A_438 {offsets = [2], sizes = [1], strides = [1]} : vector<16xf32> to vector<1xf32>
        %squeeze3A_746 = vector.extract %slice3A_745[0] : f32 from vector<1xf32>
        %broadcast_in_dim3A_747 = vector.broadcast %squeeze3A_746 : f32 to vector<16xf32>
        %slice3A_748 = vector.extract_strided_slice %get3A_443 {offsets = [2], sizes = [1], strides = [1]} : vector<16xf32> to vector<1xf32>
        %squeeze3A_749 = vector.extract %slice3A_748[0] : f32 from vector<1xf32>
        %broadcast_in_dim3A_750 = vector.broadcast %squeeze3A_749 : f32 to vector<16xf32>
        %add3A_751 = arith.constant 128 : i32
        %add3A_752 = arith.addi %add3A_751, %add3A_684 : i32
        %get3A_753 = arith.index_cast %add3A_752 : i32 to index
        %get3A_754 = arith.constant 0 : index
        %get3A_755 = tpu.vector_load %arg13[%get3A_753, %get3A_754] {strides = array<i32>} : memref<256x48xi32, #tpu.memory_space<vmem>>, vector<1x16xi32>,
        %get3A_756 = vector.shape_cast %get3A_755 : vector<1x16xi32> to vector<16xi32>
        %shift_left3A_757 = arith.constant 16 : i32
        %shift_left3A_758 = vector.broadcast %shift_left3A_757 : i32 to vector<16xi32>
        %shift_left3A_759 = arith.shli %get3A_756, %shift_left3A_758 : vector<16xi32>
        %bitcast_convert_type3A_760 = tpu.bitcast %shift_left3A_759 : vector<16xi32> -> vector<16xf32>
        %and3A_761 = arith.constant -65536 : i32
        %and3A_762 = vector.broadcast %and3A_761 : i32 to vector<16xi32>
        %and3A_763 = arith.andi %get3A_756, %and3A_762 : vector<16xi32>
        %bitcast_convert_type3A_764 = tpu.bitcast %and3A_763 : vector<16xi32> -> vector<16xf32>
        %mul3A_765 = arith.mulf %broadcast_in_dim3A_747, %bitcast_convert_type3A_760 : vector<16xf32>
        %add3A_766 = arith.addf %add3A_708, %mul3A_765 : vector<16xf32>
        %mul3A_767 = arith.mulf %broadcast_in_dim3A_750, %bitcast_convert_type3A_764 : vector<16xf32>
        %add3A_768 = arith.addf %add3A_766, %mul3A_767 : vector<16xf32>
        %add3A_769 = arith.constant 128 : i32
        %add3A_770 = arith.addi %add3A_769, %add3A_684 : i32
        %get3A_771 = arith.index_cast %add3A_770 : i32 to index
        %get3A_772 = arith.constant 16 : index
        %get3A_773 = tpu.vector_load %arg13[%get3A_771, %get3A_772] {strides = array<i32>} : memref<256x48xi32, #tpu.memory_space<vmem>>, vector<1x16xi32>,
        %get3A_774 = vector.shape_cast %get3A_773 : vector<1x16xi32> to vector<16xi32>
        %shift_left3A_775 = arith.constant 16 : i32
        %shift_left3A_776 = vector.broadcast %shift_left3A_775 : i32 to vector<16xi32>
        %shift_left3A_777 = arith.shli %get3A_774, %shift_left3A_776 : vector<16xi32>
        %bitcast_convert_type3A_778 = tpu.bitcast %shift_left3A_777 : vector<16xi32> -> vector<16xf32>
        %and3A_779 = arith.constant -65536 : i32
        %and3A_780 = vector.broadcast %and3A_779 : i32 to vector<16xi32>
        %and3A_781 = arith.andi %get3A_774, %and3A_780 : vector<16xi32>
        %bitcast_convert_type3A_782 = tpu.bitcast %and3A_781 : vector<16xi32> -> vector<16xf32>
        %mul3A_783 = arith.mulf %broadcast_in_dim3A_747, %bitcast_convert_type3A_778 : vector<16xf32>
        %add3A_784 = arith.addf %add3A_726, %mul3A_783 : vector<16xf32>
        %mul3A_785 = arith.mulf %broadcast_in_dim3A_750, %bitcast_convert_type3A_782 : vector<16xf32>
        %add3A_786 = arith.addf %add3A_784, %mul3A_785 : vector<16xf32>
        %add3A_787 = arith.constant 128 : i32
        %add3A_788 = arith.addi %add3A_787, %add3A_684 : i32
        %get3A_789 = arith.index_cast %add3A_788 : i32 to index
        %get3A_790 = arith.constant 32 : index
        %get3A_791 = tpu.vector_load %arg13[%get3A_789, %get3A_790] {strides = array<i32>} : memref<256x48xi32, #tpu.memory_space<vmem>>, vector<1x16xi32>,
        %get3A_792 = vector.shape_cast %get3A_791 : vector<1x16xi32> to vector<16xi32>
        %shift_left3A_793 = arith.constant 16 : i32
        %shift_left3A_794 = vector.broadcast %shift_left3A_793 : i32 to vector<16xi32>
        %shift_left3A_795 = arith.shli %get3A_792, %shift_left3A_794 : vector<16xi32>
        %bitcast_convert_type3A_796 = tpu.bitcast %shift_left3A_795 : vector<16xi32> -> vector<16xf32>
        %and3A_797 = arith.constant -65536 : i32
        %and3A_798 = vector.broadcast %and3A_797 : i32 to vector<16xi32>
        %and3A_799 = arith.andi %get3A_792, %and3A_798 : vector<16xi32>
        %bitcast_convert_type3A_800 = tpu.bitcast %and3A_799 : vector<16xi32> -> vector<16xf32>
        %mul3A_801 = arith.mulf %broadcast_in_dim3A_747, %bitcast_convert_type3A_796 : vector<16xf32>
        %add3A_802 = arith.addf %add3A_744, %mul3A_801 : vector<16xf32>
        %mul3A_803 = arith.mulf %broadcast_in_dim3A_750, %bitcast_convert_type3A_800 : vector<16xf32>
        %add3A_804 = arith.addf %add3A_802, %mul3A_803 : vector<16xf32>
        %add3A_805 = arith.constant 3 : i32
        %add3A_806 = arith.addi %mul3A_419, %add3A_805 : i32
        %slice3A_807 = vector.extract_strided_slice %get3A_428 {offsets = [3], sizes = [1], strides = [1]} : vector<16xf32> to vector<1xf32>
        %squeeze3A_808 = vector.extract %slice3A_807[0] : f32 from vector<1xf32>
        %broadcast_in_dim3A_809 = vector.broadcast %squeeze3A_808 : f32 to vector<16xf32>
        %slice3A_810 = vector.extract_strided_slice %get3A_433 {offsets = [3], sizes = [1], strides = [1]} : vector<16xf32> to vector<1xf32>
        %squeeze3A_811 = vector.extract %slice3A_810[0] : f32 from vector<1xf32>
        %broadcast_in_dim3A_812 = vector.broadcast %squeeze3A_811 : f32 to vector<16xf32>
        %add3A_813 = arith.constant 0 : i32
        %add3A_814 = arith.addi %add3A_813, %add3A_806 : i32
        %get3A_815 = arith.index_cast %add3A_814 : i32 to index
        %get3A_816 = arith.constant 0 : index
        %get3A_817 = tpu.vector_load %arg13[%get3A_815, %get3A_816] {strides = array<i32>} : memref<256x48xi32, #tpu.memory_space<vmem>>, vector<1x16xi32>,
        %get3A_818 = vector.shape_cast %get3A_817 : vector<1x16xi32> to vector<16xi32>
        %shift_left3A_819 = arith.constant 16 : i32
        %shift_left3A_820 = vector.broadcast %shift_left3A_819 : i32 to vector<16xi32>
        %shift_left3A_821 = arith.shli %get3A_818, %shift_left3A_820 : vector<16xi32>
        %bitcast_convert_type3A_822 = tpu.bitcast %shift_left3A_821 : vector<16xi32> -> vector<16xf32>
        %and3A_823 = arith.constant -65536 : i32
        %and3A_824 = vector.broadcast %and3A_823 : i32 to vector<16xi32>
        %and3A_825 = arith.andi %get3A_818, %and3A_824 : vector<16xi32>
        %bitcast_convert_type3A_826 = tpu.bitcast %and3A_825 : vector<16xi32> -> vector<16xf32>
        %mul3A_827 = arith.mulf %broadcast_in_dim3A_809, %bitcast_convert_type3A_822 : vector<16xf32>
        %add3A_828 = arith.addf %add3A_768, %mul3A_827 : vector<16xf32>
        %mul3A_829 = arith.mulf %broadcast_in_dim3A_812, %bitcast_convert_type3A_826 : vector<16xf32>
        %add3A_830 = arith.addf %add3A_828, %mul3A_829 : vector<16xf32>
        %add3A_831 = arith.constant 0 : i32
        %add3A_832 = arith.addi %add3A_831, %add3A_806 : i32
        %get3A_833 = arith.index_cast %add3A_832 : i32 to index
        %get3A_834 = arith.constant 16 : index
        %get3A_835 = tpu.vector_load %arg13[%get3A_833, %get3A_834] {strides = array<i32>} : memref<256x48xi32, #tpu.memory_space<vmem>>, vector<1x16xi32>,
        %get3A_836 = vector.shape_cast %get3A_835 : vector<1x16xi32> to vector<16xi32>
        %shift_left3A_837 = arith.constant 16 : i32
        %shift_left3A_838 = vector.broadcast %shift_left3A_837 : i32 to vector<16xi32>
        %shift_left3A_839 = arith.shli %get3A_836, %shift_left3A_838 : vector<16xi32>
        %bitcast_convert_type3A_840 = tpu.bitcast %shift_left3A_839 : vector<16xi32> -> vector<16xf32>
        %and3A_841 = arith.constant -65536 : i32
        %and3A_842 = vector.broadcast %and3A_841 : i32 to vector<16xi32>
        %and3A_843 = arith.andi %get3A_836, %and3A_842 : vector<16xi32>
        %bitcast_convert_type3A_844 = tpu.bitcast %and3A_843 : vector<16xi32> -> vector<16xf32>
        %mul3A_845 = arith.mulf %broadcast_in_dim3A_809, %bitcast_convert_type3A_840 : vector<16xf32>
        %add3A_846 = arith.addf %add3A_786, %mul3A_845 : vector<16xf32>
        %mul3A_847 = arith.mulf %broadcast_in_dim3A_812, %bitcast_convert_type3A_844 : vector<16xf32>
        %add3A_848 = arith.addf %add3A_846, %mul3A_847 : vector<16xf32>
        %add3A_849 = arith.constant 0 : i32
        %add3A_850 = arith.addi %add3A_849, %add3A_806 : i32
        %get3A_851 = arith.index_cast %add3A_850 : i32 to index
        %get3A_852 = arith.constant 32 : index
        %get3A_853 = tpu.vector_load %arg13[%get3A_851, %get3A_852] {strides = array<i32>} : memref<256x48xi32, #tpu.memory_space<vmem>>, vector<1x16xi32>,
        %get3A_854 = vector.shape_cast %get3A_853 : vector<1x16xi32> to vector<16xi32>
        %shift_left3A_855 = arith.constant 16 : i32
        %shift_left3A_856 = vector.broadcast %shift_left3A_855 : i32 to vector<16xi32>
        %shift_left3A_857 = arith.shli %get3A_854, %shift_left3A_856 : vector<16xi32>
        %bitcast_convert_type3A_858 = tpu.bitcast %shift_left3A_857 : vector<16xi32> -> vector<16xf32>
        %and3A_859 = arith.constant -65536 : i32
        %and3A_860 = vector.broadcast %and3A_859 : i32 to vector<16xi32>
        %and3A_861 = arith.andi %get3A_854, %and3A_860 : vector<16xi32>
        %bitcast_convert_type3A_862 = tpu.bitcast %and3A_861 : vector<16xi32> -> vector<16xf32>
        %mul3A_863 = arith.mulf %broadcast_in_dim3A_809, %bitcast_convert_type3A_858 : vector<16xf32>
        %add3A_864 = arith.addf %add3A_804, %mul3A_863 : vector<16xf32>
        %mul3A_865 = arith.mulf %broadcast_in_dim3A_812, %bitcast_convert_type3A_862 : vector<16xf32>
        %add3A_866 = arith.addf %add3A_864, %mul3A_865 : vector<16xf32>
        %slice3A_867 = vector.extract_strided_slice %get3A_438 {offsets = [3], sizes = [1], strides = [1]} : vector<16xf32> to vector<1xf32>
        %squeeze3A_868 = vector.extract %slice3A_867[0] : f32 from vector<1xf32>
        %broadcast_in_dim3A_869 = vector.broadcast %squeeze3A_868 : f32 to vector<16xf32>
        %slice3A_870 = vector.extract_strided_slice %get3A_443 {offsets = [3], sizes = [1], strides = [1]} : vector<16xf32> to vector<1xf32>
        %squeeze3A_871 = vector.extract %slice3A_870[0] : f32 from vector<1xf32>
        %broadcast_in_dim3A_872 = vector.broadcast %squeeze3A_871 : f32 to vector<16xf32>
        %add3A_873 = arith.constant 128 : i32
        %add3A_874 = arith.addi %add3A_873, %add3A_806 : i32
        %get3A_875 = arith.index_cast %add3A_874 : i32 to index
        %get3A_876 = arith.constant 0 : index
        %get3A_877 = tpu.vector_load %arg13[%get3A_875, %get3A_876] {strides = array<i32>} : memref<256x48xi32, #tpu.memory_space<vmem>>, vector<1x16xi32>,
        %get3A_878 = vector.shape_cast %get3A_877 : vector<1x16xi32> to vector<16xi32>
        %shift_left3A_879 = arith.constant 16 : i32
        %shift_left3A_880 = vector.broadcast %shift_left3A_879 : i32 to vector<16xi32>
        %shift_left3A_881 = arith.shli %get3A_878, %shift_left3A_880 : vector<16xi32>
        %bitcast_convert_type3A_882 = tpu.bitcast %shift_left3A_881 : vector<16xi32> -> vector<16xf32>
        %and3A_883 = arith.constant -65536 : i32
        %and3A_884 = vector.broadcast %and3A_883 : i32 to vector<16xi32>
        %and3A_885 = arith.andi %get3A_878, %and3A_884 : vector<16xi32>
        %bitcast_convert_type3A_886 = tpu.bitcast %and3A_885 : vector<16xi32> -> vector<16xf32>
        %mul3A_887 = arith.mulf %broadcast_in_dim3A_869, %bitcast_convert_type3A_882 : vector<16xf32>
        %add3A_888 = arith.addf %add3A_830, %mul3A_887 : vector<16xf32>
        %mul3A_889 = arith.mulf %broadcast_in_dim3A_872, %bitcast_convert_type3A_886 : vector<16xf32>
        %add3A_890 = arith.addf %add3A_888, %mul3A_889 : vector<16xf32>
        %add3A_891 = arith.constant 128 : i32
        %add3A_892 = arith.addi %add3A_891, %add3A_806 : i32
        %get3A_893 = arith.index_cast %add3A_892 : i32 to index
        %get3A_894 = arith.constant 16 : index
        %get3A_895 = tpu.vector_load %arg13[%get3A_893, %get3A_894] {strides = array<i32>} : memref<256x48xi32, #tpu.memory_space<vmem>>, vector<1x16xi32>,
        %get3A_896 = vector.shape_cast %get3A_895 : vector<1x16xi32> to vector<16xi32>
        %shift_left3A_897 = arith.constant 16 : i32
        %shift_left3A_898 = vector.broadcast %shift_left3A_897 : i32 to vector<16xi32>
        %shift_left3A_899 = arith.shli %get3A_896, %shift_left3A_898 : vector<16xi32>
        %bitcast_convert_type3A_900 = tpu.bitcast %shift_left3A_899 : vector<16xi32> -> vector<16xf32>
        %and3A_901 = arith.constant -65536 : i32
        %and3A_902 = vector.broadcast %and3A_901 : i32 to vector<16xi32>
        %and3A_903 = arith.andi %get3A_896, %and3A_902 : vector<16xi32>
        %bitcast_convert_type3A_904 = tpu.bitcast %and3A_903 : vector<16xi32> -> vector<16xf32>
        %mul3A_905 = arith.mulf %broadcast_in_dim3A_869, %bitcast_convert_type3A_900 : vector<16xf32>
        %add3A_906 = arith.addf %add3A_848, %mul3A_905 : vector<16xf32>
        %mul3A_907 = arith.mulf %broadcast_in_dim3A_872, %bitcast_convert_type3A_904 : vector<16xf32>
        %add3A_908 = arith.addf %add3A_906, %mul3A_907 : vector<16xf32>
        %add3A_909 = arith.constant 128 : i32
        %add3A_910 = arith.addi %add3A_909, %add3A_806 : i32
        %get3A_911 = arith.index_cast %add3A_910 : i32 to index
        %get3A_912 = arith.constant 32 : index
        %get3A_913 = tpu.vector_load %arg13[%get3A_911, %get3A_912] {strides = array<i32>} : memref<256x48xi32, #tpu.memory_space<vmem>>, vector<1x16xi32>,
        %get3A_914 = vector.shape_cast %get3A_913 : vector<1x16xi32> to vector<16xi32>
        %shift_left3A_915 = arith.constant 16 : i32
        %shift_left3A_916 = vector.broadcast %shift_left3A_915 : i32 to vector<16xi32>
        %shift_left3A_917 = arith.shli %get3A_914, %shift_left3A_916 : vector<16xi32>
        %bitcast_convert_type3A_918 = tpu.bitcast %shift_left3A_917 : vector<16xi32> -> vector<16xf32>
        %and3A_919 = arith.constant -65536 : i32
        %and3A_920 = vector.broadcast %and3A_919 : i32 to vector<16xi32>
        %and3A_921 = arith.andi %get3A_914, %and3A_920 : vector<16xi32>
        %bitcast_convert_type3A_922 = tpu.bitcast %and3A_921 : vector<16xi32> -> vector<16xf32>
        %mul3A_923 = arith.mulf %broadcast_in_dim3A_869, %bitcast_convert_type3A_918 : vector<16xf32>
        %add3A_924 = arith.addf %add3A_866, %mul3A_923 : vector<16xf32>
        %mul3A_925 = arith.mulf %broadcast_in_dim3A_872, %bitcast_convert_type3A_922 : vector<16xf32>
        %add3A_926 = arith.addf %add3A_924, %mul3A_925 : vector<16xf32>
        %add3A_927 = arith.constant 4 : i32
        %add3A_928 = arith.addi %mul3A_419, %add3A_927 : i32
        %slice3A_929 = vector.extract_strided_slice %get3A_428 {offsets = [4], sizes = [1], strides = [1]} : vector<16xf32> to vector<1xf32>
        %squeeze3A_930 = vector.extract %slice3A_929[0] : f32 from vector<1xf32>
        %broadcast_in_dim3A_931 = vector.broadcast %squeeze3A_930 : f32 to vector<16xf32>
        %slice3A_932 = vector.extract_strided_slice %get3A_433 {offsets = [4], sizes = [1], strides = [1]} : vector<16xf32> to vector<1xf32>
        %squeeze3A_933 = vector.extract %slice3A_932[0] : f32 from vector<1xf32>
        %broadcast_in_dim3A_934 = vector.broadcast %squeeze3A_933 : f32 to vector<16xf32>
        %add3A_935 = arith.constant 0 : i32
        %add3A_936 = arith.addi %add3A_935, %add3A_928 : i32
        %get3A_937 = arith.index_cast %add3A_936 : i32 to index
        %get3A_938 = arith.constant 0 : index
        %get3A_939 = tpu.vector_load %arg13[%get3A_937, %get3A_938] {strides = array<i32>} : memref<256x48xi32, #tpu.memory_space<vmem>>, vector<1x16xi32>,
        %get3A_940 = vector.shape_cast %get3A_939 : vector<1x16xi32> to vector<16xi32>
        %shift_left3A_941 = arith.constant 16 : i32
        %shift_left3A_942 = vector.broadcast %shift_left3A_941 : i32 to vector<16xi32>
        %shift_left3A_943 = arith.shli %get3A_940, %shift_left3A_942 : vector<16xi32>
        %bitcast_convert_type3A_944 = tpu.bitcast %shift_left3A_943 : vector<16xi32> -> vector<16xf32>
        %and3A_945 = arith.constant -65536 : i32
        %and3A_946 = vector.broadcast %and3A_945 : i32 to vector<16xi32>
        %and3A_947 = arith.andi %get3A_940, %and3A_946 : vector<16xi32>
        %bitcast_convert_type3A_948 = tpu.bitcast %and3A_947 : vector<16xi32> -> vector<16xf32>
        %mul3A_949 = arith.mulf %broadcast_in_dim3A_931, %bitcast_convert_type3A_944 : vector<16xf32>
        %add3A_950 = arith.addf %add3A_890, %mul3A_949 : vector<16xf32>
        %mul3A_951 = arith.mulf %broadcast_in_dim3A_934, %bitcast_convert_type3A_948 : vector<16xf32>
        %add3A_952 = arith.addf %add3A_950, %mul3A_951 : vector<16xf32>
        %add3A_953 = arith.constant 0 : i32
        %add3A_954 = arith.addi %add3A_953, %add3A_928 : i32
        %get3A_955 = arith.index_cast %add3A_954 : i32 to index
        %get3A_956 = arith.constant 16 : index
        %get3A_957 = tpu.vector_load %arg13[%get3A_955, %get3A_956] {strides = array<i32>} : memref<256x48xi32, #tpu.memory_space<vmem>>, vector<1x16xi32>,
        %get3A_958 = vector.shape_cast %get3A_957 : vector<1x16xi32> to vector<16xi32>
        %shift_left3A_959 = arith.constant 16 : i32
        %shift_left3A_960 = vector.broadcast %shift_left3A_959 : i32 to vector<16xi32>
        %shift_left3A_961 = arith.shli %get3A_958, %shift_left3A_960 : vector<16xi32>
        %bitcast_convert_type3A_962 = tpu.bitcast %shift_left3A_961 : vector<16xi32> -> vector<16xf32>
        %and3A_963 = arith.constant -65536 : i32
        %and3A_964 = vector.broadcast %and3A_963 : i32 to vector<16xi32>
        %and3A_965 = arith.andi %get3A_958, %and3A_964 : vector<16xi32>
        %bitcast_convert_type3A_966 = tpu.bitcast %and3A_965 : vector<16xi32> -> vector<16xf32>
        %mul3A_967 = arith.mulf %broadcast_in_dim3A_931, %bitcast_convert_type3A_962 : vector<16xf32>
        %add3A_968 = arith.addf %add3A_908, %mul3A_967 : vector<16xf32>
        %mul3A_969 = arith.mulf %broadcast_in_dim3A_934, %bitcast_convert_type3A_966 : vector<16xf32>
        %add3A_970 = arith.addf %add3A_968, %mul3A_969 : vector<16xf32>
        %add3A_971 = arith.constant 0 : i32
        %add3A_972 = arith.addi %add3A_971, %add3A_928 : i32
        %get3A_973 = arith.index_cast %add3A_972 : i32 to index
        %get3A_974 = arith.constant 32 : index
        %get3A_975 = tpu.vector_load %arg13[%get3A_973, %get3A_974] {strides = array<i32>} : memref<256x48xi32, #tpu.memory_space<vmem>>, vector<1x16xi32>,
        %get3A_976 = vector.shape_cast %get3A_975 : vector<1x16xi32> to vector<16xi32>
        %shift_left3A_977 = arith.constant 16 : i32
        %shift_left3A_978 = vector.broadcast %shift_left3A_977 : i32 to vector<16xi32>
        %shift_left3A_979 = arith.shli %get3A_976, %shift_left3A_978 : vector<16xi32>
        %bitcast_convert_type3A_980 = tpu.bitcast %shift_left3A_979 : vector<16xi32> -> vector<16xf32>
        %and3A_981 = arith.constant -65536 : i32
        %and3A_982 = vector.broadcast %and3A_981 : i32 to vector<16xi32>
        %and3A_983 = arith.andi %get3A_976, %and3A_982 : vector<16xi32>
        %bitcast_convert_type3A_984 = tpu.bitcast %and3A_983 : vector<16xi32> -> vector<16xf32>
        %mul3A_985 = arith.mulf %broadcast_in_dim3A_931, %bitcast_convert_type3A_980 : vector<16xf32>
        %add3A_986 = arith.addf %add3A_926, %mul3A_985 : vector<16xf32>
        %mul3A_987 = arith.mulf %broadcast_in_dim3A_934, %bitcast_convert_type3A_984 : vector<16xf32>
        %add3A_988 = arith.addf %add3A_986, %mul3A_987 : vector<16xf32>
        %slice3A_989 = vector.extract_strided_slice %get3A_438 {offsets = [4], sizes = [1], strides = [1]} : vector<16xf32> to vector<1xf32>
        %squeeze3A_990 = vector.extract %slice3A_989[0] : f32 from vector<1xf32>
        %broadcast_in_dim3A_991 = vector.broadcast %squeeze3A_990 : f32 to vector<16xf32>
        %slice3A_992 = vector.extract_strided_slice %get3A_443 {offsets = [4], sizes = [1], strides = [1]} : vector<16xf32> to vector<1xf32>
        %squeeze3A_993 = vector.extract %slice3A_992[0] : f32 from vector<1xf32>
        %broadcast_in_dim3A_994 = vector.broadcast %squeeze3A_993 : f32 to vector<16xf32>
        %add3A_995 = arith.constant 128 : i32
        %add3A_996 = arith.addi %add3A_995, %add3A_928 : i32
        %get3A_997 = arith.index_cast %add3A_996 : i32 to index
        %get3A_998 = arith.constant 0 : index
        %get3A_999 = tpu.vector_load %arg13[%get3A_997, %get3A_998] {strides = array<i32>} : memref<256x48xi32, #tpu.memory_space<vmem>>, vector<1x16xi32>,
        %get3A_1000 = vector.shape_cast %get3A_999 : vector<1x16xi32> to vector<16xi32>
        %shift_left3A_1001 = arith.constant 16 : i32
        %shift_left3A_1002 = vector.broadcast %shift_left3A_1001 : i32 to vector<16xi32>
        %shift_left3A_1003 = arith.shli %get3A_1000, %shift_left3A_1002 : vector<16xi32>
        %bitcast_convert_type3A_1004 = tpu.bitcast %shift_left3A_1003 : vector<16xi32> -> vector<16xf32>
        %and3A_1005 = arith.constant -65536 : i32
        %and3A_1006 = vector.broadcast %and3A_1005 : i32 to vector<16xi32>
        %and3A_1007 = arith.andi %get3A_1000, %and3A_1006 : vector<16xi32>
        %bitcast_convert_type3A_1008 = tpu.bitcast %and3A_1007 : vector<16xi32> -> vector<16xf32>
        %mul3A_1009 = arith.mulf %broadcast_in_dim3A_991, %bitcast_convert_type3A_1004 : vector<16xf32>
        %add3A_1010 = arith.addf %add3A_952, %mul3A_1009 : vector<16xf32>
        %mul3A_1011 = arith.mulf %broadcast_in_dim3A_994, %bitcast_convert_type3A_1008 : vector<16xf32>
        %add3A_1012 = arith.addf %add3A_1010, %mul3A_1011 : vector<16xf32>
        %add3A_1013 = arith.constant 128 : i32
        %add3A_1014 = arith.addi %add3A_1013, %add3A_928 : i32
        %get3A_1015 = arith.index_cast %add3A_1014 : i32 to index
        %get3A_1016 = arith.constant 16 : index
        %get3A_1017 = tpu.vector_load %arg13[%get3A_1015, %get3A_1016] {strides = array<i32>} : memref<256x48xi32, #tpu.memory_space<vmem>>, vector<1x16xi32>,
        %get3A_1018 = vector.shape_cast %get3A_1017 : vector<1x16xi32> to vector<16xi32>
        %shift_left3A_1019 = arith.constant 16 : i32
        %shift_left3A_1020 = vector.broadcast %shift_left3A_1019 : i32 to vector<16xi32>
        %shift_left3A_1021 = arith.shli %get3A_1018, %shift_left3A_1020 : vector<16xi32>
        %bitcast_convert_type3A_1022 = tpu.bitcast %shift_left3A_1021 : vector<16xi32> -> vector<16xf32>
        %and3A_1023 = arith.constant -65536 : i32
        %and3A_1024 = vector.broadcast %and3A_1023 : i32 to vector<16xi32>
        %and3A_1025 = arith.andi %get3A_1018, %and3A_1024 : vector<16xi32>
        %bitcast_convert_type3A_1026 = tpu.bitcast %and3A_1025 : vector<16xi32> -> vector<16xf32>
        %mul3A_1027 = arith.mulf %broadcast_in_dim3A_991, %bitcast_convert_type3A_1022 : vector<16xf32>
        %add3A_1028 = arith.addf %add3A_970, %mul3A_1027 : vector<16xf32>
        %mul3A_1029 = arith.mulf %broadcast_in_dim3A_994, %bitcast_convert_type3A_1026 : vector<16xf32>
        %add3A_1030 = arith.addf %add3A_1028, %mul3A_1029 : vector<16xf32>
        %add3A_1031 = arith.constant 128 : i32
        %add3A_1032 = arith.addi %add3A_1031, %add3A_928 : i32
        %get3A_1033 = arith.index_cast %add3A_1032 : i32 to index
        %get3A_1034 = arith.constant 32 : index
        %get3A_1035 = tpu.vector_load %arg13[%get3A_1033, %get3A_1034] {strides = array<i32>} : memref<256x48xi32, #tpu.memory_space<vmem>>, vector<1x16xi32>,
        %get3A_1036 = vector.shape_cast %get3A_1035 : vector<1x16xi32> to vector<16xi32>
        %shift_left3A_1037 = arith.constant 16 : i32
        %shift_left3A_1038 = vector.broadcast %shift_left3A_1037 : i32 to vector<16xi32>
        %shift_left3A_1039 = arith.shli %get3A_1036, %shift_left3A_1038 : vector<16xi32>
        %bitcast_convert_type3A_1040 = tpu.bitcast %shift_left3A_1039 : vector<16xi32> -> vector<16xf32>
        %and3A_1041 = arith.constant -65536 : i32
        %and3A_1042 = vector.broadcast %and3A_1041 : i32 to vector<16xi32>
        %and3A_1043 = arith.andi %get3A_1036, %and3A_1042 : vector<16xi32>
        %bitcast_convert_type3A_1044 = tpu.bitcast %and3A_1043 : vector<16xi32> -> vector<16xf32>
        %mul3A_1045 = arith.mulf %broadcast_in_dim3A_991, %bitcast_convert_type3A_1040 : vector<16xf32>
        %add3A_1046 = arith.addf %add3A_988, %mul3A_1045 : vector<16xf32>
        %mul3A_1047 = arith.mulf %broadcast_in_dim3A_994, %bitcast_convert_type3A_1044 : vector<16xf32>
        %add3A_1048 = arith.addf %add3A_1046, %mul3A_1047 : vector<16xf32>
        %add3A_1049 = arith.constant 5 : i32
        %add3A_1050 = arith.addi %mul3A_419, %add3A_1049 : i32
        %slice3A_1051 = vector.extract_strided_slice %get3A_428 {offsets = [5], sizes = [1], strides = [1]} : vector<16xf32> to vector<1xf32>
        %squeeze3A_1052 = vector.extract %slice3A_1051[0] : f32 from vector<1xf32>
        %broadcast_in_dim3A_1053 = vector.broadcast %squeeze3A_1052 : f32 to vector<16xf32>
        %slice3A_1054 = vector.extract_strided_slice %get3A_433 {offsets = [5], sizes = [1], strides = [1]} : vector<16xf32> to vector<1xf32>
        %squeeze3A_1055 = vector.extract %slice3A_1054[0] : f32 from vector<1xf32>
        %broadcast_in_dim3A_1056 = vector.broadcast %squeeze3A_1055 : f32 to vector<16xf32>
        %add3A_1057 = arith.constant 0 : i32
        %add3A_1058 = arith.addi %add3A_1057, %add3A_1050 : i32
        %get3A_1059 = arith.index_cast %add3A_1058 : i32 to index
        %get3A_1060 = arith.constant 0 : index
        %get3A_1061 = tpu.vector_load %arg13[%get3A_1059, %get3A_1060] {strides = array<i32>} : memref<256x48xi32, #tpu.memory_space<vmem>>, vector<1x16xi32>,
        %get3A_1062 = vector.shape_cast %get3A_1061 : vector<1x16xi32> to vector<16xi32>
        %shift_left3A_1063 = arith.constant 16 : i32
        %shift_left3A_1064 = vector.broadcast %shift_left3A_1063 : i32 to vector<16xi32>
        %shift_left3A_1065 = arith.shli %get3A_1062, %shift_left3A_1064 : vector<16xi32>
        %bitcast_convert_type3A_1066 = tpu.bitcast %shift_left3A_1065 : vector<16xi32> -> vector<16xf32>
        %and3A_1067 = arith.constant -65536 : i32
        %and3A_1068 = vector.broadcast %and3A_1067 : i32 to vector<16xi32>
        %and3A_1069 = arith.andi %get3A_1062, %and3A_1068 : vector<16xi32>
        %bitcast_convert_type3A_1070 = tpu.bitcast %and3A_1069 : vector<16xi32> -> vector<16xf32>
        %mul3A_1071 = arith.mulf %broadcast_in_dim3A_1053, %bitcast_convert_type3A_1066 : vector<16xf32>
        %add3A_1072 = arith.addf %add3A_1012, %mul3A_1071 : vector<16xf32>
        %mul3A_1073 = arith.mulf %broadcast_in_dim3A_1056, %bitcast_convert_type3A_1070 : vector<16xf32>
        %add3A_1074 = arith.addf %add3A_1072, %mul3A_1073 : vector<16xf32>
        %add3A_1075 = arith.constant 0 : i32
        %add3A_1076 = arith.addi %add3A_1075, %add3A_1050 : i32
        %get3A_1077 = arith.index_cast %add3A_1076 : i32 to index
        %get3A_1078 = arith.constant 16 : index
        %get3A_1079 = tpu.vector_load %arg13[%get3A_1077, %get3A_1078] {strides = array<i32>} : memref<256x48xi32, #tpu.memory_space<vmem>>, vector<1x16xi32>,
        %get3A_1080 = vector.shape_cast %get3A_1079 : vector<1x16xi32> to vector<16xi32>
        %shift_left3A_1081 = arith.constant 16 : i32
        %shift_left3A_1082 = vector.broadcast %shift_left3A_1081 : i32 to vector<16xi32>
        %shift_left3A_1083 = arith.shli %get3A_1080, %shift_left3A_1082 : vector<16xi32>
        %bitcast_convert_type3A_1084 = tpu.bitcast %shift_left3A_1083 : vector<16xi32> -> vector<16xf32>
        %and3A_1085 = arith.constant -65536 : i32
        %and3A_1086 = vector.broadcast %and3A_1085 : i32 to vector<16xi32>
        %and3A_1087 = arith.andi %get3A_1080, %and3A_1086 : vector<16xi32>
        %bitcast_convert_type3A_1088 = tpu.bitcast %and3A_1087 : vector<16xi32> -> vector<16xf32>
        %mul3A_1089 = arith.mulf %broadcast_in_dim3A_1053, %bitcast_convert_type3A_1084 : vector<16xf32>
        %add3A_1090 = arith.addf %add3A_1030, %mul3A_1089 : vector<16xf32>
        %mul3A_1091 = arith.mulf %broadcast_in_dim3A_1056, %bitcast_convert_type3A_1088 : vector<16xf32>
        %add3A_1092 = arith.addf %add3A_1090, %mul3A_1091 : vector<16xf32>
        %add3A_1093 = arith.constant 0 : i32
        %add3A_1094 = arith.addi %add3A_1093, %add3A_1050 : i32
        %get3A_1095 = arith.index_cast %add3A_1094 : i32 to index
        %get3A_1096 = arith.constant 32 : index
        %get3A_1097 = tpu.vector_load %arg13[%get3A_1095, %get3A_1096] {strides = array<i32>} : memref<256x48xi32, #tpu.memory_space<vmem>>, vector<1x16xi32>,
        %get3A_1098 = vector.shape_cast %get3A_1097 : vector<1x16xi32> to vector<16xi32>
        %shift_left3A_1099 = arith.constant 16 : i32
        %shift_left3A_1100 = vector.broadcast %shift_left3A_1099 : i32 to vector<16xi32>
        %shift_left3A_1101 = arith.shli %get3A_1098, %shift_left3A_1100 : vector<16xi32>
        %bitcast_convert_type3A_1102 = tpu.bitcast %shift_left3A_1101 : vector<16xi32> -> vector<16xf32>
        %and3A_1103 = arith.constant -65536 : i32
        %and3A_1104 = vector.broadcast %and3A_1103 : i32 to vector<16xi32>
        %and3A_1105 = arith.andi %get3A_1098, %and3A_1104 : vector<16xi32>
        %bitcast_convert_type3A_1106 = tpu.bitcast %and3A_1105 : vector<16xi32> -> vector<16xf32>
        %mul3A_1107 = arith.mulf %broadcast_in_dim3A_1053, %bitcast_convert_type3A_1102 : vector<16xf32>
        %add3A_1108 = arith.addf %add3A_1048, %mul3A_1107 : vector<16xf32>
        %mul3A_1109 = arith.mulf %broadcast_in_dim3A_1056, %bitcast_convert_type3A_1106 : vector<16xf32>
        %add3A_1110 = arith.addf %add3A_1108, %mul3A_1109 : vector<16xf32>
        %slice3A_1111 = vector.extract_strided_slice %get3A_438 {offsets = [5], sizes = [1], strides = [1]} : vector<16xf32> to vector<1xf32>
        %squeeze3A_1112 = vector.extract %slice3A_1111[0] : f32 from vector<1xf32>
        %broadcast_in_dim3A_1113 = vector.broadcast %squeeze3A_1112 : f32 to vector<16xf32>
        %slice3A_1114 = vector.extract_strided_slice %get3A_443 {offsets = [5], sizes = [1], strides = [1]} : vector<16xf32> to vector<1xf32>
        %squeeze3A_1115 = vector.extract %slice3A_1114[0] : f32 from vector<1xf32>
        %broadcast_in_dim3A_1116 = vector.broadcast %squeeze3A_1115 : f32 to vector<16xf32>
        %add3A_1117 = arith.constant 128 : i32
        %add3A_1118 = arith.addi %add3A_1117, %add3A_1050 : i32
        %get3A_1119 = arith.index_cast %add3A_1118 : i32 to index
        %get3A_1120 = arith.constant 0 : index
        %get3A_1121 = tpu.vector_load %arg13[%get3A_1119, %get3A_1120] {strides = array<i32>} : memref<256x48xi32, #tpu.memory_space<vmem>>, vector<1x16xi32>,
        %get3A_1122 = vector.shape_cast %get3A_1121 : vector<1x16xi32> to vector<16xi32>
        %shift_left3A_1123 = arith.constant 16 : i32
        %shift_left3A_1124 = vector.broadcast %shift_left3A_1123 : i32 to vector<16xi32>
        %shift_left3A_1125 = arith.shli %get3A_1122, %shift_left3A_1124 : vector<16xi32>
        %bitcast_convert_type3A_1126 = tpu.bitcast %shift_left3A_1125 : vector<16xi32> -> vector<16xf32>
        %and3A_1127 = arith.constant -65536 : i32
        %and3A_1128 = vector.broadcast %and3A_1127 : i32 to vector<16xi32>
        %and3A_1129 = arith.andi %get3A_1122, %and3A_1128 : vector<16xi32>
        %bitcast_convert_type3A_1130 = tpu.bitcast %and3A_1129 : vector<16xi32> -> vector<16xf32>
        %mul3A_1131 = arith.mulf %broadcast_in_dim3A_1113, %bitcast_convert_type3A_1126 : vector<16xf32>
        %add3A_1132 = arith.addf %add3A_1074, %mul3A_1131 : vector<16xf32>
        %mul3A_1133 = arith.mulf %broadcast_in_dim3A_1116, %bitcast_convert_type3A_1130 : vector<16xf32>
        %add3A_1134 = arith.addf %add3A_1132, %mul3A_1133 : vector<16xf32>
        %add3A_1135 = arith.constant 128 : i32
        %add3A_1136 = arith.addi %add3A_1135, %add3A_1050 : i32
        %get3A_1137 = arith.index_cast %add3A_1136 : i32 to index
        %get3A_1138 = arith.constant 16 : index
        %get3A_1139 = tpu.vector_load %arg13[%get3A_1137, %get3A_1138] {strides = array<i32>} : memref<256x48xi32, #tpu.memory_space<vmem>>, vector<1x16xi32>,
        %get3A_1140 = vector.shape_cast %get3A_1139 : vector<1x16xi32> to vector<16xi32>
        %shift_left3A_1141 = arith.constant 16 : i32
        %shift_left3A_1142 = vector.broadcast %shift_left3A_1141 : i32 to vector<16xi32>
        %shift_left3A_1143 = arith.shli %get3A_1140, %shift_left3A_1142 : vector<16xi32>
        %bitcast_convert_type3A_1144 = tpu.bitcast %shift_left3A_1143 : vector<16xi32> -> vector<16xf32>
        %and3A_1145 = arith.constant -65536 : i32
        %and3A_1146 = vector.broadcast %and3A_1145 : i32 to vector<16xi32>
        %and3A_1147 = arith.andi %get3A_1140, %and3A_1146 : vector<16xi32>
        %bitcast_convert_type3A_1148 = tpu.bitcast %and3A_1147 : vector<16xi32> -> vector<16xf32>
        %mul3A_1149 = arith.mulf %broadcast_in_dim3A_1113, %bitcast_convert_type3A_1144 : vector<16xf32>
        %add3A_1150 = arith.addf %add3A_1092, %mul3A_1149 : vector<16xf32>
        %mul3A_1151 = arith.mulf %broadcast_in_dim3A_1116, %bitcast_convert_type3A_1148 : vector<16xf32>
        %add3A_1152 = arith.addf %add3A_1150, %mul3A_1151 : vector<16xf32>
        %add3A_1153 = arith.constant 128 : i32
        %add3A_1154 = arith.addi %add3A_1153, %add3A_1050 : i32
        %get3A_1155 = arith.index_cast %add3A_1154 : i32 to index
        %get3A_1156 = arith.constant 32 : index
        %get3A_1157 = tpu.vector_load %arg13[%get3A_1155, %get3A_1156] {strides = array<i32>} : memref<256x48xi32, #tpu.memory_space<vmem>>, vector<1x16xi32>,
        %get3A_1158 = vector.shape_cast %get3A_1157 : vector<1x16xi32> to vector<16xi32>
        %shift_left3A_1159 = arith.constant 16 : i32
        %shift_left3A_1160 = vector.broadcast %shift_left3A_1159 : i32 to vector<16xi32>
        %shift_left3A_1161 = arith.shli %get3A_1158, %shift_left3A_1160 : vector<16xi32>
        %bitcast_convert_type3A_1162 = tpu.bitcast %shift_left3A_1161 : vector<16xi32> -> vector<16xf32>
        %and3A_1163 = arith.constant -65536 : i32
        %and3A_1164 = vector.broadcast %and3A_1163 : i32 to vector<16xi32>
        %and3A_1165 = arith.andi %get3A_1158, %and3A_1164 : vector<16xi32>
        %bitcast_convert_type3A_1166 = tpu.bitcast %and3A_1165 : vector<16xi32> -> vector<16xf32>
        %mul3A_1167 = arith.mulf %broadcast_in_dim3A_1113, %bitcast_convert_type3A_1162 : vector<16xf32>
        %add3A_1168 = arith.addf %add3A_1110, %mul3A_1167 : vector<16xf32>
        %mul3A_1169 = arith.mulf %broadcast_in_dim3A_1116, %bitcast_convert_type3A_1166 : vector<16xf32>
        %add3A_1170 = arith.addf %add3A_1168, %mul3A_1169 : vector<16xf32>
        %add3A_1171 = arith.constant 6 : i32
        %add3A_1172 = arith.addi %mul3A_419, %add3A_1171 : i32
        %slice3A_1173 = vector.extract_strided_slice %get3A_428 {offsets = [6], sizes = [1], strides = [1]} : vector<16xf32> to vector<1xf32>
        %squeeze3A_1174 = vector.extract %slice3A_1173[0] : f32 from vector<1xf32>
        %broadcast_in_dim3A_1175 = vector.broadcast %squeeze3A_1174 : f32 to vector<16xf32>
        %slice3A_1176 = vector.extract_strided_slice %get3A_433 {offsets = [6], sizes = [1], strides = [1]} : vector<16xf32> to vector<1xf32>
        %squeeze3A_1177 = vector.extract %slice3A_1176[0] : f32 from vector<1xf32>
        %broadcast_in_dim3A_1178 = vector.broadcast %squeeze3A_1177 : f32 to vector<16xf32>
        %add3A_1179 = arith.constant 0 : i32
        %add3A_1180 = arith.addi %add3A_1179, %add3A_1172 : i32
        %get3A_1181 = arith.index_cast %add3A_1180 : i32 to index
        %get3A_1182 = arith.constant 0 : index
        %get3A_1183 = tpu.vector_load %arg13[%get3A_1181, %get3A_1182] {strides = array<i32>} : memref<256x48xi32, #tpu.memory_space<vmem>>, vector<1x16xi32>,
        %get3A_1184 = vector.shape_cast %get3A_1183 : vector<1x16xi32> to vector<16xi32>
        %shift_left3A_1185 = arith.constant 16 : i32
        %shift_left3A_1186 = vector.broadcast %shift_left3A_1185 : i32 to vector<16xi32>
        %shift_left3A_1187 = arith.shli %get3A_1184, %shift_left3A_1186 : vector<16xi32>
        %bitcast_convert_type3A_1188 = tpu.bitcast %shift_left3A_1187 : vector<16xi32> -> vector<16xf32>
        %and3A_1189 = arith.constant -65536 : i32
        %and3A_1190 = vector.broadcast %and3A_1189 : i32 to vector<16xi32>
        %and3A_1191 = arith.andi %get3A_1184, %and3A_1190 : vector<16xi32>
        %bitcast_convert_type3A_1192 = tpu.bitcast %and3A_1191 : vector<16xi32> -> vector<16xf32>
        %mul3A_1193 = arith.mulf %broadcast_in_dim3A_1175, %bitcast_convert_type3A_1188 : vector<16xf32>
        %add3A_1194 = arith.addf %add3A_1134, %mul3A_1193 : vector<16xf32>
        %mul3A_1195 = arith.mulf %broadcast_in_dim3A_1178, %bitcast_convert_type3A_1192 : vector<16xf32>
        %add3A_1196 = arith.addf %add3A_1194, %mul3A_1195 : vector<16xf32>
        %add3A_1197 = arith.constant 0 : i32
        %add3A_1198 = arith.addi %add3A_1197, %add3A_1172 : i32
        %get3A_1199 = arith.index_cast %add3A_1198 : i32 to index
        %get3A_1200 = arith.constant 16 : index
        %get3A_1201 = tpu.vector_load %arg13[%get3A_1199, %get3A_1200] {strides = array<i32>} : memref<256x48xi32, #tpu.memory_space<vmem>>, vector<1x16xi32>,
        %get3A_1202 = vector.shape_cast %get3A_1201 : vector<1x16xi32> to vector<16xi32>
        %shift_left3A_1203 = arith.constant 16 : i32
        %shift_left3A_1204 = vector.broadcast %shift_left3A_1203 : i32 to vector<16xi32>
        %shift_left3A_1205 = arith.shli %get3A_1202, %shift_left3A_1204 : vector<16xi32>
        %bitcast_convert_type3A_1206 = tpu.bitcast %shift_left3A_1205 : vector<16xi32> -> vector<16xf32>
        %and3A_1207 = arith.constant -65536 : i32
        %and3A_1208 = vector.broadcast %and3A_1207 : i32 to vector<16xi32>
        %and3A_1209 = arith.andi %get3A_1202, %and3A_1208 : vector<16xi32>
        %bitcast_convert_type3A_1210 = tpu.bitcast %and3A_1209 : vector<16xi32> -> vector<16xf32>
        %mul3A_1211 = arith.mulf %broadcast_in_dim3A_1175, %bitcast_convert_type3A_1206 : vector<16xf32>
        %add3A_1212 = arith.addf %add3A_1152, %mul3A_1211 : vector<16xf32>
        %mul3A_1213 = arith.mulf %broadcast_in_dim3A_1178, %bitcast_convert_type3A_1210 : vector<16xf32>
        %add3A_1214 = arith.addf %add3A_1212, %mul3A_1213 : vector<16xf32>
        %add3A_1215 = arith.constant 0 : i32
        %add3A_1216 = arith.addi %add3A_1215, %add3A_1172 : i32
        %get3A_1217 = arith.index_cast %add3A_1216 : i32 to index
        %get3A_1218 = arith.constant 32 : index
        %get3A_1219 = tpu.vector_load %arg13[%get3A_1217, %get3A_1218] {strides = array<i32>} : memref<256x48xi32, #tpu.memory_space<vmem>>, vector<1x16xi32>,
        %get3A_1220 = vector.shape_cast %get3A_1219 : vector<1x16xi32> to vector<16xi32>
        %shift_left3A_1221 = arith.constant 16 : i32
        %shift_left3A_1222 = vector.broadcast %shift_left3A_1221 : i32 to vector<16xi32>
        %shift_left3A_1223 = arith.shli %get3A_1220, %shift_left3A_1222 : vector<16xi32>
        %bitcast_convert_type3A_1224 = tpu.bitcast %shift_left3A_1223 : vector<16xi32> -> vector<16xf32>
        %and3A_1225 = arith.constant -65536 : i32
        %and3A_1226 = vector.broadcast %and3A_1225 : i32 to vector<16xi32>
        %and3A_1227 = arith.andi %get3A_1220, %and3A_1226 : vector<16xi32>
        %bitcast_convert_type3A_1228 = tpu.bitcast %and3A_1227 : vector<16xi32> -> vector<16xf32>
        %mul3A_1229 = arith.mulf %broadcast_in_dim3A_1175, %bitcast_convert_type3A_1224 : vector<16xf32>
        %add3A_1230 = arith.addf %add3A_1170, %mul3A_1229 : vector<16xf32>
        %mul3A_1231 = arith.mulf %broadcast_in_dim3A_1178, %bitcast_convert_type3A_1228 : vector<16xf32>
        %add3A_1232 = arith.addf %add3A_1230, %mul3A_1231 : vector<16xf32>
        %slice3A_1233 = vector.extract_strided_slice %get3A_438 {offsets = [6], sizes = [1], strides = [1]} : vector<16xf32> to vector<1xf32>
        %squeeze3A_1234 = vector.extract %slice3A_1233[0] : f32 from vector<1xf32>
        %broadcast_in_dim3A_1235 = vector.broadcast %squeeze3A_1234 : f32 to vector<16xf32>
        %slice3A_1236 = vector.extract_strided_slice %get3A_443 {offsets = [6], sizes = [1], strides = [1]} : vector<16xf32> to vector<1xf32>
        %squeeze3A_1237 = vector.extract %slice3A_1236[0] : f32 from vector<1xf32>
        %broadcast_in_dim3A_1238 = vector.broadcast %squeeze3A_1237 : f32 to vector<16xf32>
        %add3A_1239 = arith.constant 128 : i32
        %add3A_1240 = arith.addi %add3A_1239, %add3A_1172 : i32
        %get3A_1241 = arith.index_cast %add3A_1240 : i32 to index
        %get3A_1242 = arith.constant 0 : index
        %get3A_1243 = tpu.vector_load %arg13[%get3A_1241, %get3A_1242] {strides = array<i32>} : memref<256x48xi32, #tpu.memory_space<vmem>>, vector<1x16xi32>,
        %get3A_1244 = vector.shape_cast %get3A_1243 : vector<1x16xi32> to vector<16xi32>
        %shift_left3A_1245 = arith.constant 16 : i32
        %shift_left3A_1246 = vector.broadcast %shift_left3A_1245 : i32 to vector<16xi32>
        %shift_left3A_1247 = arith.shli %get3A_1244, %shift_left3A_1246 : vector<16xi32>
        %bitcast_convert_type3A_1248 = tpu.bitcast %shift_left3A_1247 : vector<16xi32> -> vector<16xf32>
        %and3A_1249 = arith.constant -65536 : i32
        %and3A_1250 = vector.broadcast %and3A_1249 : i32 to vector<16xi32>
        %and3A_1251 = arith.andi %get3A_1244, %and3A_1250 : vector<16xi32>
        %bitcast_convert_type3A_1252 = tpu.bitcast %and3A_1251 : vector<16xi32> -> vector<16xf32>
        %mul3A_1253 = arith.mulf %broadcast_in_dim3A_1235, %bitcast_convert_type3A_1248 : vector<16xf32>
        %add3A_1254 = arith.addf %add3A_1196, %mul3A_1253 : vector<16xf32>
        %mul3A_1255 = arith.mulf %broadcast_in_dim3A_1238, %bitcast_convert_type3A_1252 : vector<16xf32>
        %add3A_1256 = arith.addf %add3A_1254, %mul3A_1255 : vector<16xf32>
        %add3A_1257 = arith.constant 128 : i32
        %add3A_1258 = arith.addi %add3A_1257, %add3A_1172 : i32
        %get3A_1259 = arith.index_cast %add3A_1258 : i32 to index
        %get3A_1260 = arith.constant 16 : index
        %get3A_1261 = tpu.vector_load %arg13[%get3A_1259, %get3A_1260] {strides = array<i32>} : memref<256x48xi32, #tpu.memory_space<vmem>>, vector<1x16xi32>,
        %get3A_1262 = vector.shape_cast %get3A_1261 : vector<1x16xi32> to vector<16xi32>
        %shift_left3A_1263 = arith.constant 16 : i32
        %shift_left3A_1264 = vector.broadcast %shift_left3A_1263 : i32 to vector<16xi32>
        %shift_left3A_1265 = arith.shli %get3A_1262, %shift_left3A_1264 : vector<16xi32>
        %bitcast_convert_type3A_1266 = tpu.bitcast %shift_left3A_1265 : vector<16xi32> -> vector<16xf32>
        %and3A_1267 = arith.constant -65536 : i32
        %and3A_1268 = vector.broadcast %and3A_1267 : i32 to vector<16xi32>
        %and3A_1269 = arith.andi %get3A_1262, %and3A_1268 : vector<16xi32>
        %bitcast_convert_type3A_1270 = tpu.bitcast %and3A_1269 : vector<16xi32> -> vector<16xf32>
        %mul3A_1271 = arith.mulf %broadcast_in_dim3A_1235, %bitcast_convert_type3A_1266 : vector<16xf32>
        %add3A_1272 = arith.addf %add3A_1214, %mul3A_1271 : vector<16xf32>
        %mul3A_1273 = arith.mulf %broadcast_in_dim3A_1238, %bitcast_convert_type3A_1270 : vector<16xf32>
        %add3A_1274 = arith.addf %add3A_1272, %mul3A_1273 : vector<16xf32>
        %add3A_1275 = arith.constant 128 : i32
        %add3A_1276 = arith.addi %add3A_1275, %add3A_1172 : i32
        %get3A_1277 = arith.index_cast %add3A_1276 : i32 to index
        %get3A_1278 = arith.constant 32 : index
        %get3A_1279 = tpu.vector_load %arg13[%get3A_1277, %get3A_1278] {strides = array<i32>} : memref<256x48xi32, #tpu.memory_space<vmem>>, vector<1x16xi32>,
        %get3A_1280 = vector.shape_cast %get3A_1279 : vector<1x16xi32> to vector<16xi32>
        %shift_left3A_1281 = arith.constant 16 : i32
        %shift_left3A_1282 = vector.broadcast %shift_left3A_1281 : i32 to vector<16xi32>
        %shift_left3A_1283 = arith.shli %get3A_1280, %shift_left3A_1282 : vector<16xi32>
        %bitcast_convert_type3A_1284 = tpu.bitcast %shift_left3A_1283 : vector<16xi32> -> vector<16xf32>
        %and3A_1285 = arith.constant -65536 : i32
        %and3A_1286 = vector.broadcast %and3A_1285 : i32 to vector<16xi32>
        %and3A_1287 = arith.andi %get3A_1280, %and3A_1286 : vector<16xi32>
        %bitcast_convert_type3A_1288 = tpu.bitcast %and3A_1287 : vector<16xi32> -> vector<16xf32>
        %mul3A_1289 = arith.mulf %broadcast_in_dim3A_1235, %bitcast_convert_type3A_1284 : vector<16xf32>
        %add3A_1290 = arith.addf %add3A_1232, %mul3A_1289 : vector<16xf32>
        %mul3A_1291 = arith.mulf %broadcast_in_dim3A_1238, %bitcast_convert_type3A_1288 : vector<16xf32>
        %add3A_1292 = arith.addf %add3A_1290, %mul3A_1291 : vector<16xf32>
        %add3A_1293 = arith.constant 7 : i32
        %add3A_1294 = arith.addi %mul3A_419, %add3A_1293 : i32
        %slice3A_1295 = vector.extract_strided_slice %get3A_428 {offsets = [7], sizes = [1], strides = [1]} : vector<16xf32> to vector<1xf32>
        %squeeze3A_1296 = vector.extract %slice3A_1295[0] : f32 from vector<1xf32>
        %broadcast_in_dim3A_1297 = vector.broadcast %squeeze3A_1296 : f32 to vector<16xf32>
        %slice3A_1298 = vector.extract_strided_slice %get3A_433 {offsets = [7], sizes = [1], strides = [1]} : vector<16xf32> to vector<1xf32>
        %squeeze3A_1299 = vector.extract %slice3A_1298[0] : f32 from vector<1xf32>
        %broadcast_in_dim3A_1300 = vector.broadcast %squeeze3A_1299 : f32 to vector<16xf32>
        %add3A_1301 = arith.constant 0 : i32
        %add3A_1302 = arith.addi %add3A_1301, %add3A_1294 : i32
        %get3A_1303 = arith.index_cast %add3A_1302 : i32 to index
        %get3A_1304 = arith.constant 0 : index
        %get3A_1305 = tpu.vector_load %arg13[%get3A_1303, %get3A_1304] {strides = array<i32>} : memref<256x48xi32, #tpu.memory_space<vmem>>, vector<1x16xi32>,
        %get3A_1306 = vector.shape_cast %get3A_1305 : vector<1x16xi32> to vector<16xi32>
        %shift_left3A_1307 = arith.constant 16 : i32
        %shift_left3A_1308 = vector.broadcast %shift_left3A_1307 : i32 to vector<16xi32>
        %shift_left3A_1309 = arith.shli %get3A_1306, %shift_left3A_1308 : vector<16xi32>
        %bitcast_convert_type3A_1310 = tpu.bitcast %shift_left3A_1309 : vector<16xi32> -> vector<16xf32>
        %and3A_1311 = arith.constant -65536 : i32
        %and3A_1312 = vector.broadcast %and3A_1311 : i32 to vector<16xi32>
        %and3A_1313 = arith.andi %get3A_1306, %and3A_1312 : vector<16xi32>
        %bitcast_convert_type3A_1314 = tpu.bitcast %and3A_1313 : vector<16xi32> -> vector<16xf32>
        %mul3A_1315 = arith.mulf %broadcast_in_dim3A_1297, %bitcast_convert_type3A_1310 : vector<16xf32>
        %add3A_1316 = arith.addf %add3A_1256, %mul3A_1315 : vector<16xf32>
        %mul3A_1317 = arith.mulf %broadcast_in_dim3A_1300, %bitcast_convert_type3A_1314 : vector<16xf32>
        %add3A_1318 = arith.addf %add3A_1316, %mul3A_1317 : vector<16xf32>
        %add3A_1319 = arith.constant 0 : i32
        %add3A_1320 = arith.addi %add3A_1319, %add3A_1294 : i32
        %get3A_1321 = arith.index_cast %add3A_1320 : i32 to index
        %get3A_1322 = arith.constant 16 : index
        %get3A_1323 = tpu.vector_load %arg13[%get3A_1321, %get3A_1322] {strides = array<i32>} : memref<256x48xi32, #tpu.memory_space<vmem>>, vector<1x16xi32>,
        %get3A_1324 = vector.shape_cast %get3A_1323 : vector<1x16xi32> to vector<16xi32>
        %shift_left3A_1325 = arith.constant 16 : i32
        %shift_left3A_1326 = vector.broadcast %shift_left3A_1325 : i32 to vector<16xi32>
        %shift_left3A_1327 = arith.shli %get3A_1324, %shift_left3A_1326 : vector<16xi32>
        %bitcast_convert_type3A_1328 = tpu.bitcast %shift_left3A_1327 : vector<16xi32> -> vector<16xf32>
        %and3A_1329 = arith.constant -65536 : i32
        %and3A_1330 = vector.broadcast %and3A_1329 : i32 to vector<16xi32>
        %and3A_1331 = arith.andi %get3A_1324, %and3A_1330 : vector<16xi32>
        %bitcast_convert_type3A_1332 = tpu.bitcast %and3A_1331 : vector<16xi32> -> vector<16xf32>
        %mul3A_1333 = arith.mulf %broadcast_in_dim3A_1297, %bitcast_convert_type3A_1328 : vector<16xf32>
        %add3A_1334 = arith.addf %add3A_1274, %mul3A_1333 : vector<16xf32>
        %mul3A_1335 = arith.mulf %broadcast_in_dim3A_1300, %bitcast_convert_type3A_1332 : vector<16xf32>
        %add3A_1336 = arith.addf %add3A_1334, %mul3A_1335 : vector<16xf32>
        %add3A_1337 = arith.constant 0 : i32
        %add3A_1338 = arith.addi %add3A_1337, %add3A_1294 : i32
        %get3A_1339 = arith.index_cast %add3A_1338 : i32 to index
        %get3A_1340 = arith.constant 32 : index
        %get3A_1341 = tpu.vector_load %arg13[%get3A_1339, %get3A_1340] {strides = array<i32>} : memref<256x48xi32, #tpu.memory_space<vmem>>, vector<1x16xi32>,
        %get3A_1342 = vector.shape_cast %get3A_1341 : vector<1x16xi32> to vector<16xi32>
        %shift_left3A_1343 = arith.constant 16 : i32
        %shift_left3A_1344 = vector.broadcast %shift_left3A_1343 : i32 to vector<16xi32>
        %shift_left3A_1345 = arith.shli %get3A_1342, %shift_left3A_1344 : vector<16xi32>
        %bitcast_convert_type3A_1346 = tpu.bitcast %shift_left3A_1345 : vector<16xi32> -> vector<16xf32>
        %and3A_1347 = arith.constant -65536 : i32
        %and3A_1348 = vector.broadcast %and3A_1347 : i32 to vector<16xi32>
        %and3A_1349 = arith.andi %get3A_1342, %and3A_1348 : vector<16xi32>
        %bitcast_convert_type3A_1350 = tpu.bitcast %and3A_1349 : vector<16xi32> -> vector<16xf32>
        %mul3A_1351 = arith.mulf %broadcast_in_dim3A_1297, %bitcast_convert_type3A_1346 : vector<16xf32>
        %add3A_1352 = arith.addf %add3A_1292, %mul3A_1351 : vector<16xf32>
        %mul3A_1353 = arith.mulf %broadcast_in_dim3A_1300, %bitcast_convert_type3A_1350 : vector<16xf32>
        %add3A_1354 = arith.addf %add3A_1352, %mul3A_1353 : vector<16xf32>
        %slice3A_1355 = vector.extract_strided_slice %get3A_438 {offsets = [7], sizes = [1], strides = [1]} : vector<16xf32> to vector<1xf32>
        %squeeze3A_1356 = vector.extract %slice3A_1355[0] : f32 from vector<1xf32>
        %broadcast_in_dim3A_1357 = vector.broadcast %squeeze3A_1356 : f32 to vector<16xf32>
        %slice3A_1358 = vector.extract_strided_slice %get3A_443 {offsets = [7], sizes = [1], strides = [1]} : vector<16xf32> to vector<1xf32>
        %squeeze3A_1359 = vector.extract %slice3A_1358[0] : f32 from vector<1xf32>
        %broadcast_in_dim3A_1360 = vector.broadcast %squeeze3A_1359 : f32 to vector<16xf32>
        %add3A_1361 = arith.constant 128 : i32
        %add3A_1362 = arith.addi %add3A_1361, %add3A_1294 : i32
        %get3A_1363 = arith.index_cast %add3A_1362 : i32 to index
        %get3A_1364 = arith.constant 0 : index
        %get3A_1365 = tpu.vector_load %arg13[%get3A_1363, %get3A_1364] {strides = array<i32>} : memref<256x48xi32, #tpu.memory_space<vmem>>, vector<1x16xi32>,
        %get3A_1366 = vector.shape_cast %get3A_1365 : vector<1x16xi32> to vector<16xi32>
        %shift_left3A_1367 = arith.constant 16 : i32
        %shift_left3A_1368 = vector.broadcast %shift_left3A_1367 : i32 to vector<16xi32>
        %shift_left3A_1369 = arith.shli %get3A_1366, %shift_left3A_1368 : vector<16xi32>
        %bitcast_convert_type3A_1370 = tpu.bitcast %shift_left3A_1369 : vector<16xi32> -> vector<16xf32>
        %and3A_1371 = arith.constant -65536 : i32
        %and3A_1372 = vector.broadcast %and3A_1371 : i32 to vector<16xi32>
        %and3A_1373 = arith.andi %get3A_1366, %and3A_1372 : vector<16xi32>
        %bitcast_convert_type3A_1374 = tpu.bitcast %and3A_1373 : vector<16xi32> -> vector<16xf32>
        %mul3A_1375 = arith.mulf %broadcast_in_dim3A_1357, %bitcast_convert_type3A_1370 : vector<16xf32>
        %add3A_1376 = arith.addf %add3A_1318, %mul3A_1375 : vector<16xf32>
        %mul3A_1377 = arith.mulf %broadcast_in_dim3A_1360, %bitcast_convert_type3A_1374 : vector<16xf32>
        %add3A_1378 = arith.addf %add3A_1376, %mul3A_1377 : vector<16xf32>
        %add3A_1379 = arith.constant 128 : i32
        %add3A_1380 = arith.addi %add3A_1379, %add3A_1294 : i32
        %get3A_1381 = arith.index_cast %add3A_1380 : i32 to index
        %get3A_1382 = arith.constant 16 : index
        %get3A_1383 = tpu.vector_load %arg13[%get3A_1381, %get3A_1382] {strides = array<i32>} : memref<256x48xi32, #tpu.memory_space<vmem>>, vector<1x16xi32>,
        %get3A_1384 = vector.shape_cast %get3A_1383 : vector<1x16xi32> to vector<16xi32>
        %shift_left3A_1385 = arith.constant 16 : i32
        %shift_left3A_1386 = vector.broadcast %shift_left3A_1385 : i32 to vector<16xi32>
        %shift_left3A_1387 = arith.shli %get3A_1384, %shift_left3A_1386 : vector<16xi32>
        %bitcast_convert_type3A_1388 = tpu.bitcast %shift_left3A_1387 : vector<16xi32> -> vector<16xf32>
        %and3A_1389 = arith.constant -65536 : i32
        %and3A_1390 = vector.broadcast %and3A_1389 : i32 to vector<16xi32>
        %and3A_1391 = arith.andi %get3A_1384, %and3A_1390 : vector<16xi32>
        %bitcast_convert_type3A_1392 = tpu.bitcast %and3A_1391 : vector<16xi32> -> vector<16xf32>
        %mul3A_1393 = arith.mulf %broadcast_in_dim3A_1357, %bitcast_convert_type3A_1388 : vector<16xf32>
        %add3A_1394 = arith.addf %add3A_1336, %mul3A_1393 : vector<16xf32>
        %mul3A_1395 = arith.mulf %broadcast_in_dim3A_1360, %bitcast_convert_type3A_1392 : vector<16xf32>
        %add3A_1396 = arith.addf %add3A_1394, %mul3A_1395 : vector<16xf32>
        %add3A_1397 = arith.constant 128 : i32
        %add3A_1398 = arith.addi %add3A_1397, %add3A_1294 : i32
        %get3A_1399 = arith.index_cast %add3A_1398 : i32 to index
        %get3A_1400 = arith.constant 32 : index
        %get3A_1401 = tpu.vector_load %arg13[%get3A_1399, %get3A_1400] {strides = array<i32>} : memref<256x48xi32, #tpu.memory_space<vmem>>, vector<1x16xi32>,
        %get3A_1402 = vector.shape_cast %get3A_1401 : vector<1x16xi32> to vector<16xi32>
        %shift_left3A_1403 = arith.constant 16 : i32
        %shift_left3A_1404 = vector.broadcast %shift_left3A_1403 : i32 to vector<16xi32>
        %shift_left3A_1405 = arith.shli %get3A_1402, %shift_left3A_1404 : vector<16xi32>
        %bitcast_convert_type3A_1406 = tpu.bitcast %shift_left3A_1405 : vector<16xi32> -> vector<16xf32>
        %and3A_1407 = arith.constant -65536 : i32
        %and3A_1408 = vector.broadcast %and3A_1407 : i32 to vector<16xi32>
        %and3A_1409 = arith.andi %get3A_1402, %and3A_1408 : vector<16xi32>
        %bitcast_convert_type3A_1410 = tpu.bitcast %and3A_1409 : vector<16xi32> -> vector<16xf32>
        %mul3A_1411 = arith.mulf %broadcast_in_dim3A_1357, %bitcast_convert_type3A_1406 : vector<16xf32>
        %add3A_1412 = arith.addf %add3A_1354, %mul3A_1411 : vector<16xf32>
        %mul3A_1413 = arith.mulf %broadcast_in_dim3A_1360, %bitcast_convert_type3A_1410 : vector<16xf32>
        %add3A_1414 = arith.addf %add3A_1412, %mul3A_1413 : vector<16xf32>
        %add3A_1415 = arith.constant 8 : i32
        %add3A_1416 = arith.addi %mul3A_419, %add3A_1415 : i32
        %slice3A_1417 = vector.extract_strided_slice %get3A_428 {offsets = [8], sizes = [1], strides = [1]} : vector<16xf32> to vector<1xf32>
        %squeeze3A_1418 = vector.extract %slice3A_1417[0] : f32 from vector<1xf32>
        %broadcast_in_dim3A_1419 = vector.broadcast %squeeze3A_1418 : f32 to vector<16xf32>
        %slice3A_1420 = vector.extract_strided_slice %get3A_433 {offsets = [8], sizes = [1], strides = [1]} : vector<16xf32> to vector<1xf32>
        %squeeze3A_1421 = vector.extract %slice3A_1420[0] : f32 from vector<1xf32>
        %broadcast_in_dim3A_1422 = vector.broadcast %squeeze3A_1421 : f32 to vector<16xf32>
        %add3A_1423 = arith.constant 0 : i32
        %add3A_1424 = arith.addi %add3A_1423, %add3A_1416 : i32
        %get3A_1425 = arith.index_cast %add3A_1424 : i32 to index
        %get3A_1426 = arith.constant 0 : index
        %get3A_1427 = tpu.vector_load %arg13[%get3A_1425, %get3A_1426] {strides = array<i32>} : memref<256x48xi32, #tpu.memory_space<vmem>>, vector<1x16xi32>,
        %get3A_1428 = vector.shape_cast %get3A_1427 : vector<1x16xi32> to vector<16xi32>
        %shift_left3A_1429 = arith.constant 16 : i32
        %shift_left3A_1430 = vector.broadcast %shift_left3A_1429 : i32 to vector<16xi32>
        %shift_left3A_1431 = arith.shli %get3A_1428, %shift_left3A_1430 : vector<16xi32>
        %bitcast_convert_type3A_1432 = tpu.bitcast %shift_left3A_1431 : vector<16xi32> -> vector<16xf32>
        %and3A_1433 = arith.constant -65536 : i32
        %and3A_1434 = vector.broadcast %and3A_1433 : i32 to vector<16xi32>
        %and3A_1435 = arith.andi %get3A_1428, %and3A_1434 : vector<16xi32>
        %bitcast_convert_type3A_1436 = tpu.bitcast %and3A_1435 : vector<16xi32> -> vector<16xf32>
        %mul3A_1437 = arith.mulf %broadcast_in_dim3A_1419, %bitcast_convert_type3A_1432 : vector<16xf32>
        %add3A_1438 = arith.addf %add3A_1378, %mul3A_1437 : vector<16xf32>
        %mul3A_1439 = arith.mulf %broadcast_in_dim3A_1422, %bitcast_convert_type3A_1436 : vector<16xf32>
        %add3A_1440 = arith.addf %add3A_1438, %mul3A_1439 : vector<16xf32>
        %add3A_1441 = arith.constant 0 : i32
        %add3A_1442 = arith.addi %add3A_1441, %add3A_1416 : i32
        %get3A_1443 = arith.index_cast %add3A_1442 : i32 to index
        %get3A_1444 = arith.constant 16 : index
        %get3A_1445 = tpu.vector_load %arg13[%get3A_1443, %get3A_1444] {strides = array<i32>} : memref<256x48xi32, #tpu.memory_space<vmem>>, vector<1x16xi32>,
        %get3A_1446 = vector.shape_cast %get3A_1445 : vector<1x16xi32> to vector<16xi32>
        %shift_left3A_1447 = arith.constant 16 : i32
        %shift_left3A_1448 = vector.broadcast %shift_left3A_1447 : i32 to vector<16xi32>
        %shift_left3A_1449 = arith.shli %get3A_1446, %shift_left3A_1448 : vector<16xi32>
        %bitcast_convert_type3A_1450 = tpu.bitcast %shift_left3A_1449 : vector<16xi32> -> vector<16xf32>
        %and3A_1451 = arith.constant -65536 : i32
        %and3A_1452 = vector.broadcast %and3A_1451 : i32 to vector<16xi32>
        %and3A_1453 = arith.andi %get3A_1446, %and3A_1452 : vector<16xi32>
        %bitcast_convert_type3A_1454 = tpu.bitcast %and3A_1453 : vector<16xi32> -> vector<16xf32>
        %mul3A_1455 = arith.mulf %broadcast_in_dim3A_1419, %bitcast_convert_type3A_1450 : vector<16xf32>
        %add3A_1456 = arith.addf %add3A_1396, %mul3A_1455 : vector<16xf32>
        %mul3A_1457 = arith.mulf %broadcast_in_dim3A_1422, %bitcast_convert_type3A_1454 : vector<16xf32>
        %add3A_1458 = arith.addf %add3A_1456, %mul3A_1457 : vector<16xf32>
        %add3A_1459 = arith.constant 0 : i32
        %add3A_1460 = arith.addi %add3A_1459, %add3A_1416 : i32
        %get3A_1461 = arith.index_cast %add3A_1460 : i32 to index
        %get3A_1462 = arith.constant 32 : index
        %get3A_1463 = tpu.vector_load %arg13[%get3A_1461, %get3A_1462] {strides = array<i32>} : memref<256x48xi32, #tpu.memory_space<vmem>>, vector<1x16xi32>,
        %get3A_1464 = vector.shape_cast %get3A_1463 : vector<1x16xi32> to vector<16xi32>
        %shift_left3A_1465 = arith.constant 16 : i32
        %shift_left3A_1466 = vector.broadcast %shift_left3A_1465 : i32 to vector<16xi32>
        %shift_left3A_1467 = arith.shli %get3A_1464, %shift_left3A_1466 : vector<16xi32>
        %bitcast_convert_type3A_1468 = tpu.bitcast %shift_left3A_1467 : vector<16xi32> -> vector<16xf32>
        %and3A_1469 = arith.constant -65536 : i32
        %and3A_1470 = vector.broadcast %and3A_1469 : i32 to vector<16xi32>
        %and3A_1471 = arith.andi %get3A_1464, %and3A_1470 : vector<16xi32>
        %bitcast_convert_type3A_1472 = tpu.bitcast %and3A_1471 : vector<16xi32> -> vector<16xf32>
        %mul3A_1473 = arith.mulf %broadcast_in_dim3A_1419, %bitcast_convert_type3A_1468 : vector<16xf32>
        %add3A_1474 = arith.addf %add3A_1414, %mul3A_1473 : vector<16xf32>
        %mul3A_1475 = arith.mulf %broadcast_in_dim3A_1422, %bitcast_convert_type3A_1472 : vector<16xf32>
        %add3A_1476 = arith.addf %add3A_1474, %mul3A_1475 : vector<16xf32>
        %slice3A_1477 = vector.extract_strided_slice %get3A_438 {offsets = [8], sizes = [1], strides = [1]} : vector<16xf32> to vector<1xf32>
        %squeeze3A_1478 = vector.extract %slice3A_1477[0] : f32 from vector<1xf32>
        %broadcast_in_dim3A_1479 = vector.broadcast %squeeze3A_1478 : f32 to vector<16xf32>
        %slice3A_1480 = vector.extract_strided_slice %get3A_443 {offsets = [8], sizes = [1], strides = [1]} : vector<16xf32> to vector<1xf32>
        %squeeze3A_1481 = vector.extract %slice3A_1480[0] : f32 from vector<1xf32>
        %broadcast_in_dim3A_1482 = vector.broadcast %squeeze3A_1481 : f32 to vector<16xf32>
        %add3A_1483 = arith.constant 128 : i32
        %add3A_1484 = arith.addi %add3A_1483, %add3A_1416 : i32
        %get3A_1485 = arith.index_cast %add3A_1484 : i32 to index
        %get3A_1486 = arith.constant 0 : index
        %get3A_1487 = tpu.vector_load %arg13[%get3A_1485, %get3A_1486] {strides = array<i32>} : memref<256x48xi32, #tpu.memory_space<vmem>>, vector<1x16xi32>,
        %get3A_1488 = vector.shape_cast %get3A_1487 : vector<1x16xi32> to vector<16xi32>
        %shift_left3A_1489 = arith.constant 16 : i32
        %shift_left3A_1490 = vector.broadcast %shift_left3A_1489 : i32 to vector<16xi32>
        %shift_left3A_1491 = arith.shli %get3A_1488, %shift_left3A_1490 : vector<16xi32>
        %bitcast_convert_type3A_1492 = tpu.bitcast %shift_left3A_1491 : vector<16xi32> -> vector<16xf32>
        %and3A_1493 = arith.constant -65536 : i32
        %and3A_1494 = vector.broadcast %and3A_1493 : i32 to vector<16xi32>
        %and3A_1495 = arith.andi %get3A_1488, %and3A_1494 : vector<16xi32>
        %bitcast_convert_type3A_1496 = tpu.bitcast %and3A_1495 : vector<16xi32> -> vector<16xf32>
        %mul3A_1497 = arith.mulf %broadcast_in_dim3A_1479, %bitcast_convert_type3A_1492 : vector<16xf32>
        %add3A_1498 = arith.addf %add3A_1440, %mul3A_1497 : vector<16xf32>
        %mul3A_1499 = arith.mulf %broadcast_in_dim3A_1482, %bitcast_convert_type3A_1496 : vector<16xf32>
        %add3A_1500 = arith.addf %add3A_1498, %mul3A_1499 : vector<16xf32>
        %add3A_1501 = arith.constant 128 : i32
        %add3A_1502 = arith.addi %add3A_1501, %add3A_1416 : i32
        %get3A_1503 = arith.index_cast %add3A_1502 : i32 to index
        %get3A_1504 = arith.constant 16 : index
        %get3A_1505 = tpu.vector_load %arg13[%get3A_1503, %get3A_1504] {strides = array<i32>} : memref<256x48xi32, #tpu.memory_space<vmem>>, vector<1x16xi32>,
        %get3A_1506 = vector.shape_cast %get3A_1505 : vector<1x16xi32> to vector<16xi32>
        %shift_left3A_1507 = arith.constant 16 : i32
        %shift_left3A_1508 = vector.broadcast %shift_left3A_1507 : i32 to vector<16xi32>
        %shift_left3A_1509 = arith.shli %get3A_1506, %shift_left3A_1508 : vector<16xi32>
        %bitcast_convert_type3A_1510 = tpu.bitcast %shift_left3A_1509 : vector<16xi32> -> vector<16xf32>
        %and3A_1511 = arith.constant -65536 : i32
        %and3A_1512 = vector.broadcast %and3A_1511 : i32 to vector<16xi32>
        %and3A_1513 = arith.andi %get3A_1506, %and3A_1512 : vector<16xi32>
        %bitcast_convert_type3A_1514 = tpu.bitcast %and3A_1513 : vector<16xi32> -> vector<16xf32>
        %mul3A_1515 = arith.mulf %broadcast_in_dim3A_1479, %bitcast_convert_type3A_1510 : vector<16xf32>
        %add3A_1516 = arith.addf %add3A_1458, %mul3A_1515 : vector<16xf32>
        %mul3A_1517 = arith.mulf %broadcast_in_dim3A_1482, %bitcast_convert_type3A_1514 : vector<16xf32>
        %add3A_1518 = arith.addf %add3A_1516, %mul3A_1517 : vector<16xf32>
        %add3A_1519 = arith.constant 128 : i32
        %add3A_1520 = arith.addi %add3A_1519, %add3A_1416 : i32
        %get3A_1521 = arith.index_cast %add3A_1520 : i32 to index
        %get3A_1522 = arith.constant 32 : index
        %get3A_1523 = tpu.vector_load %arg13[%get3A_1521, %get3A_1522] {strides = array<i32>} : memref<256x48xi32, #tpu.memory_space<vmem>>, vector<1x16xi32>,
        %get3A_1524 = vector.shape_cast %get3A_1523 : vector<1x16xi32> to vector<16xi32>
        %shift_left3A_1525 = arith.constant 16 : i32
        %shift_left3A_1526 = vector.broadcast %shift_left3A_1525 : i32 to vector<16xi32>
        %shift_left3A_1527 = arith.shli %get3A_1524, %shift_left3A_1526 : vector<16xi32>
        %bitcast_convert_type3A_1528 = tpu.bitcast %shift_left3A_1527 : vector<16xi32> -> vector<16xf32>
        %and3A_1529 = arith.constant -65536 : i32
        %and3A_1530 = vector.broadcast %and3A_1529 : i32 to vector<16xi32>
        %and3A_1531 = arith.andi %get3A_1524, %and3A_1530 : vector<16xi32>
        %bitcast_convert_type3A_1532 = tpu.bitcast %and3A_1531 : vector<16xi32> -> vector<16xf32>
        %mul3A_1533 = arith.mulf %broadcast_in_dim3A_1479, %bitcast_convert_type3A_1528 : vector<16xf32>
        %add3A_1534 = arith.addf %add3A_1476, %mul3A_1533 : vector<16xf32>
        %mul3A_1535 = arith.mulf %broadcast_in_dim3A_1482, %bitcast_convert_type3A_1532 : vector<16xf32>
        %add3A_1536 = arith.addf %add3A_1534, %mul3A_1535 : vector<16xf32>
        %add3A_1537 = arith.constant 9 : i32
        %add3A_1538 = arith.addi %mul3A_419, %add3A_1537 : i32
        %slice3A_1539 = vector.extract_strided_slice %get3A_428 {offsets = [9], sizes = [1], strides = [1]} : vector<16xf32> to vector<1xf32>
        %squeeze3A_1540 = vector.extract %slice3A_1539[0] : f32 from vector<1xf32>
        %broadcast_in_dim3A_1541 = vector.broadcast %squeeze3A_1540 : f32 to vector<16xf32>
        %slice3A_1542 = vector.extract_strided_slice %get3A_433 {offsets = [9], sizes = [1], strides = [1]} : vector<16xf32> to vector<1xf32>
        %squeeze3A_1543 = vector.extract %slice3A_1542[0] : f32 from vector<1xf32>
        %broadcast_in_dim3A_1544 = vector.broadcast %squeeze3A_1543 : f32 to vector<16xf32>
        %add3A_1545 = arith.constant 0 : i32
        %add3A_1546 = arith.addi %add3A_1545, %add3A_1538 : i32
        %get3A_1547 = arith.index_cast %add3A_1546 : i32 to index
        %get3A_1548 = arith.constant 0 : index
        %get3A_1549 = tpu.vector_load %arg13[%get3A_1547, %get3A_1548] {strides = array<i32>} : memref<256x48xi32, #tpu.memory_space<vmem>>, vector<1x16xi32>,
        %get3A_1550 = vector.shape_cast %get3A_1549 : vector<1x16xi32> to vector<16xi32>
        %shift_left3A_1551 = arith.constant 16 : i32
        %shift_left3A_1552 = vector.broadcast %shift_left3A_1551 : i32 to vector<16xi32>
        %shift_left3A_1553 = arith.shli %get3A_1550, %shift_left3A_1552 : vector<16xi32>
        %bitcast_convert_type3A_1554 = tpu.bitcast %shift_left3A_1553 : vector<16xi32> -> vector<16xf32>
        %and3A_1555 = arith.constant -65536 : i32
        %and3A_1556 = vector.broadcast %and3A_1555 : i32 to vector<16xi32>
        %and3A_1557 = arith.andi %get3A_1550, %and3A_1556 : vector<16xi32>
        %bitcast_convert_type3A_1558 = tpu.bitcast %and3A_1557 : vector<16xi32> -> vector<16xf32>
        %mul3A_1559 = arith.mulf %broadcast_in_dim3A_1541, %bitcast_convert_type3A_1554 : vector<16xf32>
        %add3A_1560 = arith.addf %add3A_1500, %mul3A_1559 : vector<16xf32>
        %mul3A_1561 = arith.mulf %broadcast_in_dim3A_1544, %bitcast_convert_type3A_1558 : vector<16xf32>
        %add3A_1562 = arith.addf %add3A_1560, %mul3A_1561 : vector<16xf32>
        %add3A_1563 = arith.constant 0 : i32
        %add3A_1564 = arith.addi %add3A_1563, %add3A_1538 : i32
        %get3A_1565 = arith.index_cast %add3A_1564 : i32 to index
        %get3A_1566 = arith.constant 16 : index
        %get3A_1567 = tpu.vector_load %arg13[%get3A_1565, %get3A_1566] {strides = array<i32>} : memref<256x48xi32, #tpu.memory_space<vmem>>, vector<1x16xi32>,
        %get3A_1568 = vector.shape_cast %get3A_1567 : vector<1x16xi32> to vector<16xi32>
        %shift_left3A_1569 = arith.constant 16 : i32
        %shift_left3A_1570 = vector.broadcast %shift_left3A_1569 : i32 to vector<16xi32>
        %shift_left3A_1571 = arith.shli %get3A_1568, %shift_left3A_1570 : vector<16xi32>
        %bitcast_convert_type3A_1572 = tpu.bitcast %shift_left3A_1571 : vector<16xi32> -> vector<16xf32>
        %and3A_1573 = arith.constant -65536 : i32
        %and3A_1574 = vector.broadcast %and3A_1573 : i32 to vector<16xi32>
        %and3A_1575 = arith.andi %get3A_1568, %and3A_1574 : vector<16xi32>
        %bitcast_convert_type3A_1576 = tpu.bitcast %and3A_1575 : vector<16xi32> -> vector<16xf32>
        %mul3A_1577 = arith.mulf %broadcast_in_dim3A_1541, %bitcast_convert_type3A_1572 : vector<16xf32>
        %add3A_1578 = arith.addf %add3A_1518, %mul3A_1577 : vector<16xf32>
        %mul3A_1579 = arith.mulf %broadcast_in_dim3A_1544, %bitcast_convert_type3A_1576 : vector<16xf32>
        %add3A_1580 = arith.addf %add3A_1578, %mul3A_1579 : vector<16xf32>
        %add3A_1581 = arith.constant 0 : i32
        %add3A_1582 = arith.addi %add3A_1581, %add3A_1538 : i32
        %get3A_1583 = arith.index_cast %add3A_1582 : i32 to index
        %get3A_1584 = arith.constant 32 : index
        %get3A_1585 = tpu.vector_load %arg13[%get3A_1583, %get3A_1584] {strides = array<i32>} : memref<256x48xi32, #tpu.memory_space<vmem>>, vector<1x16xi32>,
        %get3A_1586 = vector.shape_cast %get3A_1585 : vector<1x16xi32> to vector<16xi32>
        %shift_left3A_1587 = arith.constant 16 : i32
        %shift_left3A_1588 = vector.broadcast %shift_left3A_1587 : i32 to vector<16xi32>
        %shift_left3A_1589 = arith.shli %get3A_1586, %shift_left3A_1588 : vector<16xi32>
        %bitcast_convert_type3A_1590 = tpu.bitcast %shift_left3A_1589 : vector<16xi32> -> vector<16xf32>
        %and3A_1591 = arith.constant -65536 : i32
        %and3A_1592 = vector.broadcast %and3A_1591 : i32 to vector<16xi32>
        %and3A_1593 = arith.andi %get3A_1586, %and3A_1592 : vector<16xi32>
        %bitcast_convert_type3A_1594 = tpu.bitcast %and3A_1593 : vector<16xi32> -> vector<16xf32>
        %mul3A_1595 = arith.mulf %broadcast_in_dim3A_1541, %bitcast_convert_type3A_1590 : vector<16xf32>
        %add3A_1596 = arith.addf %add3A_1536, %mul3A_1595 : vector<16xf32>
        %mul3A_1597 = arith.mulf %broadcast_in_dim3A_1544, %bitcast_convert_type3A_1594 : vector<16xf32>
        %add3A_1598 = arith.addf %add3A_1596, %mul3A_1597 : vector<16xf32>
        %slice3A_1599 = vector.extract_strided_slice %get3A_438 {offsets = [9], sizes = [1], strides = [1]} : vector<16xf32> to vector<1xf32>
        %squeeze3A_1600 = vector.extract %slice3A_1599[0] : f32 from vector<1xf32>
        %broadcast_in_dim3A_1601 = vector.broadcast %squeeze3A_1600 : f32 to vector<16xf32>
        %slice3A_1602 = vector.extract_strided_slice %get3A_443 {offsets = [9], sizes = [1], strides = [1]} : vector<16xf32> to vector<1xf32>
        %squeeze3A_1603 = vector.extract %slice3A_1602[0] : f32 from vector<1xf32>
        %broadcast_in_dim3A_1604 = vector.broadcast %squeeze3A_1603 : f32 to vector<16xf32>
        %add3A_1605 = arith.constant 128 : i32
        %add3A_1606 = arith.addi %add3A_1605, %add3A_1538 : i32
        %get3A_1607 = arith.index_cast %add3A_1606 : i32 to index
        %get3A_1608 = arith.constant 0 : index
        %get3A_1609 = tpu.vector_load %arg13[%get3A_1607, %get3A_1608] {strides = array<i32>} : memref<256x48xi32, #tpu.memory_space<vmem>>, vector<1x16xi32>,
        %get3A_1610 = vector.shape_cast %get3A_1609 : vector<1x16xi32> to vector<16xi32>
        %shift_left3A_1611 = arith.constant 16 : i32
        %shift_left3A_1612 = vector.broadcast %shift_left3A_1611 : i32 to vector<16xi32>
        %shift_left3A_1613 = arith.shli %get3A_1610, %shift_left3A_1612 : vector<16xi32>
        %bitcast_convert_type3A_1614 = tpu.bitcast %shift_left3A_1613 : vector<16xi32> -> vector<16xf32>
        %and3A_1615 = arith.constant -65536 : i32
        %and3A_1616 = vector.broadcast %and3A_1615 : i32 to vector<16xi32>
        %and3A_1617 = arith.andi %get3A_1610, %and3A_1616 : vector<16xi32>
        %bitcast_convert_type3A_1618 = tpu.bitcast %and3A_1617 : vector<16xi32> -> vector<16xf32>
        %mul3A_1619 = arith.mulf %broadcast_in_dim3A_1601, %bitcast_convert_type3A_1614 : vector<16xf32>
        %add3A_1620 = arith.addf %add3A_1562, %mul3A_1619 : vector<16xf32>
        %mul3A_1621 = arith.mulf %broadcast_in_dim3A_1604, %bitcast_convert_type3A_1618 : vector<16xf32>
        %add3A_1622 = arith.addf %add3A_1620, %mul3A_1621 : vector<16xf32>
        %add3A_1623 = arith.constant 128 : i32
        %add3A_1624 = arith.addi %add3A_1623, %add3A_1538 : i32
        %get3A_1625 = arith.index_cast %add3A_1624 : i32 to index
        %get3A_1626 = arith.constant 16 : index
        %get3A_1627 = tpu.vector_load %arg13[%get3A_1625, %get3A_1626] {strides = array<i32>} : memref<256x48xi32, #tpu.memory_space<vmem>>, vector<1x16xi32>,
        %get3A_1628 = vector.shape_cast %get3A_1627 : vector<1x16xi32> to vector<16xi32>
        %shift_left3A_1629 = arith.constant 16 : i32
        %shift_left3A_1630 = vector.broadcast %shift_left3A_1629 : i32 to vector<16xi32>
        %shift_left3A_1631 = arith.shli %get3A_1628, %shift_left3A_1630 : vector<16xi32>
        %bitcast_convert_type3A_1632 = tpu.bitcast %shift_left3A_1631 : vector<16xi32> -> vector<16xf32>
        %and3A_1633 = arith.constant -65536 : i32
        %and3A_1634 = vector.broadcast %and3A_1633 : i32 to vector<16xi32>
        %and3A_1635 = arith.andi %get3A_1628, %and3A_1634 : vector<16xi32>
        %bitcast_convert_type3A_1636 = tpu.bitcast %and3A_1635 : vector<16xi32> -> vector<16xf32>
        %mul3A_1637 = arith.mulf %broadcast_in_dim3A_1601, %bitcast_convert_type3A_1632 : vector<16xf32>
        %add3A_1638 = arith.addf %add3A_1580, %mul3A_1637 : vector<16xf32>
        %mul3A_1639 = arith.mulf %broadcast_in_dim3A_1604, %bitcast_convert_type3A_1636 : vector<16xf32>
        %add3A_1640 = arith.addf %add3A_1638, %mul3A_1639 : vector<16xf32>
        %add3A_1641 = arith.constant 128 : i32
        %add3A_1642 = arith.addi %add3A_1641, %add3A_1538 : i32
        %get3A_1643 = arith.index_cast %add3A_1642 : i32 to index
        %get3A_1644 = arith.constant 32 : index
        %get3A_1645 = tpu.vector_load %arg13[%get3A_1643, %get3A_1644] {strides = array<i32>} : memref<256x48xi32, #tpu.memory_space<vmem>>, vector<1x16xi32>,
        %get3A_1646 = vector.shape_cast %get3A_1645 : vector<1x16xi32> to vector<16xi32>
        %shift_left3A_1647 = arith.constant 16 : i32
        %shift_left3A_1648 = vector.broadcast %shift_left3A_1647 : i32 to vector<16xi32>
        %shift_left3A_1649 = arith.shli %get3A_1646, %shift_left3A_1648 : vector<16xi32>
        %bitcast_convert_type3A_1650 = tpu.bitcast %shift_left3A_1649 : vector<16xi32> -> vector<16xf32>
        %and3A_1651 = arith.constant -65536 : i32
        %and3A_1652 = vector.broadcast %and3A_1651 : i32 to vector<16xi32>
        %and3A_1653 = arith.andi %get3A_1646, %and3A_1652 : vector<16xi32>
        %bitcast_convert_type3A_1654 = tpu.bitcast %and3A_1653 : vector<16xi32> -> vector<16xf32>
        %mul3A_1655 = arith.mulf %broadcast_in_dim3A_1601, %bitcast_convert_type3A_1650 : vector<16xf32>
        %add3A_1656 = arith.addf %add3A_1598, %mul3A_1655 : vector<16xf32>
        %mul3A_1657 = arith.mulf %broadcast_in_dim3A_1604, %bitcast_convert_type3A_1654 : vector<16xf32>
        %add3A_1658 = arith.addf %add3A_1656, %mul3A_1657 : vector<16xf32>
        %add3A_1659 = arith.constant 10 : i32
        %add3A_1660 = arith.addi %mul3A_419, %add3A_1659 : i32
        %slice3A_1661 = vector.extract_strided_slice %get3A_428 {offsets = [10], sizes = [1], strides = [1]} : vector<16xf32> to vector<1xf32>
        %squeeze3A_1662 = vector.extract %slice3A_1661[0] : f32 from vector<1xf32>
        %broadcast_in_dim3A_1663 = vector.broadcast %squeeze3A_1662 : f32 to vector<16xf32>
        %slice3A_1664 = vector.extract_strided_slice %get3A_433 {offsets = [10], sizes = [1], strides = [1]} : vector<16xf32> to vector<1xf32>
        %squeeze3A_1665 = vector.extract %slice3A_1664[0] : f32 from vector<1xf32>
        %broadcast_in_dim3A_1666 = vector.broadcast %squeeze3A_1665 : f32 to vector<16xf32>
        %add3A_1667 = arith.constant 0 : i32
        %add3A_1668 = arith.addi %add3A_1667, %add3A_1660 : i32
        %get3A_1669 = arith.index_cast %add3A_1668 : i32 to index
        %get3A_1670 = arith.constant 0 : index
        %get3A_1671 = tpu.vector_load %arg13[%get3A_1669, %get3A_1670] {strides = array<i32>} : memref<256x48xi32, #tpu.memory_space<vmem>>, vector<1x16xi32>,
        %get3A_1672 = vector.shape_cast %get3A_1671 : vector<1x16xi32> to vector<16xi32>
        %shift_left3A_1673 = arith.constant 16 : i32
        %shift_left3A_1674 = vector.broadcast %shift_left3A_1673 : i32 to vector<16xi32>
        %shift_left3A_1675 = arith.shli %get3A_1672, %shift_left3A_1674 : vector<16xi32>
        %bitcast_convert_type3A_1676 = tpu.bitcast %shift_left3A_1675 : vector<16xi32> -> vector<16xf32>
        %and3A_1677 = arith.constant -65536 : i32
        %and3A_1678 = vector.broadcast %and3A_1677 : i32 to vector<16xi32>
        %and3A_1679 = arith.andi %get3A_1672, %and3A_1678 : vector<16xi32>
        %bitcast_convert_type3A_1680 = tpu.bitcast %and3A_1679 : vector<16xi32> -> vector<16xf32>
        %mul3A_1681 = arith.mulf %broadcast_in_dim3A_1663, %bitcast_convert_type3A_1676 : vector<16xf32>
        %add3A_1682 = arith.addf %add3A_1622, %mul3A_1681 : vector<16xf32>
        %mul3A_1683 = arith.mulf %broadcast_in_dim3A_1666, %bitcast_convert_type3A_1680 : vector<16xf32>
        %add3A_1684 = arith.addf %add3A_1682, %mul3A_1683 : vector<16xf32>
        %add3A_1685 = arith.constant 0 : i32
        %add3A_1686 = arith.addi %add3A_1685, %add3A_1660 : i32
        %get3A_1687 = arith.index_cast %add3A_1686 : i32 to index
        %get3A_1688 = arith.constant 16 : index
        %get3A_1689 = tpu.vector_load %arg13[%get3A_1687, %get3A_1688] {strides = array<i32>} : memref<256x48xi32, #tpu.memory_space<vmem>>, vector<1x16xi32>,
        %get3A_1690 = vector.shape_cast %get3A_1689 : vector<1x16xi32> to vector<16xi32>
        %shift_left3A_1691 = arith.constant 16 : i32
        %shift_left3A_1692 = vector.broadcast %shift_left3A_1691 : i32 to vector<16xi32>
        %shift_left3A_1693 = arith.shli %get3A_1690, %shift_left3A_1692 : vector<16xi32>
        %bitcast_convert_type3A_1694 = tpu.bitcast %shift_left3A_1693 : vector<16xi32> -> vector<16xf32>
        %and3A_1695 = arith.constant -65536 : i32
        %and3A_1696 = vector.broadcast %and3A_1695 : i32 to vector<16xi32>
        %and3A_1697 = arith.andi %get3A_1690, %and3A_1696 : vector<16xi32>
        %bitcast_convert_type3A_1698 = tpu.bitcast %and3A_1697 : vector<16xi32> -> vector<16xf32>
        %mul3A_1699 = arith.mulf %broadcast_in_dim3A_1663, %bitcast_convert_type3A_1694 : vector<16xf32>
        %add3A_1700 = arith.addf %add3A_1640, %mul3A_1699 : vector<16xf32>
        %mul3A_1701 = arith.mulf %broadcast_in_dim3A_1666, %bitcast_convert_type3A_1698 : vector<16xf32>
        %add3A_1702 = arith.addf %add3A_1700, %mul3A_1701 : vector<16xf32>
        %add3A_1703 = arith.constant 0 : i32
        %add3A_1704 = arith.addi %add3A_1703, %add3A_1660 : i32
        %get3A_1705 = arith.index_cast %add3A_1704 : i32 to index
        %get3A_1706 = arith.constant 32 : index
        %get3A_1707 = tpu.vector_load %arg13[%get3A_1705, %get3A_1706] {strides = array<i32>} : memref<256x48xi32, #tpu.memory_space<vmem>>, vector<1x16xi32>,
        %get3A_1708 = vector.shape_cast %get3A_1707 : vector<1x16xi32> to vector<16xi32>
        %shift_left3A_1709 = arith.constant 16 : i32
        %shift_left3A_1710 = vector.broadcast %shift_left3A_1709 : i32 to vector<16xi32>
        %shift_left3A_1711 = arith.shli %get3A_1708, %shift_left3A_1710 : vector<16xi32>
        %bitcast_convert_type3A_1712 = tpu.bitcast %shift_left3A_1711 : vector<16xi32> -> vector<16xf32>
        %and3A_1713 = arith.constant -65536 : i32
        %and3A_1714 = vector.broadcast %and3A_1713 : i32 to vector<16xi32>
        %and3A_1715 = arith.andi %get3A_1708, %and3A_1714 : vector<16xi32>
        %bitcast_convert_type3A_1716 = tpu.bitcast %and3A_1715 : vector<16xi32> -> vector<16xf32>
        %mul3A_1717 = arith.mulf %broadcast_in_dim3A_1663, %bitcast_convert_type3A_1712 : vector<16xf32>
        %add3A_1718 = arith.addf %add3A_1658, %mul3A_1717 : vector<16xf32>
        %mul3A_1719 = arith.mulf %broadcast_in_dim3A_1666, %bitcast_convert_type3A_1716 : vector<16xf32>
        %add3A_1720 = arith.addf %add3A_1718, %mul3A_1719 : vector<16xf32>
        %slice3A_1721 = vector.extract_strided_slice %get3A_438 {offsets = [10], sizes = [1], strides = [1]} : vector<16xf32> to vector<1xf32>
        %squeeze3A_1722 = vector.extract %slice3A_1721[0] : f32 from vector<1xf32>
        %broadcast_in_dim3A_1723 = vector.broadcast %squeeze3A_1722 : f32 to vector<16xf32>
        %slice3A_1724 = vector.extract_strided_slice %get3A_443 {offsets = [10], sizes = [1], strides = [1]} : vector<16xf32> to vector<1xf32>
        %squeeze3A_1725 = vector.extract %slice3A_1724[0] : f32 from vector<1xf32>
        %broadcast_in_dim3A_1726 = vector.broadcast %squeeze3A_1725 : f32 to vector<16xf32>
        %add3A_1727 = arith.constant 128 : i32
        %add3A_1728 = arith.addi %add3A_1727, %add3A_1660 : i32
        %get3A_1729 = arith.index_cast %add3A_1728 : i32 to index
        %get3A_1730 = arith.constant 0 : index
        %get3A_1731 = tpu.vector_load %arg13[%get3A_1729, %get3A_1730] {strides = array<i32>} : memref<256x48xi32, #tpu.memory_space<vmem>>, vector<1x16xi32>,
        %get3A_1732 = vector.shape_cast %get3A_1731 : vector<1x16xi32> to vector<16xi32>
        %shift_left3A_1733 = arith.constant 16 : i32
        %shift_left3A_1734 = vector.broadcast %shift_left3A_1733 : i32 to vector<16xi32>
        %shift_left3A_1735 = arith.shli %get3A_1732, %shift_left3A_1734 : vector<16xi32>
        %bitcast_convert_type3A_1736 = tpu.bitcast %shift_left3A_1735 : vector<16xi32> -> vector<16xf32>
        %and3A_1737 = arith.constant -65536 : i32
        %and3A_1738 = vector.broadcast %and3A_1737 : i32 to vector<16xi32>
        %and3A_1739 = arith.andi %get3A_1732, %and3A_1738 : vector<16xi32>
        %bitcast_convert_type3A_1740 = tpu.bitcast %and3A_1739 : vector<16xi32> -> vector<16xf32>
        %mul3A_1741 = arith.mulf %broadcast_in_dim3A_1723, %bitcast_convert_type3A_1736 : vector<16xf32>
        %add3A_1742 = arith.addf %add3A_1684, %mul3A_1741 : vector<16xf32>
        %mul3A_1743 = arith.mulf %broadcast_in_dim3A_1726, %bitcast_convert_type3A_1740 : vector<16xf32>
        %add3A_1744 = arith.addf %add3A_1742, %mul3A_1743 : vector<16xf32>
        %add3A_1745 = arith.constant 128 : i32
        %add3A_1746 = arith.addi %add3A_1745, %add3A_1660 : i32
        %get3A_1747 = arith.index_cast %add3A_1746 : i32 to index
        %get3A_1748 = arith.constant 16 : index
        %get3A_1749 = tpu.vector_load %arg13[%get3A_1747, %get3A_1748] {strides = array<i32>} : memref<256x48xi32, #tpu.memory_space<vmem>>, vector<1x16xi32>,
        %get3A_1750 = vector.shape_cast %get3A_1749 : vector<1x16xi32> to vector<16xi32>
        %shift_left3A_1751 = arith.constant 16 : i32
        %shift_left3A_1752 = vector.broadcast %shift_left3A_1751 : i32 to vector<16xi32>
        %shift_left3A_1753 = arith.shli %get3A_1750, %shift_left3A_1752 : vector<16xi32>
        %bitcast_convert_type3A_1754 = tpu.bitcast %shift_left3A_1753 : vector<16xi32> -> vector<16xf32>
        %and3A_1755 = arith.constant -65536 : i32
        %and3A_1756 = vector.broadcast %and3A_1755 : i32 to vector<16xi32>
        %and3A_1757 = arith.andi %get3A_1750, %and3A_1756 : vector<16xi32>
        %bitcast_convert_type3A_1758 = tpu.bitcast %and3A_1757 : vector<16xi32> -> vector<16xf32>
        %mul3A_1759 = arith.mulf %broadcast_in_dim3A_1723, %bitcast_convert_type3A_1754 : vector<16xf32>
        %add3A_1760 = arith.addf %add3A_1702, %mul3A_1759 : vector<16xf32>
        %mul3A_1761 = arith.mulf %broadcast_in_dim3A_1726, %bitcast_convert_type3A_1758 : vector<16xf32>
        %add3A_1762 = arith.addf %add3A_1760, %mul3A_1761 : vector<16xf32>
        %add3A_1763 = arith.constant 128 : i32
        %add3A_1764 = arith.addi %add3A_1763, %add3A_1660 : i32
        %get3A_1765 = arith.index_cast %add3A_1764 : i32 to index
        %get3A_1766 = arith.constant 32 : index
        %get3A_1767 = tpu.vector_load %arg13[%get3A_1765, %get3A_1766] {strides = array<i32>} : memref<256x48xi32, #tpu.memory_space<vmem>>, vector<1x16xi32>,
        %get3A_1768 = vector.shape_cast %get3A_1767 : vector<1x16xi32> to vector<16xi32>
        %shift_left3A_1769 = arith.constant 16 : i32
        %shift_left3A_1770 = vector.broadcast %shift_left3A_1769 : i32 to vector<16xi32>
        %shift_left3A_1771 = arith.shli %get3A_1768, %shift_left3A_1770 : vector<16xi32>
        %bitcast_convert_type3A_1772 = tpu.bitcast %shift_left3A_1771 : vector<16xi32> -> vector<16xf32>
        %and3A_1773 = arith.constant -65536 : i32
        %and3A_1774 = vector.broadcast %and3A_1773 : i32 to vector<16xi32>
        %and3A_1775 = arith.andi %get3A_1768, %and3A_1774 : vector<16xi32>
        %bitcast_convert_type3A_1776 = tpu.bitcast %and3A_1775 : vector<16xi32> -> vector<16xf32>
        %mul3A_1777 = arith.mulf %broadcast_in_dim3A_1723, %bitcast_convert_type3A_1772 : vector<16xf32>
        %add3A_1778 = arith.addf %add3A_1720, %mul3A_1777 : vector<16xf32>
        %mul3A_1779 = arith.mulf %broadcast_in_dim3A_1726, %bitcast_convert_type3A_1776 : vector<16xf32>
        %add3A_1780 = arith.addf %add3A_1778, %mul3A_1779 : vector<16xf32>
        %add3A_1781 = arith.constant 11 : i32
        %add3A_1782 = arith.addi %mul3A_419, %add3A_1781 : i32
        %slice3A_1783 = vector.extract_strided_slice %get3A_428 {offsets = [11], sizes = [1], strides = [1]} : vector<16xf32> to vector<1xf32>
        %squeeze3A_1784 = vector.extract %slice3A_1783[0] : f32 from vector<1xf32>
        %broadcast_in_dim3A_1785 = vector.broadcast %squeeze3A_1784 : f32 to vector<16xf32>
        %slice3A_1786 = vector.extract_strided_slice %get3A_433 {offsets = [11], sizes = [1], strides = [1]} : vector<16xf32> to vector<1xf32>
        %squeeze3A_1787 = vector.extract %slice3A_1786[0] : f32 from vector<1xf32>
        %broadcast_in_dim3A_1788 = vector.broadcast %squeeze3A_1787 : f32 to vector<16xf32>
        %add3A_1789 = arith.constant 0 : i32
        %add3A_1790 = arith.addi %add3A_1789, %add3A_1782 : i32
        %get3A_1791 = arith.index_cast %add3A_1790 : i32 to index
        %get3A_1792 = arith.constant 0 : index
        %get3A_1793 = tpu.vector_load %arg13[%get3A_1791, %get3A_1792] {strides = array<i32>} : memref<256x48xi32, #tpu.memory_space<vmem>>, vector<1x16xi32>,
        %get3A_1794 = vector.shape_cast %get3A_1793 : vector<1x16xi32> to vector<16xi32>
        %shift_left3A_1795 = arith.constant 16 : i32
        %shift_left3A_1796 = vector.broadcast %shift_left3A_1795 : i32 to vector<16xi32>
        %shift_left3A_1797 = arith.shli %get3A_1794, %shift_left3A_1796 : vector<16xi32>
        %bitcast_convert_type3A_1798 = tpu.bitcast %shift_left3A_1797 : vector<16xi32> -> vector<16xf32>
        %and3A_1799 = arith.constant -65536 : i32
        %and3A_1800 = vector.broadcast %and3A_1799 : i32 to vector<16xi32>
        %and3A_1801 = arith.andi %get3A_1794, %and3A_1800 : vector<16xi32>
        %bitcast_convert_type3A_1802 = tpu.bitcast %and3A_1801 : vector<16xi32> -> vector<16xf32>
        %mul3A_1803 = arith.mulf %broadcast_in_dim3A_1785, %bitcast_convert_type3A_1798 : vector<16xf32>
        %add3A_1804 = arith.addf %add3A_1744, %mul3A_1803 : vector<16xf32>
        %mul3A_1805 = arith.mulf %broadcast_in_dim3A_1788, %bitcast_convert_type3A_1802 : vector<16xf32>
        %add3A_1806 = arith.addf %add3A_1804, %mul3A_1805 : vector<16xf32>
        %add3A_1807 = arith.constant 0 : i32
        %add3A_1808 = arith.addi %add3A_1807, %add3A_1782 : i32
        %get3A_1809 = arith.index_cast %add3A_1808 : i32 to index
        %get3A_1810 = arith.constant 16 : index
        %get3A_1811 = tpu.vector_load %arg13[%get3A_1809, %get3A_1810] {strides = array<i32>} : memref<256x48xi32, #tpu.memory_space<vmem>>, vector<1x16xi32>,
        %get3A_1812 = vector.shape_cast %get3A_1811 : vector<1x16xi32> to vector<16xi32>
        %shift_left3A_1813 = arith.constant 16 : i32
        %shift_left3A_1814 = vector.broadcast %shift_left3A_1813 : i32 to vector<16xi32>
        %shift_left3A_1815 = arith.shli %get3A_1812, %shift_left3A_1814 : vector<16xi32>
        %bitcast_convert_type3A_1816 = tpu.bitcast %shift_left3A_1815 : vector<16xi32> -> vector<16xf32>
        %and3A_1817 = arith.constant -65536 : i32
        %and3A_1818 = vector.broadcast %and3A_1817 : i32 to vector<16xi32>
        %and3A_1819 = arith.andi %get3A_1812, %and3A_1818 : vector<16xi32>
        %bitcast_convert_type3A_1820 = tpu.bitcast %and3A_1819 : vector<16xi32> -> vector<16xf32>
        %mul3A_1821 = arith.mulf %broadcast_in_dim3A_1785, %bitcast_convert_type3A_1816 : vector<16xf32>
        %add3A_1822 = arith.addf %add3A_1762, %mul3A_1821 : vector<16xf32>
        %mul3A_1823 = arith.mulf %broadcast_in_dim3A_1788, %bitcast_convert_type3A_1820 : vector<16xf32>
        %add3A_1824 = arith.addf %add3A_1822, %mul3A_1823 : vector<16xf32>
        %add3A_1825 = arith.constant 0 : i32
        %add3A_1826 = arith.addi %add3A_1825, %add3A_1782 : i32
        %get3A_1827 = arith.index_cast %add3A_1826 : i32 to index
        %get3A_1828 = arith.constant 32 : index
        %get3A_1829 = tpu.vector_load %arg13[%get3A_1827, %get3A_1828] {strides = array<i32>} : memref<256x48xi32, #tpu.memory_space<vmem>>, vector<1x16xi32>,
        %get3A_1830 = vector.shape_cast %get3A_1829 : vector<1x16xi32> to vector<16xi32>
        %shift_left3A_1831 = arith.constant 16 : i32
        %shift_left3A_1832 = vector.broadcast %shift_left3A_1831 : i32 to vector<16xi32>
        %shift_left3A_1833 = arith.shli %get3A_1830, %shift_left3A_1832 : vector<16xi32>
        %bitcast_convert_type3A_1834 = tpu.bitcast %shift_left3A_1833 : vector<16xi32> -> vector<16xf32>
        %and3A_1835 = arith.constant -65536 : i32
        %and3A_1836 = vector.broadcast %and3A_1835 : i32 to vector<16xi32>
        %and3A_1837 = arith.andi %get3A_1830, %and3A_1836 : vector<16xi32>
        %bitcast_convert_type3A_1838 = tpu.bitcast %and3A_1837 : vector<16xi32> -> vector<16xf32>
        %mul3A_1839 = arith.mulf %broadcast_in_dim3A_1785, %bitcast_convert_type3A_1834 : vector<16xf32>
        %add3A_1840 = arith.addf %add3A_1780, %mul3A_1839 : vector<16xf32>
        %mul3A_1841 = arith.mulf %broadcast_in_dim3A_1788, %bitcast_convert_type3A_1838 : vector<16xf32>
        %add3A_1842 = arith.addf %add3A_1840, %mul3A_1841 : vector<16xf32>
        %slice3A_1843 = vector.extract_strided_slice %get3A_438 {offsets = [11], sizes = [1], strides = [1]} : vector<16xf32> to vector<1xf32>
        %squeeze3A_1844 = vector.extract %slice3A_1843[0] : f32 from vector<1xf32>
        %broadcast_in_dim3A_1845 = vector.broadcast %squeeze3A_1844 : f32 to vector<16xf32>
        %slice3A_1846 = vector.extract_strided_slice %get3A_443 {offsets = [11], sizes = [1], strides = [1]} : vector<16xf32> to vector<1xf32>
        %squeeze3A_1847 = vector.extract %slice3A_1846[0] : f32 from vector<1xf32>
        %broadcast_in_dim3A_1848 = vector.broadcast %squeeze3A_1847 : f32 to vector<16xf32>
        %add3A_1849 = arith.constant 128 : i32
        %add3A_1850 = arith.addi %add3A_1849, %add3A_1782 : i32
        %get3A_1851 = arith.index_cast %add3A_1850 : i32 to index
        %get3A_1852 = arith.constant 0 : index
        %get3A_1853 = tpu.vector_load %arg13[%get3A_1851, %get3A_1852] {strides = array<i32>} : memref<256x48xi32, #tpu.memory_space<vmem>>, vector<1x16xi32>,
        %get3A_1854 = vector.shape_cast %get3A_1853 : vector<1x16xi32> to vector<16xi32>
        %shift_left3A_1855 = arith.constant 16 : i32
        %shift_left3A_1856 = vector.broadcast %shift_left3A_1855 : i32 to vector<16xi32>
        %shift_left3A_1857 = arith.shli %get3A_1854, %shift_left3A_1856 : vector<16xi32>
        %bitcast_convert_type3A_1858 = tpu.bitcast %shift_left3A_1857 : vector<16xi32> -> vector<16xf32>
        %and3A_1859 = arith.constant -65536 : i32
        %and3A_1860 = vector.broadcast %and3A_1859 : i32 to vector<16xi32>
        %and3A_1861 = arith.andi %get3A_1854, %and3A_1860 : vector<16xi32>
        %bitcast_convert_type3A_1862 = tpu.bitcast %and3A_1861 : vector<16xi32> -> vector<16xf32>
        %mul3A_1863 = arith.mulf %broadcast_in_dim3A_1845, %bitcast_convert_type3A_1858 : vector<16xf32>
        %add3A_1864 = arith.addf %add3A_1806, %mul3A_1863 : vector<16xf32>
        %mul3A_1865 = arith.mulf %broadcast_in_dim3A_1848, %bitcast_convert_type3A_1862 : vector<16xf32>
        %add3A_1866 = arith.addf %add3A_1864, %mul3A_1865 : vector<16xf32>
        %add3A_1867 = arith.constant 128 : i32
        %add3A_1868 = arith.addi %add3A_1867, %add3A_1782 : i32
        %get3A_1869 = arith.index_cast %add3A_1868 : i32 to index
        %get3A_1870 = arith.constant 16 : index
        %get3A_1871 = tpu.vector_load %arg13[%get3A_1869, %get3A_1870] {strides = array<i32>} : memref<256x48xi32, #tpu.memory_space<vmem>>, vector<1x16xi32>,
        %get3A_1872 = vector.shape_cast %get3A_1871 : vector<1x16xi32> to vector<16xi32>
        %shift_left3A_1873 = arith.constant 16 : i32
        %shift_left3A_1874 = vector.broadcast %shift_left3A_1873 : i32 to vector<16xi32>
        %shift_left3A_1875 = arith.shli %get3A_1872, %shift_left3A_1874 : vector<16xi32>
        %bitcast_convert_type3A_1876 = tpu.bitcast %shift_left3A_1875 : vector<16xi32> -> vector<16xf32>
        %and3A_1877 = arith.constant -65536 : i32
        %and3A_1878 = vector.broadcast %and3A_1877 : i32 to vector<16xi32>
        %and3A_1879 = arith.andi %get3A_1872, %and3A_1878 : vector<16xi32>
        %bitcast_convert_type3A_1880 = tpu.bitcast %and3A_1879 : vector<16xi32> -> vector<16xf32>
        %mul3A_1881 = arith.mulf %broadcast_in_dim3A_1845, %bitcast_convert_type3A_1876 : vector<16xf32>
        %add3A_1882 = arith.addf %add3A_1824, %mul3A_1881 : vector<16xf32>
        %mul3A_1883 = arith.mulf %broadcast_in_dim3A_1848, %bitcast_convert_type3A_1880 : vector<16xf32>
        %add3A_1884 = arith.addf %add3A_1882, %mul3A_1883 : vector<16xf32>
        %add3A_1885 = arith.constant 128 : i32
        %add3A_1886 = arith.addi %add3A_1885, %add3A_1782 : i32
        %get3A_1887 = arith.index_cast %add3A_1886 : i32 to index
        %get3A_1888 = arith.constant 32 : index
        %get3A_1889 = tpu.vector_load %arg13[%get3A_1887, %get3A_1888] {strides = array<i32>} : memref<256x48xi32, #tpu.memory_space<vmem>>, vector<1x16xi32>,
        %get3A_1890 = vector.shape_cast %get3A_1889 : vector<1x16xi32> to vector<16xi32>
        %shift_left3A_1891 = arith.constant 16 : i32
        %shift_left3A_1892 = vector.broadcast %shift_left3A_1891 : i32 to vector<16xi32>
        %shift_left3A_1893 = arith.shli %get3A_1890, %shift_left3A_1892 : vector<16xi32>
        %bitcast_convert_type3A_1894 = tpu.bitcast %shift_left3A_1893 : vector<16xi32> -> vector<16xf32>
        %and3A_1895 = arith.constant -65536 : i32
        %and3A_1896 = vector.broadcast %and3A_1895 : i32 to vector<16xi32>
        %and3A_1897 = arith.andi %get3A_1890, %and3A_1896 : vector<16xi32>
        %bitcast_convert_type3A_1898 = tpu.bitcast %and3A_1897 : vector<16xi32> -> vector<16xf32>
        %mul3A_1899 = arith.mulf %broadcast_in_dim3A_1845, %bitcast_convert_type3A_1894 : vector<16xf32>
        %add3A_1900 = arith.addf %add3A_1842, %mul3A_1899 : vector<16xf32>
        %mul3A_1901 = arith.mulf %broadcast_in_dim3A_1848, %bitcast_convert_type3A_1898 : vector<16xf32>
        %add3A_1902 = arith.addf %add3A_1900, %mul3A_1901 : vector<16xf32>
        %add3A_1903 = arith.constant 12 : i32
        %add3A_1904 = arith.addi %mul3A_419, %add3A_1903 : i32
        %slice3A_1905 = vector.extract_strided_slice %get3A_428 {offsets = [12], sizes = [1], strides = [1]} : vector<16xf32> to vector<1xf32>
        %squeeze3A_1906 = vector.extract %slice3A_1905[0] : f32 from vector<1xf32>
        %broadcast_in_dim3A_1907 = vector.broadcast %squeeze3A_1906 : f32 to vector<16xf32>
        %slice3A_1908 = vector.extract_strided_slice %get3A_433 {offsets = [12], sizes = [1], strides = [1]} : vector<16xf32> to vector<1xf32>
        %squeeze3A_1909 = vector.extract %slice3A_1908[0] : f32 from vector<1xf32>
        %broadcast_in_dim3A_1910 = vector.broadcast %squeeze3A_1909 : f32 to vector<16xf32>
        %add3A_1911 = arith.constant 0 : i32
        %add3A_1912 = arith.addi %add3A_1911, %add3A_1904 : i32
        %get3A_1913 = arith.index_cast %add3A_1912 : i32 to index
        %get3A_1914 = arith.constant 0 : index
        %get3A_1915 = tpu.vector_load %arg13[%get3A_1913, %get3A_1914] {strides = array<i32>} : memref<256x48xi32, #tpu.memory_space<vmem>>, vector<1x16xi32>,
        %get3A_1916 = vector.shape_cast %get3A_1915 : vector<1x16xi32> to vector<16xi32>
        %shift_left3A_1917 = arith.constant 16 : i32
        %shift_left3A_1918 = vector.broadcast %shift_left3A_1917 : i32 to vector<16xi32>
        %shift_left3A_1919 = arith.shli %get3A_1916, %shift_left3A_1918 : vector<16xi32>
        %bitcast_convert_type3A_1920 = tpu.bitcast %shift_left3A_1919 : vector<16xi32> -> vector<16xf32>
        %and3A_1921 = arith.constant -65536 : i32
        %and3A_1922 = vector.broadcast %and3A_1921 : i32 to vector<16xi32>
        %and3A_1923 = arith.andi %get3A_1916, %and3A_1922 : vector<16xi32>
        %bitcast_convert_type3A_1924 = tpu.bitcast %and3A_1923 : vector<16xi32> -> vector<16xf32>
        %mul3A_1925 = arith.mulf %broadcast_in_dim3A_1907, %bitcast_convert_type3A_1920 : vector<16xf32>
        %add3A_1926 = arith.addf %add3A_1866, %mul3A_1925 : vector<16xf32>
        %mul3A_1927 = arith.mulf %broadcast_in_dim3A_1910, %bitcast_convert_type3A_1924 : vector<16xf32>
        %add3A_1928 = arith.addf %add3A_1926, %mul3A_1927 : vector<16xf32>
        %add3A_1929 = arith.constant 0 : i32
        %add3A_1930 = arith.addi %add3A_1929, %add3A_1904 : i32
        %get3A_1931 = arith.index_cast %add3A_1930 : i32 to index
        %get3A_1932 = arith.constant 16 : index
        %get3A_1933 = tpu.vector_load %arg13[%get3A_1931, %get3A_1932] {strides = array<i32>} : memref<256x48xi32, #tpu.memory_space<vmem>>, vector<1x16xi32>,
        %get3A_1934 = vector.shape_cast %get3A_1933 : vector<1x16xi32> to vector<16xi32>
        %shift_left3A_1935 = arith.constant 16 : i32
        %shift_left3A_1936 = vector.broadcast %shift_left3A_1935 : i32 to vector<16xi32>
        %shift_left3A_1937 = arith.shli %get3A_1934, %shift_left3A_1936 : vector<16xi32>
        %bitcast_convert_type3A_1938 = tpu.bitcast %shift_left3A_1937 : vector<16xi32> -> vector<16xf32>
        %and3A_1939 = arith.constant -65536 : i32
        %and3A_1940 = vector.broadcast %and3A_1939 : i32 to vector<16xi32>
        %and3A_1941 = arith.andi %get3A_1934, %and3A_1940 : vector<16xi32>
        %bitcast_convert_type3A_1942 = tpu.bitcast %and3A_1941 : vector<16xi32> -> vector<16xf32>
        %mul3A_1943 = arith.mulf %broadcast_in_dim3A_1907, %bitcast_convert_type3A_1938 : vector<16xf32>
        %add3A_1944 = arith.addf %add3A_1884, %mul3A_1943 : vector<16xf32>
        %mul3A_1945 = arith.mulf %broadcast_in_dim3A_1910, %bitcast_convert_type3A_1942 : vector<16xf32>
        %add3A_1946 = arith.addf %add3A_1944, %mul3A_1945 : vector<16xf32>
        %add3A_1947 = arith.constant 0 : i32
        %add3A_1948 = arith.addi %add3A_1947, %add3A_1904 : i32
        %get3A_1949 = arith.index_cast %add3A_1948 : i32 to index
        %get3A_1950 = arith.constant 32 : index
        %get3A_1951 = tpu.vector_load %arg13[%get3A_1949, %get3A_1950] {strides = array<i32>} : memref<256x48xi32, #tpu.memory_space<vmem>>, vector<1x16xi32>,
        %get3A_1952 = vector.shape_cast %get3A_1951 : vector<1x16xi32> to vector<16xi32>
        %shift_left3A_1953 = arith.constant 16 : i32
        %shift_left3A_1954 = vector.broadcast %shift_left3A_1953 : i32 to vector<16xi32>
        %shift_left3A_1955 = arith.shli %get3A_1952, %shift_left3A_1954 : vector<16xi32>
        %bitcast_convert_type3A_1956 = tpu.bitcast %shift_left3A_1955 : vector<16xi32> -> vector<16xf32>
        %and3A_1957 = arith.constant -65536 : i32
        %and3A_1958 = vector.broadcast %and3A_1957 : i32 to vector<16xi32>
        %and3A_1959 = arith.andi %get3A_1952, %and3A_1958 : vector<16xi32>
        %bitcast_convert_type3A_1960 = tpu.bitcast %and3A_1959 : vector<16xi32> -> vector<16xf32>
        %mul3A_1961 = arith.mulf %broadcast_in_dim3A_1907, %bitcast_convert_type3A_1956 : vector<16xf32>
        %add3A_1962 = arith.addf %add3A_1902, %mul3A_1961 : vector<16xf32>
        %mul3A_1963 = arith.mulf %broadcast_in_dim3A_1910, %bitcast_convert_type3A_1960 : vector<16xf32>
        %add3A_1964 = arith.addf %add3A_1962, %mul3A_1963 : vector<16xf32>
        %slice3A_1965 = vector.extract_strided_slice %get3A_438 {offsets = [12], sizes = [1], strides = [1]} : vector<16xf32> to vector<1xf32>
        %squeeze3A_1966 = vector.extract %slice3A_1965[0] : f32 from vector<1xf32>
        %broadcast_in_dim3A_1967 = vector.broadcast %squeeze3A_1966 : f32 to vector<16xf32>
        %slice3A_1968 = vector.extract_strided_slice %get3A_443 {offsets = [12], sizes = [1], strides = [1]} : vector<16xf32> to vector<1xf32>
        %squeeze3A_1969 = vector.extract %slice3A_1968[0] : f32 from vector<1xf32>
        %broadcast_in_dim3A_1970 = vector.broadcast %squeeze3A_1969 : f32 to vector<16xf32>
        %add3A_1971 = arith.constant 128 : i32
        %add3A_1972 = arith.addi %add3A_1971, %add3A_1904 : i32
        %get3A_1973 = arith.index_cast %add3A_1972 : i32 to index
        %get3A_1974 = arith.constant 0 : index
        %get3A_1975 = tpu.vector_load %arg13[%get3A_1973, %get3A_1974] {strides = array<i32>} : memref<256x48xi32, #tpu.memory_space<vmem>>, vector<1x16xi32>,
        %get3A_1976 = vector.shape_cast %get3A_1975 : vector<1x16xi32> to vector<16xi32>
        %shift_left3A_1977 = arith.constant 16 : i32
        %shift_left3A_1978 = vector.broadcast %shift_left3A_1977 : i32 to vector<16xi32>
        %shift_left3A_1979 = arith.shli %get3A_1976, %shift_left3A_1978 : vector<16xi32>
        %bitcast_convert_type3A_1980 = tpu.bitcast %shift_left3A_1979 : vector<16xi32> -> vector<16xf32>
        %and3A_1981 = arith.constant -65536 : i32
        %and3A_1982 = vector.broadcast %and3A_1981 : i32 to vector<16xi32>
        %and3A_1983 = arith.andi %get3A_1976, %and3A_1982 : vector<16xi32>
        %bitcast_convert_type3A_1984 = tpu.bitcast %and3A_1983 : vector<16xi32> -> vector<16xf32>
        %mul3A_1985 = arith.mulf %broadcast_in_dim3A_1967, %bitcast_convert_type3A_1980 : vector<16xf32>
        %add3A_1986 = arith.addf %add3A_1928, %mul3A_1985 : vector<16xf32>
        %mul3A_1987 = arith.mulf %broadcast_in_dim3A_1970, %bitcast_convert_type3A_1984 : vector<16xf32>
        %add3A_1988 = arith.addf %add3A_1986, %mul3A_1987 : vector<16xf32>
        %add3A_1989 = arith.constant 128 : i32
        %add3A_1990 = arith.addi %add3A_1989, %add3A_1904 : i32
        %get3A_1991 = arith.index_cast %add3A_1990 : i32 to index
        %get3A_1992 = arith.constant 16 : index
        %get3A_1993 = tpu.vector_load %arg13[%get3A_1991, %get3A_1992] {strides = array<i32>} : memref<256x48xi32, #tpu.memory_space<vmem>>, vector<1x16xi32>,
        %get3A_1994 = vector.shape_cast %get3A_1993 : vector<1x16xi32> to vector<16xi32>
        %shift_left3A_1995 = arith.constant 16 : i32
        %shift_left3A_1996 = vector.broadcast %shift_left3A_1995 : i32 to vector<16xi32>
        %shift_left3A_1997 = arith.shli %get3A_1994, %shift_left3A_1996 : vector<16xi32>
        %bitcast_convert_type3A_1998 = tpu.bitcast %shift_left3A_1997 : vector<16xi32> -> vector<16xf32>
        %and3A_1999 = arith.constant -65536 : i32
        %and3A_2000 = vector.broadcast %and3A_1999 : i32 to vector<16xi32>
        %and3A_2001 = arith.andi %get3A_1994, %and3A_2000 : vector<16xi32>
        %bitcast_convert_type3A_2002 = tpu.bitcast %and3A_2001 : vector<16xi32> -> vector<16xf32>
        %mul3A_2003 = arith.mulf %broadcast_in_dim3A_1967, %bitcast_convert_type3A_1998 : vector<16xf32>
        %add3A_2004 = arith.addf %add3A_1946, %mul3A_2003 : vector<16xf32>
        %mul3A_2005 = arith.mulf %broadcast_in_dim3A_1970, %bitcast_convert_type3A_2002 : vector<16xf32>
        %add3A_2006 = arith.addf %add3A_2004, %mul3A_2005 : vector<16xf32>
        %add3A_2007 = arith.constant 128 : i32
        %add3A_2008 = arith.addi %add3A_2007, %add3A_1904 : i32
        %get3A_2009 = arith.index_cast %add3A_2008 : i32 to index
        %get3A_2010 = arith.constant 32 : index
        %get3A_2011 = tpu.vector_load %arg13[%get3A_2009, %get3A_2010] {strides = array<i32>} : memref<256x48xi32, #tpu.memory_space<vmem>>, vector<1x16xi32>,
        %get3A_2012 = vector.shape_cast %get3A_2011 : vector<1x16xi32> to vector<16xi32>
        %shift_left3A_2013 = arith.constant 16 : i32
        %shift_left3A_2014 = vector.broadcast %shift_left3A_2013 : i32 to vector<16xi32>
        %shift_left3A_2015 = arith.shli %get3A_2012, %shift_left3A_2014 : vector<16xi32>
        %bitcast_convert_type3A_2016 = tpu.bitcast %shift_left3A_2015 : vector<16xi32> -> vector<16xf32>
        %and3A_2017 = arith.constant -65536 : i32
        %and3A_2018 = vector.broadcast %and3A_2017 : i32 to vector<16xi32>
        %and3A_2019 = arith.andi %get3A_2012, %and3A_2018 : vector<16xi32>
        %bitcast_convert_type3A_2020 = tpu.bitcast %and3A_2019 : vector<16xi32> -> vector<16xf32>
        %mul3A_2021 = arith.mulf %broadcast_in_dim3A_1967, %bitcast_convert_type3A_2016 : vector<16xf32>
        %add3A_2022 = arith.addf %add3A_1964, %mul3A_2021 : vector<16xf32>
        %mul3A_2023 = arith.mulf %broadcast_in_dim3A_1970, %bitcast_convert_type3A_2020 : vector<16xf32>
        %add3A_2024 = arith.addf %add3A_2022, %mul3A_2023 : vector<16xf32>
        %add3A_2025 = arith.constant 13 : i32
        %add3A_2026 = arith.addi %mul3A_419, %add3A_2025 : i32
        %slice3A_2027 = vector.extract_strided_slice %get3A_428 {offsets = [13], sizes = [1], strides = [1]} : vector<16xf32> to vector<1xf32>
        %squeeze3A_2028 = vector.extract %slice3A_2027[0] : f32 from vector<1xf32>
        %broadcast_in_dim3A_2029 = vector.broadcast %squeeze3A_2028 : f32 to vector<16xf32>
        %slice3A_2030 = vector.extract_strided_slice %get3A_433 {offsets = [13], sizes = [1], strides = [1]} : vector<16xf32> to vector<1xf32>
        %squeeze3A_2031 = vector.extract %slice3A_2030[0] : f32 from vector<1xf32>
        %broadcast_in_dim3A_2032 = vector.broadcast %squeeze3A_2031 : f32 to vector<16xf32>
        %add3A_2033 = arith.constant 0 : i32
        %add3A_2034 = arith.addi %add3A_2033, %add3A_2026 : i32
        %get3A_2035 = arith.index_cast %add3A_2034 : i32 to index
        %get3A_2036 = arith.constant 0 : index
        %get3A_2037 = tpu.vector_load %arg13[%get3A_2035, %get3A_2036] {strides = array<i32>} : memref<256x48xi32, #tpu.memory_space<vmem>>, vector<1x16xi32>,
        %get3A_2038 = vector.shape_cast %get3A_2037 : vector<1x16xi32> to vector<16xi32>
        %shift_left3A_2039 = arith.constant 16 : i32
        %shift_left3A_2040 = vector.broadcast %shift_left3A_2039 : i32 to vector<16xi32>
        %shift_left3A_2041 = arith.shli %get3A_2038, %shift_left3A_2040 : vector<16xi32>
        %bitcast_convert_type3A_2042 = tpu.bitcast %shift_left3A_2041 : vector<16xi32> -> vector<16xf32>
        %and3A_2043 = arith.constant -65536 : i32
        %and3A_2044 = vector.broadcast %and3A_2043 : i32 to vector<16xi32>
        %and3A_2045 = arith.andi %get3A_2038, %and3A_2044 : vector<16xi32>
        %bitcast_convert_type3A_2046 = tpu.bitcast %and3A_2045 : vector<16xi32> -> vector<16xf32>
        %mul3A_2047 = arith.mulf %broadcast_in_dim3A_2029, %bitcast_convert_type3A_2042 : vector<16xf32>
        %add3A_2048 = arith.addf %add3A_1988, %mul3A_2047 : vector<16xf32>
        %mul3A_2049 = arith.mulf %broadcast_in_dim3A_2032, %bitcast_convert_type3A_2046 : vector<16xf32>
        %add3A_2050 = arith.addf %add3A_2048, %mul3A_2049 : vector<16xf32>
        %add3A_2051 = arith.constant 0 : i32
        %add3A_2052 = arith.addi %add3A_2051, %add3A_2026 : i32
        %get3A_2053 = arith.index_cast %add3A_2052 : i32 to index
        %get3A_2054 = arith.constant 16 : index
        %get3A_2055 = tpu.vector_load %arg13[%get3A_2053, %get3A_2054] {strides = array<i32>} : memref<256x48xi32, #tpu.memory_space<vmem>>, vector<1x16xi32>,
        %get3A_2056 = vector.shape_cast %get3A_2055 : vector<1x16xi32> to vector<16xi32>
        %shift_left3A_2057 = arith.constant 16 : i32
        %shift_left3A_2058 = vector.broadcast %shift_left3A_2057 : i32 to vector<16xi32>
        %shift_left3A_2059 = arith.shli %get3A_2056, %shift_left3A_2058 : vector<16xi32>
        %bitcast_convert_type3A_2060 = tpu.bitcast %shift_left3A_2059 : vector<16xi32> -> vector<16xf32>
        %and3A_2061 = arith.constant -65536 : i32
        %and3A_2062 = vector.broadcast %and3A_2061 : i32 to vector<16xi32>
        %and3A_2063 = arith.andi %get3A_2056, %and3A_2062 : vector<16xi32>
        %bitcast_convert_type3A_2064 = tpu.bitcast %and3A_2063 : vector<16xi32> -> vector<16xf32>
        %mul3A_2065 = arith.mulf %broadcast_in_dim3A_2029, %bitcast_convert_type3A_2060 : vector<16xf32>
        %add3A_2066 = arith.addf %add3A_2006, %mul3A_2065 : vector<16xf32>
        %mul3A_2067 = arith.mulf %broadcast_in_dim3A_2032, %bitcast_convert_type3A_2064 : vector<16xf32>
        %add3A_2068 = arith.addf %add3A_2066, %mul3A_2067 : vector<16xf32>
        %add3A_2069 = arith.constant 0 : i32
        %add3A_2070 = arith.addi %add3A_2069, %add3A_2026 : i32
        %get3A_2071 = arith.index_cast %add3A_2070 : i32 to index
        %get3A_2072 = arith.constant 32 : index
        %get3A_2073 = tpu.vector_load %arg13[%get3A_2071, %get3A_2072] {strides = array<i32>} : memref<256x48xi32, #tpu.memory_space<vmem>>, vector<1x16xi32>,
        %get3A_2074 = vector.shape_cast %get3A_2073 : vector<1x16xi32> to vector<16xi32>
        %shift_left3A_2075 = arith.constant 16 : i32
        %shift_left3A_2076 = vector.broadcast %shift_left3A_2075 : i32 to vector<16xi32>
        %shift_left3A_2077 = arith.shli %get3A_2074, %shift_left3A_2076 : vector<16xi32>
        %bitcast_convert_type3A_2078 = tpu.bitcast %shift_left3A_2077 : vector<16xi32> -> vector<16xf32>
        %and3A_2079 = arith.constant -65536 : i32
        %and3A_2080 = vector.broadcast %and3A_2079 : i32 to vector<16xi32>
        %and3A_2081 = arith.andi %get3A_2074, %and3A_2080 : vector<16xi32>
        %bitcast_convert_type3A_2082 = tpu.bitcast %and3A_2081 : vector<16xi32> -> vector<16xf32>
        %mul3A_2083 = arith.mulf %broadcast_in_dim3A_2029, %bitcast_convert_type3A_2078 : vector<16xf32>
        %add3A_2084 = arith.addf %add3A_2024, %mul3A_2083 : vector<16xf32>
        %mul3A_2085 = arith.mulf %broadcast_in_dim3A_2032, %bitcast_convert_type3A_2082 : vector<16xf32>
        %add3A_2086 = arith.addf %add3A_2084, %mul3A_2085 : vector<16xf32>
        %slice3A_2087 = vector.extract_strided_slice %get3A_438 {offsets = [13], sizes = [1], strides = [1]} : vector<16xf32> to vector<1xf32>
        %squeeze3A_2088 = vector.extract %slice3A_2087[0] : f32 from vector<1xf32>
        %broadcast_in_dim3A_2089 = vector.broadcast %squeeze3A_2088 : f32 to vector<16xf32>
        %slice3A_2090 = vector.extract_strided_slice %get3A_443 {offsets = [13], sizes = [1], strides = [1]} : vector<16xf32> to vector<1xf32>
        %squeeze3A_2091 = vector.extract %slice3A_2090[0] : f32 from vector<1xf32>
        %broadcast_in_dim3A_2092 = vector.broadcast %squeeze3A_2091 : f32 to vector<16xf32>
        %add3A_2093 = arith.constant 128 : i32
        %add3A_2094 = arith.addi %add3A_2093, %add3A_2026 : i32
        %get3A_2095 = arith.index_cast %add3A_2094 : i32 to index
        %get3A_2096 = arith.constant 0 : index
        %get3A_2097 = tpu.vector_load %arg13[%get3A_2095, %get3A_2096] {strides = array<i32>} : memref<256x48xi32, #tpu.memory_space<vmem>>, vector<1x16xi32>,
        %get3A_2098 = vector.shape_cast %get3A_2097 : vector<1x16xi32> to vector<16xi32>
        %shift_left3A_2099 = arith.constant 16 : i32
        %shift_left3A_2100 = vector.broadcast %shift_left3A_2099 : i32 to vector<16xi32>
        %shift_left3A_2101 = arith.shli %get3A_2098, %shift_left3A_2100 : vector<16xi32>
        %bitcast_convert_type3A_2102 = tpu.bitcast %shift_left3A_2101 : vector<16xi32> -> vector<16xf32>
        %and3A_2103 = arith.constant -65536 : i32
        %and3A_2104 = vector.broadcast %and3A_2103 : i32 to vector<16xi32>
        %and3A_2105 = arith.andi %get3A_2098, %and3A_2104 : vector<16xi32>
        %bitcast_convert_type3A_2106 = tpu.bitcast %and3A_2105 : vector<16xi32> -> vector<16xf32>
        %mul3A_2107 = arith.mulf %broadcast_in_dim3A_2089, %bitcast_convert_type3A_2102 : vector<16xf32>
        %add3A_2108 = arith.addf %add3A_2050, %mul3A_2107 : vector<16xf32>
        %mul3A_2109 = arith.mulf %broadcast_in_dim3A_2092, %bitcast_convert_type3A_2106 : vector<16xf32>
        %add3A_2110 = arith.addf %add3A_2108, %mul3A_2109 : vector<16xf32>
        %add3A_2111 = arith.constant 128 : i32
        %add3A_2112 = arith.addi %add3A_2111, %add3A_2026 : i32
        %get3A_2113 = arith.index_cast %add3A_2112 : i32 to index
        %get3A_2114 = arith.constant 16 : index
        %get3A_2115 = tpu.vector_load %arg13[%get3A_2113, %get3A_2114] {strides = array<i32>} : memref<256x48xi32, #tpu.memory_space<vmem>>, vector<1x16xi32>,
        %get3A_2116 = vector.shape_cast %get3A_2115 : vector<1x16xi32> to vector<16xi32>
        %shift_left3A_2117 = arith.constant 16 : i32
        %shift_left3A_2118 = vector.broadcast %shift_left3A_2117 : i32 to vector<16xi32>
        %shift_left3A_2119 = arith.shli %get3A_2116, %shift_left3A_2118 : vector<16xi32>
        %bitcast_convert_type3A_2120 = tpu.bitcast %shift_left3A_2119 : vector<16xi32> -> vector<16xf32>
        %and3A_2121 = arith.constant -65536 : i32
        %and3A_2122 = vector.broadcast %and3A_2121 : i32 to vector<16xi32>
        %and3A_2123 = arith.andi %get3A_2116, %and3A_2122 : vector<16xi32>
        %bitcast_convert_type3A_2124 = tpu.bitcast %and3A_2123 : vector<16xi32> -> vector<16xf32>
        %mul3A_2125 = arith.mulf %broadcast_in_dim3A_2089, %bitcast_convert_type3A_2120 : vector<16xf32>
        %add3A_2126 = arith.addf %add3A_2068, %mul3A_2125 : vector<16xf32>
        %mul3A_2127 = arith.mulf %broadcast_in_dim3A_2092, %bitcast_convert_type3A_2124 : vector<16xf32>
        %add3A_2128 = arith.addf %add3A_2126, %mul3A_2127 : vector<16xf32>
        %add3A_2129 = arith.constant 128 : i32
        %add3A_2130 = arith.addi %add3A_2129, %add3A_2026 : i32
        %get3A_2131 = arith.index_cast %add3A_2130 : i32 to index
        %get3A_2132 = arith.constant 32 : index
        %get3A_2133 = tpu.vector_load %arg13[%get3A_2131, %get3A_2132] {strides = array<i32>} : memref<256x48xi32, #tpu.memory_space<vmem>>, vector<1x16xi32>,
        %get3A_2134 = vector.shape_cast %get3A_2133 : vector<1x16xi32> to vector<16xi32>
        %shift_left3A_2135 = arith.constant 16 : i32
        %shift_left3A_2136 = vector.broadcast %shift_left3A_2135 : i32 to vector<16xi32>
        %shift_left3A_2137 = arith.shli %get3A_2134, %shift_left3A_2136 : vector<16xi32>
        %bitcast_convert_type3A_2138 = tpu.bitcast %shift_left3A_2137 : vector<16xi32> -> vector<16xf32>
        %and3A_2139 = arith.constant -65536 : i32
        %and3A_2140 = vector.broadcast %and3A_2139 : i32 to vector<16xi32>
        %and3A_2141 = arith.andi %get3A_2134, %and3A_2140 : vector<16xi32>
        %bitcast_convert_type3A_2142 = tpu.bitcast %and3A_2141 : vector<16xi32> -> vector<16xf32>
        %mul3A_2143 = arith.mulf %broadcast_in_dim3A_2089, %bitcast_convert_type3A_2138 : vector<16xf32>
        %add3A_2144 = arith.addf %add3A_2086, %mul3A_2143 : vector<16xf32>
        %mul3A_2145 = arith.mulf %broadcast_in_dim3A_2092, %bitcast_convert_type3A_2142 : vector<16xf32>
        %add3A_2146 = arith.addf %add3A_2144, %mul3A_2145 : vector<16xf32>
        %add3A_2147 = arith.constant 14 : i32
        %add3A_2148 = arith.addi %mul3A_419, %add3A_2147 : i32
        %slice3A_2149 = vector.extract_strided_slice %get3A_428 {offsets = [14], sizes = [1], strides = [1]} : vector<16xf32> to vector<1xf32>
        %squeeze3A_2150 = vector.extract %slice3A_2149[0] : f32 from vector<1xf32>
        %broadcast_in_dim3A_2151 = vector.broadcast %squeeze3A_2150 : f32 to vector<16xf32>
        %slice3A_2152 = vector.extract_strided_slice %get3A_433 {offsets = [14], sizes = [1], strides = [1]} : vector<16xf32> to vector<1xf32>
        %squeeze3A_2153 = vector.extract %slice3A_2152[0] : f32 from vector<1xf32>
        %broadcast_in_dim3A_2154 = vector.broadcast %squeeze3A_2153 : f32 to vector<16xf32>
        %add3A_2155 = arith.constant 0 : i32
        %add3A_2156 = arith.addi %add3A_2155, %add3A_2148 : i32
        %get3A_2157 = arith.index_cast %add3A_2156 : i32 to index
        %get3A_2158 = arith.constant 0 : index
        %get3A_2159 = tpu.vector_load %arg13[%get3A_2157, %get3A_2158] {strides = array<i32>} : memref<256x48xi32, #tpu.memory_space<vmem>>, vector<1x16xi32>,
        %get3A_2160 = vector.shape_cast %get3A_2159 : vector<1x16xi32> to vector<16xi32>
        %shift_left3A_2161 = arith.constant 16 : i32
        %shift_left3A_2162 = vector.broadcast %shift_left3A_2161 : i32 to vector<16xi32>
        %shift_left3A_2163 = arith.shli %get3A_2160, %shift_left3A_2162 : vector<16xi32>
        %bitcast_convert_type3A_2164 = tpu.bitcast %shift_left3A_2163 : vector<16xi32> -> vector<16xf32>
        %and3A_2165 = arith.constant -65536 : i32
        %and3A_2166 = vector.broadcast %and3A_2165 : i32 to vector<16xi32>
        %and3A_2167 = arith.andi %get3A_2160, %and3A_2166 : vector<16xi32>
        %bitcast_convert_type3A_2168 = tpu.bitcast %and3A_2167 : vector<16xi32> -> vector<16xf32>
        %mul3A_2169 = arith.mulf %broadcast_in_dim3A_2151, %bitcast_convert_type3A_2164 : vector<16xf32>
        %add3A_2170 = arith.addf %add3A_2110, %mul3A_2169 : vector<16xf32>
        %mul3A_2171 = arith.mulf %broadcast_in_dim3A_2154, %bitcast_convert_type3A_2168 : vector<16xf32>
        %add3A_2172 = arith.addf %add3A_2170, %mul3A_2171 : vector<16xf32>
        %add3A_2173 = arith.constant 0 : i32
        %add3A_2174 = arith.addi %add3A_2173, %add3A_2148 : i32
        %get3A_2175 = arith.index_cast %add3A_2174 : i32 to index
        %get3A_2176 = arith.constant 16 : index
        %get3A_2177 = tpu.vector_load %arg13[%get3A_2175, %get3A_2176] {strides = array<i32>} : memref<256x48xi32, #tpu.memory_space<vmem>>, vector<1x16xi32>,
        %get3A_2178 = vector.shape_cast %get3A_2177 : vector<1x16xi32> to vector<16xi32>
        %shift_left3A_2179 = arith.constant 16 : i32
        %shift_left3A_2180 = vector.broadcast %shift_left3A_2179 : i32 to vector<16xi32>
        %shift_left3A_2181 = arith.shli %get3A_2178, %shift_left3A_2180 : vector<16xi32>
        %bitcast_convert_type3A_2182 = tpu.bitcast %shift_left3A_2181 : vector<16xi32> -> vector<16xf32>
        %and3A_2183 = arith.constant -65536 : i32
        %and3A_2184 = vector.broadcast %and3A_2183 : i32 to vector<16xi32>
        %and3A_2185 = arith.andi %get3A_2178, %and3A_2184 : vector<16xi32>
        %bitcast_convert_type3A_2186 = tpu.bitcast %and3A_2185 : vector<16xi32> -> vector<16xf32>
        %mul3A_2187 = arith.mulf %broadcast_in_dim3A_2151, %bitcast_convert_type3A_2182 : vector<16xf32>
        %add3A_2188 = arith.addf %add3A_2128, %mul3A_2187 : vector<16xf32>
        %mul3A_2189 = arith.mulf %broadcast_in_dim3A_2154, %bitcast_convert_type3A_2186 : vector<16xf32>
        %add3A_2190 = arith.addf %add3A_2188, %mul3A_2189 : vector<16xf32>
        %add3A_2191 = arith.constant 0 : i32
        %add3A_2192 = arith.addi %add3A_2191, %add3A_2148 : i32
        %get3A_2193 = arith.index_cast %add3A_2192 : i32 to index
        %get3A_2194 = arith.constant 32 : index
        %get3A_2195 = tpu.vector_load %arg13[%get3A_2193, %get3A_2194] {strides = array<i32>} : memref<256x48xi32, #tpu.memory_space<vmem>>, vector<1x16xi32>,
        %get3A_2196 = vector.shape_cast %get3A_2195 : vector<1x16xi32> to vector<16xi32>
        %shift_left3A_2197 = arith.constant 16 : i32
        %shift_left3A_2198 = vector.broadcast %shift_left3A_2197 : i32 to vector<16xi32>
        %shift_left3A_2199 = arith.shli %get3A_2196, %shift_left3A_2198 : vector<16xi32>
        %bitcast_convert_type3A_2200 = tpu.bitcast %shift_left3A_2199 : vector<16xi32> -> vector<16xf32>
        %and3A_2201 = arith.constant -65536 : i32
        %and3A_2202 = vector.broadcast %and3A_2201 : i32 to vector<16xi32>
        %and3A_2203 = arith.andi %get3A_2196, %and3A_2202 : vector<16xi32>
        %bitcast_convert_type3A_2204 = tpu.bitcast %and3A_2203 : vector<16xi32> -> vector<16xf32>
        %mul3A_2205 = arith.mulf %broadcast_in_dim3A_2151, %bitcast_convert_type3A_2200 : vector<16xf32>
        %add3A_2206 = arith.addf %add3A_2146, %mul3A_2205 : vector<16xf32>
        %mul3A_2207 = arith.mulf %broadcast_in_dim3A_2154, %bitcast_convert_type3A_2204 : vector<16xf32>
        %add3A_2208 = arith.addf %add3A_2206, %mul3A_2207 : vector<16xf32>
        %slice3A_2209 = vector.extract_strided_slice %get3A_438 {offsets = [14], sizes = [1], strides = [1]} : vector<16xf32> to vector<1xf32>
        %squeeze3A_2210 = vector.extract %slice3A_2209[0] : f32 from vector<1xf32>
        %broadcast_in_dim3A_2211 = vector.broadcast %squeeze3A_2210 : f32 to vector<16xf32>
        %slice3A_2212 = vector.extract_strided_slice %get3A_443 {offsets = [14], sizes = [1], strides = [1]} : vector<16xf32> to vector<1xf32>
        %squeeze3A_2213 = vector.extract %slice3A_2212[0] : f32 from vector<1xf32>
        %broadcast_in_dim3A_2214 = vector.broadcast %squeeze3A_2213 : f32 to vector<16xf32>
        %add3A_2215 = arith.constant 128 : i32
        %add3A_2216 = arith.addi %add3A_2215, %add3A_2148 : i32
        %get3A_2217 = arith.index_cast %add3A_2216 : i32 to index
        %get3A_2218 = arith.constant 0 : index
        %get3A_2219 = tpu.vector_load %arg13[%get3A_2217, %get3A_2218] {strides = array<i32>} : memref<256x48xi32, #tpu.memory_space<vmem>>, vector<1x16xi32>,
        %get3A_2220 = vector.shape_cast %get3A_2219 : vector<1x16xi32> to vector<16xi32>
        %shift_left3A_2221 = arith.constant 16 : i32
        %shift_left3A_2222 = vector.broadcast %shift_left3A_2221 : i32 to vector<16xi32>
        %shift_left3A_2223 = arith.shli %get3A_2220, %shift_left3A_2222 : vector<16xi32>
        %bitcast_convert_type3A_2224 = tpu.bitcast %shift_left3A_2223 : vector<16xi32> -> vector<16xf32>
        %and3A_2225 = arith.constant -65536 : i32
        %and3A_2226 = vector.broadcast %and3A_2225 : i32 to vector<16xi32>
        %and3A_2227 = arith.andi %get3A_2220, %and3A_2226 : vector<16xi32>
        %bitcast_convert_type3A_2228 = tpu.bitcast %and3A_2227 : vector<16xi32> -> vector<16xf32>
        %mul3A_2229 = arith.mulf %broadcast_in_dim3A_2211, %bitcast_convert_type3A_2224 : vector<16xf32>
        %add3A_2230 = arith.addf %add3A_2172, %mul3A_2229 : vector<16xf32>
        %mul3A_2231 = arith.mulf %broadcast_in_dim3A_2214, %bitcast_convert_type3A_2228 : vector<16xf32>
        %add3A_2232 = arith.addf %add3A_2230, %mul3A_2231 : vector<16xf32>
        %add3A_2233 = arith.constant 128 : i32
        %add3A_2234 = arith.addi %add3A_2233, %add3A_2148 : i32
        %get3A_2235 = arith.index_cast %add3A_2234 : i32 to index
        %get3A_2236 = arith.constant 16 : index
        %get3A_2237 = tpu.vector_load %arg13[%get3A_2235, %get3A_2236] {strides = array<i32>} : memref<256x48xi32, #tpu.memory_space<vmem>>, vector<1x16xi32>,
        %get3A_2238 = vector.shape_cast %get3A_2237 : vector<1x16xi32> to vector<16xi32>
        %shift_left3A_2239 = arith.constant 16 : i32
        %shift_left3A_2240 = vector.broadcast %shift_left3A_2239 : i32 to vector<16xi32>
        %shift_left3A_2241 = arith.shli %get3A_2238, %shift_left3A_2240 : vector<16xi32>
        %bitcast_convert_type3A_2242 = tpu.bitcast %shift_left3A_2241 : vector<16xi32> -> vector<16xf32>
        %and3A_2243 = arith.constant -65536 : i32
        %and3A_2244 = vector.broadcast %and3A_2243 : i32 to vector<16xi32>
        %and3A_2245 = arith.andi %get3A_2238, %and3A_2244 : vector<16xi32>
        %bitcast_convert_type3A_2246 = tpu.bitcast %and3A_2245 : vector<16xi32> -> vector<16xf32>
        %mul3A_2247 = arith.mulf %broadcast_in_dim3A_2211, %bitcast_convert_type3A_2242 : vector<16xf32>
        %add3A_2248 = arith.addf %add3A_2190, %mul3A_2247 : vector<16xf32>
        %mul3A_2249 = arith.mulf %broadcast_in_dim3A_2214, %bitcast_convert_type3A_2246 : vector<16xf32>
        %add3A_2250 = arith.addf %add3A_2248, %mul3A_2249 : vector<16xf32>
        %add3A_2251 = arith.constant 128 : i32
        %add3A_2252 = arith.addi %add3A_2251, %add3A_2148 : i32
        %get3A_2253 = arith.index_cast %add3A_2252 : i32 to index
        %get3A_2254 = arith.constant 32 : index
        %get3A_2255 = tpu.vector_load %arg13[%get3A_2253, %get3A_2254] {strides = array<i32>} : memref<256x48xi32, #tpu.memory_space<vmem>>, vector<1x16xi32>,
        %get3A_2256 = vector.shape_cast %get3A_2255 : vector<1x16xi32> to vector<16xi32>
        %shift_left3A_2257 = arith.constant 16 : i32
        %shift_left3A_2258 = vector.broadcast %shift_left3A_2257 : i32 to vector<16xi32>
        %shift_left3A_2259 = arith.shli %get3A_2256, %shift_left3A_2258 : vector<16xi32>
        %bitcast_convert_type3A_2260 = tpu.bitcast %shift_left3A_2259 : vector<16xi32> -> vector<16xf32>
        %and3A_2261 = arith.constant -65536 : i32
        %and3A_2262 = vector.broadcast %and3A_2261 : i32 to vector<16xi32>
        %and3A_2263 = arith.andi %get3A_2256, %and3A_2262 : vector<16xi32>
        %bitcast_convert_type3A_2264 = tpu.bitcast %and3A_2263 : vector<16xi32> -> vector<16xf32>
        %mul3A_2265 = arith.mulf %broadcast_in_dim3A_2211, %bitcast_convert_type3A_2260 : vector<16xf32>
        %add3A_2266 = arith.addf %add3A_2208, %mul3A_2265 : vector<16xf32>
        %mul3A_2267 = arith.mulf %broadcast_in_dim3A_2214, %bitcast_convert_type3A_2264 : vector<16xf32>
        %add3A_2268 = arith.addf %add3A_2266, %mul3A_2267 : vector<16xf32>
        %add3A_2269 = arith.constant 15 : i32
        %add3A_2270 = arith.addi %mul3A_419, %add3A_2269 : i32
        %slice3A_2271 = vector.extract_strided_slice %get3A_428 {offsets = [15], sizes = [1], strides = [1]} : vector<16xf32> to vector<1xf32>
        %squeeze3A_2272 = vector.extract %slice3A_2271[0] : f32 from vector<1xf32>
        %broadcast_in_dim3A_2273 = vector.broadcast %squeeze3A_2272 : f32 to vector<16xf32>
        %slice3A_2274 = vector.extract_strided_slice %get3A_433 {offsets = [15], sizes = [1], strides = [1]} : vector<16xf32> to vector<1xf32>
        %squeeze3A_2275 = vector.extract %slice3A_2274[0] : f32 from vector<1xf32>
        %broadcast_in_dim3A_2276 = vector.broadcast %squeeze3A_2275 : f32 to vector<16xf32>
        %add3A_2277 = arith.constant 0 : i32
        %add3A_2278 = arith.addi %add3A_2277, %add3A_2270 : i32
        %get3A_2279 = arith.index_cast %add3A_2278 : i32 to index
        %get3A_2280 = arith.constant 0 : index
        %get3A_2281 = tpu.vector_load %arg13[%get3A_2279, %get3A_2280] {strides = array<i32>} : memref<256x48xi32, #tpu.memory_space<vmem>>, vector<1x16xi32>,
        %get3A_2282 = vector.shape_cast %get3A_2281 : vector<1x16xi32> to vector<16xi32>
        %shift_left3A_2283 = arith.constant 16 : i32
        %shift_left3A_2284 = vector.broadcast %shift_left3A_2283 : i32 to vector<16xi32>
        %shift_left3A_2285 = arith.shli %get3A_2282, %shift_left3A_2284 : vector<16xi32>
        %bitcast_convert_type3A_2286 = tpu.bitcast %shift_left3A_2285 : vector<16xi32> -> vector<16xf32>
        %and3A_2287 = arith.constant -65536 : i32
        %and3A_2288 = vector.broadcast %and3A_2287 : i32 to vector<16xi32>
        %and3A_2289 = arith.andi %get3A_2282, %and3A_2288 : vector<16xi32>
        %bitcast_convert_type3A_2290 = tpu.bitcast %and3A_2289 : vector<16xi32> -> vector<16xf32>
        %mul3A_2291 = arith.mulf %broadcast_in_dim3A_2273, %bitcast_convert_type3A_2286 : vector<16xf32>
        %add3A_2292 = arith.addf %add3A_2232, %mul3A_2291 : vector<16xf32>
        %mul3A_2293 = arith.mulf %broadcast_in_dim3A_2276, %bitcast_convert_type3A_2290 : vector<16xf32>
        %add3A_2294 = arith.addf %add3A_2292, %mul3A_2293 : vector<16xf32>
        %add3A_2295 = arith.constant 0 : i32
        %add3A_2296 = arith.addi %add3A_2295, %add3A_2270 : i32
        %get3A_2297 = arith.index_cast %add3A_2296 : i32 to index
        %get3A_2298 = arith.constant 16 : index
        %get3A_2299 = tpu.vector_load %arg13[%get3A_2297, %get3A_2298] {strides = array<i32>} : memref<256x48xi32, #tpu.memory_space<vmem>>, vector<1x16xi32>,
        %get3A_2300 = vector.shape_cast %get3A_2299 : vector<1x16xi32> to vector<16xi32>
        %shift_left3A_2301 = arith.constant 16 : i32
        %shift_left3A_2302 = vector.broadcast %shift_left3A_2301 : i32 to vector<16xi32>
        %shift_left3A_2303 = arith.shli %get3A_2300, %shift_left3A_2302 : vector<16xi32>
        %bitcast_convert_type3A_2304 = tpu.bitcast %shift_left3A_2303 : vector<16xi32> -> vector<16xf32>
        %and3A_2305 = arith.constant -65536 : i32
        %and3A_2306 = vector.broadcast %and3A_2305 : i32 to vector<16xi32>
        %and3A_2307 = arith.andi %get3A_2300, %and3A_2306 : vector<16xi32>
        %bitcast_convert_type3A_2308 = tpu.bitcast %and3A_2307 : vector<16xi32> -> vector<16xf32>
        %mul3A_2309 = arith.mulf %broadcast_in_dim3A_2273, %bitcast_convert_type3A_2304 : vector<16xf32>
        %add3A_2310 = arith.addf %add3A_2250, %mul3A_2309 : vector<16xf32>
        %mul3A_2311 = arith.mulf %broadcast_in_dim3A_2276, %bitcast_convert_type3A_2308 : vector<16xf32>
        %add3A_2312 = arith.addf %add3A_2310, %mul3A_2311 : vector<16xf32>
        %add3A_2313 = arith.constant 0 : i32
        %add3A_2314 = arith.addi %add3A_2313, %add3A_2270 : i32
        %get3A_2315 = arith.index_cast %add3A_2314 : i32 to index
        %get3A_2316 = arith.constant 32 : index
        %get3A_2317 = tpu.vector_load %arg13[%get3A_2315, %get3A_2316] {strides = array<i32>} : memref<256x48xi32, #tpu.memory_space<vmem>>, vector<1x16xi32>,
        %get3A_2318 = vector.shape_cast %get3A_2317 : vector<1x16xi32> to vector<16xi32>
        %shift_left3A_2319 = arith.constant 16 : i32
        %shift_left3A_2320 = vector.broadcast %shift_left3A_2319 : i32 to vector<16xi32>
        %shift_left3A_2321 = arith.shli %get3A_2318, %shift_left3A_2320 : vector<16xi32>
        %bitcast_convert_type3A_2322 = tpu.bitcast %shift_left3A_2321 : vector<16xi32> -> vector<16xf32>
        %and3A_2323 = arith.constant -65536 : i32
        %and3A_2324 = vector.broadcast %and3A_2323 : i32 to vector<16xi32>
        %and3A_2325 = arith.andi %get3A_2318, %and3A_2324 : vector<16xi32>
        %bitcast_convert_type3A_2326 = tpu.bitcast %and3A_2325 : vector<16xi32> -> vector<16xf32>
        %mul3A_2327 = arith.mulf %broadcast_in_dim3A_2273, %bitcast_convert_type3A_2322 : vector<16xf32>
        %add3A_2328 = arith.addf %add3A_2268, %mul3A_2327 : vector<16xf32>
        %mul3A_2329 = arith.mulf %broadcast_in_dim3A_2276, %bitcast_convert_type3A_2326 : vector<16xf32>
        %add3A_2330 = arith.addf %add3A_2328, %mul3A_2329 : vector<16xf32>
        %slice3A_2331 = vector.extract_strided_slice %get3A_438 {offsets = [15], sizes = [1], strides = [1]} : vector<16xf32> to vector<1xf32>
        %squeeze3A_2332 = vector.extract %slice3A_2331[0] : f32 from vector<1xf32>
        %broadcast_in_dim3A_2333 = vector.broadcast %squeeze3A_2332 : f32 to vector<16xf32>
        %slice3A_2334 = vector.extract_strided_slice %get3A_443 {offsets = [15], sizes = [1], strides = [1]} : vector<16xf32> to vector<1xf32>
        %squeeze3A_2335 = vector.extract %slice3A_2334[0] : f32 from vector<1xf32>
        %broadcast_in_dim3A_2336 = vector.broadcast %squeeze3A_2335 : f32 to vector<16xf32>
        %add3A_2337 = arith.constant 128 : i32
        %add3A_2338 = arith.addi %add3A_2337, %add3A_2270 : i32
        %get3A_2339 = arith.index_cast %add3A_2338 : i32 to index
        %get3A_2340 = arith.constant 0 : index
        %get3A_2341 = tpu.vector_load %arg13[%get3A_2339, %get3A_2340] {strides = array<i32>} : memref<256x48xi32, #tpu.memory_space<vmem>>, vector<1x16xi32>,
        %get3A_2342 = vector.shape_cast %get3A_2341 : vector<1x16xi32> to vector<16xi32>
        %shift_left3A_2343 = arith.constant 16 : i32
        %shift_left3A_2344 = vector.broadcast %shift_left3A_2343 : i32 to vector<16xi32>
        %shift_left3A_2345 = arith.shli %get3A_2342, %shift_left3A_2344 : vector<16xi32>
        %bitcast_convert_type3A_2346 = tpu.bitcast %shift_left3A_2345 : vector<16xi32> -> vector<16xf32>
        %and3A_2347 = arith.constant -65536 : i32
        %and3A_2348 = vector.broadcast %and3A_2347 : i32 to vector<16xi32>
        %and3A_2349 = arith.andi %get3A_2342, %and3A_2348 : vector<16xi32>
        %bitcast_convert_type3A_2350 = tpu.bitcast %and3A_2349 : vector<16xi32> -> vector<16xf32>
        %mul3A_2351 = arith.mulf %broadcast_in_dim3A_2333, %bitcast_convert_type3A_2346 : vector<16xf32>
        %add3A_2352 = arith.addf %add3A_2294, %mul3A_2351 : vector<16xf32>
        %mul3A_2353 = arith.mulf %broadcast_in_dim3A_2336, %bitcast_convert_type3A_2350 : vector<16xf32>
        %add3A_2354 = arith.addf %add3A_2352, %mul3A_2353 : vector<16xf32>
        %add3A_2355 = arith.constant 128 : i32
        %add3A_2356 = arith.addi %add3A_2355, %add3A_2270 : i32
        %get3A_2357 = arith.index_cast %add3A_2356 : i32 to index
        %get3A_2358 = arith.constant 16 : index
        %get3A_2359 = tpu.vector_load %arg13[%get3A_2357, %get3A_2358] {strides = array<i32>} : memref<256x48xi32, #tpu.memory_space<vmem>>, vector<1x16xi32>,
        %get3A_2360 = vector.shape_cast %get3A_2359 : vector<1x16xi32> to vector<16xi32>
        %shift_left3A_2361 = arith.constant 16 : i32
        %shift_left3A_2362 = vector.broadcast %shift_left3A_2361 : i32 to vector<16xi32>
        %shift_left3A_2363 = arith.shli %get3A_2360, %shift_left3A_2362 : vector<16xi32>
        %bitcast_convert_type3A_2364 = tpu.bitcast %shift_left3A_2363 : vector<16xi32> -> vector<16xf32>
        %and3A_2365 = arith.constant -65536 : i32
        %and3A_2366 = vector.broadcast %and3A_2365 : i32 to vector<16xi32>
        %and3A_2367 = arith.andi %get3A_2360, %and3A_2366 : vector<16xi32>
        %bitcast_convert_type3A_2368 = tpu.bitcast %and3A_2367 : vector<16xi32> -> vector<16xf32>
        %mul3A_2369 = arith.mulf %broadcast_in_dim3A_2333, %bitcast_convert_type3A_2364 : vector<16xf32>
        %add3A_2370 = arith.addf %add3A_2312, %mul3A_2369 : vector<16xf32>
        %mul3A_2371 = arith.mulf %broadcast_in_dim3A_2336, %bitcast_convert_type3A_2368 : vector<16xf32>
        %add3A_2372 = arith.addf %add3A_2370, %mul3A_2371 : vector<16xf32>
        %add3A_2373 = arith.constant 128 : i32
        %add3A_2374 = arith.addi %add3A_2373, %add3A_2270 : i32
        %get3A_2375 = arith.index_cast %add3A_2374 : i32 to index
        %get3A_2376 = arith.constant 32 : index
        %get3A_2377 = tpu.vector_load %arg13[%get3A_2375, %get3A_2376] {strides = array<i32>} : memref<256x48xi32, #tpu.memory_space<vmem>>, vector<1x16xi32>,
        %get3A_2378 = vector.shape_cast %get3A_2377 : vector<1x16xi32> to vector<16xi32>
        %shift_left3A_2379 = arith.constant 16 : i32
        %shift_left3A_2380 = vector.broadcast %shift_left3A_2379 : i32 to vector<16xi32>
        %shift_left3A_2381 = arith.shli %get3A_2378, %shift_left3A_2380 : vector<16xi32>
        %bitcast_convert_type3A_2382 = tpu.bitcast %shift_left3A_2381 : vector<16xi32> -> vector<16xf32>
        %and3A_2383 = arith.constant -65536 : i32
        %and3A_2384 = vector.broadcast %and3A_2383 : i32 to vector<16xi32>
        %and3A_2385 = arith.andi %get3A_2378, %and3A_2384 : vector<16xi32>
        %bitcast_convert_type3A_2386 = tpu.bitcast %and3A_2385 : vector<16xi32> -> vector<16xf32>
        %mul3A_2387 = arith.mulf %broadcast_in_dim3A_2333, %bitcast_convert_type3A_2382 : vector<16xf32>
        %add3A_2388 = arith.addf %add3A_2330, %mul3A_2387 : vector<16xf32>
        %mul3A_2389 = arith.mulf %broadcast_in_dim3A_2336, %bitcast_convert_type3A_2386 : vector<16xf32>
        %add3A_2390 = arith.addf %add3A_2388, %mul3A_2389 : vector<16xf32>
        %mul3A_2391 = arith.constant 48 : i32
        %mul3A_2392 = arith.muli %scan3A_417, %mul3A_2391 : i32
        %add3A_2393 = arith.constant 384 : i32
        %add3A_2394 = arith.addi %add3A_2393, %mul3A_2392 : i32
        %add3A_2395 = arith.constant 0 : i32
        %add3A_2396 = arith.addi %add3A_2394, %add3A_2395 : i32
        %swap3A = arith.index_cast %add3A_2396 : i32 to index
        %swap3A_2397 = tpu.vector_load %arg16[%swap3A] {strides = array<i32>} : memref<768xf32, #tpu.memory_space<vmem>>, vector<16xf32>,
        %swap3A_2398 = vector.shape_cast %swap3A_2397 : vector<16xf32> to vector<16xf32>
        %swap3A_2399 = vector.shape_cast %add3A_2354 : vector<16xf32> to vector<16xf32>
        tpu.vector_store %arg16[%swap3A], %swap3A_2399 {strides = array<i32>} : memref<768xf32, #tpu.memory_space<vmem>>, vector<16xf32>,
        %mul3A_2400 = arith.constant 48 : i32
        %mul3A_2401 = arith.muli %scan3A_417, %mul3A_2400 : i32
        %add3A_2402 = arith.constant 384 : i32
        %add3A_2403 = arith.addi %add3A_2402, %mul3A_2401 : i32
        %add3A_2404 = arith.constant 16 : i32
        %add3A_2405 = arith.addi %add3A_2403, %add3A_2404 : i32
        %swap3A_2406 = arith.index_cast %add3A_2405 : i32 to index
        %swap3A_2407 = tpu.vector_load %arg16[%swap3A_2406] {strides = array<i32>} : memref<768xf32, #tpu.memory_space<vmem>>, vector<16xf32>,
        %swap3A_2408 = vector.shape_cast %swap3A_2407 : vector<16xf32> to vector<16xf32>
        %swap3A_2409 = vector.shape_cast %add3A_2372 : vector<16xf32> to vector<16xf32>
        tpu.vector_store %arg16[%swap3A_2406], %swap3A_2409 {strides = array<i32>} : memref<768xf32, #tpu.memory_space<vmem>>, vector<16xf32>,
        %mul3A_2410 = arith.constant 48 : i32
        %mul3A_2411 = arith.muli %scan3A_417, %mul3A_2410 : i32
        %add3A_2412 = arith.constant 384 : i32
        %add3A_2413 = arith.addi %add3A_2412, %mul3A_2411 : i32
        %add3A_2414 = arith.constant 32 : i32
        %add3A_2415 = arith.addi %add3A_2413, %add3A_2414 : i32
        %swap3A_2416 = arith.index_cast %add3A_2415 : i32 to index
        %swap3A_2417 = tpu.vector_load %arg16[%swap3A_2416] {strides = array<i32>} : memref<768xf32, #tpu.memory_space<vmem>>, vector<16xf32>,
        %swap3A_2418 = vector.shape_cast %swap3A_2417 : vector<16xf32> to vector<16xf32>
        %swap3A_2419 = vector.shape_cast %add3A_2390 : vector<16xf32> to vector<16xf32>
        tpu.vector_store %arg16[%swap3A_2416], %swap3A_2419 {strides = array<i32>} : memref<768xf32, #tpu.memory_space<vmem>>, vector<16xf32>,
      }
      %scan3A_383 = arith.constant 8 : i32
      %add3A_384 = arith.addi %mul3A_2, %add3A_306 : i32
      %mul3A_385 = arith.constant 128 : i32
      %mul3A_386 = arith.muli %add3A_384, %mul3A_385 : i32
      %add3A_387 = arith.constant 0 : i32
      %add3A_388 = arith.addi %add3A_387, %mul3A_386 : i32
      %dma_start3A_389 = arith.constant 384 : i32
      %dma_start3A_390 = tpu.memref_slice %arg16[%dma_start3A_389] : memref<768xf32, #tpu.memory_space<vmem>> -> memref<128xf32, #tpu.memory_space<vmem>>
      %dma_start3A_391 = tpu.memref_slice %arg9[%add3A_388] : memref<3145728xf32, #tpu.memory_space<hbm>> -> memref<128xf32, #tpu.memory_space<hbm>>
      %dma_start3A_392 = tpu.memref_slice %arg9[%add3A_388] : memref<3145728xf32, #tpu.memory_space<hbm>> -> memref<128xf32, #tpu.memory_space<hbm>>
      %dma_start3A_393 = arith.constant 384 : i32
      %dma_start3A_394 = tpu.memref_slice %arg16[%dma_start3A_393] : memref<768xf32, #tpu.memory_space<vmem>> -> memref<128xf32, #tpu.memory_space<vmem>>
      tpu.enqueue_dma source(%dma_start3A_394 : memref<128xf32, #tpu.memory_space<vmem>>) target(%dma_start3A_392 : memref<128xf32, #tpu.memory_space<hbm>>) target_semaphore(%arg24 : memref<!tpu.dma_semaphore, #tpu.memory_space<semaphore_mem>>)
      %add3A_395 = arith.addi %mul3A_2, %add3A_306 : i32
      %mul3A_396 = arith.constant 128 : i32
      %mul3A_397 = arith.muli %add3A_395, %mul3A_396 : i32
      %add3A_398 = arith.constant 1048576 : i32
      %add3A_399 = arith.addi %add3A_398, %mul3A_397 : i32
      %dma_start3A_400 = arith.constant 512 : i32
      %dma_start3A_401 = tpu.memref_slice %arg16[%dma_start3A_400] : memref<768xf32, #tpu.memory_space<vmem>> -> memref<128xf32, #tpu.memory_space<vmem>>
      %dma_start3A_402 = tpu.memref_slice %arg9[%add3A_399] : memref<3145728xf32, #tpu.memory_space<hbm>> -> memref<128xf32, #tpu.memory_space<hbm>>
      %dma_start3A_403 = tpu.memref_slice %arg9[%add3A_399] : memref<3145728xf32, #tpu.memory_space<hbm>> -> memref<128xf32, #tpu.memory_space<hbm>>
      %dma_start3A_404 = arith.constant 512 : i32
      %dma_start3A_405 = tpu.memref_slice %arg16[%dma_start3A_404] : memref<768xf32, #tpu.memory_space<vmem>> -> memref<128xf32, #tpu.memory_space<vmem>>
      tpu.enqueue_dma source(%dma_start3A_405 : memref<128xf32, #tpu.memory_space<vmem>>) target(%dma_start3A_403 : memref<128xf32, #tpu.memory_space<hbm>>) target_semaphore(%arg24 : memref<!tpu.dma_semaphore, #tpu.memory_space<semaphore_mem>>)
      %add3A_406 = arith.addi %mul3A_2, %add3A_306 : i32
      %mul3A_407 = arith.constant 128 : i32
      %mul3A_408 = arith.muli %add3A_406, %mul3A_407 : i32
      %add3A_409 = arith.constant 2097152 : i32
      %add3A_410 = arith.addi %add3A_409, %mul3A_408 : i32
      %dma_start3A_411 = arith.constant 640 : i32
      %dma_start3A_412 = tpu.memref_slice %arg16[%dma_start3A_411] : memref<768xf32, #tpu.memory_space<vmem>> -> memref<128xf32, #tpu.memory_space<vmem>>
      %dma_start3A_413 = tpu.memref_slice %arg9[%add3A_410] : memref<3145728xf32, #tpu.memory_space<hbm>> -> memref<128xf32, #tpu.memory_space<hbm>>
      %dma_start3A_414 = tpu.memref_slice %arg9[%add3A_410] : memref<3145728xf32, #tpu.memory_space<hbm>> -> memref<128xf32, #tpu.memory_space<hbm>>
      %dma_start3A_415 = arith.constant 640 : i32
      %dma_start3A_416 = tpu.memref_slice %arg16[%dma_start3A_415] : memref<768xf32, #tpu.memory_space<vmem>> -> memref<128xf32, #tpu.memory_space<vmem>>
      tpu.enqueue_dma source(%dma_start3A_416 : memref<128xf32, #tpu.memory_space<vmem>>) target(%dma_start3A_414 : memref<128xf32, #tpu.memory_space<hbm>>) target_semaphore(%arg24 : memref<!tpu.dma_semaphore, #tpu.memory_space<semaphore_mem>>)
    }
    %scan3A_121 = arith.constant 128 : i32
    %add3A_122 = arith.constant 254 : i32
    %add3A_123 = arith.addi %mul3A_2, %add3A_122 : i32
    %mul3A_124 = arith.constant 128 : i32
    %mul3A_125 = arith.muli %add3A_123, %mul3A_124 : i32
    %add3A_126 = arith.constant 0 : i32
    %add3A_127 = arith.addi %add3A_126, %mul3A_125 : i32
    %dma_wait3A_128 = arith.constant 0 : i32
    %dma_wait3A_129 = tpu.memref_slice %arg16[%dma_wait3A_128] : memref<768xf32, #tpu.memory_space<vmem>> -> memref<128xf32, #tpu.memory_space<vmem>>
    %dma_wait3A_130 = tpu.memref_slice %arg9[%add3A_127] : memref<3145728xf32, #tpu.memory_space<hbm>> -> memref<128xf32, #tpu.memory_space<hbm>>
    %dma_wait3A_131 = tpu.memref_slice %arg9[%add3A_127] : memref<3145728xf32, #tpu.memory_space<hbm>> -> memref<128xf32, #tpu.memory_space<hbm>>
    %dma_wait3A_132 = arith.constant 0 : i32
    %dma_wait3A_133 = tpu.memref_slice %arg16[%dma_wait3A_132] : memref<768xf32, #tpu.memory_space<vmem>> -> memref<128xf32, #tpu.memory_space<vmem>>
    tpu.wait_dma2 semaphore(%arg23 : memref<!tpu.dma_semaphore, #tpu.memory_space<semaphore_mem>>) src(%dma_wait3A_133 : memref<128xf32, #tpu.memory_space<vmem>>) dst(%dma_wait3A_131 : memref<128xf32, #tpu.memory_space<hbm>>)
    %add3A_134 = arith.constant 254 : i32
    %add3A_135 = arith.addi %mul3A_2, %add3A_134 : i32
    %mul3A_136 = arith.constant 128 : i32
    %mul3A_137 = arith.muli %add3A_135, %mul3A_136 : i32
    %add3A_138 = arith.constant 1048576 : i32
    %add3A_139 = arith.addi %add3A_138, %mul3A_137 : i32
    %dma_wait3A_140 = arith.constant 128 : i32
    %dma_wait3A_141 = tpu.memref_slice %arg16[%dma_wait3A_140] : memref<768xf32, #tpu.memory_space<vmem>> -> memref<128xf32, #tpu.memory_space<vmem>>
    %dma_wait3A_142 = tpu.memref_slice %arg9[%add3A_139] : memref<3145728xf32, #tpu.memory_space<hbm>> -> memref<128xf32, #tpu.memory_space<hbm>>
    %dma_wait3A_143 = tpu.memref_slice %arg9[%add3A_139] : memref<3145728xf32, #tpu.memory_space<hbm>> -> memref<128xf32, #tpu.memory_space<hbm>>
    %dma_wait3A_144 = arith.constant 128 : i32
    %dma_wait3A_145 = tpu.memref_slice %arg16[%dma_wait3A_144] : memref<768xf32, #tpu.memory_space<vmem>> -> memref<128xf32, #tpu.memory_space<vmem>>
    tpu.wait_dma2 semaphore(%arg23 : memref<!tpu.dma_semaphore, #tpu.memory_space<semaphore_mem>>) src(%dma_wait3A_145 : memref<128xf32, #tpu.memory_space<vmem>>) dst(%dma_wait3A_143 : memref<128xf32, #tpu.memory_space<hbm>>)
    %add3A_146 = arith.constant 254 : i32
    %add3A_147 = arith.addi %mul3A_2, %add3A_146 : i32
    %mul3A_148 = arith.constant 128 : i32
    %mul3A_149 = arith.muli %add3A_147, %mul3A_148 : i32
    %add3A_150 = arith.constant 2097152 : i32
    %add3A_151 = arith.addi %add3A_150, %mul3A_149 : i32
    %dma_wait3A_152 = arith.constant 256 : i32
    %dma_wait3A_153 = tpu.memref_slice %arg16[%dma_wait3A_152] : memref<768xf32, #tpu.memory_space<vmem>> -> memref<128xf32, #tpu.memory_space<vmem>>
    %dma_wait3A_154 = tpu.memref_slice %arg9[%add3A_151] : memref<3145728xf32, #tpu.memory_space<hbm>> -> memref<128xf32, #tpu.memory_space<hbm>>
    %dma_wait3A_155 = tpu.memref_slice %arg9[%add3A_151] : memref<3145728xf32, #tpu.memory_space<hbm>> -> memref<128xf32, #tpu.memory_space<hbm>>
    %dma_wait3A_156 = arith.constant 256 : i32
    %dma_wait3A_157 = tpu.memref_slice %arg16[%dma_wait3A_156] : memref<768xf32, #tpu.memory_space<vmem>> -> memref<128xf32, #tpu.memory_space<vmem>>
    tpu.wait_dma2 semaphore(%arg23 : memref<!tpu.dma_semaphore, #tpu.memory_space<semaphore_mem>>) src(%dma_wait3A_157 : memref<128xf32, #tpu.memory_space<vmem>>) dst(%dma_wait3A_155 : memref<128xf32, #tpu.memory_space<hbm>>)
    %add3A_158 = arith.constant 255 : i32
    %add3A_159 = arith.addi %mul3A_2, %add3A_158 : i32
    %mul3A_160 = arith.constant 128 : i32
    %mul3A_161 = arith.muli %add3A_159, %mul3A_160 : i32
    %add3A_162 = arith.constant 0 : i32
    %add3A_163 = arith.addi %add3A_162, %mul3A_161 : i32
    %dma_wait3A_164 = arith.constant 384 : i32
    %dma_wait3A_165 = tpu.memref_slice %arg16[%dma_wait3A_164] : memref<768xf32, #tpu.memory_space<vmem>> -> memref<128xf32, #tpu.memory_space<vmem>>
    %dma_wait3A_166 = tpu.memref_slice %arg9[%add3A_163] : memref<3145728xf32, #tpu.memory_space<hbm>> -> memref<128xf32, #tpu.memory_space<hbm>>
    %dma_wait3A_167 = tpu.memref_slice %arg9[%add3A_163] : memref<3145728xf32, #tpu.memory_space<hbm>> -> memref<128xf32, #tpu.memory_space<hbm>>
    %dma_wait3A_168 = arith.constant 384 : i32
    %dma_wait3A_169 = tpu.memref_slice %arg16[%dma_wait3A_168] : memref<768xf32, #tpu.memory_space<vmem>> -> memref<128xf32, #tpu.memory_space<vmem>>
    tpu.wait_dma2 semaphore(%arg24 : memref<!tpu.dma_semaphore, #tpu.memory_space<semaphore_mem>>) src(%dma_wait3A_169 : memref<128xf32, #tpu.memory_space<vmem>>) dst(%dma_wait3A_167 : memref<128xf32, #tpu.memory_space<hbm>>)
    %add3A_170 = arith.constant 255 : i32
    %add3A_171 = arith.addi %mul3A_2, %add3A_170 : i32
    %mul3A_172 = arith.constant 128 : i32
    %mul3A_173 = arith.muli %add3A_171, %mul3A_172 : i32
    %add3A_174 = arith.constant 1048576 : i32
    %add3A_175 = arith.addi %add3A_174, %mul3A_173 : i32
    %dma_wait3A_176 = arith.constant 512 : i32
    %dma_wait3A_177 = tpu.memref_slice %arg16[%dma_wait3A_176] : memref<768xf32, #tpu.memory_space<vmem>> -> memref<128xf32, #tpu.memory_space<vmem>>
    %dma_wait3A_178 = tpu.memref_slice %arg9[%add3A_175] : memref<3145728xf32, #tpu.memory_space<hbm>> -> memref<128xf32, #tpu.memory_space<hbm>>
    %dma_wait3A_179 = tpu.memref_slice %arg9[%add3A_175] : memref<3145728xf32, #tpu.memory_space<hbm>> -> memref<128xf32, #tpu.memory_space<hbm>>
    %dma_wait3A_180 = arith.constant 512 : i32
    %dma_wait3A_181 = tpu.memref_slice %arg16[%dma_wait3A_180] : memref<768xf32, #tpu.memory_space<vmem>> -> memref<128xf32, #tpu.memory_space<vmem>>
    tpu.wait_dma2 semaphore(%arg24 : memref<!tpu.dma_semaphore, #tpu.memory_space<semaphore_mem>>) src(%dma_wait3A_181 : memref<128xf32, #tpu.memory_space<vmem>>) dst(%dma_wait3A_179 : memref<128xf32, #tpu.memory_space<hbm>>)
    %add3A_182 = arith.constant 255 : i32
    %add3A_183 = arith.addi %mul3A_2, %add3A_182 : i32
    %mul3A_184 = arith.constant 128 : i32
    %mul3A_185 = arith.muli %add3A_183, %mul3A_184 : i32
    %add3A_186 = arith.constant 2097152 : i32
    %add3A_187 = arith.addi %add3A_186, %mul3A_185 : i32
    %dma_wait3A_188 = arith.constant 640 : i32
    %dma_wait3A_189 = tpu.memref_slice %arg16[%dma_wait3A_188] : memref<768xf32, #tpu.memory_space<vmem>> -> memref<128xf32, #tpu.memory_space<vmem>>
    %dma_wait3A_190 = tpu.memref_slice %arg9[%add3A_187] : memref<3145728xf32, #tpu.memory_space<hbm>> -> memref<128xf32, #tpu.memory_space<hbm>>
    %dma_wait3A_191 = tpu.memref_slice %arg9[%add3A_187] : memref<3145728xf32, #tpu.memory_space<hbm>> -> memref<128xf32, #tpu.memory_space<hbm>>
    %dma_wait3A_192 = arith.constant 640 : i32
    %dma_wait3A_193 = tpu.memref_slice %arg16[%dma_wait3A_192] : memref<768xf32, #tpu.memory_space<vmem>> -> memref<128xf32, #tpu.memory_space<vmem>>
    tpu.wait_dma2 semaphore(%arg24 : memref<!tpu.dma_semaphore, #tpu.memory_space<semaphore_mem>>) src(%dma_wait3A_193 : memref<128xf32, #tpu.memory_space<vmem>>) dst(%dma_wait3A_191 : memref<128xf32, #tpu.memory_space<hbm>>)
    return
  }
}

module attributes {stable_mosaic.version = 14 : i64} {
  func.func @_prep_body(%arg0: i32, %arg1: memref<512x384xf32, #tpu.memory_space<vmem>>, %arg2: memref<512x2xf32, #tpu.memory_space<vmem>>, %arg3: memref<384x128xf32, #tpu.memory_space<vmem>>, %arg4: memref<384x128xf32, #tpu.memory_space<vmem>>, %arg5: memref<1x128xf32, #tpu.memory_space<vmem>>, %arg6: memref<1x128xf32, #tpu.memory_space<vmem>>, %arg7: memref<384x128xf32, #tpu.memory_space<vmem>>, %arg8: memref<1x128xf32, #tpu.memory_space<vmem>>, %arg9: memref<128x128xf32, #tpu.memory_space<vmem>>, %arg10: memref<1x128xf32, #tpu.memory_space<vmem>>, %arg11: memref<1x128xf32, #tpu.memory_space<vmem>>, %arg12: memref<1x128xi32, #tpu.memory_space<vmem>>, %arg13: memref<1x128xi32, #tpu.memory_space<vmem>>, %arg14: memref<512x128xf32, #tpu.memory_space<vmem>>, %arg15: memref<512x128xi32, #tpu.memory_space<vmem>>, %arg16: memref<512x128xi32, #tpu.memory_space<vmem>>, %arg17: memref<512x128xf32, #tpu.memory_space<vmem>>, %arg18: memref<512x128xf32, #tpu.memory_space<vmem>>, %arg19: memref<512x128xf32, #tpu.memory_space<vmem>>, %arg20: memref<512x128xf32, #tpu.memory_space<vmem>>) attributes {dimension_semantics = [#tpu.dimension_semantics<arbitrary>], iteration_bounds = array<i64: 16>, scalar_prefetch = 0 : i64, scratch_operands = 0 : i64, tpu.core_type = #tpu.core_type<tc>, window_params = [{transform_indices = @transform_0, window_bounds = array<i64: 512, 384>}, {transform_indices = @transform_1, window_bounds = array<i64: 512, 2>}, {pipeline_mode = #tpu.pipeline_mode<synchronous>, transform_indices = @transform_2, window_bounds = array<i64: 384, 128>}, {pipeline_mode = #tpu.pipeline_mode<synchronous>, transform_indices = @transform_3, window_bounds = array<i64: 384, 128>}, {pipeline_mode = #tpu.pipeline_mode<synchronous>, transform_indices = @transform_4, window_bounds = array<i64: 1, 128>}, {pipeline_mode = #tpu.pipeline_mode<synchronous>, transform_indices = @transform_5, window_bounds = array<i64: 1, 128>}, {pipeline_mode = #tpu.pipeline_mode<synchronous>, transform_indices = @transform_6, window_bounds = array<i64: 384, 128>}, {pipeline_mode = #tpu.pipeline_mode<synchronous>, transform_indices = @transform_7, window_bounds = array<i64: 1, 128>}, {pipeline_mode = #tpu.pipeline_mode<synchronous>, transform_indices = @transform_8, window_bounds = array<i64: 128, 128>}, {pipeline_mode = #tpu.pipeline_mode<synchronous>, transform_indices = @transform_9, window_bounds = array<i64: 1, 128>}, {pipeline_mode = #tpu.pipeline_mode<synchronous>, transform_indices = @transform_10, window_bounds = array<i64: 1, 128>}, {pipeline_mode = #tpu.pipeline_mode<synchronous>, transform_indices = @transform_11, window_bounds = array<i64: 1, 128>}, {pipeline_mode = #tpu.pipeline_mode<synchronous>, transform_indices = @transform_12, window_bounds = array<i64: 1, 128>}, {transform_indices = @transform_13, window_bounds = array<i64: 512, 128>}, {transform_indices = @transform_14, window_bounds = array<i64: 512, 128>}, {transform_indices = @transform_15, window_bounds = array<i64: 512, 128>}, {transform_indices = @transform_16, window_bounds = array<i64: 512, 128>}, {transform_indices = @transform_17, window_bounds = array<i64: 512, 128>}, {transform_indices = @transform_18, window_bounds = array<i64: 512, 128>}, {transform_indices = @transform_19, window_bounds = array<i64: 512, 128>}]} {
    %get3A = arith.constant 0 : index
    %get3A_0 = arith.constant 0 : index
    %get3A_1 = vector.load %arg1[%get3A, %get3A_0] : memref<512x384xf32, #tpu.memory_space<vmem>>, vector<512x384xf32>
    %get3A_2 = arith.constant 0 : index
    %get3A_3 = arith.constant 0 : index
    %get3A_4 = vector.load %arg3[%get3A_2, %get3A_3] : memref<384x128xf32, #tpu.memory_space<vmem>>, vector<384x128xf32>
    %dot_general3A = arith.constant dense<0.000000e+00> : vector<512x128xf32>
    %dot_general3A_5 = tpu.matmul %get3A_1, %get3A_4, %dot_general3A {dimension_numbers = #tpu.dot_dimension_numbers<[1], [0], [0], [1], [0, 0, 1, 1], [], []>, transpose_lhs_hint = false} : vector<512x384xf32>, vector<384x128xf32>, vector<512x128xf32> -> vector<512x128xf32>
    %get3A_6 = arith.constant 0 : index
    %get3A_7 = arith.constant 0 : index
    %get3A_8 = vector.load %arg5[%get3A_6, %get3A_7] : memref<1x128xf32, #tpu.memory_space<vmem>>, vector<1x128xf32>
    %add3A = vector.broadcast %get3A_8 : vector<1x128xf32> to vector<512x128xf32>
    %add3A_9 = arith.addf %dot_general3A_5, %add3A : vector<512x128xf32>
    %tanh3A = math.tanh %add3A_9 : vector<512x128xf32>
    %get3A_10 = arith.constant 0 : index
    %get3A_11 = arith.constant 0 : index
    %get3A_12 = vector.load %arg4[%get3A_10, %get3A_11] : memref<384x128xf32, #tpu.memory_space<vmem>>, vector<384x128xf32>
    %dot_general3A_13 = arith.constant dense<0.000000e+00> : vector<512x128xf32>
    %dot_general3A_14 = tpu.matmul %get3A_1, %get3A_12, %dot_general3A_13 {dimension_numbers = #tpu.dot_dimension_numbers<[1], [0], [0], [1], [0, 0, 1, 1], [], []>, transpose_lhs_hint = false} : vector<512x384xf32>, vector<384x128xf32>, vector<512x128xf32> -> vector<512x128xf32>
    %get3A_15 = arith.constant 0 : index
    %get3A_16 = arith.constant 0 : index
    %get3A_17 = vector.load %arg6[%get3A_15, %get3A_16] : memref<1x128xf32, #tpu.memory_space<vmem>>, vector<1x128xf32>
    %add3A_18 = vector.broadcast %get3A_17 : vector<1x128xf32> to vector<512x128xf32>
    %add3A_19 = arith.addf %dot_general3A_14, %add3A_18 : vector<512x128xf32>
    %tanh3A_20 = math.tanh %add3A_19 : vector<512x128xf32>
    %get3A_21 = arith.constant 0 : index
    %get3A_22 = arith.constant 0 : index
    %get3A_23 = vector.load %arg2[%get3A_21, %get3A_22] : memref<512x2xf32, #tpu.memory_space<vmem>>, vector<512x1xf32>
    %get3A_24 = arith.constant 0 : index
    %get3A_25 = arith.constant 1 : index
    %get3A_26 = vector.load %arg2[%get3A_24, %get3A_25] : memref<512x2xf32, #tpu.memory_space<vmem>>, vector<512x1xf32>
    %mul3A = arith.constant 5.000000e-01 : f32
    %mul3A_27 = vector.broadcast %mul3A : f32 to vector<512x128xf32>
    %mul3A_28 = arith.mulf %mul3A_27, %tanh3A : vector<512x128xf32>
    %add3A_29 = vector.broadcast %get3A_23 : vector<512x1xf32> to vector<512x128xf32>
    %add3A_30 = arith.addf %add3A_29, %mul3A_28 : vector<512x128xf32>
    %get3A_31 = arith.constant 0 : index
    %get3A_32 = arith.constant 0 : index
    %get3A_33 = vector.load %arg10[%get3A_31, %get3A_32] : memref<1x128xf32, #tpu.memory_space<vmem>>, vector<1x128xf32>
    %mul3A_34 = vector.broadcast %get3A_33 : vector<1x128xf32> to vector<512x128xf32>
    %mul3A_35 = arith.mulf %add3A_30, %mul3A_34 : vector<512x128xf32>
    %mul3A_36 = arith.constant 5.000000e-01 : f32
    %mul3A_37 = vector.broadcast %mul3A_36 : f32 to vector<512x128xf32>
    %mul3A_38 = arith.mulf %mul3A_37, %tanh3A_20 : vector<512x128xf32>
    %add3A_39 = vector.broadcast %get3A_26 : vector<512x1xf32> to vector<512x128xf32>
    %add3A_40 = arith.addf %add3A_39, %mul3A_38 : vector<512x128xf32>
    %get3A_41 = arith.constant 0 : index
    %get3A_42 = arith.constant 0 : index
    %get3A_43 = vector.load %arg11[%get3A_41, %get3A_42] : memref<1x128xf32, #tpu.memory_space<vmem>>, vector<1x128xf32>
    %mul3A_44 = vector.broadcast %get3A_43 : vector<1x128xf32> to vector<512x128xf32>
    %mul3A_45 = arith.mulf %add3A_40, %mul3A_44 : vector<512x128xf32>
    %floor3A = math.floor %mul3A_35 : vector<512x128xf32>
    %sub3A = arith.subf %mul3A_35, %floor3A : vector<512x128xf32>
    %floor3A_46 = math.floor %mul3A_45 : vector<512x128xf32>
    %sub3A_47 = arith.subf %mul3A_45, %floor3A_46 : vector<512x128xf32>
    %get3A_48 = arith.constant 0 : index
    %get3A_49 = arith.constant 0 : index
    %get3A_50 = vector.load %arg10[%get3A_48, %get3A_49] : memref<1x128xf32, #tpu.memory_space<vmem>>, vector<1x128xf32>
    %sub3A_51 = arith.constant 1.000000e+00 : f32
    %sub3A_52 = vector.broadcast %sub3A_51 : f32 to vector<1x128xf32>
    %sub3A_53 = arith.subf %get3A_50, %sub3A_52 : vector<1x128xf32>
    %jit3A = arith.constant 0.000000e+00 : f32
    %max3A = vector.broadcast %jit3A : f32 to vector<512x128xf32>
    %max3A_54 = arith.maximumf %max3A, %floor3A : vector<512x128xf32>
    %min3A = vector.broadcast %sub3A_53 : vector<1x128xf32> to vector<512x128xf32>
    %min3A_55 = arith.minimumf %min3A, %max3A_54 : vector<512x128xf32>
    %get3A_56 = arith.constant 0 : index
    %get3A_57 = arith.constant 0 : index
    %get3A_58 = vector.load %arg11[%get3A_56, %get3A_57] : memref<1x128xf32, #tpu.memory_space<vmem>>, vector<1x128xf32>
    %sub3A_59 = arith.constant 1.000000e+00 : f32
    %sub3A_60 = vector.broadcast %sub3A_59 : f32 to vector<1x128xf32>
    %sub3A_61 = arith.subf %get3A_58, %sub3A_60 : vector<1x128xf32>
    %jit3A_62 = arith.constant 0.000000e+00 : f32
    %max3A_63 = vector.broadcast %jit3A_62 : f32 to vector<512x128xf32>
    %max3A_64 = arith.maximumf %max3A_63, %floor3A_46 : vector<512x128xf32>
    %min3A_65 = vector.broadcast %sub3A_61 : vector<1x128xf32> to vector<512x128xf32>
    %min3A_66 = arith.minimumf %min3A_65, %max3A_64 : vector<512x128xf32>
    %eq3A = arith.cmpf oeq, %min3A_55, %floor3A : vector<512x128xf32>
    %sub3A_67 = arith.constant 1.000000e+00 : f32
    %sub3A_68 = vector.broadcast %sub3A_67 : f32 to vector<512x128xf32>
    %sub3A_69 = arith.subf %sub3A_68, %sub3A : vector<512x128xf32>
    %jit3A_70 = arith.constant 0.000000e+00 : f32
    %broadcast_in_dim3A = vector.broadcast %jit3A_70 : f32 to vector<512x128xf32>
    %select_n3A = arith.select %eq3A, %sub3A_69, %broadcast_in_dim3A : vector<512x128xi1>, vector<512x128xf32>
    %add3A_71 = arith.constant 1.000000e+00 : f32
    %add3A_72 = vector.broadcast %add3A_71 : f32 to vector<512x128xf32>
    %add3A_73 = arith.addf %floor3A, %add3A_72 : vector<512x128xf32>
    %eq3A_74 = arith.cmpf oeq, %min3A_55, %add3A_73 : vector<512x128xf32>
    %jit3A_75 = arith.constant 0.000000e+00 : f32
    %broadcast_in_dim3A_76 = vector.broadcast %jit3A_75 : f32 to vector<512x128xf32>
    %select_n3A_77 = arith.select %eq3A_74, %sub3A, %broadcast_in_dim3A_76 : vector<512x128xi1>, vector<512x128xf32>
    %add3A_78 = arith.addf %select_n3A, %select_n3A_77 : vector<512x128xf32>
    %add3A_79 = arith.constant 1.000000e+00 : f32
    %add3A_80 = vector.broadcast %add3A_79 : f32 to vector<512x128xf32>
    %add3A_81 = arith.addf %min3A_55, %add3A_80 : vector<512x128xf32>
    %eq3A_82 = arith.cmpf oeq, %add3A_81, %floor3A : vector<512x128xf32>
    %sub3A_83 = arith.constant 1.000000e+00 : f32
    %sub3A_84 = vector.broadcast %sub3A_83 : f32 to vector<512x128xf32>
    %sub3A_85 = arith.subf %sub3A_84, %sub3A : vector<512x128xf32>
    %jit3A_86 = arith.constant 0.000000e+00 : f32
    %broadcast_in_dim3A_87 = vector.broadcast %jit3A_86 : f32 to vector<512x128xf32>
    %select_n3A_88 = arith.select %eq3A_82, %sub3A_85, %broadcast_in_dim3A_87 : vector<512x128xi1>, vector<512x128xf32>
    %eq3A_89 = arith.cmpf oeq, %min3A_55, %floor3A : vector<512x128xf32>
    %jit3A_90 = arith.constant 0.000000e+00 : f32
    %broadcast_in_dim3A_91 = vector.broadcast %jit3A_90 : f32 to vector<512x128xf32>
    %select_n3A_92 = arith.select %eq3A_89, %sub3A, %broadcast_in_dim3A_91 : vector<512x128xi1>, vector<512x128xf32>
    %add3A_93 = arith.addf %select_n3A_88, %select_n3A_92 : vector<512x128xf32>
    %eq3A_94 = arith.cmpf oeq, %min3A_66, %floor3A_46 : vector<512x128xf32>
    %sub3A_95 = arith.constant 1.000000e+00 : f32
    %sub3A_96 = vector.broadcast %sub3A_95 : f32 to vector<512x128xf32>
    %sub3A_97 = arith.subf %sub3A_96, %sub3A_47 : vector<512x128xf32>
    %jit3A_98 = arith.constant 0.000000e+00 : f32
    %broadcast_in_dim3A_99 = vector.broadcast %jit3A_98 : f32 to vector<512x128xf32>
    %select_n3A_100 = arith.select %eq3A_94, %sub3A_97, %broadcast_in_dim3A_99 : vector<512x128xi1>, vector<512x128xf32>
    %add3A_101 = arith.constant 1.000000e+00 : f32
    %add3A_102 = vector.broadcast %add3A_101 : f32 to vector<512x128xf32>
    %add3A_103 = arith.addf %floor3A_46, %add3A_102 : vector<512x128xf32>
    %eq3A_104 = arith.cmpf oeq, %min3A_66, %add3A_103 : vector<512x128xf32>
    %jit3A_105 = arith.constant 0.000000e+00 : f32
    %broadcast_in_dim3A_106 = vector.broadcast %jit3A_105 : f32 to vector<512x128xf32>
    %select_n3A_107 = arith.select %eq3A_104, %sub3A_47, %broadcast_in_dim3A_106 : vector<512x128xi1>, vector<512x128xf32>
    %add3A_108 = arith.addf %select_n3A_100, %select_n3A_107 : vector<512x128xf32>
    %add3A_109 = arith.constant 1.000000e+00 : f32
    %add3A_110 = vector.broadcast %add3A_109 : f32 to vector<512x128xf32>
    %add3A_111 = arith.addf %min3A_66, %add3A_110 : vector<512x128xf32>
    %eq3A_112 = arith.cmpf oeq, %add3A_111, %floor3A_46 : vector<512x128xf32>
    %sub3A_113 = arith.constant 1.000000e+00 : f32
    %sub3A_114 = vector.broadcast %sub3A_113 : f32 to vector<512x128xf32>
    %sub3A_115 = arith.subf %sub3A_114, %sub3A_47 : vector<512x128xf32>
    %jit3A_116 = arith.constant 0.000000e+00 : f32
    %broadcast_in_dim3A_117 = vector.broadcast %jit3A_116 : f32 to vector<512x128xf32>
    %select_n3A_118 = arith.select %eq3A_112, %sub3A_115, %broadcast_in_dim3A_117 : vector<512x128xi1>, vector<512x128xf32>
    %eq3A_119 = arith.cmpf oeq, %min3A_66, %floor3A_46 : vector<512x128xf32>
    %jit3A_120 = arith.constant 0.000000e+00 : f32
    %broadcast_in_dim3A_121 = vector.broadcast %jit3A_120 : f32 to vector<512x128xf32>
    %select_n3A_122 = arith.select %eq3A_119, %sub3A_47, %broadcast_in_dim3A_121 : vector<512x128xi1>, vector<512x128xf32>
    %add3A_123 = arith.addf %select_n3A_118, %select_n3A_122 : vector<512x128xf32>
    %get3A_124 = arith.constant 0 : index
    %get3A_125 = arith.constant 0 : index
    %get3A_126 = vector.load %arg7[%get3A_124, %get3A_125] : memref<384x128xf32, #tpu.memory_space<vmem>>, vector<384x128xf32>
    %dot_general3A_127 = arith.constant dense<0.000000e+00> : vector<512x128xf32>
    %dot_general3A_128 = tpu.matmul %get3A_1, %get3A_126, %dot_general3A_127 {dimension_numbers = #tpu.dot_dimension_numbers<[1], [0], [0], [1], [0, 0, 1, 1], [], []>, transpose_lhs_hint = false} : vector<512x384xf32>, vector<384x128xf32>, vector<512x128xf32> -> vector<512x128xf32>
    %get3A_129 = arith.constant 0 : index
    %get3A_130 = arith.constant 0 : index
    %get3A_131 = vector.load %arg8[%get3A_129, %get3A_130] : memref<1x128xf32, #tpu.memory_space<vmem>>, vector<1x128xf32>
    %add3A_132 = vector.broadcast %get3A_131 : vector<1x128xf32> to vector<512x128xf32>
    %add3A_133 = arith.addf %dot_general3A_128, %add3A_132 : vector<512x128xf32>
    %reduce_max3A = arith.constant dense<0xFF800000> : vector<512xf32>
    %reduce_max3A_134 = vector.multi_reduction <maximumf>, %add3A_133, %reduce_max3A [1] : vector<512x128xf32> to vector<512xf32>
    %broadcast_in_dim3A_135 = vector.shape_cast %reduce_max3A_134 : vector<512xf32> to vector<512x1xf32>
    %sub3A_136 = vector.broadcast %broadcast_in_dim3A_135 : vector<512x1xf32> to vector<512x128xf32>
    %sub3A_137 = arith.subf %add3A_133, %sub3A_136 : vector<512x128xf32>
    %exp3A = math.exp %sub3A_137 : vector<512x128xf32>
    %get3A_138 = arith.constant 0 : index
    %get3A_139 = arith.constant 0 : index
    %get3A_140 = vector.load %arg9[%get3A_138, %get3A_139] : memref<128x128xf32, #tpu.memory_space<vmem>>, vector<128x128xf32>
    %dot_general3A_141 = arith.constant dense<0.000000e+00> : vector<512x128xf32>
    %dot_general3A_142 = tpu.matmul %exp3A, %get3A_140, %dot_general3A_141 {dimension_numbers = #tpu.dot_dimension_numbers<[1], [0], [0], [1], [0, 0, 1, 1], [], []>, transpose_lhs_hint = false} : vector<512x128xf32>, vector<128x128xf32>, vector<512x128xf32> -> vector<512x128xf32>
    %div3A = arith.divf %exp3A, %dot_general3A_142 : vector<512x128xf32>
    %swap3A = arith.constant 0 : index
    %swap3A_143 = arith.constant 0 : index
    %swap3A_144 = vector.load %arg14[%swap3A, %swap3A_143] : memref<512x128xf32, #tpu.memory_space<vmem>>, vector<512x128xf32>
    tpu.vector_store %arg14[%swap3A, %swap3A_143], %div3A {strides = array<i32>} : memref<512x128xf32, #tpu.memory_space<vmem>>, vector<512x128xf32>,
    %jit3A_145 = arith.constant 8 : i32
    %div3A_146 = arith.divsi %arg0, %jit3A_145 : i32
    %sign3A = arith.constant 0 : i32
    %sign3A_147 = arith.cmpi sgt, %arg0, %sign3A : i32
    %sign3A_148 = arith.extui %sign3A_147 : i1 to i32
    %sign3A_149 = arith.constant 0 : i32
    %sign3A_150 = arith.cmpi slt, %arg0, %sign3A_149 : i32
    %sign3A_151 = arith.extui %sign3A_150 : i1 to i32
    %sign3A_152 = arith.subi %sign3A_148, %sign3A_151 : i32
    %sign3A_153 = arith.constant 0 : i32
    %sign3A_154 = arith.cmpi sgt, %jit3A_145, %sign3A_153 : i32
    %sign3A_155 = arith.extui %sign3A_154 : i1 to i32
    %sign3A_156 = arith.constant 0 : i32
    %sign3A_157 = arith.cmpi slt, %jit3A_145, %sign3A_156 : i32
    %sign3A_158 = arith.extui %sign3A_157 : i1 to i32
    %sign3A_159 = arith.subi %sign3A_155, %sign3A_158 : i32
    %ne3A = arith.cmpi ne, %sign3A_152, %sign3A_159 : i32
    %rem3A = arith.remsi %arg0, %jit3A_145 : i32
    %ne3A_160 = arith.constant 0 : i32
    %ne3A_161 = arith.cmpi ne, %rem3A, %ne3A_160 : i32
    %and3A = arith.andi %ne3A, %ne3A_161 : i1
    %sub3A_162 = arith.constant 1 : i32
    %sub3A_163 = arith.subi %div3A_146, %sub3A_162 : i32
    %select_n3A_164 = arith.select %and3A, %sub3A_163, %div3A_146 : i32
    %mul3A_165 = arith.constant 43520 : i32
    %mul3A_166 = arith.muli %select_n3A_164, %mul3A_165 : i32
    %get3A_167 = arith.constant 0 : index
    %get3A_168 = arith.constant 0 : index
    %get3A_169 = vector.load %arg12[%get3A_167, %get3A_168] : memref<1x128xi32, #tpu.memory_space<vmem>>, vector<1x128xi32>
    %add3A_170 = vector.broadcast %mul3A_166 : i32 to vector<1x128xi32>
    %add3A_171 = arith.addi %add3A_170, %get3A_169 : vector<1x128xi32>
    %convert_element_type3A = arith.fptosi %min3A_66 : vector<512x128xf32> to vector<512x128xi32>
    %get3A_172 = arith.constant 0 : index
    %get3A_173 = arith.constant 0 : index
    %get3A_174 = vector.load %arg13[%get3A_172, %get3A_173] : memref<1x128xi32, #tpu.memory_space<vmem>>, vector<1x128xi32>
    %mul3A_175 = vector.broadcast %get3A_174 : vector<1x128xi32> to vector<512x128xi32>
    %mul3A_176 = arith.muli %convert_element_type3A, %mul3A_175 : vector<512x128xi32>
    %add3A_177 = vector.broadcast %add3A_171 : vector<1x128xi32> to vector<512x128xi32>
    %add3A_178 = arith.addi %add3A_177, %mul3A_176 : vector<512x128xi32>
    %convert_element_type3A_179 = arith.fptosi %min3A_55 : vector<512x128xf32> to vector<512x128xi32>
    %add3A_180 = arith.addi %add3A_178, %convert_element_type3A_179 : vector<512x128xi32>
    %swap3A_181 = arith.constant 0 : index
    %swap3A_182 = arith.constant 0 : index
    %swap3A_183 = vector.load %arg15[%swap3A_181, %swap3A_182] : memref<512x128xi32, #tpu.memory_space<vmem>>, vector<512x128xi32>
    tpu.vector_store %arg15[%swap3A_181, %swap3A_182], %add3A_180 {strides = array<i32>} : memref<512x128xi32, #tpu.memory_space<vmem>>, vector<512x128xi32>,
    %get3A_184 = arith.constant 0 : index
    %get3A_185 = arith.constant 0 : index
    %get3A_186 = vector.load %arg13[%get3A_184, %get3A_185] : memref<1x128xi32, #tpu.memory_space<vmem>>, vector<1x128xi32>
    %add3A_187 = vector.broadcast %get3A_186 : vector<1x128xi32> to vector<512x128xi32>
    %add3A_188 = arith.addi %add3A_180, %add3A_187 : vector<512x128xi32>
    %swap3A_189 = arith.constant 0 : index
    %swap3A_190 = arith.constant 0 : index
    %swap3A_191 = vector.load %arg16[%swap3A_189, %swap3A_190] : memref<512x128xi32, #tpu.memory_space<vmem>>, vector<512x128xi32>
    tpu.vector_store %arg16[%swap3A_189, %swap3A_190], %add3A_188 {strides = array<i32>} : memref<512x128xi32, #tpu.memory_space<vmem>>, vector<512x128xi32>,
    %mul3A_192 = arith.mulf %add3A_108, %add3A_78 : vector<512x128xf32>
    %mul3A_193 = arith.mulf %mul3A_192, %div3A : vector<512x128xf32>
    %swap3A_194 = arith.constant 0 : index
    %swap3A_195 = arith.constant 0 : index
    %swap3A_196 = vector.load %arg17[%swap3A_194, %swap3A_195] : memref<512x128xf32, #tpu.memory_space<vmem>>, vector<512x128xf32>
    tpu.vector_store %arg17[%swap3A_194, %swap3A_195], %mul3A_193 {strides = array<i32>} : memref<512x128xf32, #tpu.memory_space<vmem>>, vector<512x128xf32>,
    %mul3A_197 = arith.mulf %add3A_108, %add3A_93 : vector<512x128xf32>
    %mul3A_198 = arith.mulf %mul3A_197, %div3A : vector<512x128xf32>
    %swap3A_199 = arith.constant 0 : index
    %swap3A_200 = arith.constant 0 : index
    %swap3A_201 = vector.load %arg18[%swap3A_199, %swap3A_200] : memref<512x128xf32, #tpu.memory_space<vmem>>, vector<512x128xf32>
    tpu.vector_store %arg18[%swap3A_199, %swap3A_200], %mul3A_198 {strides = array<i32>} : memref<512x128xf32, #tpu.memory_space<vmem>>, vector<512x128xf32>,
    %mul3A_202 = arith.mulf %add3A_123, %add3A_78 : vector<512x128xf32>
    %mul3A_203 = arith.mulf %mul3A_202, %div3A : vector<512x128xf32>
    %swap3A_204 = arith.constant 0 : index
    %swap3A_205 = arith.constant 0 : index
    %swap3A_206 = vector.load %arg19[%swap3A_204, %swap3A_205] : memref<512x128xf32, #tpu.memory_space<vmem>>, vector<512x128xf32>
    tpu.vector_store %arg19[%swap3A_204, %swap3A_205], %mul3A_203 {strides = array<i32>} : memref<512x128xf32, #tpu.memory_space<vmem>>, vector<512x128xf32>,
    %mul3A_207 = arith.mulf %add3A_123, %add3A_93 : vector<512x128xf32>
    %mul3A_208 = arith.mulf %mul3A_207, %div3A : vector<512x128xf32>
    %swap3A_209 = arith.constant 0 : index
    %swap3A_210 = arith.constant 0 : index
    %swap3A_211 = vector.load %arg20[%swap3A_209, %swap3A_210] : memref<512x128xf32, #tpu.memory_space<vmem>>, vector<512x128xf32>
    tpu.vector_store %arg20[%swap3A_209, %swap3A_210], %mul3A_208 {strides = array<i32>} : memref<512x128xf32, #tpu.memory_space<vmem>>, vector<512x128xf32>,
    return
  }
  func.func @transform_0(%arg0: i32) -> (i32, i32) {
    %c0_i32 = arith.constant 0 : i32
    %c0_i32_0 = arith.constant 0 : i32
    return %arg0, %c0_i32 : i32, i32
  }
  func.func @transform_1(%arg0: i32) -> (i32, i32) {
    %c0_i32 = arith.constant 0 : i32
    %c0_i32_0 = arith.constant 0 : i32
    return %arg0, %c0_i32 : i32, i32
  }
  func.func @transform_2(%arg0: i32) -> (i32, i32) {
    %c0_i32 = arith.constant 0 : i32
    %c0_i32_0 = arith.constant 0 : i32
    %c0_i32_1 = arith.constant 0 : i32
    return %c0_i32, %c0_i32_0 : i32, i32
  }
  func.func @transform_3(%arg0: i32) -> (i32, i32) {
    %c0_i32 = arith.constant 0 : i32
    %c0_i32_0 = arith.constant 0 : i32
    %c0_i32_1 = arith.constant 0 : i32
    return %c0_i32, %c0_i32_0 : i32, i32
  }
  func.func @transform_4(%arg0: i32) -> (i32, i32) {
    %c0_i32 = arith.constant 0 : i32
    %c0_i32_0 = arith.constant 0 : i32
    %c0_i32_1 = arith.constant 0 : i32
    return %c0_i32, %c0_i32_0 : i32, i32
  }
  func.func @transform_5(%arg0: i32) -> (i32, i32) {
    %c0_i32 = arith.constant 0 : i32
    %c0_i32_0 = arith.constant 0 : i32
    %c0_i32_1 = arith.constant 0 : i32
    return %c0_i32, %c0_i32_0 : i32, i32
  }
  func.func @transform_6(%arg0: i32) -> (i32, i32) {
    %c0_i32 = arith.constant 0 : i32
    %c0_i32_0 = arith.constant 0 : i32
    %c0_i32_1 = arith.constant 0 : i32
    return %c0_i32, %c0_i32_0 : i32, i32
  }
  func.func @transform_7(%arg0: i32) -> (i32, i32) {
    %c0_i32 = arith.constant 0 : i32
    %c0_i32_0 = arith.constant 0 : i32
    %c0_i32_1 = arith.constant 0 : i32
    return %c0_i32, %c0_i32_0 : i32, i32
  }
  func.func @transform_8(%arg0: i32) -> (i32, i32) {
    %c0_i32 = arith.constant 0 : i32
    %c0_i32_0 = arith.constant 0 : i32
    %c0_i32_1 = arith.constant 0 : i32
    return %c0_i32, %c0_i32_0 : i32, i32
  }
  func.func @transform_9(%arg0: i32) -> (i32, i32) {
    %c0_i32 = arith.constant 0 : i32
    %c0_i32_0 = arith.constant 0 : i32
    %c0_i32_1 = arith.constant 0 : i32
    return %c0_i32, %c0_i32_0 : i32, i32
  }
  func.func @transform_10(%arg0: i32) -> (i32, i32) {
    %c0_i32 = arith.constant 0 : i32
    %c0_i32_0 = arith.constant 0 : i32
    %c0_i32_1 = arith.constant 0 : i32
    return %c0_i32, %c0_i32_0 : i32, i32
  }
  func.func @transform_11(%arg0: i32) -> (i32, i32) {
    %c0_i32 = arith.constant 0 : i32
    %c0_i32_0 = arith.constant 0 : i32
    %c0_i32_1 = arith.constant 0 : i32
    return %c0_i32, %c0_i32_0 : i32, i32
  }
  func.func @transform_12(%arg0: i32) -> (i32, i32) {
    %c0_i32 = arith.constant 0 : i32
    %c0_i32_0 = arith.constant 0 : i32
    %c0_i32_1 = arith.constant 0 : i32
    return %c0_i32, %c0_i32_0 : i32, i32
  }
  func.func @transform_13(%arg0: i32) -> (i32, i32) {
    %c0_i32 = arith.constant 0 : i32
    %c0_i32_0 = arith.constant 0 : i32
    return %arg0, %c0_i32 : i32, i32
  }
  func.func @transform_14(%arg0: i32) -> (i32, i32) {
    %c0_i32 = arith.constant 0 : i32
    %c0_i32_0 = arith.constant 0 : i32
    return %arg0, %c0_i32 : i32, i32
  }
  func.func @transform_15(%arg0: i32) -> (i32, i32) {
    %c0_i32 = arith.constant 0 : i32
    %c0_i32_0 = arith.constant 0 : i32
    return %arg0, %c0_i32 : i32, i32
  }
  func.func @transform_16(%arg0: i32) -> (i32, i32) {
    %c0_i32 = arith.constant 0 : i32
    %c0_i32_0 = arith.constant 0 : i32
    return %arg0, %c0_i32 : i32, i32
  }
  func.func @transform_17(%arg0: i32) -> (i32, i32) {
    %c0_i32 = arith.constant 0 : i32
    %c0_i32_0 = arith.constant 0 : i32
    return %arg0, %c0_i32 : i32, i32
  }
  func.func @transform_18(%arg0: i32) -> (i32, i32) {
    %c0_i32 = arith.constant 0 : i32
    %c0_i32_0 = arith.constant 0 : i32
    return %arg0, %c0_i32 : i32, i32
  }
  func.func @transform_19(%arg0: i32) -> (i32, i32) {
    %c0_i32 = arith.constant 0 : i32
    %c0_i32_0 = arith.constant 0 : i32
    return %arg0, %c0_i32 : i32, i32
  }
}

module attributes {stable_mosaic.version = 14 : i64} {
  func.func @_oproj_body(%arg0: i32, %arg1: memref<65536xf32, #tpu.memory_space<vmem>>, %arg2: memref<65536xf32, #tpu.memory_space<vmem>>, %arg3: memref<65536xf32, #tpu.memory_space<vmem>>, %arg4: memref<128x384xf32, #tpu.memory_space<vmem>>, %arg5: memref<128x384xf32, #tpu.memory_space<vmem>>, %arg6: memref<128x384xf32, #tpu.memory_space<vmem>>, %arg7: memref<1x384xf32, #tpu.memory_space<vmem>>, %arg8: memref<512x384xf32, #tpu.memory_space<vmem>>) attributes {dimension_semantics = [#tpu.dimension_semantics<arbitrary>], iteration_bounds = array<i64: 16>, scalar_prefetch = 0 : i64, scratch_operands = 0 : i64, tpu.core_type = #tpu.core_type<tc>, window_params = [{transform_indices = @transform_0, window_bounds = array<i64: 65536>}, {transform_indices = @transform_1, window_bounds = array<i64: 65536>}, {transform_indices = @transform_2, window_bounds = array<i64: 65536>}, {transform_indices = @transform_3, window_bounds = array<i64: 128, 384>}, {transform_indices = @transform_4, window_bounds = array<i64: 128, 384>}, {transform_indices = @transform_5, window_bounds = array<i64: 128, 384>}, {pipeline_mode = #tpu.pipeline_mode<synchronous>, transform_indices = @transform_6, window_bounds = array<i64: 1, 384>}, {transform_indices = @transform_7, window_bounds = array<i64: 512, 384>}]} {
    %get3A = arith.constant 0 : index
    %get3A_0 = vector.load %arg1[%get3A] : memref<65536xf32, #tpu.memory_space<vmem>>, vector<65536xf32>
    %reshape3A = vector.shape_cast %get3A_0 : vector<65536xf32> to vector<512x128xf32>
    %get3A_1 = arith.constant 0 : index
    %get3A_2 = vector.load %arg2[%get3A_1] : memref<65536xf32, #tpu.memory_space<vmem>>, vector<65536xf32>
    %reshape3A_3 = vector.shape_cast %get3A_2 : vector<65536xf32> to vector<512x128xf32>
    %get3A_4 = arith.constant 0 : index
    %get3A_5 = vector.load %arg3[%get3A_4] : memref<65536xf32, #tpu.memory_space<vmem>>, vector<65536xf32>
    %reshape3A_6 = vector.shape_cast %get3A_5 : vector<65536xf32> to vector<512x128xf32>
    %get3A_7 = arith.constant 0 : index
    %get3A_8 = arith.constant 0 : index
    %get3A_9 = vector.load %arg4[%get3A_7, %get3A_8] : memref<128x384xf32, #tpu.memory_space<vmem>>, vector<128x384xf32>
    %dot_general3A = arith.constant dense<0.000000e+00> : vector<512x384xf32>
    %dot_general3A_10 = tpu.matmul %reshape3A, %get3A_9, %dot_general3A {dimension_numbers = #tpu.dot_dimension_numbers<[1], [0], [0], [1], [0, 0, 1, 1], [], []>, transpose_lhs_hint = false} : vector<512x128xf32>, vector<128x384xf32>, vector<512x384xf32> -> vector<512x384xf32>
    %get3A_11 = arith.constant 0 : index
    %get3A_12 = arith.constant 0 : index
    %get3A_13 = vector.load %arg5[%get3A_11, %get3A_12] : memref<128x384xf32, #tpu.memory_space<vmem>>, vector<128x384xf32>
    %dot_general3A_14 = arith.constant dense<0.000000e+00> : vector<512x384xf32>
    %dot_general3A_15 = tpu.matmul %reshape3A_3, %get3A_13, %dot_general3A_14 {dimension_numbers = #tpu.dot_dimension_numbers<[1], [0], [0], [1], [0, 0, 1, 1], [], []>, transpose_lhs_hint = false} : vector<512x128xf32>, vector<128x384xf32>, vector<512x384xf32> -> vector<512x384xf32>
    %add3A = arith.addf %dot_general3A_10, %dot_general3A_15 : vector<512x384xf32>
    %get3A_16 = arith.constant 0 : index
    %get3A_17 = arith.constant 0 : index
    %get3A_18 = vector.load %arg6[%get3A_16, %get3A_17] : memref<128x384xf32, #tpu.memory_space<vmem>>, vector<128x384xf32>
    %dot_general3A_19 = arith.constant dense<0.000000e+00> : vector<512x384xf32>
    %dot_general3A_20 = tpu.matmul %reshape3A_6, %get3A_18, %dot_general3A_19 {dimension_numbers = #tpu.dot_dimension_numbers<[1], [0], [0], [1], [0, 0, 1, 1], [], []>, transpose_lhs_hint = false} : vector<512x128xf32>, vector<128x384xf32>, vector<512x384xf32> -> vector<512x384xf32>
    %add3A_21 = arith.addf %add3A, %dot_general3A_20 : vector<512x384xf32>
    %get3A_22 = arith.constant 0 : index
    %get3A_23 = arith.constant 0 : index
    %get3A_24 = vector.load %arg7[%get3A_22, %get3A_23] : memref<1x384xf32, #tpu.memory_space<vmem>>, vector<1x384xf32>
    %add3A_25 = vector.broadcast %get3A_24 : vector<1x384xf32> to vector<512x384xf32>
    %add3A_26 = arith.addf %add3A_21, %add3A_25 : vector<512x384xf32>
    %swap3A = arith.constant 0 : index
    %swap3A_27 = arith.constant 0 : index
    %swap3A_28 = vector.load %arg8[%swap3A, %swap3A_27] : memref<512x384xf32, #tpu.memory_space<vmem>>, vector<512x384xf32>
    tpu.vector_store %arg8[%swap3A, %swap3A_27], %add3A_26 {strides = array<i32>} : memref<512x384xf32, #tpu.memory_space<vmem>>, vector<512x384xf32>,
    return
  }
  func.func @transform_0(%arg0: i32) -> i32 {
    %c0_i32 = arith.constant 0 : i32
    return %arg0 : i32
  }
  func.func @transform_1(%arg0: i32) -> i32 {
    %add3A = arith.constant 16 : i32
    %add3A_0 = arith.addi %arg0, %add3A : i32
    %c0_i32 = arith.constant 0 : i32
    return %add3A_0 : i32
  }
  func.func @transform_2(%arg0: i32) -> i32 {
    %add3A = arith.constant 32 : i32
    %add3A_0 = arith.addi %arg0, %add3A : i32
    %c0_i32 = arith.constant 0 : i32
    return %add3A_0 : i32
  }
  func.func @transform_3(%arg0: i32) -> (i32, i32) {
    %c0_i32 = arith.constant 0 : i32
    %c0_i32_0 = arith.constant 0 : i32
    %c0_i32_1 = arith.constant 0 : i32
    return %c0_i32, %c0_i32_0 : i32, i32
  }
  func.func @transform_4(%arg0: i32) -> (i32, i32) {
    %c1_i32 = arith.constant 1 : i32
    %c0_i32 = arith.constant 0 : i32
    %c0_i32_0 = arith.constant 0 : i32
    return %c1_i32, %c0_i32 : i32, i32
  }
  func.func @transform_5(%arg0: i32) -> (i32, i32) {
    %c2_i32 = arith.constant 2 : i32
    %c0_i32 = arith.constant 0 : i32
    %c0_i32_0 = arith.constant 0 : i32
    return %c2_i32, %c0_i32 : i32, i32
  }
  func.func @transform_6(%arg0: i32) -> (i32, i32) {
    %c0_i32 = arith.constant 0 : i32
    %c0_i32_0 = arith.constant 0 : i32
    %c0_i32_1 = arith.constant 0 : i32
    return %c0_i32, %c0_i32_0 : i32, i32
  }
  func.func @transform_7(%arg0: i32) -> (i32, i32) {
    %c0_i32 = arith.constant 0 : i32
    %c0_i32_0 = arith.constant 0 : i32
    return %arg0, %c0_i32 : i32, i32
  }
}

</mosaic_0001>

<sc_bundles>
// kernel: kernel.5.cloned.1.call-start
scs
__scs_entry_jumppad:
0x0: {  	(pc) =	sbr.rel $0x88, $3  }
0x1: {  	(tag) =	ssettag $0x0;
	lr =	simm.s32 $0x1  }
0x2: {  	[smem:$0x3F95] =	sst lr;
	_ =	strace $0xD0000000  }
0x3: {  	_ = 	snop  }
0x4: {  	_ = 	snop  }
0x5: {  	_ = 	snop  }
0x6: {  	_ = 	snop  }
0x7: {  	_ = 	snop  }
__scs_overlays_trampoline_lowered:
0x8: {  	[smem:$0x3FA4] =	sst s0  }
0x9: {  	[smem:$0x3FA5] =	sst s1  }
0xa: {  	[smem:$0x3FA6] =	sst s2  }
0xb: {  	[smem:$0x3FA7] =	sst s3  }
0xc: {  	[smem:$0x3FA8] =	sst s4  }
0xd: {  	[smem:$0x3FA9] =	sst s5  }
0xe: {  	[smem:$0x3FAA] =	sst s6  }
0xf: {  	[smem:$0x3FAB] =	sst s7  }
0x10: {  	[smem:$0x3FAC] =	sst s8  }
0x11: {  	[smem:$0x3FAD] =	sst s9;
	s0 =	simm.s32 @!p0 $0x0  }
0x12: {  	s1 =	sld [smem:$0x3F93];
	s0 =	simm.s32 @p0 $0x1  }
0x13: {  	[smem:$0x3FAE] =	sst s0;
	s0 =	simm.s32 @!p1 $0x0  }
0x14: {  	s2 =	sld [smem:$0x3F92];
	s0 =	simm.s32 @p1 $0x1  }
0x15: {  	[smem:$0x3FAF] =	sst s0;
	s0 =	simm.s32 @!p2 $0x0  }
0x16: {  	s3 =	sld [smem:$0x3FDB];
	s0 =	simm.s32 @p2 $0x1  }
0x17: {  	s4 =	simm.s32 $0x1BF5;
	[smem:$0x3FB1] =	sst s0  }
0x18: {  	s0 =	sld [smem:$0x3F94];
	_ =	swait.ge [sflag:s4], $0x0  }
0x19: {  	s7 =	sld [smem:$0x3F95]  }
0x1a: {  	s8 =	sadd.s32 $0xFFFFE003, lr  }
0x1b: {  	s9 =	sadd.s32 $0xFFFFFEF7, lr;
	s5 =	simm.s32 $0xFFFFFFFF;
	p2 =	slt.u32 s8, $0xFFFFF086  }
0x1c: {  	p1 =	slt.u32 s9, $0xF7A;
	s5 =	simm.s32 @!p2 $0x0  }
0x1d: {  	s5 =	simm.s32 @p1 $0x1;
	p0 =	seq.s32 s7, s2  }
0x1e: {  	s7 =	smul.u32 @!p0 $0xF7A, s2;
	p2 =	seq.s32 @!p0 s5, $0x0  }
0x1f: {  	s9 =	smul.u32 $0xF7A, s1;
	s8 =	simm.s32 @!p0 $0x1BF5;
	p2 =	por !p2, p0  }
0x20: {  	[sflag:s8] =	ssyncset.s32 @!p0 $0xFFFFF086;
	s6 =	sadd.s32 @!p0 s3, s7;
	s7 =	simm.s32 @!p0 $0x108  }
0x21: {  	s3 =	sadd.s32 s3, s9;
	s6 =	sadd.s32 @!p0 $0x88, s6;
	s7 =	simm.s32 @p2 $0x1082  }
0x22: {  	[simem:s7], [sflag:s8] =	dma.local @!p0 [hbm:s6], $0xF7A  }
0x23: {  	s9 =	sor.u32 $0xD0000000, s2;
	s6 =	simm.s32 $0x108;
	_ =	swait.ge @!p0 [sflag:s8], $0x0  }
0x24: {  	s3 =	sadd.s32 $0x88, s3;
	s6 =	simm.s32 @!p1 $0x1082;
	[sflag:s4] =	ssyncset.s32 $0xFFFFF086  }
0x25: {  	[simem:s6], [sflag:s4] =	dma.local [hbm:s3], $0xF7A  }
0x26: {  	[smem:$0x3F95] =	sst s1;
	(tag) =	ssettag s2;
	_ =	strace s9  }
0x27: {  	s1 =	sld [smem:$0x3FA5]  }
0x28: {  	s2 =	sld [smem:$0x3FA6]  }
0x29: {  	s4 =	sld [smem:$0x3FA8]  }
0x2a: {  	p0 =	seq.s32 s5, $0x0;
	s5 =	sld [smem:$0x3FA9]  }
0x2b: {  	s6 =	sld [smem:$0x3FAA]  }
0x2c: {  	s7 =	sld [smem:$0x3FAB]  }
0x2d: {  	s3 =	simm.s32 $0x108;
	s8 =	sld [smem:$0x3FAC]  }
0x2e: {  	s3 =	simm.s32 @!p0 $0x1082;
	s9 =	sld [smem:$0x3FAD]  }
0x2f: {  	lr =	sadd.s32 s0, s3;
	s0 =	sld [smem:$0x3FA4]  }
0x30: {  	s3 =	sld [smem:$0x3FA7]  }
0x31: {  	[smem:$0x3FB0] =	sst s10  }
0x32: {  	s10 =	sld [smem:$0x3FAE];
	_ =	sdelay $0x3  }
0x33: {  	p0 =	seq.s32 s10, $0x1;
	s10 =	sld [smem:$0x3FB0];
	_ =	sdelay $0x3  }
0x34: {  	[smem:$0x3FB0] =	sst s10  }
0x35: {  	s10 =	sld [smem:$0x3FAF];
	_ =	sdelay $0x3  }
0x36: {  	p1 =	seq.s32 s10, $0x1;
	s10 =	sld [smem:$0x3FB0];
	_ =	sdelay $0x3  }
0x37: {  	[smem:$0x3FB0] =	sst s10  }
0x38: {  	s10 =	sld [smem:$0x3FB1]  }
0x39: {  	_ = 	snop;
	(pc) =	sbr.ind lr, $3  }
0x3a: {  	_ = 	snop  }
0x3b: {  	_ = 	snop  }
0x3c: {  	p2 =	seq.s32 s10, $0x1;
	s10 =	sld [smem:$0x3FB0]  }
0x3d: {  	_ =	shalt  }
0x3e: {  	_ =	shalt  }
0x3f: {  	_ =	shalt  }
0x40: {  	_ =	shalt  }
0x41: {  	_ =	shalt  }
0x42: {  	_ =	shalt  }
0x43: {  	_ =	shalt  }
0x44: {  	_ =	shalt  }
0x45: {  	_ =	shalt  }
0x46: {  	_ =	shalt  }
0x47: {  	_ =	shalt  }
0x48: {  	_ =	shalt  }
0x49: {  	_ =	shalt  }
0x4a: {  	_ =	shalt  }
0x4b: {  	_ =	shalt  }
0x4c: {  	_ =	shalt  }
0x4d: {  	_ =	shalt  }
0x4e: {  	_ =	shalt  }
0x4f: {  	_ =	shalt  }
0x50: {  	_ =	shalt  }
0x51: {  	_ =	shalt  }
0x52: {  	_ =	shalt  }
0x53: {  	_ =	shalt  }
0x54: {  	_ =	shalt  }
0x55: {  	_ =	shalt  }
0x56: {  	_ =	shalt  }
0x57: {  	_ =	shalt  }
0x58: {  	_ =	shalt  }
0x59: {  	_ =	shalt  }
0x5a: {  	_ =	shalt  }
0x5b: {  	_ =	shalt  }
0x5c: {  	_ =	shalt  }
0x5d: {  	_ =	shalt  }
0x5e: {  	_ =	shalt  }
0x5f: {  	_ =	shalt  }
0x60: {  	_ =	shalt  }
0x61: {  	_ =	shalt  }
0x62: {  	_ =	shalt  }
0x63: {  	_ =	shalt  }
0x64: {  	_ =	shalt  }
0x65: {  	_ =	shalt  }
0x66: {  	_ =	shalt  }
0x67: {  	_ =	shalt  }
0x68: {  	_ =	shalt  }
0x69: {  	_ =	shalt  }
0x6a: {  	_ =	shalt  }
0x6b: {  	_ =	shalt  }
0x6c: {  	_ =	shalt  }
0x6d: {  	_ =	shalt  }
0x6e: {  	_ =	shalt  }
0x6f: {  	_ =	shalt  }
0x70: {  	_ =	shalt  }
0x71: {  	_ =	shalt  }
0x72: {  	_ =	shalt  }
0x73: {  	_ =	shalt  }
0x74: {  	_ =	shalt  }
0x75: {  	_ =	shalt  }
0x76: {  	_ =	shalt  }
0x77: {  	_ =	shalt  }
0x78: {  	_ =	shalt  }
0x79: {  	_ =	shalt  }
0x7a: {  	_ =	shalt  }
0x7b: {  	_ =	shalt  }
0x7c: {  	_ =	shalt  }
0x7d: {  	_ =	shalt  }
0x7e: {  	_ =	shalt  }
0x7f: {  	_ =	shalt  }
0x80: {  	_ =	shalt  }
0x81: {  	_ =	shalt  }
0x82: {  	_ =	shalt  }
0x83: {  	_ =	shalt  }
0x84: {  	_ =	shalt  }
0x85: {  	_ =	shalt  }
0x86: {  	_ =	shalt  }
0x87: {  	_ =	shalt  }
.Lfunc_end0:
.L_simem_size_0:
called_computation_lowered:
.L_overlay_start_0:
0x88: {  	s2 =	sld [smem:$0x3FD9]  }
0x89: {  	s3 =	sld [smem:$0x3FFE];
	_ =	sdelay $0x1  }
0x8a: {  	s1 =	srdreg.scid  }
0x8b: {  	s0 =	sand.u32 $0x1, s1  }
0x8c: {  	s14 =	sshll.u32 s0, $0xA;
	s2 =	sadd.s32 s3, s2  }
0x8d: {  	s2 =	sadd.s32 s2, s14  }
0x8e: {  	[smem:$0x3FBC] =	sst s2  }
0x8f: {  	_ = 	snop  }
0x90: {  	s2 =	sld [smem:$0x3FD0];
	_ =	sdelay $0x2  }
0x91: {  	s15 =	simm.s32 $0xA;
	s4 =	simm.s32 $0x10  }
0x92: {  	[smem:s4], [sflag:s15] =	dma.local [hbm:s2], $0x1  }
0x93: {  	_ =	swait.eq [sflag:s15], $0x1  }
0x94: {  	[sflag:s15] =	ssyncset.done $0x0  }
0x95: {  	[sflag:s15] =	ssyncadd.s32 $0xFFFFFFFF  }
0x96: {  	s16 =	sld [smem:$0x10];
	(tm) =	ssettm $0x1  }
0x97: {  	s17 =	sld [smem:$0x3FFB];
	_ =	sdelay $0x3  }
0x98: {  	_ =	strace s17  }
0x99: {  	s3 =	sld [smem:$0x3FFC];
	_ =	sdelay $0x3  }
0x9a: {  	_ =	strace s3  }
0x9b: {  	s3 =	sld [smem:$0x3FFD];
	_ =	sdelay $0x3  }
0x9c: {  	_ =	strace s3  }
0x9d: {  	_ =	strace $0x8FFFFFFF  }
0x9e: {  	s18 =	sld [smem:$0x3FDB];
	_ =	sdelay $0x1  }
0x9f: {  	s19 =	simm.s32 $_scs_section_size  }
0xa0: {  	s5 =	simm.s32 $_size__tile_overlayer_lowered;
	s6 =	simm.s32 $_tile_overlayer_lowered  }
0xa1: {  	s22 =	simm.s32 $0x1BFF;
	s21 =	sshll.u32 s6, $0x1;
	s3 =	sadd.s32 s19, s18  }
0xa2: {  	s7 =	simm.s32 $0x0;
	s20 =	sshll.u32 s5, $0x1;
	s5 =	sadd.s32 s21, s3  }
0xa3: {  	[timem:s7], [sflag:s22] =	dma.local [hbm:s5], s20  }
0xa4: {  	_ =	swait.ge [sflag:s22], s20  }
0xa5: {  	s4 =	ssub.s32 $0x0, s20;
	[sflag:s22] =	ssyncset.done $0x0  }
0xa6: {  	[sflag:s22] =	ssyncadd.s32 s4;
	_ =	sdelay $0x1  }
0xa7: {  	s23 =	simm.s32 $0x1B8B  }
0xa8: {  	_ =	swait.ge [sflag:s23], $0x1  }
0xa9: {  	[sflag:s23] =	ssyncset.done $0x0  }
0xaa: {  	s25 =	simm.s32 $0x1B8E;
	s24 =	sld [smem:$0x3FFE];
	[sflag:s23] =	ssyncadd.s32 $0xFFFFFFFF  }
0xab: {  	s26 =	simm.s32 $execute0_lowered;
	[smem:$0x3FD2] =	sst s25  }
0xac: {  	s5 =	sshll.u32 s26, $0x1;
	_ =	strace $0x80000046;
	[dreg:$0x1] =	wrdreg $0xFFFFFFFF  }
0xad: {  	s28 =	simm.s32 $_size_execute0_lowered;
	s3 =	sadd.s32 s3, s5;
	[dreg:$0x0] =	wrdreg $0x0  }
0xae: {  	s5 =	sshll.u32 s28, $0x1;
	[dreg:$0x2] =	wrdreg s3  }
0xaf: {  	[dreg:$0x3] =	wrdreg s5  }
0xb0: {  	[dreg:$0x4] =	wrdreg $0xC0  }
0xb1: {  	_ =	task [dreg:s7], $0x5FFFF  }
0xb2: {  	[dreg:$0x1] =	wrdreg $0xFFFFFFFF  }
0xb3: {  	[dreg:$0x0] =	wrdreg $0x60  }
0xb4: {  	[dreg:$0x2] =	wrdreg s24  }
0xb5: {  	[dreg:$0x3] =	wrdreg s16  }
0xb6: {  	[dreg:$0x4] =	wrdreg $0x9  }
0xb7: {  	_ =	task.clear_ibuf [dreg:s7], $0x5FFFF;
	_ =	strace $0x90000046  }
0xb8: {  	s29 =	simm.s32 $0x9;
	_ =	strace $0x80000048  }
0xb9: {  	_ =	swait.ge [sflag:s29], $0x1  }
0xba: {  	[sflag:s29] =	ssyncadd.s32 $0xFFFFFFFF  }
0xbb: {  	_ =	strace $0x90000048  }
0xbc: {  	_ =	sfence  }
0xbd: {  	s30 =	sld [smem:$0x0];
	_ =	sdelay $0x2  }
0xbe: {  	s31 =	sshll.u32 s1, $0xD;
	s1 =	sshrl.u32 s1, $0x2  }
0xbf: {  	s3 =	sand.u32 $0x4000, s31;
	s1 =	sadd.s32 s1, s30  }
0xc0: {  	s0 =	sor.u32 s3, s0;
	s1 =	sshll.u32 s1, $0x11  }
0xc1: {  	s0 =	sor.u32 s1, s0  }
0xc2: {  	s0 =	sadd.s32 $0x8F2B, s0  }
0xc3: {  	[sflag:s0] =	ssyncadd.remote.s32 $0x1  }
0xc4: {  	_ =	sfence.sel $0xFFFF  }
0xc5: {  	[dreg:$0x0] =	wrdreg $0xFFFFFFFF;
	(pc) =	sbr.abs _section_cstart, $3  }
0xc6: {  	[dreg:$0x1] =	wrdreg $0xFFFFFFFF  }
0xc7: {  	_ =	task.clear_ibuf [dreg:s7], $0x2FFFF;
	_ =	strace $0x9FFFFFFF  }
0xc8: {  	(tm) =	ssettm $0x7FFFFFFF  }
0xc9: {  	_ =	shalt  }
tec
execute0_lowered:
.L_overlay_start_1:
0x0: {  	(tag) =	ssettag $0x1  }
0x1: {  	s0 =	rddreg [dreg:$0x0]  }
0x2: {  	s1 =	rddreg [dreg:$0x1];
	s2 =	simm.s32 $0x0  }
0x3: {  	s5 =	srdreg.scid;
	s10 =	stileid.u32;
	s28 =	simm.s32 $0x6  }
0x4: {  	s14 =	simm.s32 $0x3;
	s18 =	simm.s32 $0x2;
	s19 =	simm.s32 $0x4  }
0x5: {  	s3 =	sadd.s32 $0x2400, s0;
	s4 =	sadd.s32 $0xC1C00, s0;
	s6 =	sadd.s32 $0xE1C00, s0  }
0x6: {  	s7 =	sadd.s32 $0x101C00, s0;
	s8 =	sadd.s32 $0x121C00, s0;
	s5 =	sand.u32 $0x1, s5  }
0x7: {  	s9 =	sadd.s32 $0x81C00, s0;
	s12 =	sshll.u32 s10, $0x1;
	s11 =	ssub.s32 $0x2, s5  }
0x8: {  	s10 =	sadd.s32 $0xA1C00, s0;
	s5 =	sor.u32 s5, s12;
	s21 =	sshrl.u32 s11, $0x1  }
0x9: {  	s0 =	ssub.s32 s11, s21;
	s11 =	sshll.u32 s5, $0x8;
	s5 =	sshll.u32 s5, $0xC  }
0xa: {  	s30 =	simm.s32 $0x7;
	[smem:$0x7FF] =	sst s2;
	s22 =	sadd.s32 s4, s5  }
0xb: {  	_ =	strace $0x80000047;
	s23 =	sadd.s32 s6, s5;
	[dreg:$0x3] =	wrdreg s22  }
0xc: {  	s31 =	simm.s32 $0x8;
	s25 =	sadd.s32 s7, s5;
	[dreg:$0x4] =	wrdreg s23  }
0xd: {  	s20 =	sadd.s32 $0x40000, s1;
	s26 =	sadd.s32 s8, s5;
	[dreg:$0x7] =	wrdreg s25  }
0xe: {  	s24 =	sor.u32 $0x10, s5;
	s29 =	sadd.s32 s9, s5;
	[dreg:$0x8] =	wrdreg s26  }
0xf: {  	s5 =	sadd.s32 s10, s5;
	s21 =	sor.u32 $0x3, s11;
	[dreg:$0x9] =	wrdreg s29  }
0x10: {  	s0 =	smax.u32 s0, $0x1;
	s13 =	sadd.s32 s4, s24;
	[dreg:$0xa] =	wrdreg s5  }
0x11: {  	s12 =	sadd.s32 s6, s24;
	[dreg:$0xb] =	wrdreg s0;
	s23 =	simm.s32 $0x80  }
0x12: {  	s25 =	simm.s32 $0x100;
	s26 =	simm.s32 $0x180;
	[dreg:$0x5] =	wrdreg s13  }
0x13: {  	s5 =	simm.s32 $0x0;
	[dreg:$0x6] =	wrdreg s12;
	s13 =	simm.s32 $0x1  }
.LBB2_1:
0x14: {  	[dreg:$0xc] =	wrdreg s5  }
0x15: {  	s0 =	rddreg [dreg:$0x3]  }
0x16: {  	[tilespmem:s2], [sflag:$0x5] =	stream.linear.gather [hbm4b:s0+s2], $0x80, $0x38;
	[tilespmem:$0x6900] =	vst v63  }
0x17: {  	s15 =	rddreg [dreg:$0x4];
	s16 =	simm.s32 $0x5  }
0x18: {  	[tilespmem:s23], [sflag:$0x5] =	stream.linear.gather [hbm4b:s15+s2], $0x80, $0x38;
	[tilespmem:$0x6900] =	vst v63  }
0x19: {  	_ =	swait.ge [sflag:s16], $0x80  }
0x1a: {  	[sflag:s16] =	ssyncset.done $0x0  }
0x1b: {  	[sflag:s16] =	ssyncadd.s32 $0xFFFFFF80  }
0x1c: {  	_ =	swait.ge [sflag:s16], $0x80  }
0x1d: {  	[sflag:s16] =	ssyncset.done $0x0  }
0x1e: {  	s17 =	rddreg [dreg:$0x5];
	[sflag:s16] =	ssyncadd.s32 $0xFFFFFF80  }
0x1f: {  	[tilespmem:s25], [sflag:$0x6] =	stream.linear.gather [hbm4b:s17+s2], $0x80, $0x38;
	[tilespmem:$0x6900] =	vst v63  }
0x20: {  	s22 =	rddreg [dreg:$0x6]  }
0x21: {  	[tilespmem:s26], [sflag:$0x6] =	stream.linear.gather [hbm4b:s22+s2], $0x80, $0x38;
	[tilespmem:$0x6900] =	vst v63  }
0x22: {  	s24 =	simm.s32 $0x200  }
0x23: {  	[tilespmem:s24], [sflag:$0x1] =	stream.indirect.gather [hbm4b:s3+s23], $0x30, s2, s23, $0xb8;
	[tilespmem:$0x6900] =	vst v63  }
0x24: {  	s29 =	simm.s32 $0x1A00  }
0x25: {  	[tilespmem:s29], [sflag:$0x1] =	stream.indirect.gather [hbm4b:s3+s23], $0x30, s23, s23, $0xb8;
	[tilespmem:$0x6900] =	vst v63  }
0x26: {  	s12 =	simm.s32 $0x6200;
	s5 =	rddreg [dreg:$0x7]  }
0x27: {  	[tilespmem:s12], [sflag:$0x3] =	stream.linear.gather [hbm4b:s5+s2], $0x80, $0x38;
	[tilespmem:$0x6900] =	vst v63  }
0x28: {  	s15 =	rddreg [dreg:$0x8];
	s16 =	simm.s32 $0x6280  }
0x29: {  	[tilespmem:s16], [sflag:$0x3] =	stream.linear.gather [hbm4b:s15+s2], $0x80, $0x38;
	[tilespmem:$0x6900] =	vst v63  }
0x2a: {  	s17 =	rddreg [dreg:$0x9];
	s22 =	simm.s32 $0x6300  }
0x2b: {  	[tilespmem:s22], [sflag:$0x3] =	stream.linear.gather [hbm4b:s17+s2], $0x80, $0x38;
	[tilespmem:$0x6900] =	vst v63  }
0x2c: {  	s0 =	simm.s32 $0x0;
	s24 =	rddreg [dreg:$0xa];
	s29 =	simm.s32 $0x6380  }
0x2d: {  	[tilespmem:s29], [sflag:$0x3] =	stream.linear.gather [hbm4b:s24+s2], $0x80, $0x38;
	[tilespmem:$0x6900] =	vst v63  }
.LBB2_2:
0x2e: {  	_ =	swait.ge [sflag:s28], $0x80  }
0x2f: {  	[sflag:s28] =	ssyncset.done $0x0  }
0x30: {  	[sflag:s28] =	ssyncadd.s32 $0xFFFFFF80  }
0x31: {  	s15 =	sshll.u32 s0, $0x1;
	_ =	swait.ge [sflag:s28], $0x80  }
0x32: {  	s22 =	sor.u32 s15, s11;
	[sflag:s28] =	ssyncset.done $0x0  }
0x33: {  	s5 =	simm.s32 $0x3200;
	s12 =	sshll.u32 s22, $0x4;
	[sflag:s28] =	ssyncadd.s32 $0xFFFFFF80  }
0x34: {  	[tilespmem:s5], [sflag:$0x2] =	stream.indirect.gather [hbm4b:s3+s23], $0x30, s25, s23, $0xb8;
	[tilespmem:$0x6900] =	vst v63  }
0x35: {  	s17 =	simm.s32 $0x4A00;
	s5 =	sor.u32 $0x10, s12  }
0x36: {  	[tilespmem:s17], [sflag:$0x2] =	stream.indirect.gather [hbm4b:s3+s23], $0x30, s26, s23, $0xb8;
	[tilespmem:$0x6900] =	vst v63  }
0x37: {  	s16 =	sadd.s32 s7, s5;
	s17 =	simm.s32 $0x6400  }
0x38: {  	[tilespmem:s17], [sflag:$0x4] =	stream.linear.gather [hbm4b:s16+s2], $0x80, $0x38;
	[tilespmem:$0x6900] =	vst v63  }
0x39: {  	s29 =	simm.s32 $0x6480;
	s24 =	sadd.s32 s8, s5  }
0x3a: {  	[tilespmem:s29], [sflag:$0x4] =	stream.linear.gather [hbm4b:s24+s2], $0x80, $0x38;
	[tilespmem:$0x6900] =	vst v63  }
0x3b: {  	s22 =	simm.s32 $0x6500;
	s17 =	sadd.s32 s9, s5  }
0x3c: {  	[tilespmem:s22], [sflag:$0x4] =	stream.linear.gather [hbm4b:s17+s2], $0x80, $0x38;
	[tilespmem:$0x6900] =	vst v63  }
0x3d: {  	s24 =	sadd.s32 s10, s5;
	s29 =	simm.s32 $0x6580  }
0x3e: {  	[tilespmem:s29], [sflag:$0x4] =	stream.linear.gather [hbm4b:s24+s2], $0x80, $0x38;
	[tilespmem:$0x6900] =	vst v63  }
0x3f: {  	_ =	swait.ge [sflag:s13], $0x1800  }
0x40: {  	[sflag:s13] =	ssyncset.done $0x0  }
0x41: {  	[sflag:s13] =	ssyncadd.s32 $0xFFFFE800  }
0x42: {  	_ =	swait.ge [sflag:s13], $0x1800  }
0x43: {  	[sflag:s13] =	ssyncset.done $0x0  }
0x44: {  	[sflag:s13] =	ssyncadd.s32 $0xFFFFE800  }
0x45: {  	_ =	swait.ge [sflag:s14], $0x80  }
0x46: {  	[sflag:s14] =	ssyncset.done $0x0  }
0x47: {  	[sflag:s14] =	ssyncadd.s32 $0xFFFFFF80  }
0x48: {  	_ =	swait.ge [sflag:s14], $0x80  }
0x49: {  	[sflag:s14] =	ssyncset.done $0x0  }
0x4a: {  	[sflag:s14] =	ssyncadd.s32 $0xFFFFFF80  }
0x4b: {  	_ =	swait.ge [sflag:s14], $0x80  }
0x4c: {  	p0 =	seq.s32 s0, $0x7F;
	s16 =	sadd.s32 $0x2, s15;
	[sflag:s14] =	ssyncset.done $0x0  }
0x4d: {  	p1 =	seq.s32 @!p0 s0, $0x0;
	s16 =	sadd.s32 @!p0 s11, s16;
	[sflag:s14] =	ssyncadd.s32 $0xFFFFFF80  }
0x4e: {  	p1 =	por p0, !p1;
	s16 =	sshll.u32 @!p0 s16, $0x4;
	_ =	swait.ge [sflag:s14], $0x80  }
.Ltmp0:
0x4f: {  	s16 =	sand.u32 @!p0 $0x1FFFFFE0, s16;
	[sflag:s14] =	ssyncset.done $0x0;
	(pc) =	sbr.rel @!p1 .LBB2_3-.Ltmp0, $4  }
0x50: {  	s17 =	sadd.s32 @!p0 s4, s16;
	s22 =	simm.s32 @!p0 $0x0;
	[sflag:s14] =	ssyncadd.s32 $0xFFFFFF80  }
0x51: {  	[tilespmem:s22], [sflag:$0x5] =	stream.linear.gather @!p0 [hbm4b:s17+s22], $0x80, $0x38;
	[tilespmem:$0x6900] =	vst v63  }
0x52: {  	s24 =	simm.s32 @!p0 $0x80;
	s17 =	sadd.s32 @!p0 s6, s16  }
0x53: {  	[tilespmem:s24], [sflag:$0x5] =	stream.linear.gather @!p0 [hbm4b:s17+s22], $0x80, $0x38;
	[tilespmem:$0x6900] =	vst v63  }
0x54: {  	_ =	swait.ge [sflag:s30], $0x80  }
0x55: {  	[sflag:s30] =	ssyncset.done $0x0  }
0x56: {  	[sflag:s30] =	ssyncadd.s32 $0xFFFFFF80  }
0x57: {  	_ =	swait.ge [sflag:s30], $0x80  }
.Ltmp1:
0x58: {  	[sflag:s30] =	ssyncset.done $0x0;
	(pc) =	sbr.rel .LBB2_5-.Ltmp1, $4  }
0x59: {  	[sflag:s30] =	ssyncadd.s32 $0xFFFFFF80  }
0x5a: {  	_ =	swait.ge [sflag:s30], $0x80  }
0x5b: {  	[sflag:s30] =	ssyncset.done $0x0  }
0x5c: {  	p1 =	por $0x0, $0x0;
	[sflag:s30] =	ssyncadd.s32 $0xFFFFFF80  }
.LBB2_3:
0x5d: {  	p1 =	por @!p0 $0x1, $0x1  }
.LBB2_5:
0x5e: {  	s17 =	simm.s32 $0x0;
	s22 =	simm.s32 $0x1CF0;
	s24 =	simm.s32 $0x6300  }
.LBB2_6:
0x5f: {  	v3 =	vld [tilespmem:s24+$0xFFFFFF00]  }
0x60: {  	v1 =	vld [tilespmem:s22+$0xFFFFE510]  }
0x61: {  	v2 =	vld [tilespmem:s24+$0xFFFFFF80]  }
0x62: {  	v4 =	vld [tilespmem:s22+$0xFFFFE520]  }
0x63: {  	v5 =	vld [tilespmem:s22+$0xFFFFE530]  }
0x64: {  	v0 =	vld [tilespmem:s24+$0x0]  }
0x65: {  	v11 =	vld [tilespmem:s22+$0xFFFFFD10]  }
0x66: {  	v49 =	vld [tilespmem:s22+$0xFFFFFD20]  }
0x67: {  	v13 =	vld [tilespmem:s22+$0xFFFFFD30]  }
0x68: {  	v14 =	vld [tilespmem:s22+$0xFFFFE540]  }
0x69: {  	v58 =	vld [tilespmem:s22+$0xFFFFE550];
	v6 =	vbroadcast v3, $0x0;
	v7 =	vshll.u32 v1, $0x10  }
0x6a: {  	v61 =	vld [tilespmem:s22+$0xFFFFE560];
	v8 =	vbroadcast v2, $0x0;
	v9 =	vand.u32 $0xFFFF0000, v1;
	v10 =	vshll.u32 v4, $0x10  }
0x6b: {  	v12 =	vshll.u32 v5, $0x10;
	v4 =	vand.u32 $0xFFFF0000, v4;
	v5 =	vand.u32 $0xFFFF0000, v5  }
0x6c: {  	v20 =	vld [tilespmem:s22+$0xFFFFFD40];
	v50 =	vbroadcast v0, $0x0;
	v51 =	vshll.u32 v11, $0x10;
	v54 =	vand.u32 $0xFFFF0000, v11  }
0x6d: {  	v23 =	vld [tilespmem:s22+$0xFFFFFD50];
	v55 =	vshll.u32 v49, $0x10;
	v57 =	vshll.u32 v13, $0x10;
	v60 =	vand.u32 $0xFFFF0000, v13  }
0x6e: {  	v26 =	vld [tilespmem:s22+$0xFFFFFD60];
	v63 =	vbroadcast v3, $0x1;
	v15 =	vshll.u32 v14, $0x10;
	v17 =	vbroadcast v2, $0x1  }
0x6f: {  	v18 =	vand.u32 $0xFFFF0000, v14;
	v19 =	vshll.u32 v58, $0x10;
	v22 =	vshll.u32 v61, $0x10  }
0x70: {  	v33 =	vld [tilespmem:s22+$0xFFFFE570];
	v11 =	vand.u32 $0xFFFF0000, v58;
	v25 =	vand.u32 $0xFFFF0000, v61;
	v27 =	vbroadcast v0, $0x1  }
0x71: {  	v28 =	vshll.u32 v20, $0x10;
	v31 =	vand.u32 $0xFFFF0000, v20;
	v40 =	vbroadcast v3, $0x2  }
0x72: {  	v36 =	vld [tilespmem:s22+$0xFFFFE580];
	v32 =	vshll.u32 v23, $0x10;
	v43 =	vbroadcast v2, $0x2;
	v7 =	vmul.f32 v7, v6  }
0x73: {  	v39 =	vld [tilespmem:s22+$0xFFFFE590];
	v35 =	vshll.u32 v26, $0x10;
	v10 =	vmul.f32 v10, v6;
	v9 =	vmul.f32 v9, v8  }
0x74: {  	v38 =	vand.u32 $0xFFFF0000, v26;
	v6 =	vmul.f32 v12, v6;
	v4 =	vmul.f32 v4, v8  }
0x75: {  	v41 =	vshll.u32 v33, $0x10;
	v5 =	vmul.f32 v5, v8;
	v52 =	vmul.f32 v51, v50  }
0x76: {  	v46 =	vld [tilespmem:s22+$0xFFFFFD70];
	v44 =	vand.u32 $0xFFFF0000, v33;
	v56 =	vmul.f32 v55, v50;
	v8 =	vmul.f32 v57, v50  }
0x77: {  	v1 =	vld [tilespmem:s24+$0x80];
	v45 =	vshll.u32 v36, $0x10;
	v16 =	vmul.f32 v15, v63;
	v21 =	vmul.f32 v19, v63  }
0x78: {  	v48 =	vshll.u32 v39, $0x10;
	v24 =	vmul.f32 v11, v17;
	v29 =	vmul.f32 v28, v27  }
0x79: {  	v12 =	vand.u32 $0xFFFF0000, v49;
	v34 =	vmul.f32 v32, v27;
	v42 =	vmul.f32 v41, v40  }
0x7a: {  	v47 =	vmul.f32 v45, v40;
	v11 =	vand.u32 $0xFFFF0000, v36;
	v51 =	vand.u32 $0xFFFF0000, v39  }
0x7b: {  	v49 =	vld [tilespmem:s22+$0xFFFFFD80];
	v57 =	vand.u32 $0xFFFF0000, v46;
	v7 =	vadd.f32 $0.0e+00, v7;
	v10 =	vadd.f32 $0.0e+00, v10  }
0x7c: {  	v50 =	vmul.f32 v11, v43;
	v6 =	vadd.f32 $0.0e+00, v6;
	v53 =	vbroadcast v1, $0x0  }
0x7d: {  	v30 =	vbroadcast v1, $0x1;
	v7 =	vadd.f32 v7, v9;
	v4 =	vadd.f32 v10, v4  }
0x7e: {  	v5 =	vadd.f32 v6, v5;
	v9 =	vmul.f32 v22, v63;
	v10 =	vmul.f32 v54, v53  }
0x7f: {  	v59 =	vmul.f32 v12, v53;
	v62 =	vmul.f32 v60, v53;
	v12 =	vand.u32 $0xFFFF0000, v23  }
0x80: {  	v53 =	vbroadcast v0, $0x2;
	v54 =	vshll.u32 v46, $0x10;
	v58 =	vshll.u32 v49, $0x10  }
0x81: {  	v6 =	vadd.f32 v52, v7;
	v5 =	vadd.f32 v8, v5;
	v8 =	vmul.f32 v25, v17  }
0x82: {  	v4 =	vadd.f32 v56, v4;
	v37 =	vmul.f32 v12, v30;
	v52 =	vld [tilespmem:s22+$0xFFFFFD90];
	v56 =	vbroadcast v1, $0x2  }
0x83: {  	v12 =	vand.u32 $0xFFFF0000, v49;
	v55 =	vmul.f32 v54, v53;
	v6 =	vadd.f32 v6, v10  }
0x84: {  	v60 =	vmul.f32 v58, v53;
	v4 =	vadd.f32 v4, v59;
	v5 =	vadd.f32 v5, v62;
	v59 =	vld [tilespmem:s22+$0xFFFFE5A0]  }
0x85: {  	v10 =	vmul.f32 v18, v17;
	v62 =	vld [tilespmem:s22+$0xFFFFE5B0];
	v63 =	vmul.f32 v12, v56;
	v6 =	vadd.f32 v16, v6  }
0x86: {  	v17 =	vld [tilespmem:s22+$0xFFFFE5C0];
	v18 =	vbroadcast v3, $0x3;
	v4 =	vadd.f32 v21, v4;
	v5 =	vadd.f32 v9, v5  }
0x87: {  	v9 =	vmul.f32 v35, v27;
	v21 =	vbroadcast v2, $0x3;
	v61 =	vshll.u32 v52, $0x10  }
0x88: {  	v16 =	vand.u32 $0xFFFF0000, v52;
	v6 =	vadd.f32 v6, v10;
	v4 =	vadd.f32 v4, v24  }
0x89: {  	v5 =	vadd.f32 v5, v8;
	v10 =	vmul.f32 v31, v30;
	v8 =	vmul.f32 v38, v30  }
0x8a: {  	v27 =	vld [tilespmem:s22+$0xFFFFFDB0];
	v31 =	vbroadcast v0, $0x3;
	v19 =	vshll.u32 v59, $0x10;
	v22 =	vand.u32 $0xFFFF0000, v59  }
0x8b: {  	v23 =	vshll.u32 v62, $0x10;
	v26 =	vshll.u32 v17, $0x10;
	v11 =	vand.u32 $0xFFFF0000, v62  }
0x8c: {  	v6 =	vadd.f32 v29, v6;
	v5 =	vadd.f32 v9, v5;
	v9 =	vmul.f32 v48, v40  }
0x8d: {  	v24 =	vld [tilespmem:s22+$0xFFFFFDA0];
	v4 =	vadd.f32 v34, v4;
	v20 =	vmul.f32 v19, v18;
	v25 =	vmul.f32 v23, v18  }
0x8e: {  	v30 =	vld [tilespmem:s22+$0xFFFFFDC0];
	v28 =	vmul.f32 v11, v21;
	v29 =	vand.u32 $0xFFFF0000, v17;
	v34 =	vbroadcast v1, $0x3  }
0x8f: {  	v36 =	vshll.u32 v27, $0x10;
	v12 =	vand.u32 $0xFFFF0000, v27;
	v6 =	vadd.f32 v6, v10  }
0x90: {  	v40 =	vld [tilespmem:s22+$0xFFFFE5E0];
	v5 =	vadd.f32 v5, v8;
	v10 =	vmul.f32 v44, v43;
	v8 =	vmul.f32 v51, v43  }
0x91: {  	v4 =	vadd.f32 v4, v37;
	v38 =	vmul.f32 v36, v31;
	v41 =	vmul.f32 v12, v34  }
0x92: {  	v44 =	vbroadcast v3, $0x4;
	v32 =	vshll.u32 v24, $0x10;
	v35 =	vand.u32 $0xFFFF0000, v24  }
0x93: {  	v39 =	vshll.u32 v30, $0x10;
	v6 =	vadd.f32 v42, v6;
	v4 =	vadd.f32 v47, v4  }
0x94: {  	v37 =	vld [tilespmem:s22+$0xFFFFE5D0];
	v5 =	vadd.f32 v9, v5;
	v9 =	vmul.f32 v61, v53;
	v33 =	vmul.f32 v32, v31  }
0x95: {  	v43 =	vld [tilespmem:s22+$0xFFFFE5F0];
	v42 =	vand.u32 $0xFFFF0000, v30;
	v47 =	vbroadcast v2, $0x4;
	v49 =	vshll.u32 v40, $0x10  }
0x96: {  	v11 =	vand.u32 $0xFFFF0000, v40;
	v6 =	vadd.f32 v6, v10;
	v10 =	vmul.f32 v57, v56  }
0x97: {  	v53 =	vld [tilespmem:s22+$0xFFFFFDE0];
	v5 =	vadd.f32 v5, v8;
	v8 =	vmul.f32 v16, v56;
	v51 =	vmul.f32 v49, v44  }
0x98: {  	v4 =	vadd.f32 v4, v50;
	v54 =	vmul.f32 v11, v47;
	v57 =	vbroadcast v0, $0x4  }
0x99: {  	v45 =	vshll.u32 v37, $0x10;
	v48 =	vand.u32 $0xFFFF0000, v37;
	v6 =	vadd.f32 v55, v6  }
0x9a: {  	v50 =	vld [tilespmem:s22+$0xFFFFFDD0];
	v52 =	vshll.u32 v43, $0x10;
	v4 =	vadd.f32 v60, v4;
	v5 =	vadd.f32 v9, v5  }
0x9b: {  	v56 =	vld [tilespmem:s22+$0xFFFFFDF0];
	v9 =	vmul.f32 v26, v18;
	v46 =	vmul.f32 v45, v44;
	v55 =	vand.u32 $0xFFFF0000, v43  }
0x9c: {  	v60 =	vbroadcast v1, $0x4;
	v62 =	vshll.u32 v53, $0x10;
	v12 =	vand.u32 $0xFFFF0000, v53  }
0x9d: {  	v6 =	vadd.f32 v6, v10;
	v4 =	vadd.f32 v4, v63;
	v10 =	vmul.f32 v22, v21  }
0x9e: {  	v18 =	vld [tilespmem:s22+$0xFFFFE610];
	v5 =	vadd.f32 v5, v8;
	v8 =	vmul.f32 v29, v21;
	v16 =	vmul.f32 v62, v57  }
0x9f: {  	v19 =	vmul.f32 v12, v60;
	v22 =	vbroadcast v3, $0x5;
	v58 =	vshll.u32 v50, $0x10  }
0xa0: {  	v61 =	vand.u32 $0xFFFF0000, v50;
	v17 =	vshll.u32 v56, $0x10;
	v6 =	vadd.f32 v20, v6  }
0xa1: {  	v63 =	vld [tilespmem:s22+$0xFFFFE600];
	v4 =	vadd.f32 v25, v4;
	v5 =	vadd.f32 v9, v5;
	v9 =	vmul.f32 v39, v31  }
0xa2: {  	v21 =	vld [tilespmem:s22+$0xFFFFE620];
	v59 =	vmul.f32 v58, v57;
	v20 =	vand.u32 $0xFFFF0000, v56;
	v25 =	vbroadcast v2, $0x5  }
0xa3: {  	v27 =	vshll.u32 v18, $0x10;
	v11 =	vand.u32 $0xFFFF0000, v18;
	v6 =	vadd.f32 v6, v10  }
0xa4: {  	v31 =	vld [tilespmem:s22+$0xFFFFFE10];
	v5 =	vadd.f32 v5, v8;
	v10 =	vmul.f32 v35, v34;
	v8 =	vmul.f32 v42, v34  }
0xa5: {  	v4 =	vadd.f32 v4, v28;
	v29 =	vmul.f32 v27, v22;
	v32 =	vmul.f32 v11, v25  }
0xa6: {  	v35 =	vbroadcast v0, $0x5;
	v23 =	vshll.u32 v63, $0x10;
	v26 =	vand.u32 $0xFFFF0000, v63  }
0xa7: {  	v30 =	vshll.u32 v21, $0x10;
	v6 =	vadd.f32 v33, v6;
	v4 =	vadd.f32 v38, v4  }
0xa8: {  	v28 =	vld [tilespmem:s22+$0xFFFFFE00];
	v5 =	vadd.f32 v9, v5;
	v9 =	vmul.f32 v52, v44;
	v24 =	vmul.f32 v23, v22  }
0xa9: {  	v34 =	vld [tilespmem:s22+$0xFFFFFE20];
	v33 =	vand.u32 $0xFFFF0000, v21;
	v38 =	vbroadcast v1, $0x5;
	v40 =	vshll.u32 v31, $0x10  }
0xaa: {  	v12 =	vand.u32 $0xFFFF0000, v31;
	v6 =	vadd.f32 v6, v10;
	v10 =	vmul.f32 v48, v47  }
0xab: {  	v44 =	vld [tilespmem:s22+$0xFFFFE640];
	v5 =	vadd.f32 v5, v8;
	v8 =	vmul.f32 v55, v47;
	v42 =	vmul.f32 v40, v35  }
0xac: {  	v4 =	vadd.f32 v4, v41;
	v45 =	vmul.f32 v12, v38;
	v48 =	vbroadcast v3, $0x6  }
0xad: {  	v36 =	vshll.u32 v28, $0x10;
	v39 =	vand.u32 $0xFFFF0000, v28;
	v6 =	vadd.f32 v46, v6  }
0xae: {  	v41 =	vld [tilespmem:s22+$0xFFFFE630];
	v43 =	vshll.u32 v34, $0x10;
	v4 =	vadd.f32 v51, v4;
	v5 =	vadd.f32 v9, v5  }
0xaf: {  	v47 =	vld [tilespmem:s22+$0xFFFFE650];
	v9 =	vmul.f32 v17, v57;
	v37 =	vmul.f32 v36, v35;
	v46 =	vand.u32 $0xFFFF0000, v34  }
0xb0: {  	v51 =	vbroadcast v2, $0x6;
	v53 =	vshll.u32 v44, $0x10;
	v11 =	vand.u32 $0xFFFF0000, v44  }
0xb1: {  	v6 =	vadd.f32 v6, v10;
	v4 =	vadd.f32 v4, v54;
	v10 =	vmul.f32 v61, v60  }
0xb2: {  	v57 =	vld [tilespmem:s22+$0xFFFFFE40];
	v5 =	vadd.f32 v5, v8;
	v8 =	vmul.f32 v20, v60;
	v55 =	vmul.f32 v53, v48  }
0xb3: {  	v58 =	vmul.f32 v11, v51;
	v61 =	vbroadcast v0, $0x6;
	v49 =	vshll.u32 v41, $0x10  }
0xb4: {  	v52 =	vand.u32 $0xFFFF0000, v41;
	v56 =	vshll.u32 v47, $0x10;
	v6 =	vadd.f32 v59, v6  }
0xb5: {  	v54 =	vld [tilespmem:s22+$0xFFFFFE30];
	v4 =	vadd.f32 v16, v4;
	v5 =	vadd.f32 v9, v5;
	v9 =	vmul.f32 v30, v22  }
0xb6: {  	v60 =	vld [tilespmem:s22+$0xFFFFFE50];
	v50 =	vmul.f32 v49, v48;
	v59 =	vand.u32 $0xFFFF0000, v47;
	v16 =	vbroadcast v1, $0x6  }
0xb7: {  	v18 =	vshll.u32 v57, $0x10;
	v12 =	vand.u32 $0xFFFF0000, v57;
	v6 =	vadd.f32 v6, v10  }
0xb8: {  	v22 =	vld [tilespmem:s22+$0xFFFFE670];
	v5 =	vadd.f32 v5, v8;
	v10 =	vmul.f32 v26, v25;
	v8 =	vmul.f32 v33, v25  }
0xb9: {  	v4 =	vadd.f32 v4, v19;
	v20 =	vmul.f32 v18, v61;
	v23 =	vmul.f32 v12, v16  }
0xba: {  	v26 =	vbroadcast v3, $0x7;
	v62 =	vshll.u32 v54, $0x10;
	v17 =	vand.u32 $0xFFFF0000, v54  }
0xbb: {  	v21 =	vshll.u32 v60, $0x10;
	v6 =	vadd.f32 v24, v6;
	v4 =	vadd.f32 v29, v4  }
0xbc: {  	v19 =	vld [tilespmem:s22+$0xFFFFE660];
	v5 =	vadd.f32 v9, v5;
	v9 =	vmul.f32 v43, v35;
	v63 =	vmul.f32 v62, v61  }
0xbd: {  	v25 =	vld [tilespmem:s22+$0xFFFFE680];
	v24 =	vand.u32 $0xFFFF0000, v60;
	v29 =	vbroadcast v2, $0x7;
	v31 =	vshll.u32 v22, $0x10  }
0xbe: {  	v11 =	vand.u32 $0xFFFF0000, v22;
	v6 =	vadd.f32 v6, v10;
	v10 =	vmul.f32 v39, v38  }
0xbf: {  	v35 =	vld [tilespmem:s22+$0xFFFFFE70];
	v5 =	vadd.f32 v5, v8;
	v8 =	vmul.f32 v46, v38;
	v33 =	vmul.f32 v31, v26  }
0xc0: {  	v4 =	vadd.f32 v4, v32;
	v36 =	vmul.f32 v11, v29;
	v39 =	vbroadcast v0, $0x7  }
0xc1: {  	v27 =	vshll.u32 v19, $0x10;
	v30 =	vand.u32 $0xFFFF0000, v19;
	v6 =	vadd.f32 v37, v6  }
0xc2: {  	v32 =	vld [tilespmem:s22+$0xFFFFFE60];
	v34 =	vshll.u32 v25, $0x10;
	v4 =	vadd.f32 v42, v4;
	v5 =	vadd.f32 v9, v5  }
0xc3: {  	v38 =	vld [tilespmem:s22+$0xFFFFFE80];
	v9 =	vmul.f32 v56, v48;
	v28 =	vmul.f32 v27, v26;
	v37 =	vand.u32 $0xFFFF0000, v25  }
0xc4: {  	v42 =	vbroadcast v1, $0x7;
	v44 =	vshll.u32 v35, $0x10;
	v12 =	vand.u32 $0xFFFF0000, v35  }
0xc5: {  	v6 =	vadd.f32 v6, v10;
	v4 =	vadd.f32 v4, v45;
	v10 =	vmul.f32 v52, v51  }
0xc6: {  	v48 =	vld [tilespmem:s22+$0xFFFFE6A0];
	v5 =	vadd.f32 v5, v8;
	v8 =	vmul.f32 v59, v51;
	v46 =	vmul.f32 v44, v39  }
0xc7: {  	v49 =	vmul.f32 v12, v42;
	v52 =	vbroadcast v3, $0x8;
	v40 =	vshll.u32 v32, $0x10  }
0xc8: {  	v43 =	vand.u32 $0xFFFF0000, v32;
	v47 =	vshll.u32 v38, $0x10;
	v6 =	vadd.f32 v50, v6  }
0xc9: {  	v45 =	vld [tilespmem:s22+$0xFFFFE690];
	v4 =	vadd.f32 v55, v4;
	v5 =	vadd.f32 v9, v5;
	v9 =	vmul.f32 v21, v61  }
0xca: {  	v51 =	vld [tilespmem:s22+$0xFFFFE6B0];
	v41 =	vmul.f32 v40, v39;
	v50 =	vand.u32 $0xFFFF0000, v38;
	v55 =	vbroadcast v2, $0x8  }
0xcb: {  	v57 =	vshll.u32 v48, $0x10;
	v11 =	vand.u32 $0xFFFF0000, v48;
	v6 =	vadd.f32 v6, v10  }
0xcc: {  	v61 =	vld [tilespmem:s22+$0xFFFFFEA0];
	v5 =	vadd.f32 v5, v8;
	v10 =	vmul.f32 v17, v16;
	v8 =	vmul.f32 v24, v16  }
0xcd: {  	v4 =	vadd.f32 v4, v58;
	v59 =	vmul.f32 v57, v52;
	v62 =	vmul.f32 v11, v55  }
0xce: {  	v17 =	vbroadcast v0, $0x8;
	v53 =	vshll.u32 v45, $0x10;
	v56 =	vand.u32 $0xFFFF0000, v45  }
0xcf: {  	v60 =	vshll.u32 v51, $0x10;
	v6 =	vadd.f32 v63, v6;
	v4 =	vadd.f32 v20, v4  }
0xd0: {  	v58 =	vld [tilespmem:s22+$0xFFFFFE90];
	v5 =	vadd.f32 v9, v5;
	v9 =	vmul.f32 v34, v26;
	v54 =	vmul.f32 v53, v52  }
0xd1: {  	v16 =	vld [tilespmem:s22+$0xFFFFFEB0];
	v63 =	vand.u32 $0xFFFF0000, v51;
	v20 =	vbroadcast v1, $0x8;
	v22 =	vshll.u32 v61, $0x10  }
0xd2: {  	v12 =	vand.u32 $0xFFFF0000, v61;
	v6 =	vadd.f32 v6, v10;
	v10 =	vmul.f32 v30, v29  }
0xd3: {  	v26 =	vld [tilespmem:s22+$0xFFFFE6D0];
	v5 =	vadd.f32 v5, v8;
	v8 =	vmul.f32 v37, v29;
	v24 =	vmul.f32 v22, v17  }
0xd4: {  	v4 =	vadd.f32 v4, v23;
	v27 =	vmul.f32 v12, v20;
	v30 =	vbroadcast v3, $0x9  }
0xd5: {  	v18 =	vshll.u32 v58, $0x10;
	v21 =	vand.u32 $0xFFFF0000, v58;
	v6 =	vadd.f32 v28, v6  }
0xd6: {  	v23 =	vld [tilespmem:s22+$0xFFFFE6C0];
	v25 =	vshll.u32 v16, $0x10;
	v4 =	vadd.f32 v33, v4;
	v5 =	vadd.f32 v9, v5  }
0xd7: {  	v29 =	vld [tilespmem:s22+$0xFFFFE6E0];
	v9 =	vmul.f32 v47, v39;
	v19 =	vmul.f32 v18, v17;
	v28 =	vand.u32 $0xFFFF0000, v16  }
0xd8: {  	v33 =	vbroadcast v2, $0x9;
	v35 =	vshll.u32 v26, $0x10;
	v11 =	vand.u32 $0xFFFF0000, v26  }
0xd9: {  	v6 =	vadd.f32 v6, v10;
	v4 =	vadd.f32 v4, v36;
	v10 =	vmul.f32 v43, v42  }
0xda: {  	v39 =	vld [tilespmem:s22+$0xFFFFFED0];
	v5 =	vadd.f32 v5, v8;
	v8 =	vmul.f32 v50, v42;
	v37 =	vmul.f32 v35, v30  }
0xdb: {  	v40 =	vmul.f32 v11, v33;
	v43 =	vbroadcast v0, $0x9;
	v31 =	vshll.u32 v23, $0x10  }
0xdc: {  	v34 =	vand.u32 $0xFFFF0000, v23;
	v38 =	vshll.u32 v29, $0x10;
	v6 =	vadd.f32 v41, v6  }
0xdd: {  	v36 =	vld [tilespmem:s22+$0xFFFFFEC0];
	v4 =	vadd.f32 v46, v4;
	v5 =	vadd.f32 v9, v5;
	v9 =	vmul.f32 v60, v52  }
0xde: {  	v42 =	vld [tilespmem:s22+$0xFFFFFEE0];
	v32 =	vmul.f32 v31, v30;
	v41 =	vand.u32 $0xFFFF0000, v29;
	v46 =	vbroadcast v1, $0x9  }
0xdf: {  	v48 =	vshll.u32 v39, $0x10;
	v12 =	vand.u32 $0xFFFF0000, v39;
	v6 =	vadd.f32 v6, v10  }
0xe0: {  	v52 =	vld [tilespmem:s22+$0xFFFFE700];
	v5 =	vadd.f32 v5, v8;
	v10 =	vmul.f32 v56, v55;
	v8 =	vmul.f32 v63, v55  }
0xe1: {  	v4 =	vadd.f32 v4, v49;
	v50 =	vmul.f32 v48, v43;
	v53 =	vmul.f32 v12, v46  }
0xe2: {  	v56 =	vbroadcast v3, $0xA;
	v44 =	vshll.u32 v36, $0x10;
	v47 =	vand.u32 $0xFFFF0000, v36  }
0xe3: {  	v51 =	vshll.u32 v42, $0x10;
	v6 =	vadd.f32 v54, v6;
	v4 =	vadd.f32 v59, v4  }
0xe4: {  	v49 =	vld [tilespmem:s22+$0xFFFFE6F0];
	v5 =	vadd.f32 v9, v5;
	v9 =	vmul.f32 v25, v17;
	v45 =	vmul.f32 v44, v43  }
0xe5: {  	v55 =	vld [tilespmem:s22+$0xFFFFE710];
	v54 =	vand.u32 $0xFFFF0000, v42;
	v59 =	vbroadcast v2, $0xA;
	v61 =	vshll.u32 v52, $0x10  }
0xe6: {  	v11 =	vand.u32 $0xFFFF0000, v52;
	v6 =	vadd.f32 v6, v10;
	v10 =	vmul.f32 v21, v20  }
0xe7: {  	v17 =	vld [tilespmem:s22+$0xFFFFFF00];
	v5 =	vadd.f32 v5, v8;
	v8 =	vmul.f32 v28, v20;
	v63 =	vmul.f32 v61, v56  }
0xe8: {  	v4 =	vadd.f32 v4, v62;
	v18 =	vmul.f32 v11, v59;
	v21 =	vbroadcast v0, $0xA  }
0xe9: {  	v57 =	vshll.u32 v49, $0x10;
	v60 =	vand.u32 $0xFFFF0000, v49;
	v6 =	vadd.f32 v19, v6  }
0xea: {  	v62 =	vld [tilespmem:s22+$0xFFFFFEF0];
	v16 =	vshll.u32 v55, $0x10;
	v4 =	vadd.f32 v24, v4;
	v5 =	vadd.f32 v9, v5  }
0xeb: {  	v20 =	vld [tilespmem:s22+$0xFFFFFF10];
	v9 =	vmul.f32 v38, v30;
	v58 =	vmul.f32 v57, v56;
	v19 =	vand.u32 $0xFFFF0000, v55  }
0xec: {  	v24 =	vbroadcast v1, $0xA;
	v26 =	vshll.u32 v17, $0x10;
	v12 =	vand.u32 $0xFFFF0000, v17  }
0xed: {  	v6 =	vadd.f32 v6, v10;
	v4 =	vadd.f32 v4, v27;
	v10 =	vmul.f32 v34, v33  }
0xee: {  	v30 =	vld [tilespmem:s22+$0xFFFFE730];
	v5 =	vadd.f32 v5, v8;
	v8 =	vmul.f32 v41, v33;
	v28 =	vmul.f32 v26, v21  }
0xef: {  	v31 =	vmul.f32 v12, v24;
	v34 =	vbroadcast v3, $0xB;
	v22 =	vshll.u32 v62, $0x10  }
0xf0: {  	v25 =	vand.u32 $0xFFFF0000, v62;
	v29 =	vshll.u32 v20, $0x10;
	v6 =	vadd.f32 v32, v6  }
0xf1: {  	v27 =	vld [tilespmem:s22+$0xFFFFE720];
	v4 =	vadd.f32 v37, v4;
	v5 =	vadd.f32 v9, v5;
	v9 =	vmul.f32 v51, v43  }
0xf2: {  	v33 =	vld [tilespmem:s22+$0xFFFFE740];
	v23 =	vmul.f32 v22, v21;
	v32 =	vand.u32 $0xFFFF0000, v20;
	v37 =	vbroadcast v2, $0xB  }
0xf3: {  	v39 =	vshll.u32 v30, $0x10;
	v11 =	vand.u32 $0xFFFF0000, v30;
	v6 =	vadd.f32 v6, v10  }
0xf4: {  	v43 =	vld [tilespmem:s22+$0xFFFFFF30];
	v5 =	vadd.f32 v5, v8;
	v10 =	vmul.f32 v47, v46;
	v8 =	vmul.f32 v54, v46  }
0xf5: {  	v4 =	vadd.f32 v4, v40;
	v41 =	vmul.f32 v39, v34;
	v44 =	vmul.f32 v11, v37  }
0xf6: {  	v47 =	vbroadcast v0, $0xB;
	v35 =	vshll.u32 v27, $0x10;
	v38 =	vand.u32 $0xFFFF0000, v27  }
0xf7: {  	v42 =	vshll.u32 v33, $0x10;
	v6 =	vadd.f32 v45, v6;
	v4 =	vadd.f32 v50, v4  }
0xf8: {  	v40 =	vld [tilespmem:s22+$0xFFFFFF20];
	v5 =	vadd.f32 v9, v5;
	v9 =	vmul.f32 v16, v56;
	v36 =	vmul.f32 v35, v34  }
0xf9: {  	v46 =	vld [tilespmem:s22+$0xFFFFFF40];
	v45 =	vand.u32 $0xFFFF0000, v33;
	v50 =	vbroadcast v1, $0xB;
	v52 =	vshll.u32 v43, $0x10  }
0xfa: {  	v12 =	vand.u32 $0xFFFF0000, v43;
	v6 =	vadd.f32 v6, v10;
	v10 =	vmul.f32 v60, v59  }
0xfb: {  	v56 =	vld [tilespmem:s22+$0xFFFFE760];
	v5 =	vadd.f32 v5, v8;
	v8 =	vmul.f32 v19, v59;
	v54 =	vmul.f32 v52, v47  }
0xfc: {  	v4 =	vadd.f32 v4, v53;
	v57 =	vmul.f32 v12, v50;
	v60 =	vbroadcast v3, $0xC  }
0xfd: {  	v48 =	vshll.u32 v40, $0x10;
	v51 =	vand.u32 $0xFFFF0000, v40;
	v6 =	vadd.f32 v58, v6  }
0xfe: {  	v53 =	vld [tilespmem:s22+$0xFFFFE750];
	v55 =	vshll.u32 v46, $0x10;
	v4 =	vadd.f32 v63, v4;
	v5 =	vadd.f32 v9, v5  }
0xff: {  	v59 =	vld [tilespmem:s22+$0xFFFFE770];
	v9 =	vmul.f32 v29, v21;
	v49 =	vmul.f32 v48, v47;
	v58 =	vand.u32 $0xFFFF0000, v46  }
0x100: {  	v63 =	vbroadcast v2, $0xC;
	v17 =	vshll.u32 v56, $0x10;
	v11 =	vand.u32 $0xFFFF0000, v56  }
0x101: {  	v6 =	vadd.f32 v6, v10;
	v4 =	vadd.f32 v4, v18;
	v10 =	vmul.f32 v25, v24  }
0x102: {  	v21 =	vld [tilespmem:s22+$0xFFFFFF60];
	v5 =	vadd.f32 v5, v8;
	v8 =	vmul.f32 v32, v24;
	v19 =	vmul.f32 v17, v60  }
0x103: {  	v22 =	vmul.f32 v11, v63;
	v25 =	vbroadcast v0, $0xC;
	v61 =	vshll.u32 v53, $0x10  }
0x104: {  	v16 =	vand.u32 $0xFFFF0000, v53;
	v20 =	vshll.u32 v59, $0x10;
	v6 =	vadd.f32 v23, v6  }
0x105: {  	v18 =	vld [tilespmem:s22+$0xFFFFFF50];
	v4 =	vadd.f32 v28, v4;
	v5 =	vadd.f32 v9, v5;
	v9 =	vmul.f32 v42, v34  }
0x106: {  	v24 =	vld [tilespmem:s22+$0xFFFFFF70];
	v62 =	vmul.f32 v61, v60;
	v23 =	vand.u32 $0xFFFF0000, v59;
	v28 =	vbroadcast v1, $0xC  }
0x107: {  	v30 =	vshll.u32 v21, $0x10;
	v12 =	vand.u32 $0xFFFF0000, v21;
	v6 =	vadd.f32 v6, v10  }
0x108: {  	v34 =	vld [tilespmem:s22+$0xFFFFE790];
	v5 =	vadd.f32 v5, v8;
	v10 =	vmul.f32 v38, v37;
	v8 =	vmul.f32 v45, v37  }
0x109: {  	v4 =	vadd.f32 v4, v31;
	v32 =	vmul.f32 v30, v25;
	v35 =	vmul.f32 v12, v28  }
0x10a: {  	v38 =	vbroadcast v3, $0xD;
	v26 =	vshll.u32 v18, $0x10;
	v29 =	vand.u32 $0xFFFF0000, v18  }
0x10b: {  	v31 =	vld [tilespmem:s22+$0xFFFFE780];
	v33 =	vshll.u32 v24, $0x10;
	v6 =	vadd.f32 v36, v6;
	v4 =	vadd.f32 v41, v4  }
0x10c: {  	v37 =	vld [tilespmem:s22+$0xFFFFE7A0];
	v5 =	vadd.f32 v9, v5;
	v9 =	vmul.f32 v55, v47;
	v27 =	vmul.f32 v26, v25  }
0x10d: {  	v36 =	vand.u32 $0xFFFF0000, v24;
	v41 =	vbroadcast v2, $0xD;
	v43 =	vshll.u32 v34, $0x10  }
0x10e: {  	v11 =	vand.u32 $0xFFFF0000, v34;
	v6 =	vadd.f32 v6, v10;
	v10 =	vmul.f32 v51, v50  }
0x10f: {  	v47 =	vld [tilespmem:s22+$0xFFFFFF90];
	v5 =	vadd.f32 v5, v8;
	v8 =	vmul.f32 v58, v50;
	v45 =	vmul.f32 v43, v38  }
0x110: {  	v4 =	vadd.f32 v4, v44;
	v48 =	vmul.f32 v11, v41;
	v51 =	vbroadcast v0, $0xD  }
0x111: {  	v39 =	vshll.u32 v31, $0x10;
	v42 =	vand.u32 $0xFFFF0000, v31;
	v46 =	vshll.u32 v37, $0x10  }
0x112: {  	v6 =	vadd.f32 v49, v6;
	v5 =	vadd.f32 v9, v5;
	v9 =	vmul.f32 v20, v60  }
0x113: {  	v44 =	vld [tilespmem:s22+$0xFFFFFF80];
	v4 =	vadd.f32 v54, v4;
	v40 =	vmul.f32 v39, v38;
	v54 =	vbroadcast v1, $0xD  }
0x114: {  	v50 =	vld [tilespmem:s22+$0xFFFFFFA0];
	v56 =	vshll.u32 v47, $0x10;
	v12 =	vand.u32 $0xFFFF0000, v47;
	v6 =	vadd.f32 v6, v10  }
0x115: {  	v5 =	vadd.f32 v5, v8;
	v10 =	vmul.f32 v16, v63;
	v8 =	vmul.f32 v23, v63  }
0x116: {  	v49 =	vand.u32 $0xFFFF0000, v37;
	v60 =	vld [tilespmem:s22+$0xFFFFE7C0];
	v58 =	vmul.f32 v56, v51;
	v61 =	vmul.f32 v12, v54  }
0x117: {  	v4 =	vadd.f32 v4, v57;
	v16 =	vbroadcast v3, $0xE;
	v3 =	vbroadcast v3, $0xF  }
0x118: {  	v52 =	vshll.u32 v44, $0x10;
	v55 =	vand.u32 $0xFFFF0000, v44;
	v6 =	vadd.f32 v62, v6  }
0x119: {  	v59 =	vshll.u32 v50, $0x10;
	v4 =	vadd.f32 v19, v4;
	v5 =	vadd.f32 v9, v5  }
0x11a: {  	v57 =	vld [tilespmem:s22+$0xFFFFE7B0];
	v9 =	vmul.f32 v33, v25;
	v53 =	vmul.f32 v52, v51;
	v62 =	vand.u32 $0xFFFF0000, v50  }
0x11b: {  	v63 =	vld [tilespmem:s22+$0xFFFFE7D0];
	v19 =	vbroadcast v2, $0xE;
	v2 =	vbroadcast v2, $0xF;
	v21 =	vshll.u32 v60, $0x10  }
0x11c: {  	v11 =	vand.u32 $0xFFFF0000, v60;
	v6 =	vadd.f32 v6, v10;
	v10 =	vmul.f32 v29, v28  }
0x11d: {  	v5 =	vadd.f32 v5, v8;
	v8 =	vmul.f32 v36, v28;
	v23 =	vmul.f32 v21, v16  }
0x11e: {  	v25 =	vld [tilespmem:s22+$0xFFFFFFC0];
	v4 =	vadd.f32 v4, v22;
	v26 =	vmul.f32 v11, v19;
	v29 =	vbroadcast v0, $0xE  }
0x11f: {  	v0 =	vbroadcast v0, $0xF;
	v17 =	vshll.u32 v57, $0x10;
	v20 =	vand.u32 $0xFFFF0000, v57  }
0x120: {  	v24 =	vshll.u32 v63, $0x10;
	v6 =	vadd.f32 v27, v6;
	v4 =	vadd.f32 v32, v4  }
0x121: {  	v22 =	vld [tilespmem:s22+$0xFFFFFFB0];
	v5 =	vadd.f32 v9, v5;
	v9 =	vmul.f32 v46, v38;
	v18 =	vmul.f32 v17, v16  }
0x122: {  	v28 =	vld [tilespmem:s22+$0xFFFFFFD0];
	v27 =	vand.u32 $0xFFFF0000, v63;
	v32 =	vbroadcast v1, $0xE;
	v1 =	vbroadcast v1, $0xF  }
0x123: {  	v52 =	vld [tilespmem:s22+$0x0];
	v34 =	vshll.u32 v25, $0x10;
	v12 =	vand.u32 $0xFFFF0000, v25;
	v6 =	vadd.f32 v6, v10  }
0x124: {  	v38 =	vld [tilespmem:s22+$0xFFFFE7F0];
	v5 =	vadd.f32 v5, v8;
	v10 =	vmul.f32 v42, v41;
	v8 =	vmul.f32 v49, v41  }
0x125: {  	v46 =	vld [tilespmem:s22+$0xFFFFFFE0];
	v4 =	vadd.f32 v4, v35;
	v36 =	vmul.f32 v34, v29;
	v39 =	vmul.f32 v12, v32  }
0x126: {  	v30 =	vshll.u32 v22, $0x10;
	v33 =	vand.u32 $0xFFFF0000, v22;
	v6 =	vadd.f32 v40, v6  }
0x127: {  	v37 =	vshll.u32 v28, $0x10;
	v4 =	vadd.f32 v45, v4;
	v5 =	vadd.f32 v9, v5  }
0x128: {  	v9 =	vmul.f32 v59, v51;
	v31 =	vmul.f32 v30, v29;
	v40 =	vand.u32 $0xFFFF0000, v28  }
0x129: {  	v59 =	vshll.u32 v52, $0x10;
	v45 =	vshll.u32 v38, $0x10;
	v6 =	vadd.f32 v6, v10  }
0x12a: {  	v11 =	vand.u32 $0xFFFF0000, v38;
	v56 =	vand.u32 $0xFFFF0000, v46;
	v4 =	vadd.f32 v4, v48  }
0x12b: {  	v35 =	vld [tilespmem:s22+$0xFFFFE7E0];
	v5 =	vadd.f32 v5, v8;
	v10 =	vmul.f32 v55, v54;
	v6 =	vadd.f32 v53, v6  }
0x12c: {  	v8 =	vmul.f32 v62, v54;
	v47 =	vmul.f32 v45, v3;
	v4 =	vadd.f32 v58, v4  }
0x12d: {  	v41 =	vld [tilespmem:s22+$0xFFFFE800];
	v50 =	vmul.f32 v11, v2;
	v5 =	vadd.f32 v9, v5;
	v6 =	vadd.f32 v6, v10  }
0x12e: {  	v54 =	vshll.u32 v46, $0x10;
	v9 =	vmul.f32 v24, v16;
	v4 =	vadd.f32 v4, v61  }
0x12f: {  	v5 =	vadd.f32 v5, v8;
	v10 =	vmul.f32 v20, v19;
	v6 =	vadd.f32 v18, v6  }
0x130: {  	v42 =	vshll.u32 v35, $0x10;
	v44 =	vand.u32 $0xFFFF0000, v35;
	v4 =	vadd.f32 v23, v4  }
0x131: {  	v8 =	vmul.f32 v27, v19;
	v5 =	vadd.f32 v9, v5;
	v6 =	vadd.f32 v6, v10  }
0x132: {  	v48 =	vshll.u32 v41, $0x10;
	v9 =	vmul.f32 v37, v29;
	v4 =	vadd.f32 v4, v26  }
0x133: {  	v49 =	vld [tilespmem:s22+$0xFFFFFFF0];
	v5 =	vadd.f32 v5, v8;
	v10 =	vmul.f32 v33, v32;
	v6 =	vadd.f32 v31, v6  }
0x134: {  	v51 =	vand.u32 $0xFFFF0000, v41;
	v43 =	vmul.f32 v42, v3;
	v4 =	vadd.f32 v36, v4  }
0x135: {  	v8 =	vmul.f32 v40, v32;
	v5 =	vadd.f32 v9, v5;
	v6 =	vadd.f32 v6, v10  }
0x136: {  	v55 =	vmul.f32 v54, v0;
	v3 =	vmul.f32 v48, v3;
	v4 =	vadd.f32 v4, v39  }
0x137: {  	v5 =	vadd.f32 v5, v8;
	v8 =	vmul.f32 v44, v2;
	v6 =	vadd.f32 v43, v6  }
0x138: {  	v57 =	vshll.u32 v49, $0x10;
	v60 =	vand.u32 $0xFFFF0000, v49;
	v4 =	vadd.f32 v47, v4  }
0x139: {  	v2 =	vmul.f32 v51, v2;
	v3 =	vadd.f32 v3, v5;
	v53 =	vadd.f32 v6, v8  }
0x13a: {  	v58 =	vmul.f32 v57, v0;
	v0 =	vmul.f32 v59, v0;
	v4 =	vadd.f32 v4, v50  }
0x13b: {  	v2 =	vadd.f32 v3, v2;
	v6 =	vmul.f32 v56, v1;
	v3 =	vadd.f32 v55, v53  }
0x13c: {  	p2 =	sne.s32 s17, $0x540;
	v62 =	vand.u32 $0xFFFF0000, v52;
	v61 =	vmul.f32 v60, v1;
	v4 =	vadd.f32 v58, v4  }
.Ltmp2:
0x13d: {  	v1 =	vmul.f32 v62, v1;
	v0 =	vadd.f32 v0, v2;
	v3 =	vadd.f32 v3, v6;
	(pc) =	sbr.rel @p2 .LBB2_6-.Ltmp2, $4  }
0x13e: {  	s29 =	sshra.s32 s17, $0x2;
	v63 =	vadd.f32 v4, v61  }
0x13f: {  	v0 =	vadd.f32 v0, v1;
	[tilespmem:s29+$0x6600] =	vst v3  }
0x140: {  	[tilespmem:s29+$0x6610] =	vst v63  }
0x141: {  	s17 =	sadd.s32 $0xC0, s17;
	s24 =	sadd.s32 $0x10, s24;
	s22 =	sadd.s32 $0x300, s22;
	[tilespmem:s29+$0x6620] =	vst v0  }
0x142: {  	s17 =	sadd.s32 s1, s12;
	s22 =	simm.s32 $0x6600;
	s24 =	sor.u32 $0x20000, s12  }
0x143: {  	[hbm4b:s17+s2] =	stream.linear.scatter [tilespmem:s22], [sflag:$0x7], $0x80, $0x38;
	[tilespmem:$0x6900] =	vst v63  }
0x144: {  	s29 =	simm.s32 $0x6680;
	s17 =	sadd.s32 s1, s24  }
0x145: {  	[hbm4b:s17+s2] =	stream.linear.scatter [tilespmem:s29], [sflag:$0x7], $0x80, $0x38;
	[tilespmem:$0x6900] =	vst v63  }
0x146: {  	s24 =	sadd.s32 s12, s20;
	s29 =	simm.s32 $0x6700;
	s17 =	simm.s32 @!p0 $0x5  }
0x147: {  	[hbm4b:s24+s2] =	stream.linear.scatter [tilespmem:s29], [sflag:$0x7], $0x80, $0x38;
	[tilespmem:$0x6900] =	vst v63  }
0x148: {  	_ =	swait.ge @!p0 [sflag:s17], $0x80  }
0x149: {  	[sflag:s17] =	ssyncset.done @!p0 $0x0  }
0x14a: {  	[sflag:s17] =	ssyncadd.s32 @!p0 $0xFFFFFF80  }
0x14b: {  	_ =	swait.ge @!p0 [sflag:s17], $0x80  }
0x14c: {  	s22 =	simm.s32 @!p0 $0x0;
	[sflag:s17] =	ssyncset.done @!p0 $0x0  }
0x14d: {  	s24 =	simm.s32 @!p0 $0x200;
	[sflag:s17] =	ssyncadd.s32 @!p0 $0xFFFFFF80;
	s17 =	simm.s32 @!p0 $0x80  }
0x14e: {  	[tilespmem:s24], [sflag:$0x1] =	stream.indirect.gather @!p0 [hbm4b:s3+s17], $0x30, s22, s17, $0xb8;
	[tilespmem:$0x6900] =	vst v63  }
0x14f: {  	s24 =	simm.s32 @!p0 $0x1A00  }
0x150: {  	[tilespmem:s24], [sflag:$0x1] =	stream.indirect.gather @!p0 [hbm4b:s3+s17], $0x30, s17, s17, $0xb8;
	[tilespmem:$0x6900] =	vst v63  }
0x151: {  	s17 =	sadd.s32 @!p0 s7, s16;
	s24 =	simm.s32 @!p0 $0x6200  }
0x152: {  	[tilespmem:s24], [sflag:$0x3] =	stream.linear.gather @!p0 [hbm4b:s17+s22], $0x80, $0x38;
	[tilespmem:$0x6900] =	vst v63  }
0x153: {  	s17 =	sadd.s32 @!p0 s8, s16;
	s24 =	simm.s32 @!p0 $0x6280  }
0x154: {  	[tilespmem:s24], [sflag:$0x3] =	stream.linear.gather @!p0 [hbm4b:s17+s22], $0x80, $0x38;
	[tilespmem:$0x6900] =	vst v63  }
0x155: {  	s17 =	sadd.s32 @!p0 s9, s16;
	s24 =	simm.s32 @!p0 $0x6300  }
0x156: {  	[tilespmem:s24], [sflag:$0x3] =	stream.linear.gather @!p0 [hbm4b:s17+s22], $0x80, $0x38;
	[tilespmem:$0x6900] =	vst v63  }
0x157: {  	s16 =	sadd.s32 @!p0 s10, s16;
	s17 =	simm.s32 @!p0 $0x6380  }
0x158: {  	[tilespmem:s17], [sflag:$0x3] =	stream.linear.gather @!p0 [hbm4b:s16+s22], $0x80, $0x38;
	[tilespmem:$0x6900] =	vst v63  }
0x159: {  	_ =	swait.ge [sflag:s18], $0x1800  }
0x15a: {  	[sflag:s18] =	ssyncset.done $0x0  }
0x15b: {  	[sflag:s18] =	ssyncadd.s32 $0xFFFFE800  }
0x15c: {  	_ =	swait.ge [sflag:s18], $0x1800  }
0x15d: {  	[sflag:s18] =	ssyncset.done $0x0  }
0x15e: {  	[sflag:s18] =	ssyncadd.s32 $0xFFFFE800  }
0x15f: {  	_ =	swait.ge [sflag:s19], $0x80  }
0x160: {  	[sflag:s19] =	ssyncset.done $0x0  }
0x161: {  	[sflag:s19] =	ssyncadd.s32 $0xFFFFFF80  }
0x162: {  	_ =	swait.ge [sflag:s19], $0x80  }
0x163: {  	[sflag:s19] =	ssyncset.done $0x0  }
0x164: {  	[sflag:s19] =	ssyncadd.s32 $0xFFFFFF80  }
0x165: {  	_ =	swait.ge [sflag:s19], $0x80  }
0x166: {  	[sflag:s19] =	ssyncset.done $0x0  }
0x167: {  	s15 =	sadd.s32 @!p0 s15, s21;
	[sflag:s19] =	ssyncadd.s32 $0xFFFFFF80  }
0x168: {  	s15 =	sshll.u32 @!p0 s15, $0x4;
	_ =	swait.ge [sflag:s19], $0x80  }
0x169: {  	s15 =	sand.u32 @!p0 $0x1FFFFFF0, s15;
	[sflag:s19] =	ssyncset.done $0x0  }
0x16a: {  	s16 =	sadd.s32 @!p0 s4, s15;
	s17 =	simm.s32 @!p0 $0x100;
	[sflag:s19] =	ssyncadd.s32 $0xFFFFFF80  }
0x16b: {  	[tilespmem:s17], [sflag:$0x6] =	stream.linear.gather @!p0 [hbm4b:s16+s22], $0x80, $0x38;
	[tilespmem:$0x6900] =	vst v63  }
0x16c: {  	s15 =	sadd.s32 @!p0 s6, s15;
	s16 =	simm.s32 @!p0 $0x180  }
0x16d: {  	[tilespmem:s16], [sflag:$0x6] =	stream.linear.gather @!p0 [hbm4b:s15+s22], $0x80, $0x38;
	[tilespmem:$0x6900] =	vst v63  }
0x16e: {  	p0 =	por p0, !p1  }
0x16f: {  	_ =	swait.ge @p0 [sflag:s31], $0x80  }
0x170: {  	[sflag:s31] =	ssyncset.done @p0 $0x0  }
0x171: {  	[sflag:s31] =	ssyncadd.s32 @p0 $0xFFFFFF80  }
0x172: {  	_ =	swait.ge @p0 [sflag:s31], $0x80  }
0x173: {  	[sflag:s31] =	ssyncset.done @p0 $0x0  }
0x174: {  	[sflag:s31] =	ssyncadd.s32 @p0 $0xFFFFFF80  }
0x175: {  	_ =	swait.ge @p0 [sflag:s31], $0x80  }
0x176: {  	s17 =	simm.s32 $0x6500;
	[sflag:s31] =	ssyncset.done @p0 $0x0  }
0x177: {  	s15 =	simm.s32 $0x0;
	s16 =	simm.s32 $0x4CF0;
	[sflag:s31] =	ssyncadd.s32 @p0 $0xFFFFFF80  }
.LBB2_8:
0x178: {  	v3 =	vld [tilespmem:s17+$0xFFFFFF00]  }
0x179: {  	v1 =	vld [tilespmem:s16+$0xFFFFE510]  }
0x17a: {  	v2 =	vld [tilespmem:s17+$0xFFFFFF80]  }
0x17b: {  	v4 =	vld [tilespmem:s16+$0xFFFFE520]  }
0x17c: {  	v5 =	vld [tilespmem:s16+$0xFFFFE530]  }
0x17d: {  	v0 =	vld [tilespmem:s17+$0x0]  }
0x17e: {  	v11 =	vld [tilespmem:s16+$0xFFFFFD10]  }
0x17f: {  	v49 =	vld [tilespmem:s16+$0xFFFFFD20]  }
0x180: {  	v13 =	vld [tilespmem:s16+$0xFFFFFD30]  }
0x181: {  	v14 =	vld [tilespmem:s16+$0xFFFFE540]  }
0x182: {  	v58 =	vld [tilespmem:s16+$0xFFFFE550];
	v6 =	vbroadcast v3, $0x0;
	v7 =	vshll.u32 v1, $0x10  }
0x183: {  	v61 =	vld [tilespmem:s16+$0xFFFFE560];
	v8 =	vbroadcast v2, $0x0;
	v9 =	vand.u32 $0xFFFF0000, v1;
	v10 =	vshll.u32 v4, $0x10  }
0x184: {  	v12 =	vshll.u32 v5, $0x10;
	v4 =	vand.u32 $0xFFFF0000, v4;
	v5 =	vand.u32 $0xFFFF0000, v5  }
0x185: {  	v20 =	vld [tilespmem:s16+$0xFFFFFD40];
	v50 =	vbroadcast v0, $0x0;
	v51 =	vshll.u32 v11, $0x10;
	v54 =	vand.u32 $0xFFFF0000, v11  }
0x186: {  	v23 =	vld [tilespmem:s16+$0xFFFFFD50];
	v55 =	vshll.u32 v49, $0x10;
	v57 =	vshll.u32 v13, $0x10;
	v60 =	vand.u32 $0xFFFF0000, v13  }
0x187: {  	v26 =	vld [tilespmem:s16+$0xFFFFFD60];
	v63 =	vbroadcast v3, $0x1;
	v15 =	vshll.u32 v14, $0x10;
	v17 =	vbroadcast v2, $0x1  }
0x188: {  	v18 =	vand.u32 $0xFFFF0000, v14;
	v19 =	vshll.u32 v58, $0x10;
	v22 =	vshll.u32 v61, $0x10  }
0x189: {  	v33 =	vld [tilespmem:s16+$0xFFFFE570];
	v11 =	vand.u32 $0xFFFF0000, v58;
	v25 =	vand.u32 $0xFFFF0000, v61;
	v27 =	vbroadcast v0, $0x1  }
0x18a: {  	v28 =	vshll.u32 v20, $0x10;
	v31 =	vand.u32 $0xFFFF0000, v20;
	v40 =	vbroadcast v3, $0x2  }
0x18b: {  	v36 =	vld [tilespmem:s16+$0xFFFFE580];
	v32 =	vshll.u32 v23, $0x10;
	v43 =	vbroadcast v2, $0x2;
	v7 =	vmul.f32 v7, v6  }
0x18c: {  	v39 =	vld [tilespmem:s16+$0xFFFFE590];
	v35 =	vshll.u32 v26, $0x10;
	v10 =	vmul.f32 v10, v6;
	v9 =	vmul.f32 v9, v8  }
0x18d: {  	v38 =	vand.u32 $0xFFFF0000, v26;
	v6 =	vmul.f32 v12, v6;
	v4 =	vmul.f32 v4, v8  }
0x18e: {  	v41 =	vshll.u32 v33, $0x10;
	v5 =	vmul.f32 v5, v8;
	v52 =	vmul.f32 v51, v50  }
0x18f: {  	v46 =	vld [tilespmem:s16+$0xFFFFFD70];
	v44 =	vand.u32 $0xFFFF0000, v33;
	v56 =	vmul.f32 v55, v50;
	v8 =	vmul.f32 v57, v50  }
0x190: {  	v1 =	vld [tilespmem:s17+$0x80];
	v45 =	vshll.u32 v36, $0x10;
	v16 =	vmul.f32 v15, v63;
	v21 =	vmul.f32 v19, v63  }
0x191: {  	v48 =	vshll.u32 v39, $0x10;
	v24 =	vmul.f32 v11, v17;
	v29 =	vmul.f32 v28, v27  }
0x192: {  	v12 =	vand.u32 $0xFFFF0000, v49;
	v34 =	vmul.f32 v32, v27;
	v42 =	vmul.f32 v41, v40  }
0x193: {  	v47 =	vmul.f32 v45, v40;
	v11 =	vand.u32 $0xFFFF0000, v36;
	v51 =	vand.u32 $0xFFFF0000, v39  }
0x194: {  	v49 =	vld [tilespmem:s16+$0xFFFFFD80];
	v57 =	vand.u32 $0xFFFF0000, v46;
	v7 =	vadd.f32 $0.0e+00, v7;
	v10 =	vadd.f32 $0.0e+00, v10  }
0x195: {  	v50 =	vmul.f32 v11, v43;
	v6 =	vadd.f32 $0.0e+00, v6;
	v53 =	vbroadcast v1, $0x0  }
0x196: {  	v30 =	vbroadcast v1, $0x1;
	v7 =	vadd.f32 v7, v9;
	v4 =	vadd.f32 v10, v4  }
0x197: {  	v5 =	vadd.f32 v6, v5;
	v9 =	vmul.f32 v22, v63;
	v10 =	vmul.f32 v54, v53  }
0x198: {  	v59 =	vmul.f32 v12, v53;
	v62 =	vmul.f32 v60, v53;
	v12 =	vand.u32 $0xFFFF0000, v23  }
0x199: {  	v53 =	vbroadcast v0, $0x2;
	v54 =	vshll.u32 v46, $0x10;
	v58 =	vshll.u32 v49, $0x10  }
0x19a: {  	v6 =	vadd.f32 v52, v7;
	v5 =	vadd.f32 v8, v5;
	v8 =	vmul.f32 v25, v17  }
0x19b: {  	v4 =	vadd.f32 v56, v4;
	v37 =	vmul.f32 v12, v30;
	v52 =	vld [tilespmem:s16+$0xFFFFFD90];
	v56 =	vbroadcast v1, $0x2  }
0x19c: {  	v12 =	vand.u32 $0xFFFF0000, v49;
	v55 =	vmul.f32 v54, v53;
	v6 =	vadd.f32 v6, v10  }
0x19d: {  	v60 =	vmul.f32 v58, v53;
	v4 =	vadd.f32 v4, v59;
	v5 =	vadd.f32 v5, v62;
	v59 =	vld [tilespmem:s16+$0xFFFFE5A0]  }
0x19e: {  	v10 =	vmul.f32 v18, v17;
	v62 =	vld [tilespmem:s16+$0xFFFFE5B0];
	v63 =	vmul.f32 v12, v56;
	v6 =	vadd.f32 v16, v6  }
0x19f: {  	v17 =	vld [tilespmem:s16+$0xFFFFE5C0];
	v18 =	vbroadcast v3, $0x3;
	v4 =	vadd.f32 v21, v4;
	v5 =	vadd.f32 v9, v5  }
0x1a0: {  	v9 =	vmul.f32 v35, v27;
	v21 =	vbroadcast v2, $0x3;
	v61 =	vshll.u32 v52, $0x10  }
0x1a1: {  	v16 =	vand.u32 $0xFFFF0000, v52;
	v6 =	vadd.f32 v6, v10;
	v4 =	vadd.f32 v4, v24  }
0x1a2: {  	v5 =	vadd.f32 v5, v8;
	v10 =	vmul.f32 v31, v30;
	v8 =	vmul.f32 v38, v30  }
0x1a3: {  	v27 =	vld [tilespmem:s16+$0xFFFFFDB0];
	v31 =	vbroadcast v0, $0x3;
	v19 =	vshll.u32 v59, $0x10;
	v22 =	vand.u32 $0xFFFF0000, v59  }
0x1a4: {  	v23 =	vshll.u32 v62, $0x10;
	v26 =	vshll.u32 v17, $0x10;
	v11 =	vand.u32 $0xFFFF0000, v62  }
0x1a5: {  	v6 =	vadd.f32 v29, v6;
	v5 =	vadd.f32 v9, v5;
	v9 =	vmul.f32 v48, v40  }
0x1a6: {  	v24 =	vld [tilespmem:s16+$0xFFFFFDA0];
	v4 =	vadd.f32 v34, v4;
	v20 =	vmul.f32 v19, v18;
	v25 =	vmul.f32 v23, v18  }
0x1a7: {  	v30 =	vld [tilespmem:s16+$0xFFFFFDC0];
	v28 =	vmul.f32 v11, v21;
	v29 =	vand.u32 $0xFFFF0000, v17;
	v34 =	vbroadcast v1, $0x3  }
0x1a8: {  	v36 =	vshll.u32 v27, $0x10;
	v12 =	vand.u32 $0xFFFF0000, v27;
	v6 =	vadd.f32 v6, v10  }
0x1a9: {  	v40 =	vld [tilespmem:s16+$0xFFFFE5E0];
	v5 =	vadd.f32 v5, v8;
	v10 =	vmul.f32 v44, v43;
	v8 =	vmul.f32 v51, v43  }
0x1aa: {  	v4 =	vadd.f32 v4, v37;
	v38 =	vmul.f32 v36, v31;
	v41 =	vmul.f32 v12, v34  }
0x1ab: {  	v44 =	vbroadcast v3, $0x4;
	v32 =	vshll.u32 v24, $0x10;
	v35 =	vand.u32 $0xFFFF0000, v24  }
0x1ac: {  	v39 =	vshll.u32 v30, $0x10;
	v6 =	vadd.f32 v42, v6;
	v4 =	vadd.f32 v47, v4  }
0x1ad: {  	v37 =	vld [tilespmem:s16+$0xFFFFE5D0];
	v5 =	vadd.f32 v9, v5;
	v9 =	vmul.f32 v61, v53;
	v33 =	vmul.f32 v32, v31  }
0x1ae: {  	v43 =	vld [tilespmem:s16+$0xFFFFE5F0];
	v42 =	vand.u32 $0xFFFF0000, v30;
	v47 =	vbroadcast v2, $0x4;
	v49 =	vshll.u32 v40, $0x10  }
0x1af: {  	v11 =	vand.u32 $0xFFFF0000, v40;
	v6 =	vadd.f32 v6, v10;
	v10 =	vmul.f32 v57, v56  }
0x1b0: {  	v53 =	vld [tilespmem:s16+$0xFFFFFDE0];
	v5 =	vadd.f32 v5, v8;
	v8 =	vmul.f32 v16, v56;
	v51 =	vmul.f32 v49, v44  }
0x1b1: {  	v4 =	vadd.f32 v4, v50;
	v54 =	vmul.f32 v11, v47;
	v57 =	vbroadcast v0, $0x4  }
0x1b2: {  	v45 =	vshll.u32 v37, $0x10;
	v48 =	vand.u32 $0xFFFF0000, v37;
	v6 =	vadd.f32 v55, v6  }
0x1b3: {  	v50 =	vld [tilespmem:s16+$0xFFFFFDD0];
	v52 =	vshll.u32 v43, $0x10;
	v4 =	vadd.f32 v60, v4;
	v5 =	vadd.f32 v9, v5  }
0x1b4: {  	v56 =	vld [tilespmem:s16+$0xFFFFFDF0];
	v9 =	vmul.f32 v26, v18;
	v46 =	vmul.f32 v45, v44;
	v55 =	vand.u32 $0xFFFF0000, v43  }
0x1b5: {  	v60 =	vbroadcast v1, $0x4;
	v62 =	vshll.u32 v53, $0x10;
	v12 =	vand.u32 $0xFFFF0000, v53  }
0x1b6: {  	v6 =	vadd.f32 v6, v10;
	v4 =	vadd.f32 v4, v63;
	v10 =	vmul.f32 v22, v21  }
0x1b7: {  	v18 =	vld [tilespmem:s16+$0xFFFFE610];
	v5 =	vadd.f32 v5, v8;
	v8 =	vmul.f32 v29, v21;
	v16 =	vmul.f32 v62, v57  }
0x1b8: {  	v19 =	vmul.f32 v12, v60;
	v22 =	vbroadcast v3, $0x5;
	v58 =	vshll.u32 v50, $0x10  }
0x1b9: {  	v61 =	vand.u32 $0xFFFF0000, v50;
	v17 =	vshll.u32 v56, $0x10;
	v6 =	vadd.f32 v20, v6  }
0x1ba: {  	v63 =	vld [tilespmem:s16+$0xFFFFE600];
	v4 =	vadd.f32 v25, v4;
	v5 =	vadd.f32 v9, v5;
	v9 =	vmul.f32 v39, v31  }
0x1bb: {  	v21 =	vld [tilespmem:s16+$0xFFFFE620];
	v59 =	vmul.f32 v58, v57;
	v20 =	vand.u32 $0xFFFF0000, v56;
	v25 =	vbroadcast v2, $0x5  }
0x1bc: {  	v27 =	vshll.u32 v18, $0x10;
	v11 =	vand.u32 $0xFFFF0000, v18;
	v6 =	vadd.f32 v6, v10  }
0x1bd: {  	v31 =	vld [tilespmem:s16+$0xFFFFFE10];
	v5 =	vadd.f32 v5, v8;
	v10 =	vmul.f32 v35, v34;
	v8 =	vmul.f32 v42, v34  }
0x1be: {  	v4 =	vadd.f32 v4, v28;
	v29 =	vmul.f32 v27, v22;
	v32 =	vmul.f32 v11, v25  }
0x1bf: {  	v35 =	vbroadcast v0, $0x5;
	v23 =	vshll.u32 v63, $0x10;
	v26 =	vand.u32 $0xFFFF0000, v63  }
0x1c0: {  	v30 =	vshll.u32 v21, $0x10;
	v6 =	vadd.f32 v33, v6;
	v4 =	vadd.f32 v38, v4  }
0x1c1: {  	v28 =	vld [tilespmem:s16+$0xFFFFFE00];
	v5 =	vadd.f32 v9, v5;
	v9 =	vmul.f32 v52, v44;
	v24 =	vmul.f32 v23, v22  }
0x1c2: {  	v34 =	vld [tilespmem:s16+$0xFFFFFE20];
	v33 =	vand.u32 $0xFFFF0000, v21;
	v38 =	vbroadcast v1, $0x5;
	v40 =	vshll.u32 v31, $0x10  }
0x1c3: {  	v12 =	vand.u32 $0xFFFF0000, v31;
	v6 =	vadd.f32 v6, v10;
	v10 =	vmul.f32 v48, v47  }
0x1c4: {  	v44 =	vld [tilespmem:s16+$0xFFFFE640];
	v5 =	vadd.f32 v5, v8;
	v8 =	vmul.f32 v55, v47;
	v42 =	vmul.f32 v40, v35  }
0x1c5: {  	v4 =	vadd.f32 v4, v41;
	v45 =	vmul.f32 v12, v38;
	v48 =	vbroadcast v3, $0x6  }
0x1c6: {  	v36 =	vshll.u32 v28, $0x10;
	v39 =	vand.u32 $0xFFFF0000, v28;
	v6 =	vadd.f32 v46, v6  }
0x1c7: {  	v41 =	vld [tilespmem:s16+$0xFFFFE630];
	v43 =	vshll.u32 v34, $0x10;
	v4 =	vadd.f32 v51, v4;
	v5 =	vadd.f32 v9, v5  }
0x1c8: {  	v47 =	vld [tilespmem:s16+$0xFFFFE650];
	v9 =	vmul.f32 v17, v57;
	v37 =	vmul.f32 v36, v35;
	v46 =	vand.u32 $0xFFFF0000, v34  }
0x1c9: {  	v51 =	vbroadcast v2, $0x6;
	v53 =	vshll.u32 v44, $0x10;
	v11 =	vand.u32 $0xFFFF0000, v44  }
0x1ca: {  	v6 =	vadd.f32 v6, v10;
	v4 =	vadd.f32 v4, v54;
	v10 =	vmul.f32 v61, v60  }
0x1cb: {  	v57 =	vld [tilespmem:s16+$0xFFFFFE40];
	v5 =	vadd.f32 v5, v8;
	v8 =	vmul.f32 v20, v60;
	v55 =	vmul.f32 v53, v48  }
0x1cc: {  	v58 =	vmul.f32 v11, v51;
	v61 =	vbroadcast v0, $0x6;
	v49 =	vshll.u32 v41, $0x10  }
0x1cd: {  	v52 =	vand.u32 $0xFFFF0000, v41;
	v56 =	vshll.u32 v47, $0x10;
	v6 =	vadd.f32 v59, v6  }
0x1ce: {  	v54 =	vld [tilespmem:s16+$0xFFFFFE30];
	v4 =	vadd.f32 v16, v4;
	v5 =	vadd.f32 v9, v5;
	v9 =	vmul.f32 v30, v22  }
0x1cf: {  	v60 =	vld [tilespmem:s16+$0xFFFFFE50];
	v50 =	vmul.f32 v49, v48;
	v59 =	vand.u32 $0xFFFF0000, v47;
	v16 =	vbroadcast v1, $0x6  }
0x1d0: {  	v18 =	vshll.u32 v57, $0x10;
	v12 =	vand.u32 $0xFFFF0000, v57;
	v6 =	vadd.f32 v6, v10  }
0x1d1: {  	v22 =	vld [tilespmem:s16+$0xFFFFE670];
	v5 =	vadd.f32 v5, v8;
	v10 =	vmul.f32 v26, v25;
	v8 =	vmul.f32 v33, v25  }
0x1d2: {  	v4 =	vadd.f32 v4, v19;
	v20 =	vmul.f32 v18, v61;
	v23 =	vmul.f32 v12, v16  }
0x1d3: {  	v26 =	vbroadcast v3, $0x7;
	v62 =	vshll.u32 v54, $0x10;
	v17 =	vand.u32 $0xFFFF0000, v54  }
0x1d4: {  	v21 =	vshll.u32 v60, $0x10;
	v6 =	vadd.f32 v24, v6;
	v4 =	vadd.f32 v29, v4  }
0x1d5: {  	v19 =	vld [tilespmem:s16+$0xFFFFE660];
	v5 =	vadd.f32 v9, v5;
	v9 =	vmul.f32 v43, v35;
	v63 =	vmul.f32 v62, v61  }
0x1d6: {  	v25 =	vld [tilespmem:s16+$0xFFFFE680];
	v24 =	vand.u32 $0xFFFF0000, v60;
	v29 =	vbroadcast v2, $0x7;
	v31 =	vshll.u32 v22, $0x10  }
0x1d7: {  	v11 =	vand.u32 $0xFFFF0000, v22;
	v6 =	vadd.f32 v6, v10;
	v10 =	vmul.f32 v39, v38  }
0x1d8: {  	v35 =	vld [tilespmem:s16+$0xFFFFFE70];
	v5 =	vadd.f32 v5, v8;
	v8 =	vmul.f32 v46, v38;
	v33 =	vmul.f32 v31, v26  }
0x1d9: {  	v4 =	vadd.f32 v4, v32;
	v36 =	vmul.f32 v11, v29;
	v39 =	vbroadcast v0, $0x7  }
0x1da: {  	v27 =	vshll.u32 v19, $0x10;
	v30 =	vand.u32 $0xFFFF0000, v19;
	v6 =	vadd.f32 v37, v6  }
0x1db: {  	v32 =	vld [tilespmem:s16+$0xFFFFFE60];
	v34 =	vshll.u32 v25, $0x10;
	v4 =	vadd.f32 v42, v4;
	v5 =	vadd.f32 v9, v5  }
0x1dc: {  	v38 =	vld [tilespmem:s16+$0xFFFFFE80];
	v9 =	vmul.f32 v56, v48;
	v28 =	vmul.f32 v27, v26;
	v37 =	vand.u32 $0xFFFF0000, v25  }
0x1dd: {  	v42 =	vbroadcast v1, $0x7;
	v44 =	vshll.u32 v35, $0x10;
	v12 =	vand.u32 $0xFFFF0000, v35  }
0x1de: {  	v6 =	vadd.f32 v6, v10;
	v4 =	vadd.f32 v4, v45;
	v10 =	vmul.f32 v52, v51  }
0x1df: {  	v48 =	vld [tilespmem:s16+$0xFFFFE6A0];
	v5 =	vadd.f32 v5, v8;
	v8 =	vmul.f32 v59, v51;
	v46 =	vmul.f32 v44, v39  }
0x1e0: {  	v49 =	vmul.f32 v12, v42;
	v52 =	vbroadcast v3, $0x8;
	v40 =	vshll.u32 v32, $0x10  }
0x1e1: {  	v43 =	vand.u32 $0xFFFF0000, v32;
	v47 =	vshll.u32 v38, $0x10;
	v6 =	vadd.f32 v50, v6  }
0x1e2: {  	v45 =	vld [tilespmem:s16+$0xFFFFE690];
	v4 =	vadd.f32 v55, v4;
	v5 =	vadd.f32 v9, v5;
	v9 =	vmul.f32 v21, v61  }
0x1e3: {  	v51 =	vld [tilespmem:s16+$0xFFFFE6B0];
	v41 =	vmul.f32 v40, v39;
	v50 =	vand.u32 $0xFFFF0000, v38;
	v55 =	vbroadcast v2, $0x8  }
0x1e4: {  	v57 =	vshll.u32 v48, $0x10;
	v11 =	vand.u32 $0xFFFF0000, v48;
	v6 =	vadd.f32 v6, v10  }
0x1e5: {  	v61 =	vld [tilespmem:s16+$0xFFFFFEA0];
	v5 =	vadd.f32 v5, v8;
	v10 =	vmul.f32 v17, v16;
	v8 =	vmul.f32 v24, v16  }
0x1e6: {  	v4 =	vadd.f32 v4, v58;
	v59 =	vmul.f32 v57, v52;
	v62 =	vmul.f32 v11, v55  }
0x1e7: {  	v17 =	vbroadcast v0, $0x8;
	v53 =	vshll.u32 v45, $0x10;
	v56 =	vand.u32 $0xFFFF0000, v45  }
0x1e8: {  	v60 =	vshll.u32 v51, $0x10;
	v6 =	vadd.f32 v63, v6;
	v4 =	vadd.f32 v20, v4  }
0x1e9: {  	v58 =	vld [tilespmem:s16+$0xFFFFFE90];
	v5 =	vadd.f32 v9, v5;
	v9 =	vmul.f32 v34, v26;
	v54 =	vmul.f32 v53, v52  }
0x1ea: {  	v16 =	vld [tilespmem:s16+$0xFFFFFEB0];
	v63 =	vand.u32 $0xFFFF0000, v51;
	v20 =	vbroadcast v1, $0x8;
	v22 =	vshll.u32 v61, $0x10  }
0x1eb: {  	v12 =	vand.u32 $0xFFFF0000, v61;
	v6 =	vadd.f32 v6, v10;
	v10 =	vmul.f32 v30, v29  }
0x1ec: {  	v26 =	vld [tilespmem:s16+$0xFFFFE6D0];
	v5 =	vadd.f32 v5, v8;
	v8 =	vmul.f32 v37, v29;
	v24 =	vmul.f32 v22, v17  }
0x1ed: {  	v4 =	vadd.f32 v4, v23;
	v27 =	vmul.f32 v12, v20;
	v30 =	vbroadcast v3, $0x9  }
0x1ee: {  	v18 =	vshll.u32 v58, $0x10;
	v21 =	vand.u32 $0xFFFF0000, v58;
	v6 =	vadd.f32 v28, v6  }
0x1ef: {  	v23 =	vld [tilespmem:s16+$0xFFFFE6C0];
	v25 =	vshll.u32 v16, $0x10;
	v4 =	vadd.f32 v33, v4;
	v5 =	vadd.f32 v9, v5  }
0x1f0: {  	v29 =	vld [tilespmem:s16+$0xFFFFE6E0];
	v9 =	vmul.f32 v47, v39;
	v19 =	vmul.f32 v18, v17;
	v28 =	vand.u32 $0xFFFF0000, v16  }
0x1f1: {  	v33 =	vbroadcast v2, $0x9;
	v35 =	vshll.u32 v26, $0x10;
	v11 =	vand.u32 $0xFFFF0000, v26  }
0x1f2: {  	v6 =	vadd.f32 v6, v10;
	v4 =	vadd.f32 v4, v36;
	v10 =	vmul.f32 v43, v42  }
0x1f3: {  	v39 =	vld [tilespmem:s16+$0xFFFFFED0];
	v5 =	vadd.f32 v5, v8;
	v8 =	vmul.f32 v50, v42;
	v37 =	vmul.f32 v35, v30  }
0x1f4: {  	v40 =	vmul.f32 v11, v33;
	v43 =	vbroadcast v0, $0x9;
	v31 =	vshll.u32 v23, $0x10  }
0x1f5: {  	v34 =	vand.u32 $0xFFFF0000, v23;
	v38 =	vshll.u32 v29, $0x10;
	v6 =	vadd.f32 v41, v6  }
0x1f6: {  	v36 =	vld [tilespmem:s16+$0xFFFFFEC0];
	v4 =	vadd.f32 v46, v4;
	v5 =	vadd.f32 v9, v5;
	v9 =	vmul.f32 v60, v52  }
0x1f7: {  	v42 =	vld [tilespmem:s16+$0xFFFFFEE0];
	v32 =	vmul.f32 v31, v30;
	v41 =	vand.u32 $0xFFFF0000, v29;
	v46 =	vbroadcast v1, $0x9  }
0x1f8: {  	v48 =	vshll.u32 v39, $0x10;
	v12 =	vand.u32 $0xFFFF0000, v39;
	v6 =	vadd.f32 v6, v10  }
0x1f9: {  	v52 =	vld [tilespmem:s16+$0xFFFFE700];
	v5 =	vadd.f32 v5, v8;
	v10 =	vmul.f32 v56, v55;
	v8 =	vmul.f32 v63, v55  }
0x1fa: {  	v4 =	vadd.f32 v4, v49;
	v50 =	vmul.f32 v48, v43;
	v53 =	vmul.f32 v12, v46  }
0x1fb: {  	v56 =	vbroadcast v3, $0xA;
	v44 =	vshll.u32 v36, $0x10;
	v47 =	vand.u32 $0xFFFF0000, v36  }
0x1fc: {  	v51 =	vshll.u32 v42, $0x10;
	v6 =	vadd.f32 v54, v6;
	v4 =	vadd.f32 v59, v4  }
0x1fd: {  	v49 =	vld [tilespmem:s16+$0xFFFFE6F0];
	v5 =	vadd.f32 v9, v5;
	v9 =	vmul.f32 v25, v17;
	v45 =	vmul.f32 v44, v43  }
0x1fe: {  	v55 =	vld [tilespmem:s16+$0xFFFFE710];
	v54 =	vand.u32 $0xFFFF0000, v42;
	v59 =	vbroadcast v2, $0xA;
	v61 =	vshll.u32 v52, $0x10  }
0x1ff: {  	v11 =	vand.u32 $0xFFFF0000, v52;
	v6 =	vadd.f32 v6, v10;
	v10 =	vmul.f32 v21, v20  }
0x200: {  	v17 =	vld [tilespmem:s16+$0xFFFFFF00];
	v5 =	vadd.f32 v5, v8;
	v8 =	vmul.f32 v28, v20;
	v63 =	vmul.f32 v61, v56  }
0x201: {  	v4 =	vadd.f32 v4, v62;
	v18 =	vmul.f32 v11, v59;
	v21 =	vbroadcast v0, $0xA  }
0x202: {  	v57 =	vshll.u32 v49, $0x10;
	v60 =	vand.u32 $0xFFFF0000, v49;
	v6 =	vadd.f32 v19, v6  }
0x203: {  	v62 =	vld [tilespmem:s16+$0xFFFFFEF0];
	v16 =	vshll.u32 v55, $0x10;
	v4 =	vadd.f32 v24, v4;
	v5 =	vadd.f32 v9, v5  }
0x204: {  	v20 =	vld [tilespmem:s16+$0xFFFFFF10];
	v9 =	vmul.f32 v38, v30;
	v58 =	vmul.f32 v57, v56;
	v19 =	vand.u32 $0xFFFF0000, v55  }
0x205: {  	v24 =	vbroadcast v1, $0xA;
	v26 =	vshll.u32 v17, $0x10;
	v12 =	vand.u32 $0xFFFF0000, v17  }
0x206: {  	v6 =	vadd.f32 v6, v10;
	v4 =	vadd.f32 v4, v27;
	v10 =	vmul.f32 v34, v33  }
0x207: {  	v30 =	vld [tilespmem:s16+$0xFFFFE730];
	v5 =	vadd.f32 v5, v8;
	v8 =	vmul.f32 v41, v33;
	v28 =	vmul.f32 v26, v21  }
0x208: {  	v31 =	vmul.f32 v12, v24;
	v34 =	vbroadcast v3, $0xB;
	v22 =	vshll.u32 v62, $0x10  }
0x209: {  	v25 =	vand.u32 $0xFFFF0000, v62;
	v29 =	vshll.u32 v20, $0x10;
	v6 =	vadd.f32 v32, v6  }
0x20a: {  	v27 =	vld [tilespmem:s16+$0xFFFFE720];
	v4 =	vadd.f32 v37, v4;
	v5 =	vadd.f32 v9, v5;
	v9 =	vmul.f32 v51, v43  }
0x20b: {  	v33 =	vld [tilespmem:s16+$0xFFFFE740];
	v23 =	vmul.f32 v22, v21;
	v32 =	vand.u32 $0xFFFF0000, v20;
	v37 =	vbroadcast v2, $0xB  }
0x20c: {  	v39 =	vshll.u32 v30, $0x10;
	v11 =	vand.u32 $0xFFFF0000, v30;
	v6 =	vadd.f32 v6, v10  }
0x20d: {  	v43 =	vld [tilespmem:s16+$0xFFFFFF30];
	v5 =	vadd.f32 v5, v8;
	v10 =	vmul.f32 v47, v46;
	v8 =	vmul.f32 v54, v46  }
0x20e: {  	v4 =	vadd.f32 v4, v40;
	v41 =	vmul.f32 v39, v34;
	v44 =	vmul.f32 v11, v37  }
0x20f: {  	v47 =	vbroadcast v0, $0xB;
	v35 =	vshll.u32 v27, $0x10;
	v38 =	vand.u32 $0xFFFF0000, v27  }
0x210: {  	v42 =	vshll.u32 v33, $0x10;
	v6 =	vadd.f32 v45, v6;
	v4 =	vadd.f32 v50, v4  }
0x211: {  	v40 =	vld [tilespmem:s16+$0xFFFFFF20];
	v5 =	vadd.f32 v9, v5;
	v9 =	vmul.f32 v16, v56;
	v36 =	vmul.f32 v35, v34  }
0x212: {  	v46 =	vld [tilespmem:s16+$0xFFFFFF40];
	v45 =	vand.u32 $0xFFFF0000, v33;
	v50 =	vbroadcast v1, $0xB;
	v52 =	vshll.u32 v43, $0x10  }
0x213: {  	v12 =	vand.u32 $0xFFFF0000, v43;
	v6 =	vadd.f32 v6, v10;
	v10 =	vmul.f32 v60, v59  }
0x214: {  	v56 =	vld [tilespmem:s16+$0xFFFFE760];
	v5 =	vadd.f32 v5, v8;
	v8 =	vmul.f32 v19, v59;
	v54 =	vmul.f32 v52, v47  }
0x215: {  	v4 =	vadd.f32 v4, v53;
	v57 =	vmul.f32 v12, v50;
	v60 =	vbroadcast v3, $0xC  }
0x216: {  	v48 =	vshll.u32 v40, $0x10;
	v51 =	vand.u32 $0xFFFF0000, v40;
	v6 =	vadd.f32 v58, v6  }
0x217: {  	v53 =	vld [tilespmem:s16+$0xFFFFE750];
	v55 =	vshll.u32 v46, $0x10;
	v4 =	vadd.f32 v63, v4;
	v5 =	vadd.f32 v9, v5  }
0x218: {  	v59 =	vld [tilespmem:s16+$0xFFFFE770];
	v9 =	vmul.f32 v29, v21;
	v49 =	vmul.f32 v48, v47;
	v58 =	vand.u32 $0xFFFF0000, v46  }
0x219: {  	v63 =	vbroadcast v2, $0xC;
	v17 =	vshll.u32 v56, $0x10;
	v11 =	vand.u32 $0xFFFF0000, v56  }
0x21a: {  	v6 =	vadd.f32 v6, v10;
	v4 =	vadd.f32 v4, v18;
	v10 =	vmul.f32 v25, v24  }
0x21b: {  	v21 =	vld [tilespmem:s16+$0xFFFFFF60];
	v5 =	vadd.f32 v5, v8;
	v8 =	vmul.f32 v32, v24;
	v19 =	vmul.f32 v17, v60  }
0x21c: {  	v22 =	vmul.f32 v11, v63;
	v25 =	vbroadcast v0, $0xC;
	v61 =	vshll.u32 v53, $0x10  }
0x21d: {  	v16 =	vand.u32 $0xFFFF0000, v53;
	v20 =	vshll.u32 v59, $0x10;
	v6 =	vadd.f32 v23, v6  }
0x21e: {  	v18 =	vld [tilespmem:s16+$0xFFFFFF50];
	v4 =	vadd.f32 v28, v4;
	v5 =	vadd.f32 v9, v5;
	v9 =	vmul.f32 v42, v34  }
0x21f: {  	v24 =	vld [tilespmem:s16+$0xFFFFFF70];
	v62 =	vmul.f32 v61, v60;
	v23 =	vand.u32 $0xFFFF0000, v59;
	v28 =	vbroadcast v1, $0xC  }
0x220: {  	v30 =	vshll.u32 v21, $0x10;
	v12 =	vand.u32 $0xFFFF0000, v21;
	v6 =	vadd.f32 v6, v10  }
0x221: {  	v34 =	vld [tilespmem:s16+$0xFFFFE790];
	v5 =	vadd.f32 v5, v8;
	v10 =	vmul.f32 v38, v37;
	v8 =	vmul.f32 v45, v37  }
0x222: {  	v4 =	vadd.f32 v4, v31;
	v32 =	vmul.f32 v30, v25;
	v35 =	vmul.f32 v12, v28  }
0x223: {  	v38 =	vbroadcast v3, $0xD;
	v26 =	vshll.u32 v18, $0x10;
	v29 =	vand.u32 $0xFFFF0000, v18  }
0x224: {  	v31 =	vld [tilespmem:s16+$0xFFFFE780];
	v33 =	vshll.u32 v24, $0x10;
	v6 =	vadd.f32 v36, v6;
	v4 =	vadd.f32 v41, v4  }
0x225: {  	v37 =	vld [tilespmem:s16+$0xFFFFE7A0];
	v5 =	vadd.f32 v9, v5;
	v9 =	vmul.f32 v55, v47;
	v27 =	vmul.f32 v26, v25  }
0x226: {  	v36 =	vand.u32 $0xFFFF0000, v24;
	v41 =	vbroadcast v2, $0xD;
	v43 =	vshll.u32 v34, $0x10  }
0x227: {  	v11 =	vand.u32 $0xFFFF0000, v34;
	v6 =	vadd.f32 v6, v10;
	v10 =	vmul.f32 v51, v50  }
0x228: {  	v47 =	vld [tilespmem:s16+$0xFFFFFF90];
	v5 =	vadd.f32 v5, v8;
	v8 =	vmul.f32 v58, v50;
	v45 =	vmul.f32 v43, v38  }
0x229: {  	v4 =	vadd.f32 v4, v44;
	v48 =	vmul.f32 v11, v41;
	v51 =	vbroadcast v0, $0xD  }
0x22a: {  	v39 =	vshll.u32 v31, $0x10;
	v42 =	vand.u32 $0xFFFF0000, v31;
	v46 =	vshll.u32 v37, $0x10  }
0x22b: {  	v6 =	vadd.f32 v49, v6;
	v5 =	vadd.f32 v9, v5;
	v9 =	vmul.f32 v20, v60  }
0x22c: {  	v44 =	vld [tilespmem:s16+$0xFFFFFF80];
	v4 =	vadd.f32 v54, v4;
	v40 =	vmul.f32 v39, v38;
	v54 =	vbroadcast v1, $0xD  }
0x22d: {  	v50 =	vld [tilespmem:s16+$0xFFFFFFA0];
	v56 =	vshll.u32 v47, $0x10;
	v12 =	vand.u32 $0xFFFF0000, v47;
	v6 =	vadd.f32 v6, v10  }
0x22e: {  	v5 =	vadd.f32 v5, v8;
	v10 =	vmul.f32 v16, v63;
	v8 =	vmul.f32 v23, v63  }
0x22f: {  	v49 =	vand.u32 $0xFFFF0000, v37;
	v60 =	vld [tilespmem:s16+$0xFFFFE7C0];
	v58 =	vmul.f32 v56, v51;
	v61 =	vmul.f32 v12, v54  }
0x230: {  	v4 =	vadd.f32 v4, v57;
	v16 =	vbroadcast v3, $0xE;
	v3 =	vbroadcast v3, $0xF  }
0x231: {  	v52 =	vshll.u32 v44, $0x10;
	v55 =	vand.u32 $0xFFFF0000, v44;
	v6 =	vadd.f32 v62, v6  }
0x232: {  	v59 =	vshll.u32 v50, $0x10;
	v4 =	vadd.f32 v19, v4;
	v5 =	vadd.f32 v9, v5  }
0x233: {  	v57 =	vld [tilespmem:s16+$0xFFFFE7B0];
	v9 =	vmul.f32 v33, v25;
	v53 =	vmul.f32 v52, v51;
	v62 =	vand.u32 $0xFFFF0000, v50  }
0x234: {  	v63 =	vld [tilespmem:s16+$0xFFFFE7D0];
	v19 =	vbroadcast v2, $0xE;
	v2 =	vbroadcast v2, $0xF;
	v21 =	vshll.u32 v60, $0x10  }
0x235: {  	v11 =	vand.u32 $0xFFFF0000, v60;
	v6 =	vadd.f32 v6, v10;
	v10 =	vmul.f32 v29, v28  }
0x236: {  	v5 =	vadd.f32 v5, v8;
	v8 =	vmul.f32 v36, v28;
	v23 =	vmul.f32 v21, v16  }
0x237: {  	v25 =	vld [tilespmem:s16+$0xFFFFFFC0];
	v4 =	vadd.f32 v4, v22;
	v26 =	vmul.f32 v11, v19;
	v29 =	vbroadcast v0, $0xE  }
0x238: {  	v0 =	vbroadcast v0, $0xF;
	v17 =	vshll.u32 v57, $0x10;
	v20 =	vand.u32 $0xFFFF0000, v57  }
0x239: {  	v24 =	vshll.u32 v63, $0x10;
	v6 =	vadd.f32 v27, v6;
	v4 =	vadd.f32 v32, v4  }
0x23a: {  	v22 =	vld [tilespmem:s16+$0xFFFFFFB0];
	v5 =	vadd.f32 v9, v5;
	v9 =	vmul.f32 v46, v38;
	v18 =	vmul.f32 v17, v16  }
0x23b: {  	v28 =	vld [tilespmem:s16+$0xFFFFFFD0];
	v27 =	vand.u32 $0xFFFF0000, v63;
	v32 =	vbroadcast v1, $0xE;
	v1 =	vbroadcast v1, $0xF  }
0x23c: {  	v52 =	vld [tilespmem:s16+$0x0];
	v34 =	vshll.u32 v25, $0x10;
	v12 =	vand.u32 $0xFFFF0000, v25;
	v6 =	vadd.f32 v6, v10  }
0x23d: {  	v38 =	vld [tilespmem:s16+$0xFFFFE7F0];
	v5 =	vadd.f32 v5, v8;
	v10 =	vmul.f32 v42, v41;
	v8 =	vmul.f32 v49, v41  }
0x23e: {  	v46 =	vld [tilespmem:s16+$0xFFFFFFE0];
	v4 =	vadd.f32 v4, v35;
	v36 =	vmul.f32 v34, v29;
	v39 =	vmul.f32 v12, v32  }
0x23f: {  	v30 =	vshll.u32 v22, $0x10;
	v33 =	vand.u32 $0xFFFF0000, v22;
	v6 =	vadd.f32 v40, v6  }
0x240: {  	v37 =	vshll.u32 v28, $0x10;
	v4 =	vadd.f32 v45, v4;
	v5 =	vadd.f32 v9, v5  }
0x241: {  	v9 =	vmul.f32 v59, v51;
	v31 =	vmul.f32 v30, v29;
	v40 =	vand.u32 $0xFFFF0000, v28  }
0x242: {  	v59 =	vshll.u32 v52, $0x10;
	v45 =	vshll.u32 v38, $0x10;
	v6 =	vadd.f32 v6, v10  }
0x243: {  	v11 =	vand.u32 $0xFFFF0000, v38;
	v56 =	vand.u32 $0xFFFF0000, v46;
	v4 =	vadd.f32 v4, v48  }
0x244: {  	v35 =	vld [tilespmem:s16+$0xFFFFE7E0];
	v5 =	vadd.f32 v5, v8;
	v10 =	vmul.f32 v55, v54;
	v6 =	vadd.f32 v53, v6  }
0x245: {  	v8 =	vmul.f32 v62, v54;
	v47 =	vmul.f32 v45, v3;
	v4 =	vadd.f32 v58, v4  }
0x246: {  	v41 =	vld [tilespmem:s16+$0xFFFFE800];
	v50 =	vmul.f32 v11, v2;
	v5 =	vadd.f32 v9, v5;
	v6 =	vadd.f32 v6, v10  }
0x247: {  	v54 =	vshll.u32 v46, $0x10;
	v9 =	vmul.f32 v24, v16;
	v4 =	vadd.f32 v4, v61  }
0x248: {  	v5 =	vadd.f32 v5, v8;
	v10 =	vmul.f32 v20, v19;
	v6 =	vadd.f32 v18, v6  }
0x249: {  	v42 =	vshll.u32 v35, $0x10;
	v44 =	vand.u32 $0xFFFF0000, v35;
	v4 =	vadd.f32 v23, v4  }
0x24a: {  	v8 =	vmul.f32 v27, v19;
	v5 =	vadd.f32 v9, v5;
	v6 =	vadd.f32 v6, v10  }
0x24b: {  	v48 =	vshll.u32 v41, $0x10;
	v9 =	vmul.f32 v37, v29;
	v4 =	vadd.f32 v4, v26  }
0x24c: {  	v49 =	vld [tilespmem:s16+$0xFFFFFFF0];
	v5 =	vadd.f32 v5, v8;
	v10 =	vmul.f32 v33, v32;
	v6 =	vadd.f32 v31, v6  }
0x24d: {  	v51 =	vand.u32 $0xFFFF0000, v41;
	v43 =	vmul.f32 v42, v3;
	v4 =	vadd.f32 v36, v4  }
0x24e: {  	v8 =	vmul.f32 v40, v32;
	v5 =	vadd.f32 v9, v5;
	v6 =	vadd.f32 v6, v10  }
0x24f: {  	v55 =	vmul.f32 v54, v0;
	v3 =	vmul.f32 v48, v3;
	v4 =	vadd.f32 v4, v39  }
0x250: {  	v5 =	vadd.f32 v5, v8;
	v8 =	vmul.f32 v44, v2;
	v6 =	vadd.f32 v43, v6  }
0x251: {  	v57 =	vshll.u32 v49, $0x10;
	v60 =	vand.u32 $0xFFFF0000, v49;
	v4 =	vadd.f32 v47, v4  }
0x252: {  	v2 =	vmul.f32 v51, v2;
	v3 =	vadd.f32 v3, v5;
	v53 =	vadd.f32 v6, v8  }
0x253: {  	v58 =	vmul.f32 v57, v0;
	v0 =	vmul.f32 v59, v0;
	v4 =	vadd.f32 v4, v50  }
0x254: {  	v2 =	vadd.f32 v3, v2;
	v6 =	vmul.f32 v56, v1;
	v3 =	vadd.f32 v55, v53  }
0x255: {  	p0 =	sne.s32 s15, $0x540;
	v62 =	vand.u32 $0xFFFF0000, v52;
	v61 =	vmul.f32 v60, v1;
	v4 =	vadd.f32 v58, v4  }
.Ltmp3:
0x256: {  	v1 =	vmul.f32 v62, v1;
	v0 =	vadd.f32 v0, v2;
	v3 =	vadd.f32 v3, v6;
	(pc) =	sbr.rel @p0 .LBB2_8-.Ltmp3, $4  }
0x257: {  	s22 =	sshra.s32 s15, $0x2;
	v63 =	vadd.f32 v4, v61  }
0x258: {  	v0 =	vadd.f32 v0, v1;
	[tilespmem:s22+$0x6780] =	vst v3  }
0x259: {  	[tilespmem:s22+$0x6790] =	vst v63  }
0x25a: {  	s15 =	sadd.s32 $0xC0, s15;
	s17 =	sadd.s32 $0x10, s17;
	s16 =	sadd.s32 $0x300, s16;
	[tilespmem:s22+$0x67A0] =	vst v0  }
0x25b: {  	s15 =	sadd.s32 s1, s5;
	s16 =	simm.s32 $0x6780;
	s0 =	sadd.s32 $0x1, s0  }
0x25c: {  	[hbm4b:s15+s2] =	stream.linear.scatter [tilespmem:s16], [sflag:$0x8], $0x80, $0x38;
	[tilespmem:$0x6900] =	vst v63  }
0x25d: {  	p0 =	sne.s32 s0, $0x80  }
.Ltmp4:
0x25e: {  	s12 =	sor.u32 $0x20010, s12;
	(pc) =	sbr.rel @p0 .LBB2_2-.Ltmp4, $4  }
0x25f: {  	s22 =	simm.s32 $0x6800;
	s12 =	sadd.s32 s1, s12  }
0x260: {  	[hbm4b:s12+s2] =	stream.linear.scatter [tilespmem:s22], [sflag:$0x8], $0x80, $0x38;
	[tilespmem:$0x6900] =	vst v63  }
0x261: {  	s24 =	sadd.s32 s5, s20;
	s29 =	simm.s32 $0x6880  }
0x262: {  	[hbm4b:s24+s2] =	stream.linear.scatter [tilespmem:s29], [sflag:$0x8], $0x80, $0x38;
	[tilespmem:$0x6900] =	vst v63  }
0x263: {  	_ =	swait.ge [sflag:s30], $0x80  }
0x264: {  	[sflag:s30] =	ssyncset.done $0x0  }
0x265: {  	[sflag:s30] =	ssyncadd.s32 $0xFFFFFF80  }
0x266: {  	_ =	swait.ge [sflag:s30], $0x80  }
0x267: {  	[sflag:s30] =	ssyncset.done $0x0  }
0x268: {  	[sflag:s30] =	ssyncadd.s32 $0xFFFFFF80  }
0x269: {  	_ =	swait.ge [sflag:s30], $0x80  }
0x26a: {  	[sflag:s30] =	ssyncset.done $0x0  }
0x26b: {  	[sflag:s30] =	ssyncadd.s32 $0xFFFFFF80  }
0x26c: {  	_ =	swait.ge [sflag:s31], $0x80  }
0x26d: {  	[sflag:s31] =	ssyncset.done $0x0  }
0x26e: {  	[sflag:s31] =	ssyncadd.s32 $0xFFFFFF80  }
0x26f: {  	_ =	swait.ge [sflag:s31], $0x80  }
0x270: {  	[sflag:s31] =	ssyncset.done $0x0  }
0x271: {  	[sflag:s31] =	ssyncadd.s32 $0xFFFFFF80  }
0x272: {  	_ =	swait.ge [sflag:s31], $0x80  }
0x273: {  	s5 =	rddreg [dreg:$0xc]  }
0x274: {  	s0 =	rddreg [dreg:$0xb];
	s5 =	sadd.s32 $0x1, s5  }
0x275: {  	p0 =	sne.s32 s5, s0  }
.Ltmp5:
0x276: {  	_ = 	snop;
	(pc) =	sbr.rel @p0 .LBB2_1-.Ltmp5, $3  }
0x277: {  	_ =	sdelay $0x1  }
0x278: {  	[sflag:s31] =	ssyncset.done $0x0  }
0x279: {  	[sflag:s31] =	ssyncadd.s32 $0xFFFFFF80  }
0x27a: {  	_ =	sfence.sel $0x180000  }
0x27b: {  	[bflag:$0x0] =	sbarrier.arrive $0xFFFF  }
0x27c: {  	_ =	strace $0x90000047  }
0x27d: {  	s0 =	stileid.u32;
	[bflag:$0x2] =	sbarrier.arrive $0xFFFF  }
0x27e: {  	p0 =	sne.s32 s0, $0x0;
	s0 =	rddreg [dreg:$0x2]  }
0x27f: {  	s0 =	sadd.s32 @!p0 $0x100000, s0  }
0x280: {  	[sflag:s0] =	ssyncadd.tile.s32 @!p0 $0x1;
	_ =	shalt  }
.Lfunc_end2:
_tile_overlayer_lowered:
.L_overlay_start_2:
0x281: {  	(tag) =	ssettag $0x2  }
0x282: {  	s0 =	rddreg [dreg:$0x0];
	s2 =	stileid.u32  }
0x283: {  	s1 =	rddreg [dreg:$0x1];
	p0 =	sne.s32 s2, $0x0  }
0x284: {  	s3 =	rddreg [dreg:$0x2];
	[bflag:$0x3] =	sbarrier.arrive $0xFFFF;
	s2 =	simm.s32 @!p0 $0x1C09  }
0x285: {  	[timem:s3], [sflag:s2] =	dma.local @!p0 [hbm:s0], s1  }
0x286: {  	s0 =	simm.s32 @!p0 $0x9  }
0x287: {  	_ =	swait.ge @!p0 [sflag:s0], s1  }
0x288: {  	s1 =	ssub.s32 @!p0 $0x0, s1;
	[sflag:s0] =	ssyncset.done @!p0 $0x0  }
0x289: {  	[sflag:s0] =	ssyncadd.s32 @!p0 s1  }
0x28a: {  	[bflag:$0x3] =	sbarrier.arrive $0xFFFF  }
0x28b: {  	_ =	shalt  }

</sc_bundles>
